<compile_context>
chip_gen: v7x
topology: tpu7x:2x2x1
jax: 0.10.2.dev20260603
libtpu: 0.0.44.dev20260713+nightly
codegen_flags: <defaults>
</compile_context>

<pallas_src>
import functools

import jax
import jax.numpy as jnp
from jax import lax
from jax.experimental import pallas as pl
from jax.experimental.pallas import tpu as pltpu
from jax.experimental.pallas import tpu_sc as plsc

N = 10000
E = 320000
D = 128
KSTEPS = 10
ALPHA = 0.1

NCORE = 2
NSUB = 16
NW = NCORE * NSUB
CH = 128
NCHUNK = 79
EPT = NCHUNK * CH
EPAD = EPT * NW
NPAD = 10240
RPT = NPAD // NSUB
DW = 16

_mesh = plsc.VectorSubcoreMesh(
    core_axis_name="c", subcore_axis_name="s",
    num_cores=NCORE, num_subcores=NSUB)


def _sc_scatter_body(y_hbm, src_hbm, dst_hbm, zrows_hbm, out_hbm,
                     src_v, dst_v, rows_v, agg_sh):
  cid = lax.axis_index("c")
  sid = lax.axis_index("s")
  wid = cid * NSUB + sid
  pltpu.sync_copy(src_hbm.at[wid], src_v)
  pltpu.sync_copy(dst_hbm.at[wid], dst_v)
  pltpu.sync_copy(zrows_hbm, agg_sh.at[pl.ds(sid * RPT, RPT)])
  plsc.subcore_barrier()

  def step(j, _):
    pltpu.sync_copy(y_hbm.at[src_v.at[j]], rows_v)
    pltpu.sync_copy(rows_v, agg_sh.at[dst_v.at[j]], add=True)
    return ()

  lax.fori_loop(0, NCHUNK, step, (), unroll=False)
  plsc.subcore_barrier()
  pltpu.sync_copy(agg_sh.at[pl.ds(sid * RPT, RPT)], out_hbm.at[cid, sid])


def _make_sc_scatter(interpret=False):
  return pl.kernel(
      _sc_scatter_body,
      out_type=jax.ShapeDtypeStruct((NCORE, NSUB, RPT, D), jnp.float32),
      mesh=_mesh,
      scratch_types=[
          pltpu.VMEM((NCHUNK, CH), jnp.int32),
          pltpu.VMEM((NCHUNK, CH), jnp.int32),
          pltpu.VMEM((CH, D), jnp.float32),
          pltpu.VMEM_SHARED((NPAD, D), jnp.float32),
      ],
      interpret=interpret,
  )


_sc_scatter = _make_sc_scatter()


def _sc_degree_body(dst_hbm, ones_hbm, zrows_hbm, out_hbm, dst_v, ones_v, deg_sh):
  cid = lax.axis_index("c")
  sid = lax.axis_index("s")
  wid = cid * NSUB + sid
  pltpu.sync_copy(dst_hbm.at[wid], dst_v)
  pltpu.sync_copy(ones_hbm, ones_v)
  pltpu.sync_copy(zrows_hbm, deg_sh.at[pl.ds(sid * RPT, RPT)])
  plsc.subcore_barrier()

  def step(j, _):
    pltpu.sync_copy(ones_v, deg_sh.at[dst_v.at[j]], add=True)
    return ()

  lax.fori_loop(0, NCHUNK, step, (), unroll=False)
  plsc.subcore_barrier()
  pltpu.sync_copy(deg_sh.at[pl.ds(sid * RPT, RPT)], out_hbm.at[cid, sid])


def _make_sc_degree(interpret=False):
  return pl.kernel(
      _sc_degree_body,
      out_type=jax.ShapeDtypeStruct((NCORE, NSUB, RPT, D), jnp.float32),
      mesh=_mesh,
      scratch_types=[
          pltpu.VMEM((NCHUNK, CH), jnp.int32),
          pltpu.VMEM((CH, D), jnp.float32),
          pltpu.VMEM_SHARED((NPAD, D), jnp.float32),
      ],
      interpret=interpret,
  )


_sc_degree = _make_sc_degree()


def _mm_body(x_ref, w_ref, b_ref, o_ref):
  o_ref[...] = jnp.maximum(
      jnp.dot(x_ref[...], w_ref[...], preferred_element_type=jnp.float32)
      + b_ref[...], 0.0)


def _matmul_relu(x, W, b):
  return pl.pallas_call(
      _mm_body,
      out_shape=jax.ShapeDtypeStruct((N, D), jnp.float32),
  )(x, W, b.reshape(1, D))


BR = 1000


def _prep_body(h_ref, cnt_ref, y0_ref, b9_ref, bk_ref, s9_ref, sk_ref):
  deg = 1.0 + cnt_ref[0] + cnt_ref[1]
  dinv = lax.rsqrt(deg)
  h = h_ref[...]
  y0 = dinv * h
  y0_ref[...] = y0
  b9_ref[...] = ALPHA * y0
  bk_ref[...] = ALPHA * h
  s9_ref[...] = (1.0 - ALPHA) / deg
  sk_ref[...] = (1.0 - ALPHA) * dinv


def _prep(h, cnt):
  grid = (N // BR,)
  return pl.pallas_call(
      _prep_body,
      grid=grid,
      in_specs=[
          pl.BlockSpec((BR, D), lambda i: (i, 0)),
          pl.BlockSpec((NCORE, BR, 1), lambda i: (0, i, 0)),
      ],
      out_specs=[
          pl.BlockSpec((BR, D), lambda i: (i, 0)),
          pl.BlockSpec((BR, D), lambda i: (i, 0)),
          pl.BlockSpec((BR, D), lambda i: (i, 0)),
          pl.BlockSpec((BR, 1), lambda i: (i, 0)),
          pl.BlockSpec((BR, 1), lambda i: (i, 0)),
      ],
      out_shape=[
          jax.ShapeDtypeStruct((N, D), jnp.float32),
          jax.ShapeDtypeStruct((N, D), jnp.float32),
          jax.ShapeDtypeStruct((N, D), jnp.float32),
          jax.ShapeDtypeStruct((N, 1), jnp.float32),
          jax.ShapeDtypeStruct((N, 1), jnp.float32),
      ],
  )(h, cnt)


def _blend_body(a_ref, y_ref, s_ref, base_ref, o_ref):
  o_ref[...] = (s_ref[...] * (a_ref[0] + a_ref[1] + y_ref[...])
                + base_ref[...])


def _blend(aggs, y, s, base):
  grid = (N // BR,)
  return pl.pallas_call(
      _blend_body,
      grid=grid,
      in_specs=[
          pl.BlockSpec((NCORE, BR, D), lambda i: (0, i, 0)),
          pl.BlockSpec((BR, D), lambda i: (i, 0)),
          pl.BlockSpec((BR, 1), lambda i: (i, 0)),
          pl.BlockSpec((BR, D), lambda i: (i, 0)),
      ],
      out_specs=pl.BlockSpec((BR, D), lambda i: (i, 0)),
      out_shape=jax.ShapeDtypeStruct((N, D), jnp.float32),
  )(aggs, y, s, base)


def kernel(x, edge_index, W, b):
  src = edge_index[0]
  dst = edge_index[1]
  pad = EPAD - E
  src_r = jnp.concatenate(
      [src, jnp.zeros((pad,), jnp.int32)]).reshape(NW, NCHUNK, CH)
  dst_r = jnp.concatenate(
      [dst, jnp.full((pad,), N, jnp.int32)]).reshape(NW, NCHUNK, CH)
  zrows = jnp.zeros((RPT, D), jnp.float32)
  ones_rows = jnp.ones((CH, D), jnp.float32)

  h = _matmul_relu(x, W, b)
  cnt = _sc_degree(dst_r, ones_rows, zrows)
  cnt = cnt.reshape(NCORE, NPAD, D)[:, :N, 0:1]
  y0, b9, bk, s9, sk = _prep(h, cnt)

  y = y0
  for t in range(KSTEPS):
    aggs = _sc_scatter(y, src_r, dst_r, zrows)
    aggs = aggs.reshape(NCORE, NPAD, D)
    if t < KSTEPS - 1:
      y = _blend(aggs, y, s9, b9)
    else:
      y = _blend(aggs, y, sk, bk)
  return y

# --- scband reference (transcript-rebuilt; emitter-appended) ---
"""Pipeline reference for scband-appnpmodel-36988258353248 (READ-ONLY COPY).

The authoritative reference and input builder live on the scoring server;
editing this copy changes nothing except your own understanding.
"""

import jax, jax.numpy as jnp
import numpy as np

N = 10000
E = 320000
D = 128
K = 10
ALPHA = 0.1

def setup_inputs(seed: int = 0) -> dict:
    key = jax.random.key(seed)
    k1, k2, k3, k4 = jax.random.split(key, 4)
    x = jax.random.normal(k1, (N, D), dtype=jnp.float32)
    edge_index = jax.random.randint(k2, (2, E), 0, N, dtype=jnp.int32)
    W = jax.random.normal(k3, (D, D), dtype=jnp.float32) * 0.05
    b = jax.random.normal(k4, (D,), dtype=jnp.float32) * 0.05
    return {"x": x, "edge_index": edge_index, "W": W, "b": b}

def _appnp_prop(h, edge_index):
    src = edge_index[0]
    dst = edge_index[1]
    loops = jnp.arange(N, dtype=src.dtype)
    src_a = jnp.concatenate([src, loops])
    dst_a = jnp.concatenate([dst, loops])
    # gcn_norm with self loops: A_hat = D^{-1/2} (A + I) D^{-1/2}
    deg = jnp.zeros((N,), dtype=jnp.float32).at[dst_a].add(1.0)
    dinv = jnp.where(deg > 0, 1.0 / jnp.sqrt(deg), 0.0)
    norm = dinv[src_a] * dinv[dst_a]
    x0 = h
    xk = h
    for _ in range(K):
        msg = norm[:, None] * xk[src_a]
        agg = jnp.zeros_like(xk).at[dst_a].add(msg)
        xk = (1.0 - ALPHA) * agg + ALPHA * x0
    return xk

def reference(x, edge_index, W, b):
    # eval mode: dropout is identity
    h = jax.nn.relu(x @ W + b)
    return _appnp_prop(h, edge_index)

if __name__ == "__main__":
    import jax
    _d = setup_inputs()
    print(jax.jit(kernel)(*tuple(_d.values())))

</pallas_src>

<mosaic_0001>
#map = affine_map<(d0, d1) -> (0, 0)>
#map1 = affine_map<(d0, d1) -> (0, 0, 0)>
#map2 = affine_map<(d0, d1) -> (0, 0, 0, 0)>
module attributes {stable_mosaic.version = 14 : i64} {
  func.func @_sc_scatter_body(%arg0: i32, %arg1: i32, %arg2: memref<10000x128xf32, #tpu.memory_space<hbm>>, %arg3: memref<32x79x128xi32, #tpu.memory_space<hbm>>, %arg4: memref<32x79x128xi32, #tpu.memory_space<hbm>>, %arg5: memref<640x128xf32, #tpu.memory_space<hbm>>, %arg6: memref<2x16x640x128xf32, #tpu.memory_space<hbm>>, %arg7: memref<79x128xi32, #tpu.memory_space<vmem>>, %arg8: memref<79x128xi32, #tpu.memory_space<vmem>>, %arg9: memref<128x128xf32, #tpu.memory_space<vmem>>, %arg10: memref<10240x128xf32, #tpu.memory_space<vmem_shared>>) attributes {dimension_semantics = [#tpu.dimension_semantics<core_parallel>, #tpu.dimension_semantics<subcore_parallel>], iteration_bounds = array<i64: 2, 16>, scalar_prefetch = 0 : i64, scratch_operands = 4 : i64, tpu.core_type = #tpu.core_type<sc_vector_subcore>, window_params = [{transform_indices = #map}, {transform_indices = #map1}, {transform_indices = #map1}, {transform_indices = #map}, {transform_indices = #map2}]} {
    %mul3A = arith.constant 16 : i32
    %mul3A_0 = arith.muli %arg0, %mul3A : i32
    %add3A = arith.addi %mul3A_0, %arg1 : i32
    "tpu.region"() ({
      %run_scoped3A = tpu.sem_alloc : memref<!tpu.dma_semaphore, #tpu.memory_space<semaphore_mem>>
      %dma_start3A = arith.constant 0 : i32
      %dma_start3A_10 = arith.constant 0 : i32
      %dma_start3A_11 = tpu.memref_slice %arg3[%add3A, %dma_start3A, %dma_start3A_10] : memref<32x79x128xi32, #tpu.memory_space<hbm>> -> memref<1x79x128xi32, #tpu.memory_space<hbm>>
      %dma_start3A_12 = tpu.memref_squeeze %dma_start3A_11 : memref<1x79x128xi32, #tpu.memory_space<hbm>> -> memref<79x128xi32, #tpu.memory_space<hbm>>
      %dma_start3A_13 = arith.constant 0 : i32
      %dma_start3A_14 = arith.constant 0 : i32
      %dma_start3A_15 = tpu.memref_slice %arg3[%add3A, %dma_start3A_13, %dma_start3A_14] : memref<32x79x128xi32, #tpu.memory_space<hbm>> -> memref<1x79x128xi32, #tpu.memory_space<hbm>>
      %dma_start3A_16 = tpu.memref_squeeze %dma_start3A_15 : memref<1x79x128xi32, #tpu.memory_space<hbm>> -> memref<79x128xi32, #tpu.memory_space<hbm>>
      tpu.enqueue_dma source(%dma_start3A_16 : memref<79x128xi32, #tpu.memory_space<hbm>>) target(%arg7 : memref<79x128xi32, #tpu.memory_space<vmem>>) target_semaphore(%run_scoped3A : memref<!tpu.dma_semaphore, #tpu.memory_space<semaphore_mem>>)
      %dma_wait3A = arith.constant 0 : i32
      %dma_wait3A_17 = arith.constant 0 : i32
      %dma_wait3A_18 = tpu.memref_slice %arg3[%add3A, %dma_wait3A, %dma_wait3A_17] : memref<32x79x128xi32, #tpu.memory_space<hbm>> -> memref<1x79x128xi32, #tpu.memory_space<hbm>>
      %dma_wait3A_19 = tpu.memref_squeeze %dma_wait3A_18 : memref<1x79x128xi32, #tpu.memory_space<hbm>> -> memref<79x128xi32, #tpu.memory_space<hbm>>
      %dma_wait3A_20 = arith.constant 0 : i32
      %dma_wait3A_21 = arith.constant 0 : i32
      %dma_wait3A_22 = tpu.memref_slice %arg3[%add3A, %dma_wait3A_20, %dma_wait3A_21] : memref<32x79x128xi32, #tpu.memory_space<hbm>> -> memref<1x79x128xi32, #tpu.memory_space<hbm>>
      %dma_wait3A_23 = tpu.memref_squeeze %dma_wait3A_22 : memref<1x79x128xi32, #tpu.memory_space<hbm>> -> memref<79x128xi32, #tpu.memory_space<hbm>>
      tpu.wait_dma2 semaphore(%run_scoped3A : memref<!tpu.dma_semaphore, #tpu.memory_space<semaphore_mem>>) src(%dma_wait3A_23 : memref<79x128xi32, #tpu.memory_space<hbm>>) dst(%arg7 : memref<79x128xi32, #tpu.memory_space<vmem>>)
      tpu.yield
    }) : () -> ()
    "tpu.region"() ({
      %run_scoped3A = tpu.sem_alloc : memref<!tpu.dma_semaphore, #tpu.memory_space<semaphore_mem>>
      %dma_start3A = arith.constant 0 : i32
      %dma_start3A_10 = arith.constant 0 : i32
      %dma_start3A_11 = tpu.memref_slice %arg4[%add3A, %dma_start3A, %dma_start3A_10] : memref<32x79x128xi32, #tpu.memory_space<hbm>> -> memref<1x79x128xi32, #tpu.memory_space<hbm>>
      %dma_start3A_12 = tpu.memref_squeeze %dma_start3A_11 : memref<1x79x128xi32, #tpu.memory_space<hbm>> -> memref<79x128xi32, #tpu.memory_space<hbm>>
      %dma_start3A_13 = arith.constant 0 : i32
      %dma_start3A_14 = arith.constant 0 : i32
      %dma_start3A_15 = tpu.memref_slice %arg4[%add3A, %dma_start3A_13, %dma_start3A_14] : memref<32x79x128xi32, #tpu.memory_space<hbm>> -> memref<1x79x128xi32, #tpu.memory_space<hbm>>
      %dma_start3A_16 = tpu.memref_squeeze %dma_start3A_15 : memref<1x79x128xi32, #tpu.memory_space<hbm>> -> memref<79x128xi32, #tpu.memory_space<hbm>>
      tpu.enqueue_dma source(%dma_start3A_16 : memref<79x128xi32, #tpu.memory_space<hbm>>) target(%arg8 : memref<79x128xi32, #tpu.memory_space<vmem>>) target_semaphore(%run_scoped3A : memref<!tpu.dma_semaphore, #tpu.memory_space<semaphore_mem>>)
      %dma_wait3A = arith.constant 0 : i32
      %dma_wait3A_17 = arith.constant 0 : i32
      %dma_wait3A_18 = tpu.memref_slice %arg4[%add3A, %dma_wait3A, %dma_wait3A_17] : memref<32x79x128xi32, #tpu.memory_space<hbm>> -> memref<1x79x128xi32, #tpu.memory_space<hbm>>
      %dma_wait3A_19 = tpu.memref_squeeze %dma_wait3A_18 : memref<1x79x128xi32, #tpu.memory_space<hbm>> -> memref<79x128xi32, #tpu.memory_space<hbm>>
      %dma_wait3A_20 = arith.constant 0 : i32
      %dma_wait3A_21 = arith.constant 0 : i32
      %dma_wait3A_22 = tpu.memref_slice %arg4[%add3A, %dma_wait3A_20, %dma_wait3A_21] : memref<32x79x128xi32, #tpu.memory_space<hbm>> -> memref<1x79x128xi32, #tpu.memory_space<hbm>>
      %dma_wait3A_23 = tpu.memref_squeeze %dma_wait3A_22 : memref<1x79x128xi32, #tpu.memory_space<hbm>> -> memref<79x128xi32, #tpu.memory_space<hbm>>
      tpu.wait_dma2 semaphore(%run_scoped3A : memref<!tpu.dma_semaphore, #tpu.memory_space<semaphore_mem>>) src(%dma_wait3A_23 : memref<79x128xi32, #tpu.memory_space<hbm>>) dst(%arg8 : memref<79x128xi32, #tpu.memory_space<vmem>>)
      tpu.yield
    }) : () -> ()
    %mul3A_1 = arith.constant 640 : i32
    %mul3A_2 = arith.muli %arg1, %mul3A_1 : i32
    "tpu.region"() ({
      %run_scoped3A = tpu.sem_alloc : memref<!tpu.dma_semaphore, #tpu.memory_space<semaphore_mem>>
      %dma_start3A = arith.constant 0 : i32
      %dma_start3A_10 = tpu.memref_slice %arg10[%mul3A_2, %dma_start3A] : memref<10240x128xf32, #tpu.memory_space<vmem_shared>> -> memref<640x128xf32, #tpu.memory_space<vmem_shared>>
      tpu.enqueue_dma source(%arg5 : memref<640x128xf32, #tpu.memory_space<hbm>>) target(%dma_start3A_10 : memref<640x128xf32, #tpu.memory_space<vmem_shared>>) target_semaphore(%run_scoped3A : memref<!tpu.dma_semaphore, #tpu.memory_space<semaphore_mem>>)
      %dma_wait3A = arith.constant 0 : i32
      %dma_wait3A_11 = tpu.memref_slice %arg10[%mul3A_2, %dma_wait3A] : memref<10240x128xf32, #tpu.memory_space<vmem_shared>> -> memref<640x128xf32, #tpu.memory_space<vmem_shared>>
      tpu.wait_dma2 semaphore(%run_scoped3A : memref<!tpu.dma_semaphore, #tpu.memory_space<semaphore_mem>>) src(%arg5 : memref<640x128xf32, #tpu.memory_space<hbm>>) dst(%dma_wait3A_11 : memref<640x128xf32, #tpu.memory_space<vmem_shared>>)
      tpu.yield
    }) : () -> ()
    %barrier3A = arith.constant 0 : index
    tpu.barrier barrier_id(%barrier3A)
    %scan3A = arith.constant 0 : i32
    %scan3A_3 = arith.constant 79 : i32
    %scan3A_4 = arith.addi %scan3A, %scan3A_3 : i32
    %scan3A_5 = arith.constant 1 : i32
    scf.for %scan3A_10 = %scan3A to %scan3A_4 step %scan3A_5  : i32 {
      "tpu.region"() ({
        %run_scoped3A = tpu.sem_alloc : memref<!tpu.dma_semaphore, #tpu.memory_space<semaphore_mem>>
        %dma_start3A = arith.constant 0 : i32
        %dma_start3A_11 = tpu.memref_slice %arg7[%scan3A_10, %dma_start3A] : memref<79x128xi32, #tpu.memory_space<vmem>> -> memref<1x128xi32, #tpu.memory_space<vmem>>
        %dma_start3A_12 = tpu.memref_squeeze %dma_start3A_11 : memref<1x128xi32, #tpu.memory_space<vmem>> -> memref<128xi32, #tpu.memory_space<vmem>>
        %dma_start3A_13 = arith.constant 0 : i32
        %dma_start3A_14 = arith.constant 0 : i32
        %dma_start3A_15 = tpu.memref_slice %arg2[%dma_start3A_13, %dma_start3A_14] : memref<10000x128xf32, #tpu.memory_space<hbm>> -> memref<10000x128xf32, #tpu.memory_space<hbm>>
        tpu.enqueue_indirect_dma source(%dma_start3A_15 : memref<10000x128xf32, #tpu.memory_space<hbm>>) target(%arg9 : memref<128x128xf32, #tpu.memory_space<vmem>>) offsets(%dma_start3A_12 : memref<128xi32, #tpu.memory_space<vmem>>) semaphore(%run_scoped3A : memref<!tpu.dma_semaphore, #tpu.memory_space<semaphore_mem>>)
        %dma_wait3A = arith.constant 0 : i32
        %dma_wait3A_16 = tpu.memref_slice %arg7[%scan3A_10, %dma_wait3A] : memref<79x128xi32, #tpu.memory_space<vmem>> -> memref<1x128xi32, #tpu.memory_space<vmem>>
        %dma_wait3A_17 = tpu.memref_squeeze %dma_wait3A_16 : memref<1x128xi32, #tpu.memory_space<vmem>> -> memref<128xi32, #tpu.memory_space<vmem>>
        %dma_wait3A_18 = arith.constant 0 : i32
        %dma_wait3A_19 = arith.constant 0 : i32
        %dma_wait3A_20 = tpu.memref_slice %arg2[%dma_wait3A_18, %dma_wait3A_19] : memref<10000x128xf32, #tpu.memory_space<hbm>> -> memref<10000x128xf32, #tpu.memory_space<hbm>>
        tpu.wait_indirect_dma semaphore(%run_scoped3A : memref<!tpu.dma_semaphore, #tpu.memory_space<semaphore_mem>>) src(%dma_wait3A_20 : memref<10000x128xf32, #tpu.memory_space<hbm>>) dst(%arg9 : memref<128x128xf32, #tpu.memory_space<vmem>>)
        tpu.yield
      }) : () -> ()
      "tpu.region"() ({
        %run_scoped3A = tpu.sem_alloc : memref<!tpu.dma_semaphore, #tpu.memory_space<semaphore_mem>>
        %dma_start3A = arith.constant 0 : i32
        %dma_start3A_11 = tpu.memref_slice %arg8[%scan3A_10, %dma_start3A] : memref<79x128xi32, #tpu.memory_space<vmem>> -> memref<1x128xi32, #tpu.memory_space<vmem>>
        %dma_start3A_12 = tpu.memref_squeeze %dma_start3A_11 : memref<1x128xi32, #tpu.memory_space<vmem>> -> memref<128xi32, #tpu.memory_space<vmem>>
        %dma_start3A_13 = arith.constant 0 : i32
        %dma_start3A_14 = arith.constant 0 : i32
        %dma_start3A_15 = tpu.memref_slice %arg10[%dma_start3A_13, %dma_start3A_14] : memref<10240x128xf32, #tpu.memory_space<vmem_shared>> -> memref<10240x128xf32, #tpu.memory_space<vmem_shared>>
        tpu.enqueue_indirect_dma source(%arg9 : memref<128x128xf32, #tpu.memory_space<vmem>>) target(%dma_start3A_15 : memref<10240x128xf32, #tpu.memory_space<vmem_shared>>) offsets(%dma_start3A_12 : memref<128xi32, #tpu.memory_space<vmem>>) semaphore(%run_scoped3A : memref<!tpu.dma_semaphore, #tpu.memory_space<semaphore_mem>>) {add = true}
        %dma_wait3A = arith.constant 0 : i32
        %dma_wait3A_16 = tpu.memref_slice %arg8[%scan3A_10, %dma_wait3A] : memref<79x128xi32, #tpu.memory_space<vmem>> -> memref<1x128xi32, #tpu.memory_space<vmem>>
        %dma_wait3A_17 = tpu.memref_squeeze %dma_wait3A_16 : memref<1x128xi32, #tpu.memory_space<vmem>> -> memref<128xi32, #tpu.memory_space<vmem>>
        %dma_wait3A_18 = arith.constant 0 : i32
        %dma_wait3A_19 = arith.constant 0 : i32
        %dma_wait3A_20 = tpu.memref_slice %arg10[%dma_wait3A_18, %dma_wait3A_19] : memref<10240x128xf32, #tpu.memory_space<vmem_shared>> -> memref<10240x128xf32, #tpu.memory_space<vmem_shared>>
        tpu.wait_indirect_dma semaphore(%run_scoped3A : memref<!tpu.dma_semaphore, #tpu.memory_space<semaphore_mem>>) src(%arg9 : memref<128x128xf32, #tpu.memory_space<vmem>>) dst(%dma_wait3A_20 : memref<10240x128xf32, #tpu.memory_space<vmem_shared>>)
        tpu.yield
      }) : () -> ()
    }
    %scan3A_6 = arith.constant 79 : i32
    %barrier3A_7 = arith.constant 0 : index
    tpu.barrier barrier_id(%barrier3A_7)
    %mul3A_8 = arith.constant 640 : i32
    %mul3A_9 = arith.muli %arg1, %mul3A_8 : i32
    "tpu.region"() ({
      %run_scoped3A = tpu.sem_alloc : memref<!tpu.dma_semaphore, #tpu.memory_space<semaphore_mem>>
      %dma_start3A = arith.constant 0 : i32
      %dma_start3A_10 = arith.constant 0 : i32
      %dma_start3A_11 = tpu.memref_slice %arg6[%arg0, %arg1, %dma_start3A, %dma_start3A_10] : memref<2x16x640x128xf32, #tpu.memory_space<hbm>> -> memref<1x1x640x128xf32, #tpu.memory_space<hbm>>
      %dma_start3A_12 = tpu.memref_squeeze %dma_start3A_11 : memref<1x1x640x128xf32, #tpu.memory_space<hbm>> -> memref<640x128xf32, #tpu.memory_space<hbm>>
      %dma_start3A_13 = arith.constant 0 : i32
      %dma_start3A_14 = tpu.memref_slice %arg10[%mul3A_9, %dma_start3A_13] : memref<10240x128xf32, #tpu.memory_space<vmem_shared>> -> memref<640x128xf32, #tpu.memory_space<vmem_shared>>
      tpu.enqueue_dma source(%dma_start3A_14 : memref<640x128xf32, #tpu.memory_space<vmem_shared>>) target(%dma_start3A_12 : memref<640x128xf32, #tpu.memory_space<hbm>>) target_semaphore(%run_scoped3A : memref<!tpu.dma_semaphore, #tpu.memory_space<semaphore_mem>>)
      %dma_wait3A = arith.constant 0 : i32
      %dma_wait3A_15 = arith.constant 0 : i32
      %dma_wait3A_16 = tpu.memref_slice %arg6[%arg0, %arg1, %dma_wait3A, %dma_wait3A_15] : memref<2x16x640x128xf32, #tpu.memory_space<hbm>> -> memref<1x1x640x128xf32, #tpu.memory_space<hbm>>
      %dma_wait3A_17 = tpu.memref_squeeze %dma_wait3A_16 : memref<1x1x640x128xf32, #tpu.memory_space<hbm>> -> memref<640x128xf32, #tpu.memory_space<hbm>>
      %dma_wait3A_18 = arith.constant 0 : i32
      %dma_wait3A_19 = tpu.memref_slice %arg10[%mul3A_9, %dma_wait3A_18] : memref<10240x128xf32, #tpu.memory_space<vmem_shared>> -> memref<640x128xf32, #tpu.memory_space<vmem_shared>>
      tpu.wait_dma2 semaphore(%run_scoped3A : memref<!tpu.dma_semaphore, #tpu.memory_space<semaphore_mem>>) src(%dma_wait3A_19 : memref<640x128xf32, #tpu.memory_space<vmem_shared>>) dst(%dma_wait3A_17 : memref<640x128xf32, #tpu.memory_space<hbm>>)
      tpu.yield
    }) : () -> ()
    return
  }
}

#map = affine_map<(d0, d1) -> (0, 0, 0)>
#map1 = affine_map<(d0, d1) -> (0, 0)>
#map2 = affine_map<(d0, d1) -> (0, 0, 0, 0)>
module attributes {stable_mosaic.version = 14 : i64} {
  func.func @_sc_degree_body(%arg0: i32, %arg1: i32, %arg2: memref<32x79x128xi32, #tpu.memory_space<hbm>>, %arg3: memref<128x128xf32, #tpu.memory_space<hbm>>, %arg4: memref<640x128xf32, #tpu.memory_space<hbm>>, %arg5: memref<2x16x640x128xf32, #tpu.memory_space<hbm>>, %arg6: memref<79x128xi32, #tpu.memory_space<vmem>>, %arg7: memref<128x128xf32, #tpu.memory_space<vmem>>, %arg8: memref<10240x128xf32, #tpu.memory_space<vmem_shared>>) attributes {dimension_semantics = [#tpu.dimension_semantics<core_parallel>, #tpu.dimension_semantics<subcore_parallel>], iteration_bounds = array<i64: 2, 16>, scalar_prefetch = 0 : i64, scratch_operands = 3 : i64, tpu.core_type = #tpu.core_type<sc_vector_subcore>, window_params = [{transform_indices = #map}, {transform_indices = #map1}, {transform_indices = #map1}, {transform_indices = #map2}]} {
    %mul3A = arith.constant 16 : i32
    %mul3A_0 = arith.muli %arg0, %mul3A : i32
    %add3A = arith.addi %mul3A_0, %arg1 : i32
    "tpu.region"() ({
      %run_scoped3A = tpu.sem_alloc : memref<!tpu.dma_semaphore, #tpu.memory_space<semaphore_mem>>
      %dma_start3A = arith.constant 0 : i32
      %dma_start3A_10 = arith.constant 0 : i32
      %dma_start3A_11 = tpu.memref_slice %arg2[%add3A, %dma_start3A, %dma_start3A_10] : memref<32x79x128xi32, #tpu.memory_space<hbm>> -> memref<1x79x128xi32, #tpu.memory_space<hbm>>
      %dma_start3A_12 = tpu.memref_squeeze %dma_start3A_11 : memref<1x79x128xi32, #tpu.memory_space<hbm>> -> memref<79x128xi32, #tpu.memory_space<hbm>>
      %dma_start3A_13 = arith.constant 0 : i32
      %dma_start3A_14 = arith.constant 0 : i32
      %dma_start3A_15 = tpu.memref_slice %arg2[%add3A, %dma_start3A_13, %dma_start3A_14] : memref<32x79x128xi32, #tpu.memory_space<hbm>> -> memref<1x79x128xi32, #tpu.memory_space<hbm>>
      %dma_start3A_16 = tpu.memref_squeeze %dma_start3A_15 : memref<1x79x128xi32, #tpu.memory_space<hbm>> -> memref<79x128xi32, #tpu.memory_space<hbm>>
      tpu.enqueue_dma source(%dma_start3A_16 : memref<79x128xi32, #tpu.memory_space<hbm>>) target(%arg6 : memref<79x128xi32, #tpu.memory_space<vmem>>) target_semaphore(%run_scoped3A : memref<!tpu.dma_semaphore, #tpu.memory_space<semaphore_mem>>)
      %dma_wait3A = arith.constant 0 : i32
      %dma_wait3A_17 = arith.constant 0 : i32
      %dma_wait3A_18 = tpu.memref_slice %arg2[%add3A, %dma_wait3A, %dma_wait3A_17] : memref<32x79x128xi32, #tpu.memory_space<hbm>> -> memref<1x79x128xi32, #tpu.memory_space<hbm>>
      %dma_wait3A_19 = tpu.memref_squeeze %dma_wait3A_18 : memref<1x79x128xi32, #tpu.memory_space<hbm>> -> memref<79x128xi32, #tpu.memory_space<hbm>>
      %dma_wait3A_20 = arith.constant 0 : i32
      %dma_wait3A_21 = arith.constant 0 : i32
      %dma_wait3A_22 = tpu.memref_slice %arg2[%add3A, %dma_wait3A_20, %dma_wait3A_21] : memref<32x79x128xi32, #tpu.memory_space<hbm>> -> memref<1x79x128xi32, #tpu.memory_space<hbm>>
      %dma_wait3A_23 = tpu.memref_squeeze %dma_wait3A_22 : memref<1x79x128xi32, #tpu.memory_space<hbm>> -> memref<79x128xi32, #tpu.memory_space<hbm>>
      tpu.wait_dma2 semaphore(%run_scoped3A : memref<!tpu.dma_semaphore, #tpu.memory_space<semaphore_mem>>) src(%dma_wait3A_23 : memref<79x128xi32, #tpu.memory_space<hbm>>) dst(%arg6 : memref<79x128xi32, #tpu.memory_space<vmem>>)
      tpu.yield
    }) : () -> ()
    "tpu.region"() ({
      %run_scoped3A = tpu.sem_alloc : memref<!tpu.dma_semaphore, #tpu.memory_space<semaphore_mem>>
      tpu.enqueue_dma source(%arg3 : memref<128x128xf32, #tpu.memory_space<hbm>>) target(%arg7 : memref<128x128xf32, #tpu.memory_space<vmem>>) target_semaphore(%run_scoped3A : memref<!tpu.dma_semaphore, #tpu.memory_space<semaphore_mem>>)
      tpu.wait_dma2 semaphore(%run_scoped3A : memref<!tpu.dma_semaphore, #tpu.memory_space<semaphore_mem>>) src(%arg3 : memref<128x128xf32, #tpu.memory_space<hbm>>) dst(%arg7 : memref<128x128xf32, #tpu.memory_space<vmem>>)
      tpu.yield
    }) : () -> ()
    %mul3A_1 = arith.constant 640 : i32
    %mul3A_2 = arith.muli %arg1, %mul3A_1 : i32
    "tpu.region"() ({
      %run_scoped3A = tpu.sem_alloc : memref<!tpu.dma_semaphore, #tpu.memory_space<semaphore_mem>>
      %dma_start3A = arith.constant 0 : i32
      %dma_start3A_10 = tpu.memref_slice %arg8[%mul3A_2, %dma_start3A] : memref<10240x128xf32, #tpu.memory_space<vmem_shared>> -> memref<640x128xf32, #tpu.memory_space<vmem_shared>>
      tpu.enqueue_dma source(%arg4 : memref<640x128xf32, #tpu.memory_space<hbm>>) target(%dma_start3A_10 : memref<640x128xf32, #tpu.memory_space<vmem_shared>>) target_semaphore(%run_scoped3A : memref<!tpu.dma_semaphore, #tpu.memory_space<semaphore_mem>>)
      %dma_wait3A = arith.constant 0 : i32
      %dma_wait3A_11 = tpu.memref_slice %arg8[%mul3A_2, %dma_wait3A] : memref<10240x128xf32, #tpu.memory_space<vmem_shared>> -> memref<640x128xf32, #tpu.memory_space<vmem_shared>>
      tpu.wait_dma2 semaphore(%run_scoped3A : memref<!tpu.dma_semaphore, #tpu.memory_space<semaphore_mem>>) src(%arg4 : memref<640x128xf32, #tpu.memory_space<hbm>>) dst(%dma_wait3A_11 : memref<640x128xf32, #tpu.memory_space<vmem_shared>>)
      tpu.yield
    }) : () -> ()
    %barrier3A = arith.constant 0 : index
    tpu.barrier barrier_id(%barrier3A)
    %scan3A = arith.constant 0 : i32
    %scan3A_3 = arith.constant 79 : i32
    %scan3A_4 = arith.addi %scan3A, %scan3A_3 : i32
    %scan3A_5 = arith.constant 1 : i32
    scf.for %scan3A_10 = %scan3A to %scan3A_4 step %scan3A_5  : i32 {
      "tpu.region"() ({
        %run_scoped3A = tpu.sem_alloc : memref<!tpu.dma_semaphore, #tpu.memory_space<semaphore_mem>>
        %dma_start3A = arith.constant 0 : i32
        %dma_start3A_11 = tpu.memref_slice %arg6[%scan3A_10, %dma_start3A] : memref<79x128xi32, #tpu.memory_space<vmem>> -> memref<1x128xi32, #tpu.memory_space<vmem>>
        %dma_start3A_12 = tpu.memref_squeeze %dma_start3A_11 : memref<1x128xi32, #tpu.memory_space<vmem>> -> memref<128xi32, #tpu.memory_space<vmem>>
        %dma_start3A_13 = arith.constant 0 : i32
        %dma_start3A_14 = arith.constant 0 : i32
        %dma_start3A_15 = tpu.memref_slice %arg8[%dma_start3A_13, %dma_start3A_14] : memref<10240x128xf32, #tpu.memory_space<vmem_shared>> -> memref<10240x128xf32, #tpu.memory_space<vmem_shared>>
        tpu.enqueue_indirect_dma source(%arg7 : memref<128x128xf32, #tpu.memory_space<vmem>>) target(%dma_start3A_15 : memref<10240x128xf32, #tpu.memory_space<vmem_shared>>) offsets(%dma_start3A_12 : memref<128xi32, #tpu.memory_space<vmem>>) semaphore(%run_scoped3A : memref<!tpu.dma_semaphore, #tpu.memory_space<semaphore_mem>>) {add = true}
        %dma_wait3A = arith.constant 0 : i32
        %dma_wait3A_16 = tpu.memref_slice %arg6[%scan3A_10, %dma_wait3A] : memref<79x128xi32, #tpu.memory_space<vmem>> -> memref<1x128xi32, #tpu.memory_space<vmem>>
        %dma_wait3A_17 = tpu.memref_squeeze %dma_wait3A_16 : memref<1x128xi32, #tpu.memory_space<vmem>> -> memref<128xi32, #tpu.memory_space<vmem>>
        %dma_wait3A_18 = arith.constant 0 : i32
        %dma_wait3A_19 = arith.constant 0 : i32
        %dma_wait3A_20 = tpu.memref_slice %arg8[%dma_wait3A_18, %dma_wait3A_19] : memref<10240x128xf32, #tpu.memory_space<vmem_shared>> -> memref<10240x128xf32, #tpu.memory_space<vmem_shared>>
        tpu.wait_indirect_dma semaphore(%run_scoped3A : memref<!tpu.dma_semaphore, #tpu.memory_space<semaphore_mem>>) src(%arg7 : memref<128x128xf32, #tpu.memory_space<vmem>>) dst(%dma_wait3A_20 : memref<10240x128xf32, #tpu.memory_space<vmem_shared>>)
        tpu.yield
      }) : () -> ()
    }
    %scan3A_6 = arith.constant 79 : i32
    %barrier3A_7 = arith.constant 0 : index
    tpu.barrier barrier_id(%barrier3A_7)
    %mul3A_8 = arith.constant 640 : i32
    %mul3A_9 = arith.muli %arg1, %mul3A_8 : i32
    "tpu.region"() ({
      %run_scoped3A = tpu.sem_alloc : memref<!tpu.dma_semaphore, #tpu.memory_space<semaphore_mem>>
      %dma_start3A = arith.constant 0 : i32
      %dma_start3A_10 = arith.constant 0 : i32
      %dma_start3A_11 = tpu.memref_slice %arg5[%arg0, %arg1, %dma_start3A, %dma_start3A_10] : memref<2x16x640x128xf32, #tpu.memory_space<hbm>> -> memref<1x1x640x128xf32, #tpu.memory_space<hbm>>
      %dma_start3A_12 = tpu.memref_squeeze %dma_start3A_11 : memref<1x1x640x128xf32, #tpu.memory_space<hbm>> -> memref<640x128xf32, #tpu.memory_space<hbm>>
      %dma_start3A_13 = arith.constant 0 : i32
      %dma_start3A_14 = tpu.memref_slice %arg8[%mul3A_9, %dma_start3A_13] : memref<10240x128xf32, #tpu.memory_space<vmem_shared>> -> memref<640x128xf32, #tpu.memory_space<vmem_shared>>
      tpu.enqueue_dma source(%dma_start3A_14 : memref<640x128xf32, #tpu.memory_space<vmem_shared>>) target(%dma_start3A_12 : memref<640x128xf32, #tpu.memory_space<hbm>>) target_semaphore(%run_scoped3A : memref<!tpu.dma_semaphore, #tpu.memory_space<semaphore_mem>>)
      %dma_wait3A = arith.constant 0 : i32
      %dma_wait3A_15 = arith.constant 0 : i32
      %dma_wait3A_16 = tpu.memref_slice %arg5[%arg0, %arg1, %dma_wait3A, %dma_wait3A_15] : memref<2x16x640x128xf32, #tpu.memory_space<hbm>> -> memref<1x1x640x128xf32, #tpu.memory_space<hbm>>
      %dma_wait3A_17 = tpu.memref_squeeze %dma_wait3A_16 : memref<1x1x640x128xf32, #tpu.memory_space<hbm>> -> memref<640x128xf32, #tpu.memory_space<hbm>>
      %dma_wait3A_18 = arith.constant 0 : i32
      %dma_wait3A_19 = tpu.memref_slice %arg8[%mul3A_9, %dma_wait3A_18] : memref<10240x128xf32, #tpu.memory_space<vmem_shared>> -> memref<640x128xf32, #tpu.memory_space<vmem_shared>>
      tpu.wait_dma2 semaphore(%run_scoped3A : memref<!tpu.dma_semaphore, #tpu.memory_space<semaphore_mem>>) src(%dma_wait3A_19 : memref<640x128xf32, #tpu.memory_space<vmem_shared>>) dst(%dma_wait3A_17 : memref<640x128xf32, #tpu.memory_space<hbm>>)
      tpu.yield
    }) : () -> ()
    return
  }
}

#map = affine_map<(d0, d1) -> (0, 0)>
#map1 = affine_map<(d0, d1) -> (0, 0, 0)>
#map2 = affine_map<(d0, d1) -> (0, 0, 0, 0)>
module attributes {stable_mosaic.version = 14 : i64} {
  func.func @_sc_scatter_body(%arg0: i32, %arg1: i32, %arg2: memref<10000x128xf32, #tpu.memory_space<hbm>>, %arg3: memref<32x79x128xi32, #tpu.memory_space<hbm>>, %arg4: memref<32x79x128xi32, #tpu.memory_space<hbm>>, %arg5: memref<640x128xf32, #tpu.memory_space<hbm>>, %arg6: memref<2x16x640x128xf32, #tpu.memory_space<hbm>>, %arg7: memref<79x128xi32, #tpu.memory_space<vmem>>, %arg8: memref<79x128xi32, #tpu.memory_space<vmem>>, %arg9: memref<128x128xf32, #tpu.memory_space<vmem>>, %arg10: memref<10240x128xf32, #tpu.memory_space<vmem_shared>>) attributes {dimension_semantics = [#tpu.dimension_semantics<core_parallel>, #tpu.dimension_semantics<subcore_parallel>], iteration_bounds = array<i64: 2, 16>, scalar_prefetch = 0 : i64, scratch_operands = 4 : i64, tpu.core_type = #tpu.core_type<sc_vector_subcore>, window_params = [{transform_indices = #map}, {transform_indices = #map1}, {transform_indices = #map1}, {transform_indices = #map}, {transform_indices = #map2}]} {
    %mul3A = arith.constant 16 : i32
    %mul3A_0 = arith.muli %arg0, %mul3A : i32
    %add3A = arith.addi %mul3A_0, %arg1 : i32
    "tpu.region"() ({
      %run_scoped3A = tpu.sem_alloc : memref<!tpu.dma_semaphore, #tpu.memory_space<semaphore_mem>>
      %dma_start3A = arith.constant 0 : i32
      %dma_start3A_10 = arith.constant 0 : i32
      %dma_start3A_11 = tpu.memref_slice %arg3[%add3A, %dma_start3A, %dma_start3A_10] : memref<32x79x128xi32, #tpu.memory_space<hbm>> -> memref<1x79x128xi32, #tpu.memory_space<hbm>>
      %dma_start3A_12 = tpu.memref_squeeze %dma_start3A_11 : memref<1x79x128xi32, #tpu.memory_space<hbm>> -> memref<79x128xi32, #tpu.memory_space<hbm>>
      %dma_start3A_13 = arith.constant 0 : i32
      %dma_start3A_14 = arith.constant 0 : i32
      %dma_start3A_15 = tpu.memref_slice %arg3[%add3A, %dma_start3A_13, %dma_start3A_14] : memref<32x79x128xi32, #tpu.memory_space<hbm>> -> memref<1x79x128xi32, #tpu.memory_space<hbm>>
      %dma_start3A_16 = tpu.memref_squeeze %dma_start3A_15 : memref<1x79x128xi32, #tpu.memory_space<hbm>> -> memref<79x128xi32, #tpu.memory_space<hbm>>
      tpu.enqueue_dma source(%dma_start3A_16 : memref<79x128xi32, #tpu.memory_space<hbm>>) target(%arg7 : memref<79x128xi32, #tpu.memory_space<vmem>>) target_semaphore(%run_scoped3A : memref<!tpu.dma_semaphore, #tpu.memory_space<semaphore_mem>>)
      %dma_wait3A = arith.constant 0 : i32
      %dma_wait3A_17 = arith.constant 0 : i32
      %dma_wait3A_18 = tpu.memref_slice %arg3[%add3A, %dma_wait3A, %dma_wait3A_17] : memref<32x79x128xi32, #tpu.memory_space<hbm>> -> memref<1x79x128xi32, #tpu.memory_space<hbm>>
      %dma_wait3A_19 = tpu.memref_squeeze %dma_wait3A_18 : memref<1x79x128xi32, #tpu.memory_space<hbm>> -> memref<79x128xi32, #tpu.memory_space<hbm>>
      %dma_wait3A_20 = arith.constant 0 : i32
      %dma_wait3A_21 = arith.constant 0 : i32
      %dma_wait3A_22 = tpu.memref_slice %arg3[%add3A, %dma_wait3A_20, %dma_wait3A_21] : memref<32x79x128xi32, #tpu.memory_space<hbm>> -> memref<1x79x128xi32, #tpu.memory_space<hbm>>
      %dma_wait3A_23 = tpu.memref_squeeze %dma_wait3A_22 : memref<1x79x128xi32, #tpu.memory_space<hbm>> -> memref<79x128xi32, #tpu.memory_space<hbm>>
      tpu.wait_dma2 semaphore(%run_scoped3A : memref<!tpu.dma_semaphore, #tpu.memory_space<semaphore_mem>>) src(%dma_wait3A_23 : memref<79x128xi32, #tpu.memory_space<hbm>>) dst(%arg7 : memref<79x128xi32, #tpu.memory_space<vmem>>)
      tpu.yield
    }) : () -> ()
    "tpu.region"() ({
      %run_scoped3A = tpu.sem_alloc : memref<!tpu.dma_semaphore, #tpu.memory_space<semaphore_mem>>
      %dma_start3A = arith.constant 0 : i32
      %dma_start3A_10 = arith.constant 0 : i32
      %dma_start3A_11 = tpu.memref_slice %arg4[%add3A, %dma_start3A, %dma_start3A_10] : memref<32x79x128xi32, #tpu.memory_space<hbm>> -> memref<1x79x128xi32, #tpu.memory_space<hbm>>
      %dma_start3A_12 = tpu.memref_squeeze %dma_start3A_11 : memref<1x79x128xi32, #tpu.memory_space<hbm>> -> memref<79x128xi32, #tpu.memory_space<hbm>>
      %dma_start3A_13 = arith.constant 0 : i32
      %dma_start3A_14 = arith.constant 0 : i32
      %dma_start3A_15 = tpu.memref_slice %arg4[%add3A, %dma_start3A_13, %dma_start3A_14] : memref<32x79x128xi32, #tpu.memory_space<hbm>> -> memref<1x79x128xi32, #tpu.memory_space<hbm>>
      %dma_start3A_16 = tpu.memref_squeeze %dma_start3A_15 : memref<1x79x128xi32, #tpu.memory_space<hbm>> -> memref<79x128xi32, #tpu.memory_space<hbm>>
      tpu.enqueue_dma source(%dma_start3A_16 : memref<79x128xi32, #tpu.memory_space<hbm>>) target(%arg8 : memref<79x128xi32, #tpu.memory_space<vmem>>) target_semaphore(%run_scoped3A : memref<!tpu.dma_semaphore, #tpu.memory_space<semaphore_mem>>)
      %dma_wait3A = arith.constant 0 : i32
      %dma_wait3A_17 = arith.constant 0 : i32
      %dma_wait3A_18 = tpu.memref_slice %arg4[%add3A, %dma_wait3A, %dma_wait3A_17] : memref<32x79x128xi32, #tpu.memory_space<hbm>> -> memref<1x79x128xi32, #tpu.memory_space<hbm>>
      %dma_wait3A_19 = tpu.memref_squeeze %dma_wait3A_18 : memref<1x79x128xi32, #tpu.memory_space<hbm>> -> memref<79x128xi32, #tpu.memory_space<hbm>>
      %dma_wait3A_20 = arith.constant 0 : i32
      %dma_wait3A_21 = arith.constant 0 : i32
      %dma_wait3A_22 = tpu.memref_slice %arg4[%add3A, %dma_wait3A_20, %dma_wait3A_21] : memref<32x79x128xi32, #tpu.memory_space<hbm>> -> memref<1x79x128xi32, #tpu.memory_space<hbm>>
      %dma_wait3A_23 = tpu.memref_squeeze %dma_wait3A_22 : memref<1x79x128xi32, #tpu.memory_space<hbm>> -> memref<79x128xi32, #tpu.memory_space<hbm>>
      tpu.wait_dma2 semaphore(%run_scoped3A : memref<!tpu.dma_semaphore, #tpu.memory_space<semaphore_mem>>) src(%dma_wait3A_23 : memref<79x128xi32, #tpu.memory_space<hbm>>) dst(%arg8 : memref<79x128xi32, #tpu.memory_space<vmem>>)
      tpu.yield
    }) : () -> ()
    %mul3A_1 = arith.constant 640 : i32
    %mul3A_2 = arith.muli %arg1, %mul3A_1 : i32
    "tpu.region"() ({
      %run_scoped3A = tpu.sem_alloc : memref<!tpu.dma_semaphore, #tpu.memory_space<semaphore_mem>>
      %dma_start3A = arith.constant 0 : i32
      %dma_start3A_10 = tpu.memref_slice %arg10[%mul3A_2, %dma_start3A] : memref<10240x128xf32, #tpu.memory_space<vmem_shared>> -> memref<640x128xf32, #tpu.memory_space<vmem_shared>>
      tpu.enqueue_dma source(%arg5 : memref<640x128xf32, #tpu.memory_space<hbm>>) target(%dma_start3A_10 : memref<640x128xf32, #tpu.memory_space<vmem_shared>>) target_semaphore(%run_scoped3A : memref<!tpu.dma_semaphore, #tpu.memory_space<semaphore_mem>>)
      %dma_wait3A = arith.constant 0 : i32
      %dma_wait3A_11 = tpu.memref_slice %arg10[%mul3A_2, %dma_wait3A] : memref<10240x128xf32, #tpu.memory_space<vmem_shared>> -> memref<640x128xf32, #tpu.memory_space<vmem_shared>>
      tpu.wait_dma2 semaphore(%run_scoped3A : memref<!tpu.dma_semaphore, #tpu.memory_space<semaphore_mem>>) src(%arg5 : memref<640x128xf32, #tpu.memory_space<hbm>>) dst(%dma_wait3A_11 : memref<640x128xf32, #tpu.memory_space<vmem_shared>>)
      tpu.yield
    }) : () -> ()
    %barrier3A = arith.constant 0 : index
    tpu.barrier barrier_id(%barrier3A)
    %scan3A = arith.constant 0 : i32
    %scan3A_3 = arith.constant 79 : i32
    %scan3A_4 = arith.addi %scan3A, %scan3A_3 : i32
    %scan3A_5 = arith.constant 1 : i32
    scf.for %scan3A_10 = %scan3A to %scan3A_4 step %scan3A_5  : i32 {
      "tpu.region"() ({
        %run_scoped3A = tpu.sem_alloc : memref<!tpu.dma_semaphore, #tpu.memory_space<semaphore_mem>>
        %dma_start3A = arith.constant 0 : i32
        %dma_start3A_11 = tpu.memref_slice %arg7[%scan3A_10, %dma_start3A] : memref<79x128xi32, #tpu.memory_space<vmem>> -> memref<1x128xi32, #tpu.memory_space<vmem>>
        %dma_start3A_12 = tpu.memref_squeeze %dma_start3A_11 : memref<1x128xi32, #tpu.memory_space<vmem>> -> memref<128xi32, #tpu.memory_space<vmem>>
        %dma_start3A_13 = arith.constant 0 : i32
        %dma_start3A_14 = arith.constant 0 : i32
        %dma_start3A_15 = tpu.memref_slice %arg2[%dma_start3A_13, %dma_start3A_14] : memref<10000x128xf32, #tpu.memory_space<hbm>> -> memref<10000x128xf32, #tpu.memory_space<hbm>>
        tpu.enqueue_indirect_dma source(%dma_start3A_15 : memref<10000x128xf32, #tpu.memory_space<hbm>>) target(%arg9 : memref<128x128xf32, #tpu.memory_space<vmem>>) offsets(%dma_start3A_12 : memref<128xi32, #tpu.memory_space<vmem>>) semaphore(%run_scoped3A : memref<!tpu.dma_semaphore, #tpu.memory_space<semaphore_mem>>)
        %dma_wait3A = arith.constant 0 : i32
        %dma_wait3A_16 = tpu.memref_slice %arg7[%scan3A_10, %dma_wait3A] : memref<79x128xi32, #tpu.memory_space<vmem>> -> memref<1x128xi32, #tpu.memory_space<vmem>>
        %dma_wait3A_17 = tpu.memref_squeeze %dma_wait3A_16 : memref<1x128xi32, #tpu.memory_space<vmem>> -> memref<128xi32, #tpu.memory_space<vmem>>
        %dma_wait3A_18 = arith.constant 0 : i32
        %dma_wait3A_19 = arith.constant 0 : i32
        %dma_wait3A_20 = tpu.memref_slice %arg2[%dma_wait3A_18, %dma_wait3A_19] : memref<10000x128xf32, #tpu.memory_space<hbm>> -> memref<10000x128xf32, #tpu.memory_space<hbm>>
        tpu.wait_indirect_dma semaphore(%run_scoped3A : memref<!tpu.dma_semaphore, #tpu.memory_space<semaphore_mem>>) src(%dma_wait3A_20 : memref<10000x128xf32, #tpu.memory_space<hbm>>) dst(%arg9 : memref<128x128xf32, #tpu.memory_space<vmem>>)
        tpu.yield
      }) : () -> ()
      "tpu.region"() ({
        %run_scoped3A = tpu.sem_alloc : memref<!tpu.dma_semaphore, #tpu.memory_space<semaphore_mem>>
        %dma_start3A = arith.constant 0 : i32
        %dma_start3A_11 = tpu.memref_slice %arg8[%scan3A_10, %dma_start3A] : memref<79x128xi32, #tpu.memory_space<vmem>> -> memref<1x128xi32, #tpu.memory_space<vmem>>
        %dma_start3A_12 = tpu.memref_squeeze %dma_start3A_11 : memref<1x128xi32, #tpu.memory_space<vmem>> -> memref<128xi32, #tpu.memory_space<vmem>>
        %dma_start3A_13 = arith.constant 0 : i32
        %dma_start3A_14 = arith.constant 0 : i32
        %dma_start3A_15 = tpu.memref_slice %arg10[%dma_start3A_13, %dma_start3A_14] : memref<10240x128xf32, #tpu.memory_space<vmem_shared>> -> memref<10240x128xf32, #tpu.memory_space<vmem_shared>>
        tpu.enqueue_indirect_dma source(%arg9 : memref<128x128xf32, #tpu.memory_space<vmem>>) target(%dma_start3A_15 : memref<10240x128xf32, #tpu.memory_space<vmem_shared>>) offsets(%dma_start3A_12 : memref<128xi32, #tpu.memory_space<vmem>>) semaphore(%run_scoped3A : memref<!tpu.dma_semaphore, #tpu.memory_space<semaphore_mem>>) {add = true}
        %dma_wait3A = arith.constant 0 : i32
        %dma_wait3A_16 = tpu.memref_slice %arg8[%scan3A_10, %dma_wait3A] : memref<79x128xi32, #tpu.memory_space<vmem>> -> memref<1x128xi32, #tpu.memory_space<vmem>>
        %dma_wait3A_17 = tpu.memref_squeeze %dma_wait3A_16 : memref<1x128xi32, #tpu.memory_space<vmem>> -> memref<128xi32, #tpu.memory_space<vmem>>
        %dma_wait3A_18 = arith.constant 0 : i32
        %dma_wait3A_19 = arith.constant 0 : i32
        %dma_wait3A_20 = tpu.memref_slice %arg10[%dma_wait3A_18, %dma_wait3A_19] : memref<10240x128xf32, #tpu.memory_space<vmem_shared>> -> memref<10240x128xf32, #tpu.memory_space<vmem_shared>>
        tpu.wait_indirect_dma semaphore(%run_scoped3A : memref<!tpu.dma_semaphore, #tpu.memory_space<semaphore_mem>>) src(%arg9 : memref<128x128xf32, #tpu.memory_space<vmem>>) dst(%dma_wait3A_20 : memref<10240x128xf32, #tpu.memory_space<vmem_shared>>)
        tpu.yield
      }) : () -> ()
    }
    %scan3A_6 = arith.constant 79 : i32
    %barrier3A_7 = arith.constant 0 : index
    tpu.barrier barrier_id(%barrier3A_7)
    %mul3A_8 = arith.constant 640 : i32
    %mul3A_9 = arith.muli %arg1, %mul3A_8 : i32
    "tpu.region"() ({
      %run_scoped3A = tpu.sem_alloc : memref<!tpu.dma_semaphore, #tpu.memory_space<semaphore_mem>>
      %dma_start3A = arith.constant 0 : i32
      %dma_start3A_10 = arith.constant 0 : i32
      %dma_start3A_11 = tpu.memref_slice %arg6[%arg0, %arg1, %dma_start3A, %dma_start3A_10] : memref<2x16x640x128xf32, #tpu.memory_space<hbm>> -> memref<1x1x640x128xf32, #tpu.memory_space<hbm>>
      %dma_start3A_12 = tpu.memref_squeeze %dma_start3A_11 : memref<1x1x640x128xf32, #tpu.memory_space<hbm>> -> memref<640x128xf32, #tpu.memory_space<hbm>>
      %dma_start3A_13 = arith.constant 0 : i32
      %dma_start3A_14 = tpu.memref_slice %arg10[%mul3A_9, %dma_start3A_13] : memref<10240x128xf32, #tpu.memory_space<vmem_shared>> -> memref<640x128xf32, #tpu.memory_space<vmem_shared>>
      tpu.enqueue_dma source(%dma_start3A_14 : memref<640x128xf32, #tpu.memory_space<vmem_shared>>) target(%dma_start3A_12 : memref<640x128xf32, #tpu.memory_space<hbm>>) target_semaphore(%run_scoped3A : memref<!tpu.dma_semaphore, #tpu.memory_space<semaphore_mem>>)
      %dma_wait3A = arith.constant 0 : i32
      %dma_wait3A_15 = arith.constant 0 : i32
      %dma_wait3A_16 = tpu.memref_slice %arg6[%arg0, %arg1, %dma_wait3A, %dma_wait3A_15] : memref<2x16x640x128xf32, #tpu.memory_space<hbm>> -> memref<1x1x640x128xf32, #tpu.memory_space<hbm>>
      %dma_wait3A_17 = tpu.memref_squeeze %dma_wait3A_16 : memref<1x1x640x128xf32, #tpu.memory_space<hbm>> -> memref<640x128xf32, #tpu.memory_space<hbm>>
      %dma_wait3A_18 = arith.constant 0 : i32
      %dma_wait3A_19 = tpu.memref_slice %arg10[%mul3A_9, %dma_wait3A_18] : memref<10240x128xf32, #tpu.memory_space<vmem_shared>> -> memref<640x128xf32, #tpu.memory_space<vmem_shared>>
      tpu.wait_dma2 semaphore(%run_scoped3A : memref<!tpu.dma_semaphore, #tpu.memory_space<semaphore_mem>>) src(%dma_wait3A_19 : memref<640x128xf32, #tpu.memory_space<vmem_shared>>) dst(%dma_wait3A_17 : memref<640x128xf32, #tpu.memory_space<hbm>>)
      tpu.yield
    }) : () -> ()
    return
  }
}

#map = affine_map<(d0, d1) -> (0, 0)>
#map1 = affine_map<(d0, d1) -> (0, 0, 0)>
#map2 = affine_map<(d0, d1) -> (0, 0, 0, 0)>
module attributes {stable_mosaic.version = 14 : i64} {
  func.func @_sc_scatter_body(%arg0: i32, %arg1: i32, %arg2: memref<10000x128xf32, #tpu.memory_space<hbm>>, %arg3: memref<32x79x128xi32, #tpu.memory_space<hbm>>, %arg4: memref<32x79x128xi32, #tpu.memory_space<hbm>>, %arg5: memref<640x128xf32, #tpu.memory_space<hbm>>, %arg6: memref<2x16x640x128xf32, #tpu.memory_space<hbm>>, %arg7: memref<79x128xi32, #tpu.memory_space<vmem>>, %arg8: memref<79x128xi32, #tpu.memory_space<vmem>>, %arg9: memref<128x128xf32, #tpu.memory_space<vmem>>, %arg10: memref<10240x128xf32, #tpu.memory_space<vmem_shared>>) attributes {dimension_semantics = [#tpu.dimension_semantics<core_parallel>, #tpu.dimension_semantics<subcore_parallel>], iteration_bounds = array<i64: 2, 16>, scalar_prefetch = 0 : i64, scratch_operands = 4 : i64, tpu.core_type = #tpu.core_type<sc_vector_subcore>, window_params = [{transform_indices = #map}, {transform_indices = #map1}, {transform_indices = #map1}, {transform_indices = #map}, {transform_indices = #map2}]} {
    %mul3A = arith.constant 16 : i32
    %mul3A_0 = arith.muli %arg0, %mul3A : i32
    %add3A = arith.addi %mul3A_0, %arg1 : i32
    "tpu.region"() ({
      %run_scoped3A = tpu.sem_alloc : memref<!tpu.dma_semaphore, #tpu.memory_space<semaphore_mem>>
      %dma_start3A = arith.constant 0 : i32
      %dma_start3A_10 = arith.constant 0 : i32
      %dma_start3A_11 = tpu.memref_slice %arg3[%add3A, %dma_start3A, %dma_start3A_10] : memref<32x79x128xi32, #tpu.memory_space<hbm>> -> memref<1x79x128xi32, #tpu.memory_space<hbm>>
      %dma_start3A_12 = tpu.memref_squeeze %dma_start3A_11 : memref<1x79x128xi32, #tpu.memory_space<hbm>> -> memref<79x128xi32, #tpu.memory_space<hbm>>
      %dma_start3A_13 = arith.constant 0 : i32
      %dma_start3A_14 = arith.constant 0 : i32
      %dma_start3A_15 = tpu.memref_slice %arg3[%add3A, %dma_start3A_13, %dma_start3A_14] : memref<32x79x128xi32, #tpu.memory_space<hbm>> -> memref<1x79x128xi32, #tpu.memory_space<hbm>>
      %dma_start3A_16 = tpu.memref_squeeze %dma_start3A_15 : memref<1x79x128xi32, #tpu.memory_space<hbm>> -> memref<79x128xi32, #tpu.memory_space<hbm>>
      tpu.enqueue_dma source(%dma_start3A_16 : memref<79x128xi32, #tpu.memory_space<hbm>>) target(%arg7 : memref<79x128xi32, #tpu.memory_space<vmem>>) target_semaphore(%run_scoped3A : memref<!tpu.dma_semaphore, #tpu.memory_space<semaphore_mem>>)
      %dma_wait3A = arith.constant 0 : i32
      %dma_wait3A_17 = arith.constant 0 : i32
      %dma_wait3A_18 = tpu.memref_slice %arg3[%add3A, %dma_wait3A, %dma_wait3A_17] : memref<32x79x128xi32, #tpu.memory_space<hbm>> -> memref<1x79x128xi32, #tpu.memory_space<hbm>>
      %dma_wait3A_19 = tpu.memref_squeeze %dma_wait3A_18 : memref<1x79x128xi32, #tpu.memory_space<hbm>> -> memref<79x128xi32, #tpu.memory_space<hbm>>
      %dma_wait3A_20 = arith.constant 0 : i32
      %dma_wait3A_21 = arith.constant 0 : i32
      %dma_wait3A_22 = tpu.memref_slice %arg3[%add3A, %dma_wait3A_20, %dma_wait3A_21] : memref<32x79x128xi32, #tpu.memory_space<hbm>> -> memref<1x79x128xi32, #tpu.memory_space<hbm>>
      %dma_wait3A_23 = tpu.memref_squeeze %dma_wait3A_22 : memref<1x79x128xi32, #tpu.memory_space<hbm>> -> memref<79x128xi32, #tpu.memory_space<hbm>>
      tpu.wait_dma2 semaphore(%run_scoped3A : memref<!tpu.dma_semaphore, #tpu.memory_space<semaphore_mem>>) src(%dma_wait3A_23 : memref<79x128xi32, #tpu.memory_space<hbm>>) dst(%arg7 : memref<79x128xi32, #tpu.memory_space<vmem>>)
      tpu.yield
    }) : () -> ()
    "tpu.region"() ({
      %run_scoped3A = tpu.sem_alloc : memref<!tpu.dma_semaphore, #tpu.memory_space<semaphore_mem>>
      %dma_start3A = arith.constant 0 : i32
      %dma_start3A_10 = arith.constant 0 : i32
      %dma_start3A_11 = tpu.memref_slice %arg4[%add3A, %dma_start3A, %dma_start3A_10] : memref<32x79x128xi32, #tpu.memory_space<hbm>> -> memref<1x79x128xi32, #tpu.memory_space<hbm>>
      %dma_start3A_12 = tpu.memref_squeeze %dma_start3A_11 : memref<1x79x128xi32, #tpu.memory_space<hbm>> -> memref<79x128xi32, #tpu.memory_space<hbm>>
      %dma_start3A_13 = arith.constant 0 : i32
      %dma_start3A_14 = arith.constant 0 : i32
      %dma_start3A_15 = tpu.memref_slice %arg4[%add3A, %dma_start3A_13, %dma_start3A_14] : memref<32x79x128xi32, #tpu.memory_space<hbm>> -> memref<1x79x128xi32, #tpu.memory_space<hbm>>
      %dma_start3A_16 = tpu.memref_squeeze %dma_start3A_15 : memref<1x79x128xi32, #tpu.memory_space<hbm>> -> memref<79x128xi32, #tpu.memory_space<hbm>>
      tpu.enqueue_dma source(%dma_start3A_16 : memref<79x128xi32, #tpu.memory_space<hbm>>) target(%arg8 : memref<79x128xi32, #tpu.memory_space<vmem>>) target_semaphore(%run_scoped3A : memref<!tpu.dma_semaphore, #tpu.memory_space<semaphore_mem>>)
      %dma_wait3A = arith.constant 0 : i32
      %dma_wait3A_17 = arith.constant 0 : i32
      %dma_wait3A_18 = tpu.memref_slice %arg4[%add3A, %dma_wait3A, %dma_wait3A_17] : memref<32x79x128xi32, #tpu.memory_space<hbm>> -> memref<1x79x128xi32, #tpu.memory_space<hbm>>
      %dma_wait3A_19 = tpu.memref_squeeze %dma_wait3A_18 : memref<1x79x128xi32, #tpu.memory_space<hbm>> -> memref<79x128xi32, #tpu.memory_space<hbm>>
      %dma_wait3A_20 = arith.constant 0 : i32
      %dma_wait3A_21 = arith.constant 0 : i32
      %dma_wait3A_22 = tpu.memref_slice %arg4[%add3A, %dma_wait3A_20, %dma_wait3A_21] : memref<32x79x128xi32, #tpu.memory_space<hbm>> -> memref<1x79x128xi32, #tpu.memory_space<hbm>>
      %dma_wait3A_23 = tpu.memref_squeeze %dma_wait3A_22 : memref<1x79x128xi32, #tpu.memory_space<hbm>> -> memref<79x128xi32, #tpu.memory_space<hbm>>
      tpu.wait_dma2 semaphore(%run_scoped3A : memref<!tpu.dma_semaphore, #tpu.memory_space<semaphore_mem>>) src(%dma_wait3A_23 : memref<79x128xi32, #tpu.memory_space<hbm>>) dst(%arg8 : memref<79x128xi32, #tpu.memory_space<vmem>>)
      tpu.yield
    }) : () -> ()
    %mul3A_1 = arith.constant 640 : i32
    %mul3A_2 = arith.muli %arg1, %mul3A_1 : i32
    "tpu.region"() ({
      %run_scoped3A = tpu.sem_alloc : memref<!tpu.dma_semaphore, #tpu.memory_space<semaphore_mem>>
      %dma_start3A = arith.constant 0 : i32
      %dma_start3A_10 = tpu.memref_slice %arg10[%mul3A_2, %dma_start3A] : memref<10240x128xf32, #tpu.memory_space<vmem_shared>> -> memref<640x128xf32, #tpu.memory_space<vmem_shared>>
      tpu.enqueue_dma source(%arg5 : memref<640x128xf32, #tpu.memory_space<hbm>>) target(%dma_start3A_10 : memref<640x128xf32, #tpu.memory_space<vmem_shared>>) target_semaphore(%run_scoped3A : memref<!tpu.dma_semaphore, #tpu.memory_space<semaphore_mem>>)
      %dma_wait3A = arith.constant 0 : i32
      %dma_wait3A_11 = tpu.memref_slice %arg10[%mul3A_2, %dma_wait3A] : memref<10240x128xf32, #tpu.memory_space<vmem_shared>> -> memref<640x128xf32, #tpu.memory_space<vmem_shared>>
      tpu.wait_dma2 semaphore(%run_scoped3A : memref<!tpu.dma_semaphore, #tpu.memory_space<semaphore_mem>>) src(%arg5 : memref<640x128xf32, #tpu.memory_space<hbm>>) dst(%dma_wait3A_11 : memref<640x128xf32, #tpu.memory_space<vmem_shared>>)
      tpu.yield
    }) : () -> ()
    %barrier3A = arith.constant 0 : index
    tpu.barrier barrier_id(%barrier3A)
    %scan3A = arith.constant 0 : i32
    %scan3A_3 = arith.constant 79 : i32
    %scan3A_4 = arith.addi %scan3A, %scan3A_3 : i32
    %scan3A_5 = arith.constant 1 : i32
    scf.for %scan3A_10 = %scan3A to %scan3A_4 step %scan3A_5  : i32 {
      "tpu.region"() ({
        %run_scoped3A = tpu.sem_alloc : memref<!tpu.dma_semaphore, #tpu.memory_space<semaphore_mem>>
        %dma_start3A = arith.constant 0 : i32
        %dma_start3A_11 = tpu.memref_slice %arg7[%scan3A_10, %dma_start3A] : memref<79x128xi32, #tpu.memory_space<vmem>> -> memref<1x128xi32, #tpu.memory_space<vmem>>
        %dma_start3A_12 = tpu.memref_squeeze %dma_start3A_11 : memref<1x128xi32, #tpu.memory_space<vmem>> -> memref<128xi32, #tpu.memory_space<vmem>>
        %dma_start3A_13 = arith.constant 0 : i32
        %dma_start3A_14 = arith.constant 0 : i32
        %dma_start3A_15 = tpu.memref_slice %arg2[%dma_start3A_13, %dma_start3A_14] : memref<10000x128xf32, #tpu.memory_space<hbm>> -> memref<10000x128xf32, #tpu.memory_space<hbm>>
        tpu.enqueue_indirect_dma source(%dma_start3A_15 : memref<10000x128xf32, #tpu.memory_space<hbm>>) target(%arg9 : memref<128x128xf32, #tpu.memory_space<vmem>>) offsets(%dma_start3A_12 : memref<128xi32, #tpu.memory_space<vmem>>) semaphore(%run_scoped3A : memref<!tpu.dma_semaphore, #tpu.memory_space<semaphore_mem>>)
        %dma_wait3A = arith.constant 0 : i32
        %dma_wait3A_16 = tpu.memref_slice %arg7[%scan3A_10, %dma_wait3A] : memref<79x128xi32, #tpu.memory_space<vmem>> -> memref<1x128xi32, #tpu.memory_space<vmem>>
        %dma_wait3A_17 = tpu.memref_squeeze %dma_wait3A_16 : memref<1x128xi32, #tpu.memory_space<vmem>> -> memref<128xi32, #tpu.memory_space<vmem>>
        %dma_wait3A_18 = arith.constant 0 : i32
        %dma_wait3A_19 = arith.constant 0 : i32
        %dma_wait3A_20 = tpu.memref_slice %arg2[%dma_wait3A_18, %dma_wait3A_19] : memref<10000x128xf32, #tpu.memory_space<hbm>> -> memref<10000x128xf32, #tpu.memory_space<hbm>>
        tpu.wait_indirect_dma semaphore(%run_scoped3A : memref<!tpu.dma_semaphore, #tpu.memory_space<semaphore_mem>>) src(%dma_wait3A_20 : memref<10000x128xf32, #tpu.memory_space<hbm>>) dst(%arg9 : memref<128x128xf32, #tpu.memory_space<vmem>>)
        tpu.yield
      }) : () -> ()
      "tpu.region"() ({
        %run_scoped3A = tpu.sem_alloc : memref<!tpu.dma_semaphore, #tpu.memory_space<semaphore_mem>>
        %dma_start3A = arith.constant 0 : i32
        %dma_start3A_11 = tpu.memref_slice %arg8[%scan3A_10, %dma_start3A] : memref<79x128xi32, #tpu.memory_space<vmem>> -> memref<1x128xi32, #tpu.memory_space<vmem>>
        %dma_start3A_12 = tpu.memref_squeeze %dma_start3A_11 : memref<1x128xi32, #tpu.memory_space<vmem>> -> memref<128xi32, #tpu.memory_space<vmem>>
        %dma_start3A_13 = arith.constant 0 : i32
        %dma_start3A_14 = arith.constant 0 : i32
        %dma_start3A_15 = tpu.memref_slice %arg10[%dma_start3A_13, %dma_start3A_14] : memref<10240x128xf32, #tpu.memory_space<vmem_shared>> -> memref<10240x128xf32, #tpu.memory_space<vmem_shared>>
        tpu.enqueue_indirect_dma source(%arg9 : memref<128x128xf32, #tpu.memory_space<vmem>>) target(%dma_start3A_15 : memref<10240x128xf32, #tpu.memory_space<vmem_shared>>) offsets(%dma_start3A_12 : memref<128xi32, #tpu.memory_space<vmem>>) semaphore(%run_scoped3A : memref<!tpu.dma_semaphore, #tpu.memory_space<semaphore_mem>>) {add = true}
        %dma_wait3A = arith.constant 0 : i32
        %dma_wait3A_16 = tpu.memref_slice %arg8[%scan3A_10, %dma_wait3A] : memref<79x128xi32, #tpu.memory_space<vmem>> -> memref<1x128xi32, #tpu.memory_space<vmem>>
        %dma_wait3A_17 = tpu.memref_squeeze %dma_wait3A_16 : memref<1x128xi32, #tpu.memory_space<vmem>> -> memref<128xi32, #tpu.memory_space<vmem>>
        %dma_wait3A_18 = arith.constant 0 : i32
        %dma_wait3A_19 = arith.constant 0 : i32
        %dma_wait3A_20 = tpu.memref_slice %arg10[%dma_wait3A_18, %dma_wait3A_19] : memref<10240x128xf32, #tpu.memory_space<vmem_shared>> -> memref<10240x128xf32, #tpu.memory_space<vmem_shared>>
        tpu.wait_indirect_dma semaphore(%run_scoped3A : memref<!tpu.dma_semaphore, #tpu.memory_space<semaphore_mem>>) src(%arg9 : memref<128x128xf32, #tpu.memory_space<vmem>>) dst(%dma_wait3A_20 : memref<10240x128xf32, #tpu.memory_space<vmem_shared>>)
        tpu.yield
      }) : () -> ()
    }
    %scan3A_6 = arith.constant 79 : i32
    %barrier3A_7 = arith.constant 0 : index
    tpu.barrier barrier_id(%barrier3A_7)
    %mul3A_8 = arith.constant 640 : i32
    %mul3A_9 = arith.muli %arg1, %mul3A_8 : i32
    "tpu.region"() ({
      %run_scoped3A = tpu.sem_alloc : memref<!tpu.dma_semaphore, #tpu.memory_space<semaphore_mem>>
      %dma_start3A = arith.constant 0 : i32
      %dma_start3A_10 = arith.constant 0 : i32
      %dma_start3A_11 = tpu.memref_slice %arg6[%arg0, %arg1, %dma_start3A, %dma_start3A_10] : memref<2x16x640x128xf32, #tpu.memory_space<hbm>> -> memref<1x1x640x128xf32, #tpu.memory_space<hbm>>
      %dma_start3A_12 = tpu.memref_squeeze %dma_start3A_11 : memref<1x1x640x128xf32, #tpu.memory_space<hbm>> -> memref<640x128xf32, #tpu.memory_space<hbm>>
      %dma_start3A_13 = arith.constant 0 : i32
      %dma_start3A_14 = tpu.memref_slice %arg10[%mul3A_9, %dma_start3A_13] : memref<10240x128xf32, #tpu.memory_space<vmem_shared>> -> memref<640x128xf32, #tpu.memory_space<vmem_shared>>
      tpu.enqueue_dma source(%dma_start3A_14 : memref<640x128xf32, #tpu.memory_space<vmem_shared>>) target(%dma_start3A_12 : memref<640x128xf32, #tpu.memory_space<hbm>>) target_semaphore(%run_scoped3A : memref<!tpu.dma_semaphore, #tpu.memory_space<semaphore_mem>>)
      %dma_wait3A = arith.constant 0 : i32
      %dma_wait3A_15 = arith.constant 0 : i32
      %dma_wait3A_16 = tpu.memref_slice %arg6[%arg0, %arg1, %dma_wait3A, %dma_wait3A_15] : memref<2x16x640x128xf32, #tpu.memory_space<hbm>> -> memref<1x1x640x128xf32, #tpu.memory_space<hbm>>
      %dma_wait3A_17 = tpu.memref_squeeze %dma_wait3A_16 : memref<1x1x640x128xf32, #tpu.memory_space<hbm>> -> memref<640x128xf32, #tpu.memory_space<hbm>>
      %dma_wait3A_18 = arith.constant 0 : i32
      %dma_wait3A_19 = tpu.memref_slice %arg10[%mul3A_9, %dma_wait3A_18] : memref<10240x128xf32, #tpu.memory_space<vmem_shared>> -> memref<640x128xf32, #tpu.memory_space<vmem_shared>>
      tpu.wait_dma2 semaphore(%run_scoped3A : memref<!tpu.dma_semaphore, #tpu.memory_space<semaphore_mem>>) src(%dma_wait3A_19 : memref<640x128xf32, #tpu.memory_space<vmem_shared>>) dst(%dma_wait3A_17 : memref<640x128xf32, #tpu.memory_space<hbm>>)
      tpu.yield
    }) : () -> ()
    return
  }
}

#map = affine_map<(d0, d1) -> (0, 0)>
#map1 = affine_map<(d0, d1) -> (0, 0, 0)>
#map2 = affine_map<(d0, d1) -> (0, 0, 0, 0)>
module attributes {stable_mosaic.version = 14 : i64} {
  func.func @_sc_scatter_body(%arg0: i32, %arg1: i32, %arg2: memref<10000x128xf32, #tpu.memory_space<hbm>>, %arg3: memref<32x79x128xi32, #tpu.memory_space<hbm>>, %arg4: memref<32x79x128xi32, #tpu.memory_space<hbm>>, %arg5: memref<640x128xf32, #tpu.memory_space<hbm>>, %arg6: memref<2x16x640x128xf32, #tpu.memory_space<hbm>>, %arg7: memref<79x128xi32, #tpu.memory_space<vmem>>, %arg8: memref<79x128xi32, #tpu.memory_space<vmem>>, %arg9: memref<128x128xf32, #tpu.memory_space<vmem>>, %arg10: memref<10240x128xf32, #tpu.memory_space<vmem_shared>>) attributes {dimension_semantics = [#tpu.dimension_semantics<core_parallel>, #tpu.dimension_semantics<subcore_parallel>], iteration_bounds = array<i64: 2, 16>, scalar_prefetch = 0 : i64, scratch_operands = 4 : i64, tpu.core_type = #tpu.core_type<sc_vector_subcore>, window_params = [{transform_indices = #map}, {transform_indices = #map1}, {transform_indices = #map1}, {transform_indices = #map}, {transform_indices = #map2}]} {
    %mul3A = arith.constant 16 : i32
    %mul3A_0 = arith.muli %arg0, %mul3A : i32
    %add3A = arith.addi %mul3A_0, %arg1 : i32
    "tpu.region"() ({
      %run_scoped3A = tpu.sem_alloc : memref<!tpu.dma_semaphore, #tpu.memory_space<semaphore_mem>>
      %dma_start3A = arith.constant 0 : i32
      %dma_start3A_10 = arith.constant 0 : i32
      %dma_start3A_11 = tpu.memref_slice %arg3[%add3A, %dma_start3A, %dma_start3A_10] : memref<32x79x128xi32, #tpu.memory_space<hbm>> -> memref<1x79x128xi32, #tpu.memory_space<hbm>>
      %dma_start3A_12 = tpu.memref_squeeze %dma_start3A_11 : memref<1x79x128xi32, #tpu.memory_space<hbm>> -> memref<79x128xi32, #tpu.memory_space<hbm>>
      %dma_start3A_13 = arith.constant 0 : i32
      %dma_start3A_14 = arith.constant 0 : i32
      %dma_start3A_15 = tpu.memref_slice %arg3[%add3A, %dma_start3A_13, %dma_start3A_14] : memref<32x79x128xi32, #tpu.memory_space<hbm>> -> memref<1x79x128xi32, #tpu.memory_space<hbm>>
      %dma_start3A_16 = tpu.memref_squeeze %dma_start3A_15 : memref<1x79x128xi32, #tpu.memory_space<hbm>> -> memref<79x128xi32, #tpu.memory_space<hbm>>
      tpu.enqueue_dma source(%dma_start3A_16 : memref<79x128xi32, #tpu.memory_space<hbm>>) target(%arg7 : memref<79x128xi32, #tpu.memory_space<vmem>>) target_semaphore(%run_scoped3A : memref<!tpu.dma_semaphore, #tpu.memory_space<semaphore_mem>>)
      %dma_wait3A = arith.constant 0 : i32
      %dma_wait3A_17 = arith.constant 0 : i32
      %dma_wait3A_18 = tpu.memref_slice %arg3[%add3A, %dma_wait3A, %dma_wait3A_17] : memref<32x79x128xi32, #tpu.memory_space<hbm>> -> memref<1x79x128xi32, #tpu.memory_space<hbm>>
      %dma_wait3A_19 = tpu.memref_squeeze %dma_wait3A_18 : memref<1x79x128xi32, #tpu.memory_space<hbm>> -> memref<79x128xi32, #tpu.memory_space<hbm>>
      %dma_wait3A_20 = arith.constant 0 : i32
      %dma_wait3A_21 = arith.constant 0 : i32
      %dma_wait3A_22 = tpu.memref_slice %arg3[%add3A, %dma_wait3A_20, %dma_wait3A_21] : memref<32x79x128xi32, #tpu.memory_space<hbm>> -> memref<1x79x128xi32, #tpu.memory_space<hbm>>
      %dma_wait3A_23 = tpu.memref_squeeze %dma_wait3A_22 : memref<1x79x128xi32, #tpu.memory_space<hbm>> -> memref<79x128xi32, #tpu.memory_space<hbm>>
      tpu.wait_dma2 semaphore(%run_scoped3A : memref<!tpu.dma_semaphore, #tpu.memory_space<semaphore_mem>>) src(%dma_wait3A_23 : memref<79x128xi32, #tpu.memory_space<hbm>>) dst(%arg7 : memref<79x128xi32, #tpu.memory_space<vmem>>)
      tpu.yield
    }) : () -> ()
    "tpu.region"() ({
      %run_scoped3A = tpu.sem_alloc : memref<!tpu.dma_semaphore, #tpu.memory_space<semaphore_mem>>
      %dma_start3A = arith.constant 0 : i32
      %dma_start3A_10 = arith.constant 0 : i32
      %dma_start3A_11 = tpu.memref_slice %arg4[%add3A, %dma_start3A, %dma_start3A_10] : memref<32x79x128xi32, #tpu.memory_space<hbm>> -> memref<1x79x128xi32, #tpu.memory_space<hbm>>
      %dma_start3A_12 = tpu.memref_squeeze %dma_start3A_11 : memref<1x79x128xi32, #tpu.memory_space<hbm>> -> memref<79x128xi32, #tpu.memory_space<hbm>>
      %dma_start3A_13 = arith.constant 0 : i32
      %dma_start3A_14 = arith.constant 0 : i32
      %dma_start3A_15 = tpu.memref_slice %arg4[%add3A, %dma_start3A_13, %dma_start3A_14] : memref<32x79x128xi32, #tpu.memory_space<hbm>> -> memref<1x79x128xi32, #tpu.memory_space<hbm>>
      %dma_start3A_16 = tpu.memref_squeeze %dma_start3A_15 : memref<1x79x128xi32, #tpu.memory_space<hbm>> -> memref<79x128xi32, #tpu.memory_space<hbm>>
      tpu.enqueue_dma source(%dma_start3A_16 : memref<79x128xi32, #tpu.memory_space<hbm>>) target(%arg8 : memref<79x128xi32, #tpu.memory_space<vmem>>) target_semaphore(%run_scoped3A : memref<!tpu.dma_semaphore, #tpu.memory_space<semaphore_mem>>)
      %dma_wait3A = arith.constant 0 : i32
      %dma_wait3A_17 = arith.constant 0 : i32
      %dma_wait3A_18 = tpu.memref_slice %arg4[%add3A, %dma_wait3A, %dma_wait3A_17] : memref<32x79x128xi32, #tpu.memory_space<hbm>> -> memref<1x79x128xi32, #tpu.memory_space<hbm>>
      %dma_wait3A_19 = tpu.memref_squeeze %dma_wait3A_18 : memref<1x79x128xi32, #tpu.memory_space<hbm>> -> memref<79x128xi32, #tpu.memory_space<hbm>>
      %dma_wait3A_20 = arith.constant 0 : i32
      %dma_wait3A_21 = arith.constant 0 : i32
      %dma_wait3A_22 = tpu.memref_slice %arg4[%add3A, %dma_wait3A_20, %dma_wait3A_21] : memref<32x79x128xi32, #tpu.memory_space<hbm>> -> memref<1x79x128xi32, #tpu.memory_space<hbm>>
      %dma_wait3A_23 = tpu.memref_squeeze %dma_wait3A_22 : memref<1x79x128xi32, #tpu.memory_space<hbm>> -> memref<79x128xi32, #tpu.memory_space<hbm>>
      tpu.wait_dma2 semaphore(%run_scoped3A : memref<!tpu.dma_semaphore, #tpu.memory_space<semaphore_mem>>) src(%dma_wait3A_23 : memref<79x128xi32, #tpu.memory_space<hbm>>) dst(%arg8 : memref<79x128xi32, #tpu.memory_space<vmem>>)
      tpu.yield
    }) : () -> ()
    %mul3A_1 = arith.constant 640 : i32
    %mul3A_2 = arith.muli %arg1, %mul3A_1 : i32
    "tpu.region"() ({
      %run_scoped3A = tpu.sem_alloc : memref<!tpu.dma_semaphore, #tpu.memory_space<semaphore_mem>>
      %dma_start3A = arith.constant 0 : i32
      %dma_start3A_10 = tpu.memref_slice %arg10[%mul3A_2, %dma_start3A] : memref<10240x128xf32, #tpu.memory_space<vmem_shared>> -> memref<640x128xf32, #tpu.memory_space<vmem_shared>>
      tpu.enqueue_dma source(%arg5 : memref<640x128xf32, #tpu.memory_space<hbm>>) target(%dma_start3A_10 : memref<640x128xf32, #tpu.memory_space<vmem_shared>>) target_semaphore(%run_scoped3A : memref<!tpu.dma_semaphore, #tpu.memory_space<semaphore_mem>>)
      %dma_wait3A = arith.constant 0 : i32
      %dma_wait3A_11 = tpu.memref_slice %arg10[%mul3A_2, %dma_wait3A] : memref<10240x128xf32, #tpu.memory_space<vmem_shared>> -> memref<640x128xf32, #tpu.memory_space<vmem_shared>>
      tpu.wait_dma2 semaphore(%run_scoped3A : memref<!tpu.dma_semaphore, #tpu.memory_space<semaphore_mem>>) src(%arg5 : memref<640x128xf32, #tpu.memory_space<hbm>>) dst(%dma_wait3A_11 : memref<640x128xf32, #tpu.memory_space<vmem_shared>>)
      tpu.yield
    }) : () -> ()
    %barrier3A = arith.constant 0 : index
    tpu.barrier barrier_id(%barrier3A)
    %scan3A = arith.constant 0 : i32
    %scan3A_3 = arith.constant 79 : i32
    %scan3A_4 = arith.addi %scan3A, %scan3A_3 : i32
    %scan3A_5 = arith.constant 1 : i32
    scf.for %scan3A_10 = %scan3A to %scan3A_4 step %scan3A_5  : i32 {
      "tpu.region"() ({
        %run_scoped3A = tpu.sem_alloc : memref<!tpu.dma_semaphore, #tpu.memory_space<semaphore_mem>>
        %dma_start3A = arith.constant 0 : i32
        %dma_start3A_11 = tpu.memref_slice %arg7[%scan3A_10, %dma_start3A] : memref<79x128xi32, #tpu.memory_space<vmem>> -> memref<1x128xi32, #tpu.memory_space<vmem>>
        %dma_start3A_12 = tpu.memref_squeeze %dma_start3A_11 : memref<1x128xi32, #tpu.memory_space<vmem>> -> memref<128xi32, #tpu.memory_space<vmem>>
        %dma_start3A_13 = arith.constant 0 : i32
        %dma_start3A_14 = arith.constant 0 : i32
        %dma_start3A_15 = tpu.memref_slice %arg2[%dma_start3A_13, %dma_start3A_14] : memref<10000x128xf32, #tpu.memory_space<hbm>> -> memref<10000x128xf32, #tpu.memory_space<hbm>>
        tpu.enqueue_indirect_dma source(%dma_start3A_15 : memref<10000x128xf32, #tpu.memory_space<hbm>>) target(%arg9 : memref<128x128xf32, #tpu.memory_space<vmem>>) offsets(%dma_start3A_12 : memref<128xi32, #tpu.memory_space<vmem>>) semaphore(%run_scoped3A : memref<!tpu.dma_semaphore, #tpu.memory_space<semaphore_mem>>)
        %dma_wait3A = arith.constant 0 : i32
        %dma_wait3A_16 = tpu.memref_slice %arg7[%scan3A_10, %dma_wait3A] : memref<79x128xi32, #tpu.memory_space<vmem>> -> memref<1x128xi32, #tpu.memory_space<vmem>>
        %dma_wait3A_17 = tpu.memref_squeeze %dma_wait3A_16 : memref<1x128xi32, #tpu.memory_space<vmem>> -> memref<128xi32, #tpu.memory_space<vmem>>
        %dma_wait3A_18 = arith.constant 0 : i32
        %dma_wait3A_19 = arith.constant 0 : i32
        %dma_wait3A_20 = tpu.memref_slice %arg2[%dma_wait3A_18, %dma_wait3A_19] : memref<10000x128xf32, #tpu.memory_space<hbm>> -> memref<10000x128xf32, #tpu.memory_space<hbm>>
        tpu.wait_indirect_dma semaphore(%run_scoped3A : memref<!tpu.dma_semaphore, #tpu.memory_space<semaphore_mem>>) src(%dma_wait3A_20 : memref<10000x128xf32, #tpu.memory_space<hbm>>) dst(%arg9 : memref<128x128xf32, #tpu.memory_space<vmem>>)
        tpu.yield
      }) : () -> ()
      "tpu.region"() ({
        %run_scoped3A = tpu.sem_alloc : memref<!tpu.dma_semaphore, #tpu.memory_space<semaphore_mem>>
        %dma_start3A = arith.constant 0 : i32
        %dma_start3A_11 = tpu.memref_slice %arg8[%scan3A_10, %dma_start3A] : memref<79x128xi32, #tpu.memory_space<vmem>> -> memref<1x128xi32, #tpu.memory_space<vmem>>
        %dma_start3A_12 = tpu.memref_squeeze %dma_start3A_11 : memref<1x128xi32, #tpu.memory_space<vmem>> -> memref<128xi32, #tpu.memory_space<vmem>>
        %dma_start3A_13 = arith.constant 0 : i32
        %dma_start3A_14 = arith.constant 0 : i32
        %dma_start3A_15 = tpu.memref_slice %arg10[%dma_start3A_13, %dma_start3A_14] : memref<10240x128xf32, #tpu.memory_space<vmem_shared>> -> memref<10240x128xf32, #tpu.memory_space<vmem_shared>>
        tpu.enqueue_indirect_dma source(%arg9 : memref<128x128xf32, #tpu.memory_space<vmem>>) target(%dma_start3A_15 : memref<10240x128xf32, #tpu.memory_space<vmem_shared>>) offsets(%dma_start3A_12 : memref<128xi32, #tpu.memory_space<vmem>>) semaphore(%run_scoped3A : memref<!tpu.dma_semaphore, #tpu.memory_space<semaphore_mem>>) {add = true}
        %dma_wait3A = arith.constant 0 : i32
        %dma_wait3A_16 = tpu.memref_slice %arg8[%scan3A_10, %dma_wait3A] : memref<79x128xi32, #tpu.memory_space<vmem>> -> memref<1x128xi32, #tpu.memory_space<vmem>>
        %dma_wait3A_17 = tpu.memref_squeeze %dma_wait3A_16 : memref<1x128xi32, #tpu.memory_space<vmem>> -> memref<128xi32, #tpu.memory_space<vmem>>
        %dma_wait3A_18 = arith.constant 0 : i32
        %dma_wait3A_19 = arith.constant 0 : i32
        %dma_wait3A_20 = tpu.memref_slice %arg10[%dma_wait3A_18, %dma_wait3A_19] : memref<10240x128xf32, #tpu.memory_space<vmem_shared>> -> memref<10240x128xf32, #tpu.memory_space<vmem_shared>>
        tpu.wait_indirect_dma semaphore(%run_scoped3A : memref<!tpu.dma_semaphore, #tpu.memory_space<semaphore_mem>>) src(%arg9 : memref<128x128xf32, #tpu.memory_space<vmem>>) dst(%dma_wait3A_20 : memref<10240x128xf32, #tpu.memory_space<vmem_shared>>)
        tpu.yield
      }) : () -> ()
    }
    %scan3A_6 = arith.constant 79 : i32
    %barrier3A_7 = arith.constant 0 : index
    tpu.barrier barrier_id(%barrier3A_7)
    %mul3A_8 = arith.constant 640 : i32
    %mul3A_9 = arith.muli %arg1, %mul3A_8 : i32
    "tpu.region"() ({
      %run_scoped3A = tpu.sem_alloc : memref<!tpu.dma_semaphore, #tpu.memory_space<semaphore_mem>>
      %dma_start3A = arith.constant 0 : i32
      %dma_start3A_10 = arith.constant 0 : i32
      %dma_start3A_11 = tpu.memref_slice %arg6[%arg0, %arg1, %dma_start3A, %dma_start3A_10] : memref<2x16x640x128xf32, #tpu.memory_space<hbm>> -> memref<1x1x640x128xf32, #tpu.memory_space<hbm>>
      %dma_start3A_12 = tpu.memref_squeeze %dma_start3A_11 : memref<1x1x640x128xf32, #tpu.memory_space<hbm>> -> memref<640x128xf32, #tpu.memory_space<hbm>>
      %dma_start3A_13 = arith.constant 0 : i32
      %dma_start3A_14 = tpu.memref_slice %arg10[%mul3A_9, %dma_start3A_13] : memref<10240x128xf32, #tpu.memory_space<vmem_shared>> -> memref<640x128xf32, #tpu.memory_space<vmem_shared>>
      tpu.enqueue_dma source(%dma_start3A_14 : memref<640x128xf32, #tpu.memory_space<vmem_shared>>) target(%dma_start3A_12 : memref<640x128xf32, #tpu.memory_space<hbm>>) target_semaphore(%run_scoped3A : memref<!tpu.dma_semaphore, #tpu.memory_space<semaphore_mem>>)
      %dma_wait3A = arith.constant 0 : i32
      %dma_wait3A_15 = arith.constant 0 : i32
      %dma_wait3A_16 = tpu.memref_slice %arg6[%arg0, %arg1, %dma_wait3A, %dma_wait3A_15] : memref<2x16x640x128xf32, #tpu.memory_space<hbm>> -> memref<1x1x640x128xf32, #tpu.memory_space<hbm>>
      %dma_wait3A_17 = tpu.memref_squeeze %dma_wait3A_16 : memref<1x1x640x128xf32, #tpu.memory_space<hbm>> -> memref<640x128xf32, #tpu.memory_space<hbm>>
      %dma_wait3A_18 = arith.constant 0 : i32
      %dma_wait3A_19 = tpu.memref_slice %arg10[%mul3A_9, %dma_wait3A_18] : memref<10240x128xf32, #tpu.memory_space<vmem_shared>> -> memref<640x128xf32, #tpu.memory_space<vmem_shared>>
      tpu.wait_dma2 semaphore(%run_scoped3A : memref<!tpu.dma_semaphore, #tpu.memory_space<semaphore_mem>>) src(%dma_wait3A_19 : memref<640x128xf32, #tpu.memory_space<vmem_shared>>) dst(%dma_wait3A_17 : memref<640x128xf32, #tpu.memory_space<hbm>>)
      tpu.yield
    }) : () -> ()
    return
  }
}

#map = affine_map<(d0, d1) -> (0, 0)>
#map1 = affine_map<(d0, d1) -> (0, 0, 0)>
#map2 = affine_map<(d0, d1) -> (0, 0, 0, 0)>
module attributes {stable_mosaic.version = 14 : i64} {
  func.func @_sc_scatter_body(%arg0: i32, %arg1: i32, %arg2: memref<10000x128xf32, #tpu.memory_space<hbm>>, %arg3: memref<32x79x128xi32, #tpu.memory_space<hbm>>, %arg4: memref<32x79x128xi32, #tpu.memory_space<hbm>>, %arg5: memref<640x128xf32, #tpu.memory_space<hbm>>, %arg6: memref<2x16x640x128xf32, #tpu.memory_space<hbm>>, %arg7: memref<79x128xi32, #tpu.memory_space<vmem>>, %arg8: memref<79x128xi32, #tpu.memory_space<vmem>>, %arg9: memref<128x128xf32, #tpu.memory_space<vmem>>, %arg10: memref<10240x128xf32, #tpu.memory_space<vmem_shared>>) attributes {dimension_semantics = [#tpu.dimension_semantics<core_parallel>, #tpu.dimension_semantics<subcore_parallel>], iteration_bounds = array<i64: 2, 16>, scalar_prefetch = 0 : i64, scratch_operands = 4 : i64, tpu.core_type = #tpu.core_type<sc_vector_subcore>, window_params = [{transform_indices = #map}, {transform_indices = #map1}, {transform_indices = #map1}, {transform_indices = #map}, {transform_indices = #map2}]} {
    %mul3A = arith.constant 16 : i32
    %mul3A_0 = arith.muli %arg0, %mul3A : i32
    %add3A = arith.addi %mul3A_0, %arg1 : i32
    "tpu.region"() ({
      %run_scoped3A = tpu.sem_alloc : memref<!tpu.dma_semaphore, #tpu.memory_space<semaphore_mem>>
      %dma_start3A = arith.constant 0 : i32
      %dma_start3A_10 = arith.constant 0 : i32
      %dma_start3A_11 = tpu.memref_slice %arg3[%add3A, %dma_start3A, %dma_start3A_10] : memref<32x79x128xi32, #tpu.memory_space<hbm>> -> memref<1x79x128xi32, #tpu.memory_space<hbm>>
      %dma_start3A_12 = tpu.memref_squeeze %dma_start3A_11 : memref<1x79x128xi32, #tpu.memory_space<hbm>> -> memref<79x128xi32, #tpu.memory_space<hbm>>
      %dma_start3A_13 = arith.constant 0 : i32
      %dma_start3A_14 = arith.constant 0 : i32
      %dma_start3A_15 = tpu.memref_slice %arg3[%add3A, %dma_start3A_13, %dma_start3A_14] : memref<32x79x128xi32, #tpu.memory_space<hbm>> -> memref<1x79x128xi32, #tpu.memory_space<hbm>>
      %dma_start3A_16 = tpu.memref_squeeze %dma_start3A_15 : memref<1x79x128xi32, #tpu.memory_space<hbm>> -> memref<79x128xi32, #tpu.memory_space<hbm>>
      tpu.enqueue_dma source(%dma_start3A_16 : memref<79x128xi32, #tpu.memory_space<hbm>>) target(%arg7 : memref<79x128xi32, #tpu.memory_space<vmem>>) target_semaphore(%run_scoped3A : memref<!tpu.dma_semaphore, #tpu.memory_space<semaphore_mem>>)
      %dma_wait3A = arith.constant 0 : i32
      %dma_wait3A_17 = arith.constant 0 : i32
      %dma_wait3A_18 = tpu.memref_slice %arg3[%add3A, %dma_wait3A, %dma_wait3A_17] : memref<32x79x128xi32, #tpu.memory_space<hbm>> -> memref<1x79x128xi32, #tpu.memory_space<hbm>>
      %dma_wait3A_19 = tpu.memref_squeeze %dma_wait3A_18 : memref<1x79x128xi32, #tpu.memory_space<hbm>> -> memref<79x128xi32, #tpu.memory_space<hbm>>
      %dma_wait3A_20 = arith.constant 0 : i32
      %dma_wait3A_21 = arith.constant 0 : i32
      %dma_wait3A_22 = tpu.memref_slice %arg3[%add3A, %dma_wait3A_20, %dma_wait3A_21] : memref<32x79x128xi32, #tpu.memory_space<hbm>> -> memref<1x79x128xi32, #tpu.memory_space<hbm>>
      %dma_wait3A_23 = tpu.memref_squeeze %dma_wait3A_22 : memref<1x79x128xi32, #tpu.memory_space<hbm>> -> memref<79x128xi32, #tpu.memory_space<hbm>>
      tpu.wait_dma2 semaphore(%run_scoped3A : memref<!tpu.dma_semaphore, #tpu.memory_space<semaphore_mem>>) src(%dma_wait3A_23 : memref<79x128xi32, #tpu.memory_space<hbm>>) dst(%arg7 : memref<79x128xi32, #tpu.memory_space<vmem>>)
      tpu.yield
    }) : () -> ()
    "tpu.region"() ({
      %run_scoped3A = tpu.sem_alloc : memref<!tpu.dma_semaphore, #tpu.memory_space<semaphore_mem>>
      %dma_start3A = arith.constant 0 : i32
      %dma_start3A_10 = arith.constant 0 : i32
      %dma_start3A_11 = tpu.memref_slice %arg4[%add3A, %dma_start3A, %dma_start3A_10] : memref<32x79x128xi32, #tpu.memory_space<hbm>> -> memref<1x79x128xi32, #tpu.memory_space<hbm>>
      %dma_start3A_12 = tpu.memref_squeeze %dma_start3A_11 : memref<1x79x128xi32, #tpu.memory_space<hbm>> -> memref<79x128xi32, #tpu.memory_space<hbm>>
      %dma_start3A_13 = arith.constant 0 : i32
      %dma_start3A_14 = arith.constant 0 : i32
      %dma_start3A_15 = tpu.memref_slice %arg4[%add3A, %dma_start3A_13, %dma_start3A_14] : memref<32x79x128xi32, #tpu.memory_space<hbm>> -> memref<1x79x128xi32, #tpu.memory_space<hbm>>
      %dma_start3A_16 = tpu.memref_squeeze %dma_start3A_15 : memref<1x79x128xi32, #tpu.memory_space<hbm>> -> memref<79x128xi32, #tpu.memory_space<hbm>>
      tpu.enqueue_dma source(%dma_start3A_16 : memref<79x128xi32, #tpu.memory_space<hbm>>) target(%arg8 : memref<79x128xi32, #tpu.memory_space<vmem>>) target_semaphore(%run_scoped3A : memref<!tpu.dma_semaphore, #tpu.memory_space<semaphore_mem>>)
      %dma_wait3A = arith.constant 0 : i32
      %dma_wait3A_17 = arith.constant 0 : i32
      %dma_wait3A_18 = tpu.memref_slice %arg4[%add3A, %dma_wait3A, %dma_wait3A_17] : memref<32x79x128xi32, #tpu.memory_space<hbm>> -> memref<1x79x128xi32, #tpu.memory_space<hbm>>
      %dma_wait3A_19 = tpu.memref_squeeze %dma_wait3A_18 : memref<1x79x128xi32, #tpu.memory_space<hbm>> -> memref<79x128xi32, #tpu.memory_space<hbm>>
      %dma_wait3A_20 = arith.constant 0 : i32
      %dma_wait3A_21 = arith.constant 0 : i32
      %dma_wait3A_22 = tpu.memref_slice %arg4[%add3A, %dma_wait3A_20, %dma_wait3A_21] : memref<32x79x128xi32, #tpu.memory_space<hbm>> -> memref<1x79x128xi32, #tpu.memory_space<hbm>>
      %dma_wait3A_23 = tpu.memref_squeeze %dma_wait3A_22 : memref<1x79x128xi32, #tpu.memory_space<hbm>> -> memref<79x128xi32, #tpu.memory_space<hbm>>
      tpu.wait_dma2 semaphore(%run_scoped3A : memref<!tpu.dma_semaphore, #tpu.memory_space<semaphore_mem>>) src(%dma_wait3A_23 : memref<79x128xi32, #tpu.memory_space<hbm>>) dst(%arg8 : memref<79x128xi32, #tpu.memory_space<vmem>>)
      tpu.yield
    }) : () -> ()
    %mul3A_1 = arith.constant 640 : i32
    %mul3A_2 = arith.muli %arg1, %mul3A_1 : i32
    "tpu.region"() ({
      %run_scoped3A = tpu.sem_alloc : memref<!tpu.dma_semaphore, #tpu.memory_space<semaphore_mem>>
      %dma_start3A = arith.constant 0 : i32
      %dma_start3A_10 = tpu.memref_slice %arg10[%mul3A_2, %dma_start3A] : memref<10240x128xf32, #tpu.memory_space<vmem_shared>> -> memref<640x128xf32, #tpu.memory_space<vmem_shared>>
      tpu.enqueue_dma source(%arg5 : memref<640x128xf32, #tpu.memory_space<hbm>>) target(%dma_start3A_10 : memref<640x128xf32, #tpu.memory_space<vmem_shared>>) target_semaphore(%run_scoped3A : memref<!tpu.dma_semaphore, #tpu.memory_space<semaphore_mem>>)
      %dma_wait3A = arith.constant 0 : i32
      %dma_wait3A_11 = tpu.memref_slice %arg10[%mul3A_2, %dma_wait3A] : memref<10240x128xf32, #tpu.memory_space<vmem_shared>> -> memref<640x128xf32, #tpu.memory_space<vmem_shared>>
      tpu.wait_dma2 semaphore(%run_scoped3A : memref<!tpu.dma_semaphore, #tpu.memory_space<semaphore_mem>>) src(%arg5 : memref<640x128xf32, #tpu.memory_space<hbm>>) dst(%dma_wait3A_11 : memref<640x128xf32, #tpu.memory_space<vmem_shared>>)
      tpu.yield
    }) : () -> ()
    %barrier3A = arith.constant 0 : index
    tpu.barrier barrier_id(%barrier3A)
    %scan3A = arith.constant 0 : i32
    %scan3A_3 = arith.constant 79 : i32
    %scan3A_4 = arith.addi %scan3A, %scan3A_3 : i32
    %scan3A_5 = arith.constant 1 : i32
    scf.for %scan3A_10 = %scan3A to %scan3A_4 step %scan3A_5  : i32 {
      "tpu.region"() ({
        %run_scoped3A = tpu.sem_alloc : memref<!tpu.dma_semaphore, #tpu.memory_space<semaphore_mem>>
        %dma_start3A = arith.constant 0 : i32
        %dma_start3A_11 = tpu.memref_slice %arg7[%scan3A_10, %dma_start3A] : memref<79x128xi32, #tpu.memory_space<vmem>> -> memref<1x128xi32, #tpu.memory_space<vmem>>
        %dma_start3A_12 = tpu.memref_squeeze %dma_start3A_11 : memref<1x128xi32, #tpu.memory_space<vmem>> -> memref<128xi32, #tpu.memory_space<vmem>>
        %dma_start3A_13 = arith.constant 0 : i32
        %dma_start3A_14 = arith.constant 0 : i32
        %dma_start3A_15 = tpu.memref_slice %arg2[%dma_start3A_13, %dma_start3A_14] : memref<10000x128xf32, #tpu.memory_space<hbm>> -> memref<10000x128xf32, #tpu.memory_space<hbm>>
        tpu.enqueue_indirect_dma source(%dma_start3A_15 : memref<10000x128xf32, #tpu.memory_space<hbm>>) target(%arg9 : memref<128x128xf32, #tpu.memory_space<vmem>>) offsets(%dma_start3A_12 : memref<128xi32, #tpu.memory_space<vmem>>) semaphore(%run_scoped3A : memref<!tpu.dma_semaphore, #tpu.memory_space<semaphore_mem>>)
        %dma_wait3A = arith.constant 0 : i32
        %dma_wait3A_16 = tpu.memref_slice %arg7[%scan3A_10, %dma_wait3A] : memref<79x128xi32, #tpu.memory_space<vmem>> -> memref<1x128xi32, #tpu.memory_space<vmem>>
        %dma_wait3A_17 = tpu.memref_squeeze %dma_wait3A_16 : memref<1x128xi32, #tpu.memory_space<vmem>> -> memref<128xi32, #tpu.memory_space<vmem>>
        %dma_wait3A_18 = arith.constant 0 : i32
        %dma_wait3A_19 = arith.constant 0 : i32
        %dma_wait3A_20 = tpu.memref_slice %arg2[%dma_wait3A_18, %dma_wait3A_19] : memref<10000x128xf32, #tpu.memory_space<hbm>> -> memref<10000x128xf32, #tpu.memory_space<hbm>>
        tpu.wait_indirect_dma semaphore(%run_scoped3A : memref<!tpu.dma_semaphore, #tpu.memory_space<semaphore_mem>>) src(%dma_wait3A_20 : memref<10000x128xf32, #tpu.memory_space<hbm>>) dst(%arg9 : memref<128x128xf32, #tpu.memory_space<vmem>>)
        tpu.yield
      }) : () -> ()
      "tpu.region"() ({
        %run_scoped3A = tpu.sem_alloc : memref<!tpu.dma_semaphore, #tpu.memory_space<semaphore_mem>>
        %dma_start3A = arith.constant 0 : i32
        %dma_start3A_11 = tpu.memref_slice %arg8[%scan3A_10, %dma_start3A] : memref<79x128xi32, #tpu.memory_space<vmem>> -> memref<1x128xi32, #tpu.memory_space<vmem>>
        %dma_start3A_12 = tpu.memref_squeeze %dma_start3A_11 : memref<1x128xi32, #tpu.memory_space<vmem>> -> memref<128xi32, #tpu.memory_space<vmem>>
        %dma_start3A_13 = arith.constant 0 : i32
        %dma_start3A_14 = arith.constant 0 : i32
        %dma_start3A_15 = tpu.memref_slice %arg10[%dma_start3A_13, %dma_start3A_14] : memref<10240x128xf32, #tpu.memory_space<vmem_shared>> -> memref<10240x128xf32, #tpu.memory_space<vmem_shared>>
        tpu.enqueue_indirect_dma source(%arg9 : memref<128x128xf32, #tpu.memory_space<vmem>>) target(%dma_start3A_15 : memref<10240x128xf32, #tpu.memory_space<vmem_shared>>) offsets(%dma_start3A_12 : memref<128xi32, #tpu.memory_space<vmem>>) semaphore(%run_scoped3A : memref<!tpu.dma_semaphore, #tpu.memory_space<semaphore_mem>>) {add = true}
        %dma_wait3A = arith.constant 0 : i32
        %dma_wait3A_16 = tpu.memref_slice %arg8[%scan3A_10, %dma_wait3A] : memref<79x128xi32, #tpu.memory_space<vmem>> -> memref<1x128xi32, #tpu.memory_space<vmem>>
        %dma_wait3A_17 = tpu.memref_squeeze %dma_wait3A_16 : memref<1x128xi32, #tpu.memory_space<vmem>> -> memref<128xi32, #tpu.memory_space<vmem>>
        %dma_wait3A_18 = arith.constant 0 : i32
        %dma_wait3A_19 = arith.constant 0 : i32
        %dma_wait3A_20 = tpu.memref_slice %arg10[%dma_wait3A_18, %dma_wait3A_19] : memref<10240x128xf32, #tpu.memory_space<vmem_shared>> -> memref<10240x128xf32, #tpu.memory_space<vmem_shared>>
        tpu.wait_indirect_dma semaphore(%run_scoped3A : memref<!tpu.dma_semaphore, #tpu.memory_space<semaphore_mem>>) src(%arg9 : memref<128x128xf32, #tpu.memory_space<vmem>>) dst(%dma_wait3A_20 : memref<10240x128xf32, #tpu.memory_space<vmem_shared>>)
        tpu.yield
      }) : () -> ()
    }
    %scan3A_6 = arith.constant 79 : i32
    %barrier3A_7 = arith.constant 0 : index
    tpu.barrier barrier_id(%barrier3A_7)
    %mul3A_8 = arith.constant 640 : i32
    %mul3A_9 = arith.muli %arg1, %mul3A_8 : i32
    "tpu.region"() ({
      %run_scoped3A = tpu.sem_alloc : memref<!tpu.dma_semaphore, #tpu.memory_space<semaphore_mem>>
      %dma_start3A = arith.constant 0 : i32
      %dma_start3A_10 = arith.constant 0 : i32
      %dma_start3A_11 = tpu.memref_slice %arg6[%arg0, %arg1, %dma_start3A, %dma_start3A_10] : memref<2x16x640x128xf32, #tpu.memory_space<hbm>> -> memref<1x1x640x128xf32, #tpu.memory_space<hbm>>
      %dma_start3A_12 = tpu.memref_squeeze %dma_start3A_11 : memref<1x1x640x128xf32, #tpu.memory_space<hbm>> -> memref<640x128xf32, #tpu.memory_space<hbm>>
      %dma_start3A_13 = arith.constant 0 : i32
      %dma_start3A_14 = tpu.memref_slice %arg10[%mul3A_9, %dma_start3A_13] : memref<10240x128xf32, #tpu.memory_space<vmem_shared>> -> memref<640x128xf32, #tpu.memory_space<vmem_shared>>
      tpu.enqueue_dma source(%dma_start3A_14 : memref<640x128xf32, #tpu.memory_space<vmem_shared>>) target(%dma_start3A_12 : memref<640x128xf32, #tpu.memory_space<hbm>>) target_semaphore(%run_scoped3A : memref<!tpu.dma_semaphore, #tpu.memory_space<semaphore_mem>>)
      %dma_wait3A = arith.constant 0 : i32
      %dma_wait3A_15 = arith.constant 0 : i32
      %dma_wait3A_16 = tpu.memref_slice %arg6[%arg0, %arg1, %dma_wait3A, %dma_wait3A_15] : memref<2x16x640x128xf32, #tpu.memory_space<hbm>> -> memref<1x1x640x128xf32, #tpu.memory_space<hbm>>
      %dma_wait3A_17 = tpu.memref_squeeze %dma_wait3A_16 : memref<1x1x640x128xf32, #tpu.memory_space<hbm>> -> memref<640x128xf32, #tpu.memory_space<hbm>>
      %dma_wait3A_18 = arith.constant 0 : i32
      %dma_wait3A_19 = tpu.memref_slice %arg10[%mul3A_9, %dma_wait3A_18] : memref<10240x128xf32, #tpu.memory_space<vmem_shared>> -> memref<640x128xf32, #tpu.memory_space<vmem_shared>>
      tpu.wait_dma2 semaphore(%run_scoped3A : memref<!tpu.dma_semaphore, #tpu.memory_space<semaphore_mem>>) src(%dma_wait3A_19 : memref<640x128xf32, #tpu.memory_space<vmem_shared>>) dst(%dma_wait3A_17 : memref<640x128xf32, #tpu.memory_space<hbm>>)
      tpu.yield
    }) : () -> ()
    return
  }
}

#map = affine_map<(d0, d1) -> (0, 0)>
#map1 = affine_map<(d0, d1) -> (0, 0, 0)>
#map2 = affine_map<(d0, d1) -> (0, 0, 0, 0)>
module attributes {stable_mosaic.version = 14 : i64} {
  func.func @_sc_scatter_body(%arg0: i32, %arg1: i32, %arg2: memref<10000x128xf32, #tpu.memory_space<hbm>>, %arg3: memref<32x79x128xi32, #tpu.memory_space<hbm>>, %arg4: memref<32x79x128xi32, #tpu.memory_space<hbm>>, %arg5: memref<640x128xf32, #tpu.memory_space<hbm>>, %arg6: memref<2x16x640x128xf32, #tpu.memory_space<hbm>>, %arg7: memref<79x128xi32, #tpu.memory_space<vmem>>, %arg8: memref<79x128xi32, #tpu.memory_space<vmem>>, %arg9: memref<128x128xf32, #tpu.memory_space<vmem>>, %arg10: memref<10240x128xf32, #tpu.memory_space<vmem_shared>>) attributes {dimension_semantics = [#tpu.dimension_semantics<core_parallel>, #tpu.dimension_semantics<subcore_parallel>], iteration_bounds = array<i64: 2, 16>, scalar_prefetch = 0 : i64, scratch_operands = 4 : i64, tpu.core_type = #tpu.core_type<sc_vector_subcore>, window_params = [{transform_indices = #map}, {transform_indices = #map1}, {transform_indices = #map1}, {transform_indices = #map}, {transform_indices = #map2}]} {
    %mul3A = arith.constant 16 : i32
    %mul3A_0 = arith.muli %arg0, %mul3A : i32
    %add3A = arith.addi %mul3A_0, %arg1 : i32
    "tpu.region"() ({
      %run_scoped3A = tpu.sem_alloc : memref<!tpu.dma_semaphore, #tpu.memory_space<semaphore_mem>>
      %dma_start3A = arith.constant 0 : i32
      %dma_start3A_10 = arith.constant 0 : i32
      %dma_start3A_11 = tpu.memref_slice %arg3[%add3A, %dma_start3A, %dma_start3A_10] : memref<32x79x128xi32, #tpu.memory_space<hbm>> -> memref<1x79x128xi32, #tpu.memory_space<hbm>>
      %dma_start3A_12 = tpu.memref_squeeze %dma_start3A_11 : memref<1x79x128xi32, #tpu.memory_space<hbm>> -> memref<79x128xi32, #tpu.memory_space<hbm>>
      %dma_start3A_13 = arith.constant 0 : i32
      %dma_start3A_14 = arith.constant 0 : i32
      %dma_start3A_15 = tpu.memref_slice %arg3[%add3A, %dma_start3A_13, %dma_start3A_14] : memref<32x79x128xi32, #tpu.memory_space<hbm>> -> memref<1x79x128xi32, #tpu.memory_space<hbm>>
      %dma_start3A_16 = tpu.memref_squeeze %dma_start3A_15 : memref<1x79x128xi32, #tpu.memory_space<hbm>> -> memref<79x128xi32, #tpu.memory_space<hbm>>
      tpu.enqueue_dma source(%dma_start3A_16 : memref<79x128xi32, #tpu.memory_space<hbm>>) target(%arg7 : memref<79x128xi32, #tpu.memory_space<vmem>>) target_semaphore(%run_scoped3A : memref<!tpu.dma_semaphore, #tpu.memory_space<semaphore_mem>>)
      %dma_wait3A = arith.constant 0 : i32
      %dma_wait3A_17 = arith.constant 0 : i32
      %dma_wait3A_18 = tpu.memref_slice %arg3[%add3A, %dma_wait3A, %dma_wait3A_17] : memref<32x79x128xi32, #tpu.memory_space<hbm>> -> memref<1x79x128xi32, #tpu.memory_space<hbm>>
      %dma_wait3A_19 = tpu.memref_squeeze %dma_wait3A_18 : memref<1x79x128xi32, #tpu.memory_space<hbm>> -> memref<79x128xi32, #tpu.memory_space<hbm>>
      %dma_wait3A_20 = arith.constant 0 : i32
      %dma_wait3A_21 = arith.constant 0 : i32
      %dma_wait3A_22 = tpu.memref_slice %arg3[%add3A, %dma_wait3A_20, %dma_wait3A_21] : memref<32x79x128xi32, #tpu.memory_space<hbm>> -> memref<1x79x128xi32, #tpu.memory_space<hbm>>
      %dma_wait3A_23 = tpu.memref_squeeze %dma_wait3A_22 : memref<1x79x128xi32, #tpu.memory_space<hbm>> -> memref<79x128xi32, #tpu.memory_space<hbm>>
      tpu.wait_dma2 semaphore(%run_scoped3A : memref<!tpu.dma_semaphore, #tpu.memory_space<semaphore_mem>>) src(%dma_wait3A_23 : memref<79x128xi32, #tpu.memory_space<hbm>>) dst(%arg7 : memref<79x128xi32, #tpu.memory_space<vmem>>)
      tpu.yield
    }) : () -> ()
    "tpu.region"() ({
      %run_scoped3A = tpu.sem_alloc : memref<!tpu.dma_semaphore, #tpu.memory_space<semaphore_mem>>
      %dma_start3A = arith.constant 0 : i32
      %dma_start3A_10 = arith.constant 0 : i32
      %dma_start3A_11 = tpu.memref_slice %arg4[%add3A, %dma_start3A, %dma_start3A_10] : memref<32x79x128xi32, #tpu.memory_space<hbm>> -> memref<1x79x128xi32, #tpu.memory_space<hbm>>
      %dma_start3A_12 = tpu.memref_squeeze %dma_start3A_11 : memref<1x79x128xi32, #tpu.memory_space<hbm>> -> memref<79x128xi32, #tpu.memory_space<hbm>>
      %dma_start3A_13 = arith.constant 0 : i32
      %dma_start3A_14 = arith.constant 0 : i32
      %dma_start3A_15 = tpu.memref_slice %arg4[%add3A, %dma_start3A_13, %dma_start3A_14] : memref<32x79x128xi32, #tpu.memory_space<hbm>> -> memref<1x79x128xi32, #tpu.memory_space<hbm>>
      %dma_start3A_16 = tpu.memref_squeeze %dma_start3A_15 : memref<1x79x128xi32, #tpu.memory_space<hbm>> -> memref<79x128xi32, #tpu.memory_space<hbm>>
      tpu.enqueue_dma source(%dma_start3A_16 : memref<79x128xi32, #tpu.memory_space<hbm>>) target(%arg8 : memref<79x128xi32, #tpu.memory_space<vmem>>) target_semaphore(%run_scoped3A : memref<!tpu.dma_semaphore, #tpu.memory_space<semaphore_mem>>)
      %dma_wait3A = arith.constant 0 : i32
      %dma_wait3A_17 = arith.constant 0 : i32
      %dma_wait3A_18 = tpu.memref_slice %arg4[%add3A, %dma_wait3A, %dma_wait3A_17] : memref<32x79x128xi32, #tpu.memory_space<hbm>> -> memref<1x79x128xi32, #tpu.memory_space<hbm>>
      %dma_wait3A_19 = tpu.memref_squeeze %dma_wait3A_18 : memref<1x79x128xi32, #tpu.memory_space<hbm>> -> memref<79x128xi32, #tpu.memory_space<hbm>>
      %dma_wait3A_20 = arith.constant 0 : i32
      %dma_wait3A_21 = arith.constant 0 : i32
      %dma_wait3A_22 = tpu.memref_slice %arg4[%add3A, %dma_wait3A_20, %dma_wait3A_21] : memref<32x79x128xi32, #tpu.memory_space<hbm>> -> memref<1x79x128xi32, #tpu.memory_space<hbm>>
      %dma_wait3A_23 = tpu.memref_squeeze %dma_wait3A_22 : memref<1x79x128xi32, #tpu.memory_space<hbm>> -> memref<79x128xi32, #tpu.memory_space<hbm>>
      tpu.wait_dma2 semaphore(%run_scoped3A : memref<!tpu.dma_semaphore, #tpu.memory_space<semaphore_mem>>) src(%dma_wait3A_23 : memref<79x128xi32, #tpu.memory_space<hbm>>) dst(%arg8 : memref<79x128xi32, #tpu.memory_space<vmem>>)
      tpu.yield
    }) : () -> ()
    %mul3A_1 = arith.constant 640 : i32
    %mul3A_2 = arith.muli %arg1, %mul3A_1 : i32
    "tpu.region"() ({
      %run_scoped3A = tpu.sem_alloc : memref<!tpu.dma_semaphore, #tpu.memory_space<semaphore_mem>>
      %dma_start3A = arith.constant 0 : i32
      %dma_start3A_10 = tpu.memref_slice %arg10[%mul3A_2, %dma_start3A] : memref<10240x128xf32, #tpu.memory_space<vmem_shared>> -> memref<640x128xf32, #tpu.memory_space<vmem_shared>>
      tpu.enqueue_dma source(%arg5 : memref<640x128xf32, #tpu.memory_space<hbm>>) target(%dma_start3A_10 : memref<640x128xf32, #tpu.memory_space<vmem_shared>>) target_semaphore(%run_scoped3A : memref<!tpu.dma_semaphore, #tpu.memory_space<semaphore_mem>>)
      %dma_wait3A = arith.constant 0 : i32
      %dma_wait3A_11 = tpu.memref_slice %arg10[%mul3A_2, %dma_wait3A] : memref<10240x128xf32, #tpu.memory_space<vmem_shared>> -> memref<640x128xf32, #tpu.memory_space<vmem_shared>>
      tpu.wait_dma2 semaphore(%run_scoped3A : memref<!tpu.dma_semaphore, #tpu.memory_space<semaphore_mem>>) src(%arg5 : memref<640x128xf32, #tpu.memory_space<hbm>>) dst(%dma_wait3A_11 : memref<640x128xf32, #tpu.memory_space<vmem_shared>>)
      tpu.yield
    }) : () -> ()
    %barrier3A = arith.constant 0 : index
    tpu.barrier barrier_id(%barrier3A)
    %scan3A = arith.constant 0 : i32
    %scan3A_3 = arith.constant 79 : i32
    %scan3A_4 = arith.addi %scan3A, %scan3A_3 : i32
    %scan3A_5 = arith.constant 1 : i32
    scf.for %scan3A_10 = %scan3A to %scan3A_4 step %scan3A_5  : i32 {
      "tpu.region"() ({
        %run_scoped3A = tpu.sem_alloc : memref<!tpu.dma_semaphore, #tpu.memory_space<semaphore_mem>>
        %dma_start3A = arith.constant 0 : i32
        %dma_start3A_11 = tpu.memref_slice %arg7[%scan3A_10, %dma_start3A] : memref<79x128xi32, #tpu.memory_space<vmem>> -> memref<1x128xi32, #tpu.memory_space<vmem>>
        %dma_start3A_12 = tpu.memref_squeeze %dma_start3A_11 : memref<1x128xi32, #tpu.memory_space<vmem>> -> memref<128xi32, #tpu.memory_space<vmem>>
        %dma_start3A_13 = arith.constant 0 : i32
        %dma_start3A_14 = arith.constant 0 : i32
        %dma_start3A_15 = tpu.memref_slice %arg2[%dma_start3A_13, %dma_start3A_14] : memref<10000x128xf32, #tpu.memory_space<hbm>> -> memref<10000x128xf32, #tpu.memory_space<hbm>>
        tpu.enqueue_indirect_dma source(%dma_start3A_15 : memref<10000x128xf32, #tpu.memory_space<hbm>>) target(%arg9 : memref<128x128xf32, #tpu.memory_space<vmem>>) offsets(%dma_start3A_12 : memref<128xi32, #tpu.memory_space<vmem>>) semaphore(%run_scoped3A : memref<!tpu.dma_semaphore, #tpu.memory_space<semaphore_mem>>)
        %dma_wait3A = arith.constant 0 : i32
        %dma_wait3A_16 = tpu.memref_slice %arg7[%scan3A_10, %dma_wait3A] : memref<79x128xi32, #tpu.memory_space<vmem>> -> memref<1x128xi32, #tpu.memory_space<vmem>>
        %dma_wait3A_17 = tpu.memref_squeeze %dma_wait3A_16 : memref<1x128xi32, #tpu.memory_space<vmem>> -> memref<128xi32, #tpu.memory_space<vmem>>
        %dma_wait3A_18 = arith.constant 0 : i32
        %dma_wait3A_19 = arith.constant 0 : i32
        %dma_wait3A_20 = tpu.memref_slice %arg2[%dma_wait3A_18, %dma_wait3A_19] : memref<10000x128xf32, #tpu.memory_space<hbm>> -> memref<10000x128xf32, #tpu.memory_space<hbm>>
        tpu.wait_indirect_dma semaphore(%run_scoped3A : memref<!tpu.dma_semaphore, #tpu.memory_space<semaphore_mem>>) src(%dma_wait3A_20 : memref<10000x128xf32, #tpu.memory_space<hbm>>) dst(%arg9 : memref<128x128xf32, #tpu.memory_space<vmem>>)
        tpu.yield
      }) : () -> ()
      "tpu.region"() ({
        %run_scoped3A = tpu.sem_alloc : memref<!tpu.dma_semaphore, #tpu.memory_space<semaphore_mem>>
        %dma_start3A = arith.constant 0 : i32
        %dma_start3A_11 = tpu.memref_slice %arg8[%scan3A_10, %dma_start3A] : memref<79x128xi32, #tpu.memory_space<vmem>> -> memref<1x128xi32, #tpu.memory_space<vmem>>
        %dma_start3A_12 = tpu.memref_squeeze %dma_start3A_11 : memref<1x128xi32, #tpu.memory_space<vmem>> -> memref<128xi32, #tpu.memory_space<vmem>>
        %dma_start3A_13 = arith.constant 0 : i32
        %dma_start3A_14 = arith.constant 0 : i32
        %dma_start3A_15 = tpu.memref_slice %arg10[%dma_start3A_13, %dma_start3A_14] : memref<10240x128xf32, #tpu.memory_space<vmem_shared>> -> memref<10240x128xf32, #tpu.memory_space<vmem_shared>>
        tpu.enqueue_indirect_dma source(%arg9 : memref<128x128xf32, #tpu.memory_space<vmem>>) target(%dma_start3A_15 : memref<10240x128xf32, #tpu.memory_space<vmem_shared>>) offsets(%dma_start3A_12 : memref<128xi32, #tpu.memory_space<vmem>>) semaphore(%run_scoped3A : memref<!tpu.dma_semaphore, #tpu.memory_space<semaphore_mem>>) {add = true}
        %dma_wait3A = arith.constant 0 : i32
        %dma_wait3A_16 = tpu.memref_slice %arg8[%scan3A_10, %dma_wait3A] : memref<79x128xi32, #tpu.memory_space<vmem>> -> memref<1x128xi32, #tpu.memory_space<vmem>>
        %dma_wait3A_17 = tpu.memref_squeeze %dma_wait3A_16 : memref<1x128xi32, #tpu.memory_space<vmem>> -> memref<128xi32, #tpu.memory_space<vmem>>
        %dma_wait3A_18 = arith.constant 0 : i32
        %dma_wait3A_19 = arith.constant 0 : i32
        %dma_wait3A_20 = tpu.memref_slice %arg10[%dma_wait3A_18, %dma_wait3A_19] : memref<10240x128xf32, #tpu.memory_space<vmem_shared>> -> memref<10240x128xf32, #tpu.memory_space<vmem_shared>>
        tpu.wait_indirect_dma semaphore(%run_scoped3A : memref<!tpu.dma_semaphore, #tpu.memory_space<semaphore_mem>>) src(%arg9 : memref<128x128xf32, #tpu.memory_space<vmem>>) dst(%dma_wait3A_20 : memref<10240x128xf32, #tpu.memory_space<vmem_shared>>)
        tpu.yield
      }) : () -> ()
    }
    %scan3A_6 = arith.constant 79 : i32
    %barrier3A_7 = arith.constant 0 : index
    tpu.barrier barrier_id(%barrier3A_7)
    %mul3A_8 = arith.constant 640 : i32
    %mul3A_9 = arith.muli %arg1, %mul3A_8 : i32
    "tpu.region"() ({
      %run_scoped3A = tpu.sem_alloc : memref<!tpu.dma_semaphore, #tpu.memory_space<semaphore_mem>>
      %dma_start3A = arith.constant 0 : i32
      %dma_start3A_10 = arith.constant 0 : i32
      %dma_start3A_11 = tpu.memref_slice %arg6[%arg0, %arg1, %dma_start3A, %dma_start3A_10] : memref<2x16x640x128xf32, #tpu.memory_space<hbm>> -> memref<1x1x640x128xf32, #tpu.memory_space<hbm>>
      %dma_start3A_12 = tpu.memref_squeeze %dma_start3A_11 : memref<1x1x640x128xf32, #tpu.memory_space<hbm>> -> memref<640x128xf32, #tpu.memory_space<hbm>>
      %dma_start3A_13 = arith.constant 0 : i32
      %dma_start3A_14 = tpu.memref_slice %arg10[%mul3A_9, %dma_start3A_13] : memref<10240x128xf32, #tpu.memory_space<vmem_shared>> -> memref<640x128xf32, #tpu.memory_space<vmem_shared>>
      tpu.enqueue_dma source(%dma_start3A_14 : memref<640x128xf32, #tpu.memory_space<vmem_shared>>) target(%dma_start3A_12 : memref<640x128xf32, #tpu.memory_space<hbm>>) target_semaphore(%run_scoped3A : memref<!tpu.dma_semaphore, #tpu.memory_space<semaphore_mem>>)
      %dma_wait3A = arith.constant 0 : i32
      %dma_wait3A_15 = arith.constant 0 : i32
      %dma_wait3A_16 = tpu.memref_slice %arg6[%arg0, %arg1, %dma_wait3A, %dma_wait3A_15] : memref<2x16x640x128xf32, #tpu.memory_space<hbm>> -> memref<1x1x640x128xf32, #tpu.memory_space<hbm>>
      %dma_wait3A_17 = tpu.memref_squeeze %dma_wait3A_16 : memref<1x1x640x128xf32, #tpu.memory_space<hbm>> -> memref<640x128xf32, #tpu.memory_space<hbm>>
      %dma_wait3A_18 = arith.constant 0 : i32
      %dma_wait3A_19 = tpu.memref_slice %arg10[%mul3A_9, %dma_wait3A_18] : memref<10240x128xf32, #tpu.memory_space<vmem_shared>> -> memref<640x128xf32, #tpu.memory_space<vmem_shared>>
      tpu.wait_dma2 semaphore(%run_scoped3A : memref<!tpu.dma_semaphore, #tpu.memory_space<semaphore_mem>>) src(%dma_wait3A_19 : memref<640x128xf32, #tpu.memory_space<vmem_shared>>) dst(%dma_wait3A_17 : memref<640x128xf32, #tpu.memory_space<hbm>>)
      tpu.yield
    }) : () -> ()
    return
  }
}

#map = affine_map<(d0, d1) -> (0, 0)>
#map1 = affine_map<(d0, d1) -> (0, 0, 0)>
#map2 = affine_map<(d0, d1) -> (0, 0, 0, 0)>
module attributes {stable_mosaic.version = 14 : i64} {
  func.func @_sc_scatter_body(%arg0: i32, %arg1: i32, %arg2: memref<10000x128xf32, #tpu.memory_space<hbm>>, %arg3: memref<32x79x128xi32, #tpu.memory_space<hbm>>, %arg4: memref<32x79x128xi32, #tpu.memory_space<hbm>>, %arg5: memref<640x128xf32, #tpu.memory_space<hbm>>, %arg6: memref<2x16x640x128xf32, #tpu.memory_space<hbm>>, %arg7: memref<79x128xi32, #tpu.memory_space<vmem>>, %arg8: memref<79x128xi32, #tpu.memory_space<vmem>>, %arg9: memref<128x128xf32, #tpu.memory_space<vmem>>, %arg10: memref<10240x128xf32, #tpu.memory_space<vmem_shared>>) attributes {dimension_semantics = [#tpu.dimension_semantics<core_parallel>, #tpu.dimension_semantics<subcore_parallel>], iteration_bounds = array<i64: 2, 16>, scalar_prefetch = 0 : i64, scratch_operands = 4 : i64, tpu.core_type = #tpu.core_type<sc_vector_subcore>, window_params = [{transform_indices = #map}, {transform_indices = #map1}, {transform_indices = #map1}, {transform_indices = #map}, {transform_indices = #map2}]} {
    %mul3A = arith.constant 16 : i32
    %mul3A_0 = arith.muli %arg0, %mul3A : i32
    %add3A = arith.addi %mul3A_0, %arg1 : i32
    "tpu.region"() ({
      %run_scoped3A = tpu.sem_alloc : memref<!tpu.dma_semaphore, #tpu.memory_space<semaphore_mem>>
      %dma_start3A = arith.constant 0 : i32
      %dma_start3A_10 = arith.constant 0 : i32
      %dma_start3A_11 = tpu.memref_slice %arg3[%add3A, %dma_start3A, %dma_start3A_10] : memref<32x79x128xi32, #tpu.memory_space<hbm>> -> memref<1x79x128xi32, #tpu.memory_space<hbm>>
      %dma_start3A_12 = tpu.memref_squeeze %dma_start3A_11 : memref<1x79x128xi32, #tpu.memory_space<hbm>> -> memref<79x128xi32, #tpu.memory_space<hbm>>
      %dma_start3A_13 = arith.constant 0 : i32
      %dma_start3A_14 = arith.constant 0 : i32
      %dma_start3A_15 = tpu.memref_slice %arg3[%add3A, %dma_start3A_13, %dma_start3A_14] : memref<32x79x128xi32, #tpu.memory_space<hbm>> -> memref<1x79x128xi32, #tpu.memory_space<hbm>>
      %dma_start3A_16 = tpu.memref_squeeze %dma_start3A_15 : memref<1x79x128xi32, #tpu.memory_space<hbm>> -> memref<79x128xi32, #tpu.memory_space<hbm>>
      tpu.enqueue_dma source(%dma_start3A_16 : memref<79x128xi32, #tpu.memory_space<hbm>>) target(%arg7 : memref<79x128xi32, #tpu.memory_space<vmem>>) target_semaphore(%run_scoped3A : memref<!tpu.dma_semaphore, #tpu.memory_space<semaphore_mem>>)
      %dma_wait3A = arith.constant 0 : i32
      %dma_wait3A_17 = arith.constant 0 : i32
      %dma_wait3A_18 = tpu.memref_slice %arg3[%add3A, %dma_wait3A, %dma_wait3A_17] : memref<32x79x128xi32, #tpu.memory_space<hbm>> -> memref<1x79x128xi32, #tpu.memory_space<hbm>>
      %dma_wait3A_19 = tpu.memref_squeeze %dma_wait3A_18 : memref<1x79x128xi32, #tpu.memory_space<hbm>> -> memref<79x128xi32, #tpu.memory_space<hbm>>
      %dma_wait3A_20 = arith.constant 0 : i32
      %dma_wait3A_21 = arith.constant 0 : i32
      %dma_wait3A_22 = tpu.memref_slice %arg3[%add3A, %dma_wait3A_20, %dma_wait3A_21] : memref<32x79x128xi32, #tpu.memory_space<hbm>> -> memref<1x79x128xi32, #tpu.memory_space<hbm>>
      %dma_wait3A_23 = tpu.memref_squeeze %dma_wait3A_22 : memref<1x79x128xi32, #tpu.memory_space<hbm>> -> memref<79x128xi32, #tpu.memory_space<hbm>>
      tpu.wait_dma2 semaphore(%run_scoped3A : memref<!tpu.dma_semaphore, #tpu.memory_space<semaphore_mem>>) src(%dma_wait3A_23 : memref<79x128xi32, #tpu.memory_space<hbm>>) dst(%arg7 : memref<79x128xi32, #tpu.memory_space<vmem>>)
      tpu.yield
    }) : () -> ()
    "tpu.region"() ({
      %run_scoped3A = tpu.sem_alloc : memref<!tpu.dma_semaphore, #tpu.memory_space<semaphore_mem>>
      %dma_start3A = arith.constant 0 : i32
      %dma_start3A_10 = arith.constant 0 : i32
      %dma_start3A_11 = tpu.memref_slice %arg4[%add3A, %dma_start3A, %dma_start3A_10] : memref<32x79x128xi32, #tpu.memory_space<hbm>> -> memref<1x79x128xi32, #tpu.memory_space<hbm>>
      %dma_start3A_12 = tpu.memref_squeeze %dma_start3A_11 : memref<1x79x128xi32, #tpu.memory_space<hbm>> -> memref<79x128xi32, #tpu.memory_space<hbm>>
      %dma_start3A_13 = arith.constant 0 : i32
      %dma_start3A_14 = arith.constant 0 : i32
      %dma_start3A_15 = tpu.memref_slice %arg4[%add3A, %dma_start3A_13, %dma_start3A_14] : memref<32x79x128xi32, #tpu.memory_space<hbm>> -> memref<1x79x128xi32, #tpu.memory_space<hbm>>
      %dma_start3A_16 = tpu.memref_squeeze %dma_start3A_15 : memref<1x79x128xi32, #tpu.memory_space<hbm>> -> memref<79x128xi32, #tpu.memory_space<hbm>>
      tpu.enqueue_dma source(%dma_start3A_16 : memref<79x128xi32, #tpu.memory_space<hbm>>) target(%arg8 : memref<79x128xi32, #tpu.memory_space<vmem>>) target_semaphore(%run_scoped3A : memref<!tpu.dma_semaphore, #tpu.memory_space<semaphore_mem>>)
      %dma_wait3A = arith.constant 0 : i32
      %dma_wait3A_17 = arith.constant 0 : i32
      %dma_wait3A_18 = tpu.memref_slice %arg4[%add3A, %dma_wait3A, %dma_wait3A_17] : memref<32x79x128xi32, #tpu.memory_space<hbm>> -> memref<1x79x128xi32, #tpu.memory_space<hbm>>
      %dma_wait3A_19 = tpu.memref_squeeze %dma_wait3A_18 : memref<1x79x128xi32, #tpu.memory_space<hbm>> -> memref<79x128xi32, #tpu.memory_space<hbm>>
      %dma_wait3A_20 = arith.constant 0 : i32
      %dma_wait3A_21 = arith.constant 0 : i32
      %dma_wait3A_22 = tpu.memref_slice %arg4[%add3A, %dma_wait3A_20, %dma_wait3A_21] : memref<32x79x128xi32, #tpu.memory_space<hbm>> -> memref<1x79x128xi32, #tpu.memory_space<hbm>>
      %dma_wait3A_23 = tpu.memref_squeeze %dma_wait3A_22 : memref<1x79x128xi32, #tpu.memory_space<hbm>> -> memref<79x128xi32, #tpu.memory_space<hbm>>
      tpu.wait_dma2 semaphore(%run_scoped3A : memref<!tpu.dma_semaphore, #tpu.memory_space<semaphore_mem>>) src(%dma_wait3A_23 : memref<79x128xi32, #tpu.memory_space<hbm>>) dst(%arg8 : memref<79x128xi32, #tpu.memory_space<vmem>>)
      tpu.yield
    }) : () -> ()
    %mul3A_1 = arith.constant 640 : i32
    %mul3A_2 = arith.muli %arg1, %mul3A_1 : i32
    "tpu.region"() ({
      %run_scoped3A = tpu.sem_alloc : memref<!tpu.dma_semaphore, #tpu.memory_space<semaphore_mem>>
      %dma_start3A = arith.constant 0 : i32
      %dma_start3A_10 = tpu.memref_slice %arg10[%mul3A_2, %dma_start3A] : memref<10240x128xf32, #tpu.memory_space<vmem_shared>> -> memref<640x128xf32, #tpu.memory_space<vmem_shared>>
      tpu.enqueue_dma source(%arg5 : memref<640x128xf32, #tpu.memory_space<hbm>>) target(%dma_start3A_10 : memref<640x128xf32, #tpu.memory_space<vmem_shared>>) target_semaphore(%run_scoped3A : memref<!tpu.dma_semaphore, #tpu.memory_space<semaphore_mem>>)
      %dma_wait3A = arith.constant 0 : i32
      %dma_wait3A_11 = tpu.memref_slice %arg10[%mul3A_2, %dma_wait3A] : memref<10240x128xf32, #tpu.memory_space<vmem_shared>> -> memref<640x128xf32, #tpu.memory_space<vmem_shared>>
      tpu.wait_dma2 semaphore(%run_scoped3A : memref<!tpu.dma_semaphore, #tpu.memory_space<semaphore_mem>>) src(%arg5 : memref<640x128xf32, #tpu.memory_space<hbm>>) dst(%dma_wait3A_11 : memref<640x128xf32, #tpu.memory_space<vmem_shared>>)
      tpu.yield
    }) : () -> ()
    %barrier3A = arith.constant 0 : index
    tpu.barrier barrier_id(%barrier3A)
    %scan3A = arith.constant 0 : i32
    %scan3A_3 = arith.constant 79 : i32
    %scan3A_4 = arith.addi %scan3A, %scan3A_3 : i32
    %scan3A_5 = arith.constant 1 : i32
    scf.for %scan3A_10 = %scan3A to %scan3A_4 step %scan3A_5  : i32 {
      "tpu.region"() ({
        %run_scoped3A = tpu.sem_alloc : memref<!tpu.dma_semaphore, #tpu.memory_space<semaphore_mem>>
        %dma_start3A = arith.constant 0 : i32
        %dma_start3A_11 = tpu.memref_slice %arg7[%scan3A_10, %dma_start3A] : memref<79x128xi32, #tpu.memory_space<vmem>> -> memref<1x128xi32, #tpu.memory_space<vmem>>
        %dma_start3A_12 = tpu.memref_squeeze %dma_start3A_11 : memref<1x128xi32, #tpu.memory_space<vmem>> -> memref<128xi32, #tpu.memory_space<vmem>>
        %dma_start3A_13 = arith.constant 0 : i32
        %dma_start3A_14 = arith.constant 0 : i32
        %dma_start3A_15 = tpu.memref_slice %arg2[%dma_start3A_13, %dma_start3A_14] : memref<10000x128xf32, #tpu.memory_space<hbm>> -> memref<10000x128xf32, #tpu.memory_space<hbm>>
        tpu.enqueue_indirect_dma source(%dma_start3A_15 : memref<10000x128xf32, #tpu.memory_space<hbm>>) target(%arg9 : memref<128x128xf32, #tpu.memory_space<vmem>>) offsets(%dma_start3A_12 : memref<128xi32, #tpu.memory_space<vmem>>) semaphore(%run_scoped3A : memref<!tpu.dma_semaphore, #tpu.memory_space<semaphore_mem>>)
        %dma_wait3A = arith.constant 0 : i32
        %dma_wait3A_16 = tpu.memref_slice %arg7[%scan3A_10, %dma_wait3A] : memref<79x128xi32, #tpu.memory_space<vmem>> -> memref<1x128xi32, #tpu.memory_space<vmem>>
        %dma_wait3A_17 = tpu.memref_squeeze %dma_wait3A_16 : memref<1x128xi32, #tpu.memory_space<vmem>> -> memref<128xi32, #tpu.memory_space<vmem>>
        %dma_wait3A_18 = arith.constant 0 : i32
        %dma_wait3A_19 = arith.constant 0 : i32
        %dma_wait3A_20 = tpu.memref_slice %arg2[%dma_wait3A_18, %dma_wait3A_19] : memref<10000x128xf32, #tpu.memory_space<hbm>> -> memref<10000x128xf32, #tpu.memory_space<hbm>>
        tpu.wait_indirect_dma semaphore(%run_scoped3A : memref<!tpu.dma_semaphore, #tpu.memory_space<semaphore_mem>>) src(%dma_wait3A_20 : memref<10000x128xf32, #tpu.memory_space<hbm>>) dst(%arg9 : memref<128x128xf32, #tpu.memory_space<vmem>>)
        tpu.yield
      }) : () -> ()
      "tpu.region"() ({
        %run_scoped3A = tpu.sem_alloc : memref<!tpu.dma_semaphore, #tpu.memory_space<semaphore_mem>>
        %dma_start3A = arith.constant 0 : i32
        %dma_start3A_11 = tpu.memref_slice %arg8[%scan3A_10, %dma_start3A] : memref<79x128xi32, #tpu.memory_space<vmem>> -> memref<1x128xi32, #tpu.memory_space<vmem>>
        %dma_start3A_12 = tpu.memref_squeeze %dma_start3A_11 : memref<1x128xi32, #tpu.memory_space<vmem>> -> memref<128xi32, #tpu.memory_space<vmem>>
        %dma_start3A_13 = arith.constant 0 : i32
        %dma_start3A_14 = arith.constant 0 : i32
        %dma_start3A_15 = tpu.memref_slice %arg10[%dma_start3A_13, %dma_start3A_14] : memref<10240x128xf32, #tpu.memory_space<vmem_shared>> -> memref<10240x128xf32, #tpu.memory_space<vmem_shared>>
        tpu.enqueue_indirect_dma source(%arg9 : memref<128x128xf32, #tpu.memory_space<vmem>>) target(%dma_start3A_15 : memref<10240x128xf32, #tpu.memory_space<vmem_shared>>) offsets(%dma_start3A_12 : memref<128xi32, #tpu.memory_space<vmem>>) semaphore(%run_scoped3A : memref<!tpu.dma_semaphore, #tpu.memory_space<semaphore_mem>>) {add = true}
        %dma_wait3A = arith.constant 0 : i32
        %dma_wait3A_16 = tpu.memref_slice %arg8[%scan3A_10, %dma_wait3A] : memref<79x128xi32, #tpu.memory_space<vmem>> -> memref<1x128xi32, #tpu.memory_space<vmem>>
        %dma_wait3A_17 = tpu.memref_squeeze %dma_wait3A_16 : memref<1x128xi32, #tpu.memory_space<vmem>> -> memref<128xi32, #tpu.memory_space<vmem>>
        %dma_wait3A_18 = arith.constant 0 : i32
        %dma_wait3A_19 = arith.constant 0 : i32
        %dma_wait3A_20 = tpu.memref_slice %arg10[%dma_wait3A_18, %dma_wait3A_19] : memref<10240x128xf32, #tpu.memory_space<vmem_shared>> -> memref<10240x128xf32, #tpu.memory_space<vmem_shared>>
        tpu.wait_indirect_dma semaphore(%run_scoped3A : memref<!tpu.dma_semaphore, #tpu.memory_space<semaphore_mem>>) src(%arg9 : memref<128x128xf32, #tpu.memory_space<vmem>>) dst(%dma_wait3A_20 : memref<10240x128xf32, #tpu.memory_space<vmem_shared>>)
        tpu.yield
      }) : () -> ()
    }
    %scan3A_6 = arith.constant 79 : i32
    %barrier3A_7 = arith.constant 0 : index
    tpu.barrier barrier_id(%barrier3A_7)
    %mul3A_8 = arith.constant 640 : i32
    %mul3A_9 = arith.muli %arg1, %mul3A_8 : i32
    "tpu.region"() ({
      %run_scoped3A = tpu.sem_alloc : memref<!tpu.dma_semaphore, #tpu.memory_space<semaphore_mem>>
      %dma_start3A = arith.constant 0 : i32
      %dma_start3A_10 = arith.constant 0 : i32
      %dma_start3A_11 = tpu.memref_slice %arg6[%arg0, %arg1, %dma_start3A, %dma_start3A_10] : memref<2x16x640x128xf32, #tpu.memory_space<hbm>> -> memref<1x1x640x128xf32, #tpu.memory_space<hbm>>
      %dma_start3A_12 = tpu.memref_squeeze %dma_start3A_11 : memref<1x1x640x128xf32, #tpu.memory_space<hbm>> -> memref<640x128xf32, #tpu.memory_space<hbm>>
      %dma_start3A_13 = arith.constant 0 : i32
      %dma_start3A_14 = tpu.memref_slice %arg10[%mul3A_9, %dma_start3A_13] : memref<10240x128xf32, #tpu.memory_space<vmem_shared>> -> memref<640x128xf32, #tpu.memory_space<vmem_shared>>
      tpu.enqueue_dma source(%dma_start3A_14 : memref<640x128xf32, #tpu.memory_space<vmem_shared>>) target(%dma_start3A_12 : memref<640x128xf32, #tpu.memory_space<hbm>>) target_semaphore(%run_scoped3A : memref<!tpu.dma_semaphore, #tpu.memory_space<semaphore_mem>>)
      %dma_wait3A = arith.constant 0 : i32
      %dma_wait3A_15 = arith.constant 0 : i32
      %dma_wait3A_16 = tpu.memref_slice %arg6[%arg0, %arg1, %dma_wait3A, %dma_wait3A_15] : memref<2x16x640x128xf32, #tpu.memory_space<hbm>> -> memref<1x1x640x128xf32, #tpu.memory_space<hbm>>
      %dma_wait3A_17 = tpu.memref_squeeze %dma_wait3A_16 : memref<1x1x640x128xf32, #tpu.memory_space<hbm>> -> memref<640x128xf32, #tpu.memory_space<hbm>>
      %dma_wait3A_18 = arith.constant 0 : i32
      %dma_wait3A_19 = tpu.memref_slice %arg10[%mul3A_9, %dma_wait3A_18] : memref<10240x128xf32, #tpu.memory_space<vmem_shared>> -> memref<640x128xf32, #tpu.memory_space<vmem_shared>>
      tpu.wait_dma2 semaphore(%run_scoped3A : memref<!tpu.dma_semaphore, #tpu.memory_space<semaphore_mem>>) src(%dma_wait3A_19 : memref<640x128xf32, #tpu.memory_space<vmem_shared>>) dst(%dma_wait3A_17 : memref<640x128xf32, #tpu.memory_space<hbm>>)
      tpu.yield
    }) : () -> ()
    return
  }
}

#map = affine_map<(d0, d1) -> (0, 0)>
#map1 = affine_map<(d0, d1) -> (0, 0, 0)>
#map2 = affine_map<(d0, d1) -> (0, 0, 0, 0)>
module attributes {stable_mosaic.version = 14 : i64} {
  func.func @_sc_scatter_body(%arg0: i32, %arg1: i32, %arg2: memref<10000x128xf32, #tpu.memory_space<hbm>>, %arg3: memref<32x79x128xi32, #tpu.memory_space<hbm>>, %arg4: memref<32x79x128xi32, #tpu.memory_space<hbm>>, %arg5: memref<640x128xf32, #tpu.memory_space<hbm>>, %arg6: memref<2x16x640x128xf32, #tpu.memory_space<hbm>>, %arg7: memref<79x128xi32, #tpu.memory_space<vmem>>, %arg8: memref<79x128xi32, #tpu.memory_space<vmem>>, %arg9: memref<128x128xf32, #tpu.memory_space<vmem>>, %arg10: memref<10240x128xf32, #tpu.memory_space<vmem_shared>>) attributes {dimension_semantics = [#tpu.dimension_semantics<core_parallel>, #tpu.dimension_semantics<subcore_parallel>], iteration_bounds = array<i64: 2, 16>, scalar_prefetch = 0 : i64, scratch_operands = 4 : i64, tpu.core_type = #tpu.core_type<sc_vector_subcore>, window_params = [{transform_indices = #map}, {transform_indices = #map1}, {transform_indices = #map1}, {transform_indices = #map}, {transform_indices = #map2}]} {
    %mul3A = arith.constant 16 : i32
    %mul3A_0 = arith.muli %arg0, %mul3A : i32
    %add3A = arith.addi %mul3A_0, %arg1 : i32
    "tpu.region"() ({
      %run_scoped3A = tpu.sem_alloc : memref<!tpu.dma_semaphore, #tpu.memory_space<semaphore_mem>>
      %dma_start3A = arith.constant 0 : i32
      %dma_start3A_10 = arith.constant 0 : i32
      %dma_start3A_11 = tpu.memref_slice %arg3[%add3A, %dma_start3A, %dma_start3A_10] : memref<32x79x128xi32, #tpu.memory_space<hbm>> -> memref<1x79x128xi32, #tpu.memory_space<hbm>>
      %dma_start3A_12 = tpu.memref_squeeze %dma_start3A_11 : memref<1x79x128xi32, #tpu.memory_space<hbm>> -> memref<79x128xi32, #tpu.memory_space<hbm>>
      %dma_start3A_13 = arith.constant 0 : i32
      %dma_start3A_14 = arith.constant 0 : i32
      %dma_start3A_15 = tpu.memref_slice %arg3[%add3A, %dma_start3A_13, %dma_start3A_14] : memref<32x79x128xi32, #tpu.memory_space<hbm>> -> memref<1x79x128xi32, #tpu.memory_space<hbm>>
      %dma_start3A_16 = tpu.memref_squeeze %dma_start3A_15 : memref<1x79x128xi32, #tpu.memory_space<hbm>> -> memref<79x128xi32, #tpu.memory_space<hbm>>
      tpu.enqueue_dma source(%dma_start3A_16 : memref<79x128xi32, #tpu.memory_space<hbm>>) target(%arg7 : memref<79x128xi32, #tpu.memory_space<vmem>>) target_semaphore(%run_scoped3A : memref<!tpu.dma_semaphore, #tpu.memory_space<semaphore_mem>>)
      %dma_wait3A = arith.constant 0 : i32
      %dma_wait3A_17 = arith.constant 0 : i32
      %dma_wait3A_18 = tpu.memref_slice %arg3[%add3A, %dma_wait3A, %dma_wait3A_17] : memref<32x79x128xi32, #tpu.memory_space<hbm>> -> memref<1x79x128xi32, #tpu.memory_space<hbm>>
      %dma_wait3A_19 = tpu.memref_squeeze %dma_wait3A_18 : memref<1x79x128xi32, #tpu.memory_space<hbm>> -> memref<79x128xi32, #tpu.memory_space<hbm>>
      %dma_wait3A_20 = arith.constant 0 : i32
      %dma_wait3A_21 = arith.constant 0 : i32
      %dma_wait3A_22 = tpu.memref_slice %arg3[%add3A, %dma_wait3A_20, %dma_wait3A_21] : memref<32x79x128xi32, #tpu.memory_space<hbm>> -> memref<1x79x128xi32, #tpu.memory_space<hbm>>
      %dma_wait3A_23 = tpu.memref_squeeze %dma_wait3A_22 : memref<1x79x128xi32, #tpu.memory_space<hbm>> -> memref<79x128xi32, #tpu.memory_space<hbm>>
      tpu.wait_dma2 semaphore(%run_scoped3A : memref<!tpu.dma_semaphore, #tpu.memory_space<semaphore_mem>>) src(%dma_wait3A_23 : memref<79x128xi32, #tpu.memory_space<hbm>>) dst(%arg7 : memref<79x128xi32, #tpu.memory_space<vmem>>)
      tpu.yield
    }) : () -> ()
    "tpu.region"() ({
      %run_scoped3A = tpu.sem_alloc : memref<!tpu.dma_semaphore, #tpu.memory_space<semaphore_mem>>
      %dma_start3A = arith.constant 0 : i32
      %dma_start3A_10 = arith.constant 0 : i32
      %dma_start3A_11 = tpu.memref_slice %arg4[%add3A, %dma_start3A, %dma_start3A_10] : memref<32x79x128xi32, #tpu.memory_space<hbm>> -> memref<1x79x128xi32, #tpu.memory_space<hbm>>
      %dma_start3A_12 = tpu.memref_squeeze %dma_start3A_11 : memref<1x79x128xi32, #tpu.memory_space<hbm>> -> memref<79x128xi32, #tpu.memory_space<hbm>>
      %dma_start3A_13 = arith.constant 0 : i32
      %dma_start3A_14 = arith.constant 0 : i32
      %dma_start3A_15 = tpu.memref_slice %arg4[%add3A, %dma_start3A_13, %dma_start3A_14] : memref<32x79x128xi32, #tpu.memory_space<hbm>> -> memref<1x79x128xi32, #tpu.memory_space<hbm>>
      %dma_start3A_16 = tpu.memref_squeeze %dma_start3A_15 : memref<1x79x128xi32, #tpu.memory_space<hbm>> -> memref<79x128xi32, #tpu.memory_space<hbm>>
      tpu.enqueue_dma source(%dma_start3A_16 : memref<79x128xi32, #tpu.memory_space<hbm>>) target(%arg8 : memref<79x128xi32, #tpu.memory_space<vmem>>) target_semaphore(%run_scoped3A : memref<!tpu.dma_semaphore, #tpu.memory_space<semaphore_mem>>)
      %dma_wait3A = arith.constant 0 : i32
      %dma_wait3A_17 = arith.constant 0 : i32
      %dma_wait3A_18 = tpu.memref_slice %arg4[%add3A, %dma_wait3A, %dma_wait3A_17] : memref<32x79x128xi32, #tpu.memory_space<hbm>> -> memref<1x79x128xi32, #tpu.memory_space<hbm>>
      %dma_wait3A_19 = tpu.memref_squeeze %dma_wait3A_18 : memref<1x79x128xi32, #tpu.memory_space<hbm>> -> memref<79x128xi32, #tpu.memory_space<hbm>>
      %dma_wait3A_20 = arith.constant 0 : i32
      %dma_wait3A_21 = arith.constant 0 : i32
      %dma_wait3A_22 = tpu.memref_slice %arg4[%add3A, %dma_wait3A_20, %dma_wait3A_21] : memref<32x79x128xi32, #tpu.memory_space<hbm>> -> memref<1x79x128xi32, #tpu.memory_space<hbm>>
      %dma_wait3A_23 = tpu.memref_squeeze %dma_wait3A_22 : memref<1x79x128xi32, #tpu.memory_space<hbm>> -> memref<79x128xi32, #tpu.memory_space<hbm>>
      tpu.wait_dma2 semaphore(%run_scoped3A : memref<!tpu.dma_semaphore, #tpu.memory_space<semaphore_mem>>) src(%dma_wait3A_23 : memref<79x128xi32, #tpu.memory_space<hbm>>) dst(%arg8 : memref<79x128xi32, #tpu.memory_space<vmem>>)
      tpu.yield
    }) : () -> ()
    %mul3A_1 = arith.constant 640 : i32
    %mul3A_2 = arith.muli %arg1, %mul3A_1 : i32
    "tpu.region"() ({
      %run_scoped3A = tpu.sem_alloc : memref<!tpu.dma_semaphore, #tpu.memory_space<semaphore_mem>>
      %dma_start3A = arith.constant 0 : i32
      %dma_start3A_10 = tpu.memref_slice %arg10[%mul3A_2, %dma_start3A] : memref<10240x128xf32, #tpu.memory_space<vmem_shared>> -> memref<640x128xf32, #tpu.memory_space<vmem_shared>>
      tpu.enqueue_dma source(%arg5 : memref<640x128xf32, #tpu.memory_space<hbm>>) target(%dma_start3A_10 : memref<640x128xf32, #tpu.memory_space<vmem_shared>>) target_semaphore(%run_scoped3A : memref<!tpu.dma_semaphore, #tpu.memory_space<semaphore_mem>>)
      %dma_wait3A = arith.constant 0 : i32
      %dma_wait3A_11 = tpu.memref_slice %arg10[%mul3A_2, %dma_wait3A] : memref<10240x128xf32, #tpu.memory_space<vmem_shared>> -> memref<640x128xf32, #tpu.memory_space<vmem_shared>>
      tpu.wait_dma2 semaphore(%run_scoped3A : memref<!tpu.dma_semaphore, #tpu.memory_space<semaphore_mem>>) src(%arg5 : memref<640x128xf32, #tpu.memory_space<hbm>>) dst(%dma_wait3A_11 : memref<640x128xf32, #tpu.memory_space<vmem_shared>>)
      tpu.yield
    }) : () -> ()
    %barrier3A = arith.constant 0 : index
    tpu.barrier barrier_id(%barrier3A)
    %scan3A = arith.constant 0 : i32
    %scan3A_3 = arith.constant 79 : i32
    %scan3A_4 = arith.addi %scan3A, %scan3A_3 : i32
    %scan3A_5 = arith.constant 1 : i32
    scf.for %scan3A_10 = %scan3A to %scan3A_4 step %scan3A_5  : i32 {
      "tpu.region"() ({
        %run_scoped3A = tpu.sem_alloc : memref<!tpu.dma_semaphore, #tpu.memory_space<semaphore_mem>>
        %dma_start3A = arith.constant 0 : i32
        %dma_start3A_11 = tpu.memref_slice %arg7[%scan3A_10, %dma_start3A] : memref<79x128xi32, #tpu.memory_space<vmem>> -> memref<1x128xi32, #tpu.memory_space<vmem>>
        %dma_start3A_12 = tpu.memref_squeeze %dma_start3A_11 : memref<1x128xi32, #tpu.memory_space<vmem>> -> memref<128xi32, #tpu.memory_space<vmem>>
        %dma_start3A_13 = arith.constant 0 : i32
        %dma_start3A_14 = arith.constant 0 : i32
        %dma_start3A_15 = tpu.memref_slice %arg2[%dma_start3A_13, %dma_start3A_14] : memref<10000x128xf32, #tpu.memory_space<hbm>> -> memref<10000x128xf32, #tpu.memory_space<hbm>>
        tpu.enqueue_indirect_dma source(%dma_start3A_15 : memref<10000x128xf32, #tpu.memory_space<hbm>>) target(%arg9 : memref<128x128xf32, #tpu.memory_space<vmem>>) offsets(%dma_start3A_12 : memref<128xi32, #tpu.memory_space<vmem>>) semaphore(%run_scoped3A : memref<!tpu.dma_semaphore, #tpu.memory_space<semaphore_mem>>)
        %dma_wait3A = arith.constant 0 : i32
        %dma_wait3A_16 = tpu.memref_slice %arg7[%scan3A_10, %dma_wait3A] : memref<79x128xi32, #tpu.memory_space<vmem>> -> memref<1x128xi32, #tpu.memory_space<vmem>>
        %dma_wait3A_17 = tpu.memref_squeeze %dma_wait3A_16 : memref<1x128xi32, #tpu.memory_space<vmem>> -> memref<128xi32, #tpu.memory_space<vmem>>
        %dma_wait3A_18 = arith.constant 0 : i32
        %dma_wait3A_19 = arith.constant 0 : i32
        %dma_wait3A_20 = tpu.memref_slice %arg2[%dma_wait3A_18, %dma_wait3A_19] : memref<10000x128xf32, #tpu.memory_space<hbm>> -> memref<10000x128xf32, #tpu.memory_space<hbm>>
        tpu.wait_indirect_dma semaphore(%run_scoped3A : memref<!tpu.dma_semaphore, #tpu.memory_space<semaphore_mem>>) src(%dma_wait3A_20 : memref<10000x128xf32, #tpu.memory_space<hbm>>) dst(%arg9 : memref<128x128xf32, #tpu.memory_space<vmem>>)
        tpu.yield
      }) : () -> ()
      "tpu.region"() ({
        %run_scoped3A = tpu.sem_alloc : memref<!tpu.dma_semaphore, #tpu.memory_space<semaphore_mem>>
        %dma_start3A = arith.constant 0 : i32
        %dma_start3A_11 = tpu.memref_slice %arg8[%scan3A_10, %dma_start3A] : memref<79x128xi32, #tpu.memory_space<vmem>> -> memref<1x128xi32, #tpu.memory_space<vmem>>
        %dma_start3A_12 = tpu.memref_squeeze %dma_start3A_11 : memref<1x128xi32, #tpu.memory_space<vmem>> -> memref<128xi32, #tpu.memory_space<vmem>>
        %dma_start3A_13 = arith.constant 0 : i32
        %dma_start3A_14 = arith.constant 0 : i32
        %dma_start3A_15 = tpu.memref_slice %arg10[%dma_start3A_13, %dma_start3A_14] : memref<10240x128xf32, #tpu.memory_space<vmem_shared>> -> memref<10240x128xf32, #tpu.memory_space<vmem_shared>>
        tpu.enqueue_indirect_dma source(%arg9 : memref<128x128xf32, #tpu.memory_space<vmem>>) target(%dma_start3A_15 : memref<10240x128xf32, #tpu.memory_space<vmem_shared>>) offsets(%dma_start3A_12 : memref<128xi32, #tpu.memory_space<vmem>>) semaphore(%run_scoped3A : memref<!tpu.dma_semaphore, #tpu.memory_space<semaphore_mem>>) {add = true}
        %dma_wait3A = arith.constant 0 : i32
        %dma_wait3A_16 = tpu.memref_slice %arg8[%scan3A_10, %dma_wait3A] : memref<79x128xi32, #tpu.memory_space<vmem>> -> memref<1x128xi32, #tpu.memory_space<vmem>>
        %dma_wait3A_17 = tpu.memref_squeeze %dma_wait3A_16 : memref<1x128xi32, #tpu.memory_space<vmem>> -> memref<128xi32, #tpu.memory_space<vmem>>
        %dma_wait3A_18 = arith.constant 0 : i32
        %dma_wait3A_19 = arith.constant 0 : i32
        %dma_wait3A_20 = tpu.memref_slice %arg10[%dma_wait3A_18, %dma_wait3A_19] : memref<10240x128xf32, #tpu.memory_space<vmem_shared>> -> memref<10240x128xf32, #tpu.memory_space<vmem_shared>>
        tpu.wait_indirect_dma semaphore(%run_scoped3A : memref<!tpu.dma_semaphore, #tpu.memory_space<semaphore_mem>>) src(%arg9 : memref<128x128xf32, #tpu.memory_space<vmem>>) dst(%dma_wait3A_20 : memref<10240x128xf32, #tpu.memory_space<vmem_shared>>)
        tpu.yield
      }) : () -> ()
    }
    %scan3A_6 = arith.constant 79 : i32
    %barrier3A_7 = arith.constant 0 : index
    tpu.barrier barrier_id(%barrier3A_7)
    %mul3A_8 = arith.constant 640 : i32
    %mul3A_9 = arith.muli %arg1, %mul3A_8 : i32
    "tpu.region"() ({
      %run_scoped3A = tpu.sem_alloc : memref<!tpu.dma_semaphore, #tpu.memory_space<semaphore_mem>>
      %dma_start3A = arith.constant 0 : i32
      %dma_start3A_10 = arith.constant 0 : i32
      %dma_start3A_11 = tpu.memref_slice %arg6[%arg0, %arg1, %dma_start3A, %dma_start3A_10] : memref<2x16x640x128xf32, #tpu.memory_space<hbm>> -> memref<1x1x640x128xf32, #tpu.memory_space<hbm>>
      %dma_start3A_12 = tpu.memref_squeeze %dma_start3A_11 : memref<1x1x640x128xf32, #tpu.memory_space<hbm>> -> memref<640x128xf32, #tpu.memory_space<hbm>>
      %dma_start3A_13 = arith.constant 0 : i32
      %dma_start3A_14 = tpu.memref_slice %arg10[%mul3A_9, %dma_start3A_13] : memref<10240x128xf32, #tpu.memory_space<vmem_shared>> -> memref<640x128xf32, #tpu.memory_space<vmem_shared>>
      tpu.enqueue_dma source(%dma_start3A_14 : memref<640x128xf32, #tpu.memory_space<vmem_shared>>) target(%dma_start3A_12 : memref<640x128xf32, #tpu.memory_space<hbm>>) target_semaphore(%run_scoped3A : memref<!tpu.dma_semaphore, #tpu.memory_space<semaphore_mem>>)
      %dma_wait3A = arith.constant 0 : i32
      %dma_wait3A_15 = arith.constant 0 : i32
      %dma_wait3A_16 = tpu.memref_slice %arg6[%arg0, %arg1, %dma_wait3A, %dma_wait3A_15] : memref<2x16x640x128xf32, #tpu.memory_space<hbm>> -> memref<1x1x640x128xf32, #tpu.memory_space<hbm>>
      %dma_wait3A_17 = tpu.memref_squeeze %dma_wait3A_16 : memref<1x1x640x128xf32, #tpu.memory_space<hbm>> -> memref<640x128xf32, #tpu.memory_space<hbm>>
      %dma_wait3A_18 = arith.constant 0 : i32
      %dma_wait3A_19 = tpu.memref_slice %arg10[%mul3A_9, %dma_wait3A_18] : memref<10240x128xf32, #tpu.memory_space<vmem_shared>> -> memref<640x128xf32, #tpu.memory_space<vmem_shared>>
      tpu.wait_dma2 semaphore(%run_scoped3A : memref<!tpu.dma_semaphore, #tpu.memory_space<semaphore_mem>>) src(%dma_wait3A_19 : memref<640x128xf32, #tpu.memory_space<vmem_shared>>) dst(%dma_wait3A_17 : memref<640x128xf32, #tpu.memory_space<hbm>>)
      tpu.yield
    }) : () -> ()
    return
  }
}

#map = affine_map<(d0, d1) -> (0, 0)>
#map1 = affine_map<(d0, d1) -> (0, 0, 0)>
#map2 = affine_map<(d0, d1) -> (0, 0, 0, 0)>
module attributes {stable_mosaic.version = 14 : i64} {
  func.func @_sc_scatter_body(%arg0: i32, %arg1: i32, %arg2: memref<10000x128xf32, #tpu.memory_space<hbm>>, %arg3: memref<32x79x128xi32, #tpu.memory_space<hbm>>, %arg4: memref<32x79x128xi32, #tpu.memory_space<hbm>>, %arg5: memref<640x128xf32, #tpu.memory_space<hbm>>, %arg6: memref<2x16x640x128xf32, #tpu.memory_space<hbm>>, %arg7: memref<79x128xi32, #tpu.memory_space<vmem>>, %arg8: memref<79x128xi32, #tpu.memory_space<vmem>>, %arg9: memref<128x128xf32, #tpu.memory_space<vmem>>, %arg10: memref<10240x128xf32, #tpu.memory_space<vmem_shared>>) attributes {dimension_semantics = [#tpu.dimension_semantics<core_parallel>, #tpu.dimension_semantics<subcore_parallel>], iteration_bounds = array<i64: 2, 16>, scalar_prefetch = 0 : i64, scratch_operands = 4 : i64, tpu.core_type = #tpu.core_type<sc_vector_subcore>, window_params = [{transform_indices = #map}, {transform_indices = #map1}, {transform_indices = #map1}, {transform_indices = #map}, {transform_indices = #map2}]} {
    %mul3A = arith.constant 16 : i32
    %mul3A_0 = arith.muli %arg0, %mul3A : i32
    %add3A = arith.addi %mul3A_0, %arg1 : i32
    "tpu.region"() ({
      %run_scoped3A = tpu.sem_alloc : memref<!tpu.dma_semaphore, #tpu.memory_space<semaphore_mem>>
      %dma_start3A = arith.constant 0 : i32
      %dma_start3A_10 = arith.constant 0 : i32
      %dma_start3A_11 = tpu.memref_slice %arg3[%add3A, %dma_start3A, %dma_start3A_10] : memref<32x79x128xi32, #tpu.memory_space<hbm>> -> memref<1x79x128xi32, #tpu.memory_space<hbm>>
      %dma_start3A_12 = tpu.memref_squeeze %dma_start3A_11 : memref<1x79x128xi32, #tpu.memory_space<hbm>> -> memref<79x128xi32, #tpu.memory_space<hbm>>
      %dma_start3A_13 = arith.constant 0 : i32
      %dma_start3A_14 = arith.constant 0 : i32
      %dma_start3A_15 = tpu.memref_slice %arg3[%add3A, %dma_start3A_13, %dma_start3A_14] : memref<32x79x128xi32, #tpu.memory_space<hbm>> -> memref<1x79x128xi32, #tpu.memory_space<hbm>>
      %dma_start3A_16 = tpu.memref_squeeze %dma_start3A_15 : memref<1x79x128xi32, #tpu.memory_space<hbm>> -> memref<79x128xi32, #tpu.memory_space<hbm>>
      tpu.enqueue_dma source(%dma_start3A_16 : memref<79x128xi32, #tpu.memory_space<hbm>>) target(%arg7 : memref<79x128xi32, #tpu.memory_space<vmem>>) target_semaphore(%run_scoped3A : memref<!tpu.dma_semaphore, #tpu.memory_space<semaphore_mem>>)
      %dma_wait3A = arith.constant 0 : i32
      %dma_wait3A_17 = arith.constant 0 : i32
      %dma_wait3A_18 = tpu.memref_slice %arg3[%add3A, %dma_wait3A, %dma_wait3A_17] : memref<32x79x128xi32, #tpu.memory_space<hbm>> -> memref<1x79x128xi32, #tpu.memory_space<hbm>>
      %dma_wait3A_19 = tpu.memref_squeeze %dma_wait3A_18 : memref<1x79x128xi32, #tpu.memory_space<hbm>> -> memref<79x128xi32, #tpu.memory_space<hbm>>
      %dma_wait3A_20 = arith.constant 0 : i32
      %dma_wait3A_21 = arith.constant 0 : i32
      %dma_wait3A_22 = tpu.memref_slice %arg3[%add3A, %dma_wait3A_20, %dma_wait3A_21] : memref<32x79x128xi32, #tpu.memory_space<hbm>> -> memref<1x79x128xi32, #tpu.memory_space<hbm>>
      %dma_wait3A_23 = tpu.memref_squeeze %dma_wait3A_22 : memref<1x79x128xi32, #tpu.memory_space<hbm>> -> memref<79x128xi32, #tpu.memory_space<hbm>>
      tpu.wait_dma2 semaphore(%run_scoped3A : memref<!tpu.dma_semaphore, #tpu.memory_space<semaphore_mem>>) src(%dma_wait3A_23 : memref<79x128xi32, #tpu.memory_space<hbm>>) dst(%arg7 : memref<79x128xi32, #tpu.memory_space<vmem>>)
      tpu.yield
    }) : () -> ()
    "tpu.region"() ({
      %run_scoped3A = tpu.sem_alloc : memref<!tpu.dma_semaphore, #tpu.memory_space<semaphore_mem>>
      %dma_start3A = arith.constant 0 : i32
      %dma_start3A_10 = arith.constant 0 : i32
      %dma_start3A_11 = tpu.memref_slice %arg4[%add3A, %dma_start3A, %dma_start3A_10] : memref<32x79x128xi32, #tpu.memory_space<hbm>> -> memref<1x79x128xi32, #tpu.memory_space<hbm>>
      %dma_start3A_12 = tpu.memref_squeeze %dma_start3A_11 : memref<1x79x128xi32, #tpu.memory_space<hbm>> -> memref<79x128xi32, #tpu.memory_space<hbm>>
      %dma_start3A_13 = arith.constant 0 : i32
      %dma_start3A_14 = arith.constant 0 : i32
      %dma_start3A_15 = tpu.memref_slice %arg4[%add3A, %dma_start3A_13, %dma_start3A_14] : memref<32x79x128xi32, #tpu.memory_space<hbm>> -> memref<1x79x128xi32, #tpu.memory_space<hbm>>
      %dma_start3A_16 = tpu.memref_squeeze %dma_start3A_15 : memref<1x79x128xi32, #tpu.memory_space<hbm>> -> memref<79x128xi32, #tpu.memory_space<hbm>>
      tpu.enqueue_dma source(%dma_start3A_16 : memref<79x128xi32, #tpu.memory_space<hbm>>) target(%arg8 : memref<79x128xi32, #tpu.memory_space<vmem>>) target_semaphore(%run_scoped3A : memref<!tpu.dma_semaphore, #tpu.memory_space<semaphore_mem>>)
      %dma_wait3A = arith.constant 0 : i32
      %dma_wait3A_17 = arith.constant 0 : i32
      %dma_wait3A_18 = tpu.memref_slice %arg4[%add3A, %dma_wait3A, %dma_wait3A_17] : memref<32x79x128xi32, #tpu.memory_space<hbm>> -> memref<1x79x128xi32, #tpu.memory_space<hbm>>
      %dma_wait3A_19 = tpu.memref_squeeze %dma_wait3A_18 : memref<1x79x128xi32, #tpu.memory_space<hbm>> -> memref<79x128xi32, #tpu.memory_space<hbm>>
      %dma_wait3A_20 = arith.constant 0 : i32
      %dma_wait3A_21 = arith.constant 0 : i32
      %dma_wait3A_22 = tpu.memref_slice %arg4[%add3A, %dma_wait3A_20, %dma_wait3A_21] : memref<32x79x128xi32, #tpu.memory_space<hbm>> -> memref<1x79x128xi32, #tpu.memory_space<hbm>>
      %dma_wait3A_23 = tpu.memref_squeeze %dma_wait3A_22 : memref<1x79x128xi32, #tpu.memory_space<hbm>> -> memref<79x128xi32, #tpu.memory_space<hbm>>
      tpu.wait_dma2 semaphore(%run_scoped3A : memref<!tpu.dma_semaphore, #tpu.memory_space<semaphore_mem>>) src(%dma_wait3A_23 : memref<79x128xi32, #tpu.memory_space<hbm>>) dst(%arg8 : memref<79x128xi32, #tpu.memory_space<vmem>>)
      tpu.yield
    }) : () -> ()
    %mul3A_1 = arith.constant 640 : i32
    %mul3A_2 = arith.muli %arg1, %mul3A_1 : i32
    "tpu.region"() ({
      %run_scoped3A = tpu.sem_alloc : memref<!tpu.dma_semaphore, #tpu.memory_space<semaphore_mem>>
      %dma_start3A = arith.constant 0 : i32
      %dma_start3A_10 = tpu.memref_slice %arg10[%mul3A_2, %dma_start3A] : memref<10240x128xf32, #tpu.memory_space<vmem_shared>> -> memref<640x128xf32, #tpu.memory_space<vmem_shared>>
      tpu.enqueue_dma source(%arg5 : memref<640x128xf32, #tpu.memory_space<hbm>>) target(%dma_start3A_10 : memref<640x128xf32, #tpu.memory_space<vmem_shared>>) target_semaphore(%run_scoped3A : memref<!tpu.dma_semaphore, #tpu.memory_space<semaphore_mem>>)
      %dma_wait3A = arith.constant 0 : i32
      %dma_wait3A_11 = tpu.memref_slice %arg10[%mul3A_2, %dma_wait3A] : memref<10240x128xf32, #tpu.memory_space<vmem_shared>> -> memref<640x128xf32, #tpu.memory_space<vmem_shared>>
      tpu.wait_dma2 semaphore(%run_scoped3A : memref<!tpu.dma_semaphore, #tpu.memory_space<semaphore_mem>>) src(%arg5 : memref<640x128xf32, #tpu.memory_space<hbm>>) dst(%dma_wait3A_11 : memref<640x128xf32, #tpu.memory_space<vmem_shared>>)
      tpu.yield
    }) : () -> ()
    %barrier3A = arith.constant 0 : index
    tpu.barrier barrier_id(%barrier3A)
    %scan3A = arith.constant 0 : i32
    %scan3A_3 = arith.constant 79 : i32
    %scan3A_4 = arith.addi %scan3A, %scan3A_3 : i32
    %scan3A_5 = arith.constant 1 : i32
    scf.for %scan3A_10 = %scan3A to %scan3A_4 step %scan3A_5  : i32 {
      "tpu.region"() ({
        %run_scoped3A = tpu.sem_alloc : memref<!tpu.dma_semaphore, #tpu.memory_space<semaphore_mem>>
        %dma_start3A = arith.constant 0 : i32
        %dma_start3A_11 = tpu.memref_slice %arg7[%scan3A_10, %dma_start3A] : memref<79x128xi32, #tpu.memory_space<vmem>> -> memref<1x128xi32, #tpu.memory_space<vmem>>
        %dma_start3A_12 = tpu.memref_squeeze %dma_start3A_11 : memref<1x128xi32, #tpu.memory_space<vmem>> -> memref<128xi32, #tpu.memory_space<vmem>>
        %dma_start3A_13 = arith.constant 0 : i32
        %dma_start3A_14 = arith.constant 0 : i32
        %dma_start3A_15 = tpu.memref_slice %arg2[%dma_start3A_13, %dma_start3A_14] : memref<10000x128xf32, #tpu.memory_space<hbm>> -> memref<10000x128xf32, #tpu.memory_space<hbm>>
        tpu.enqueue_indirect_dma source(%dma_start3A_15 : memref<10000x128xf32, #tpu.memory_space<hbm>>) target(%arg9 : memref<128x128xf32, #tpu.memory_space<vmem>>) offsets(%dma_start3A_12 : memref<128xi32, #tpu.memory_space<vmem>>) semaphore(%run_scoped3A : memref<!tpu.dma_semaphore, #tpu.memory_space<semaphore_mem>>)
        %dma_wait3A = arith.constant 0 : i32
        %dma_wait3A_16 = tpu.memref_slice %arg7[%scan3A_10, %dma_wait3A] : memref<79x128xi32, #tpu.memory_space<vmem>> -> memref<1x128xi32, #tpu.memory_space<vmem>>
        %dma_wait3A_17 = tpu.memref_squeeze %dma_wait3A_16 : memref<1x128xi32, #tpu.memory_space<vmem>> -> memref<128xi32, #tpu.memory_space<vmem>>
        %dma_wait3A_18 = arith.constant 0 : i32
        %dma_wait3A_19 = arith.constant 0 : i32
        %dma_wait3A_20 = tpu.memref_slice %arg2[%dma_wait3A_18, %dma_wait3A_19] : memref<10000x128xf32, #tpu.memory_space<hbm>> -> memref<10000x128xf32, #tpu.memory_space<hbm>>
        tpu.wait_indirect_dma semaphore(%run_scoped3A : memref<!tpu.dma_semaphore, #tpu.memory_space<semaphore_mem>>) src(%dma_wait3A_20 : memref<10000x128xf32, #tpu.memory_space<hbm>>) dst(%arg9 : memref<128x128xf32, #tpu.memory_space<vmem>>)
        tpu.yield
      }) : () -> ()
      "tpu.region"() ({
        %run_scoped3A = tpu.sem_alloc : memref<!tpu.dma_semaphore, #tpu.memory_space<semaphore_mem>>
        %dma_start3A = arith.constant 0 : i32
        %dma_start3A_11 = tpu.memref_slice %arg8[%scan3A_10, %dma_start3A] : memref<79x128xi32, #tpu.memory_space<vmem>> -> memref<1x128xi32, #tpu.memory_space<vmem>>
        %dma_start3A_12 = tpu.memref_squeeze %dma_start3A_11 : memref<1x128xi32, #tpu.memory_space<vmem>> -> memref<128xi32, #tpu.memory_space<vmem>>
        %dma_start3A_13 = arith.constant 0 : i32
        %dma_start3A_14 = arith.constant 0 : i32
        %dma_start3A_15 = tpu.memref_slice %arg10[%dma_start3A_13, %dma_start3A_14] : memref<10240x128xf32, #tpu.memory_space<vmem_shared>> -> memref<10240x128xf32, #tpu.memory_space<vmem_shared>>
        tpu.enqueue_indirect_dma source(%arg9 : memref<128x128xf32, #tpu.memory_space<vmem>>) target(%dma_start3A_15 : memref<10240x128xf32, #tpu.memory_space<vmem_shared>>) offsets(%dma_start3A_12 : memref<128xi32, #tpu.memory_space<vmem>>) semaphore(%run_scoped3A : memref<!tpu.dma_semaphore, #tpu.memory_space<semaphore_mem>>) {add = true}
        %dma_wait3A = arith.constant 0 : i32
        %dma_wait3A_16 = tpu.memref_slice %arg8[%scan3A_10, %dma_wait3A] : memref<79x128xi32, #tpu.memory_space<vmem>> -> memref<1x128xi32, #tpu.memory_space<vmem>>
        %dma_wait3A_17 = tpu.memref_squeeze %dma_wait3A_16 : memref<1x128xi32, #tpu.memory_space<vmem>> -> memref<128xi32, #tpu.memory_space<vmem>>
        %dma_wait3A_18 = arith.constant 0 : i32
        %dma_wait3A_19 = arith.constant 0 : i32
        %dma_wait3A_20 = tpu.memref_slice %arg10[%dma_wait3A_18, %dma_wait3A_19] : memref<10240x128xf32, #tpu.memory_space<vmem_shared>> -> memref<10240x128xf32, #tpu.memory_space<vmem_shared>>
        tpu.wait_indirect_dma semaphore(%run_scoped3A : memref<!tpu.dma_semaphore, #tpu.memory_space<semaphore_mem>>) src(%arg9 : memref<128x128xf32, #tpu.memory_space<vmem>>) dst(%dma_wait3A_20 : memref<10240x128xf32, #tpu.memory_space<vmem_shared>>)
        tpu.yield
      }) : () -> ()
    }
    %scan3A_6 = arith.constant 79 : i32
    %barrier3A_7 = arith.constant 0 : index
    tpu.barrier barrier_id(%barrier3A_7)
    %mul3A_8 = arith.constant 640 : i32
    %mul3A_9 = arith.muli %arg1, %mul3A_8 : i32
    "tpu.region"() ({
      %run_scoped3A = tpu.sem_alloc : memref<!tpu.dma_semaphore, #tpu.memory_space<semaphore_mem>>
      %dma_start3A = arith.constant 0 : i32
      %dma_start3A_10 = arith.constant 0 : i32
      %dma_start3A_11 = tpu.memref_slice %arg6[%arg0, %arg1, %dma_start3A, %dma_start3A_10] : memref<2x16x640x128xf32, #tpu.memory_space<hbm>> -> memref<1x1x640x128xf32, #tpu.memory_space<hbm>>
      %dma_start3A_12 = tpu.memref_squeeze %dma_start3A_11 : memref<1x1x640x128xf32, #tpu.memory_space<hbm>> -> memref<640x128xf32, #tpu.memory_space<hbm>>
      %dma_start3A_13 = arith.constant 0 : i32
      %dma_start3A_14 = tpu.memref_slice %arg10[%mul3A_9, %dma_start3A_13] : memref<10240x128xf32, #tpu.memory_space<vmem_shared>> -> memref<640x128xf32, #tpu.memory_space<vmem_shared>>
      tpu.enqueue_dma source(%dma_start3A_14 : memref<640x128xf32, #tpu.memory_space<vmem_shared>>) target(%dma_start3A_12 : memref<640x128xf32, #tpu.memory_space<hbm>>) target_semaphore(%run_scoped3A : memref<!tpu.dma_semaphore, #tpu.memory_space<semaphore_mem>>)
      %dma_wait3A = arith.constant 0 : i32
      %dma_wait3A_15 = arith.constant 0 : i32
      %dma_wait3A_16 = tpu.memref_slice %arg6[%arg0, %arg1, %dma_wait3A, %dma_wait3A_15] : memref<2x16x640x128xf32, #tpu.memory_space<hbm>> -> memref<1x1x640x128xf32, #tpu.memory_space<hbm>>
      %dma_wait3A_17 = tpu.memref_squeeze %dma_wait3A_16 : memref<1x1x640x128xf32, #tpu.memory_space<hbm>> -> memref<640x128xf32, #tpu.memory_space<hbm>>
      %dma_wait3A_18 = arith.constant 0 : i32
      %dma_wait3A_19 = tpu.memref_slice %arg10[%mul3A_9, %dma_wait3A_18] : memref<10240x128xf32, #tpu.memory_space<vmem_shared>> -> memref<640x128xf32, #tpu.memory_space<vmem_shared>>
      tpu.wait_dma2 semaphore(%run_scoped3A : memref<!tpu.dma_semaphore, #tpu.memory_space<semaphore_mem>>) src(%dma_wait3A_19 : memref<640x128xf32, #tpu.memory_space<vmem_shared>>) dst(%dma_wait3A_17 : memref<640x128xf32, #tpu.memory_space<hbm>>)
      tpu.yield
    }) : () -> ()
    return
  }
}

#map = affine_map<(d0, d1) -> (0, 0)>
#map1 = affine_map<(d0, d1) -> (0, 0, 0)>
#map2 = affine_map<(d0, d1) -> (0, 0, 0, 0)>
module attributes {stable_mosaic.version = 14 : i64} {
  func.func @_sc_scatter_body(%arg0: i32, %arg1: i32, %arg2: memref<10000x128xf32, #tpu.memory_space<hbm>>, %arg3: memref<32x79x128xi32, #tpu.memory_space<hbm>>, %arg4: memref<32x79x128xi32, #tpu.memory_space<hbm>>, %arg5: memref<640x128xf32, #tpu.memory_space<hbm>>, %arg6: memref<2x16x640x128xf32, #tpu.memory_space<hbm>>, %arg7: memref<79x128xi32, #tpu.memory_space<vmem>>, %arg8: memref<79x128xi32, #tpu.memory_space<vmem>>, %arg9: memref<128x128xf32, #tpu.memory_space<vmem>>, %arg10: memref<10240x128xf32, #tpu.memory_space<vmem_shared>>) attributes {dimension_semantics = [#tpu.dimension_semantics<core_parallel>, #tpu.dimension_semantics<subcore_parallel>], iteration_bounds = array<i64: 2, 16>, scalar_prefetch = 0 : i64, scratch_operands = 4 : i64, tpu.core_type = #tpu.core_type<sc_vector_subcore>, window_params = [{transform_indices = #map}, {transform_indices = #map1}, {transform_indices = #map1}, {transform_indices = #map}, {transform_indices = #map2}]} {
    %mul3A = arith.constant 16 : i32
    %mul3A_0 = arith.muli %arg0, %mul3A : i32
    %add3A = arith.addi %mul3A_0, %arg1 : i32
    "tpu.region"() ({
      %run_scoped3A = tpu.sem_alloc : memref<!tpu.dma_semaphore, #tpu.memory_space<semaphore_mem>>
      %dma_start3A = arith.constant 0 : i32
      %dma_start3A_10 = arith.constant 0 : i32
      %dma_start3A_11 = tpu.memref_slice %arg3[%add3A, %dma_start3A, %dma_start3A_10] : memref<32x79x128xi32, #tpu.memory_space<hbm>> -> memref<1x79x128xi32, #tpu.memory_space<hbm>>
      %dma_start3A_12 = tpu.memref_squeeze %dma_start3A_11 : memref<1x79x128xi32, #tpu.memory_space<hbm>> -> memref<79x128xi32, #tpu.memory_space<hbm>>
      %dma_start3A_13 = arith.constant 0 : i32
      %dma_start3A_14 = arith.constant 0 : i32
      %dma_start3A_15 = tpu.memref_slice %arg3[%add3A, %dma_start3A_13, %dma_start3A_14] : memref<32x79x128xi32, #tpu.memory_space<hbm>> -> memref<1x79x128xi32, #tpu.memory_space<hbm>>
      %dma_start3A_16 = tpu.memref_squeeze %dma_start3A_15 : memref<1x79x128xi32, #tpu.memory_space<hbm>> -> memref<79x128xi32, #tpu.memory_space<hbm>>
      tpu.enqueue_dma source(%dma_start3A_16 : memref<79x128xi32, #tpu.memory_space<hbm>>) target(%arg7 : memref<79x128xi32, #tpu.memory_space<vmem>>) target_semaphore(%run_scoped3A : memref<!tpu.dma_semaphore, #tpu.memory_space<semaphore_mem>>)
      %dma_wait3A = arith.constant 0 : i32
      %dma_wait3A_17 = arith.constant 0 : i32
      %dma_wait3A_18 = tpu.memref_slice %arg3[%add3A, %dma_wait3A, %dma_wait3A_17] : memref<32x79x128xi32, #tpu.memory_space<hbm>> -> memref<1x79x128xi32, #tpu.memory_space<hbm>>
      %dma_wait3A_19 = tpu.memref_squeeze %dma_wait3A_18 : memref<1x79x128xi32, #tpu.memory_space<hbm>> -> memref<79x128xi32, #tpu.memory_space<hbm>>
      %dma_wait3A_20 = arith.constant 0 : i32
      %dma_wait3A_21 = arith.constant 0 : i32
      %dma_wait3A_22 = tpu.memref_slice %arg3[%add3A, %dma_wait3A_20, %dma_wait3A_21] : memref<32x79x128xi32, #tpu.memory_space<hbm>> -> memref<1x79x128xi32, #tpu.memory_space<hbm>>
      %dma_wait3A_23 = tpu.memref_squeeze %dma_wait3A_22 : memref<1x79x128xi32, #tpu.memory_space<hbm>> -> memref<79x128xi32, #tpu.memory_space<hbm>>
      tpu.wait_dma2 semaphore(%run_scoped3A : memref<!tpu.dma_semaphore, #tpu.memory_space<semaphore_mem>>) src(%dma_wait3A_23 : memref<79x128xi32, #tpu.memory_space<hbm>>) dst(%arg7 : memref<79x128xi32, #tpu.memory_space<vmem>>)
      tpu.yield
    }) : () -> ()
    "tpu.region"() ({
      %run_scoped3A = tpu.sem_alloc : memref<!tpu.dma_semaphore, #tpu.memory_space<semaphore_mem>>
      %dma_start3A = arith.constant 0 : i32
      %dma_start3A_10 = arith.constant 0 : i32
      %dma_start3A_11 = tpu.memref_slice %arg4[%add3A, %dma_start3A, %dma_start3A_10] : memref<32x79x128xi32, #tpu.memory_space<hbm>> -> memref<1x79x128xi32, #tpu.memory_space<hbm>>
      %dma_start3A_12 = tpu.memref_squeeze %dma_start3A_11 : memref<1x79x128xi32, #tpu.memory_space<hbm>> -> memref<79x128xi32, #tpu.memory_space<hbm>>
      %dma_start3A_13 = arith.constant 0 : i32
      %dma_start3A_14 = arith.constant 0 : i32
      %dma_start3A_15 = tpu.memref_slice %arg4[%add3A, %dma_start3A_13, %dma_start3A_14] : memref<32x79x128xi32, #tpu.memory_space<hbm>> -> memref<1x79x128xi32, #tpu.memory_space<hbm>>
      %dma_start3A_16 = tpu.memref_squeeze %dma_start3A_15 : memref<1x79x128xi32, #tpu.memory_space<hbm>> -> memref<79x128xi32, #tpu.memory_space<hbm>>
      tpu.enqueue_dma source(%dma_start3A_16 : memref<79x128xi32, #tpu.memory_space<hbm>>) target(%arg8 : memref<79x128xi32, #tpu.memory_space<vmem>>) target_semaphore(%run_scoped3A : memref<!tpu.dma_semaphore, #tpu.memory_space<semaphore_mem>>)
      %dma_wait3A = arith.constant 0 : i32
      %dma_wait3A_17 = arith.constant 0 : i32
      %dma_wait3A_18 = tpu.memref_slice %arg4[%add3A, %dma_wait3A, %dma_wait3A_17] : memref<32x79x128xi32, #tpu.memory_space<hbm>> -> memref<1x79x128xi32, #tpu.memory_space<hbm>>
      %dma_wait3A_19 = tpu.memref_squeeze %dma_wait3A_18 : memref<1x79x128xi32, #tpu.memory_space<hbm>> -> memref<79x128xi32, #tpu.memory_space<hbm>>
      %dma_wait3A_20 = arith.constant 0 : i32
      %dma_wait3A_21 = arith.constant 0 : i32
      %dma_wait3A_22 = tpu.memref_slice %arg4[%add3A, %dma_wait3A_20, %dma_wait3A_21] : memref<32x79x128xi32, #tpu.memory_space<hbm>> -> memref<1x79x128xi32, #tpu.memory_space<hbm>>
      %dma_wait3A_23 = tpu.memref_squeeze %dma_wait3A_22 : memref<1x79x128xi32, #tpu.memory_space<hbm>> -> memref<79x128xi32, #tpu.memory_space<hbm>>
      tpu.wait_dma2 semaphore(%run_scoped3A : memref<!tpu.dma_semaphore, #tpu.memory_space<semaphore_mem>>) src(%dma_wait3A_23 : memref<79x128xi32, #tpu.memory_space<hbm>>) dst(%arg8 : memref<79x128xi32, #tpu.memory_space<vmem>>)
      tpu.yield
    }) : () -> ()
    %mul3A_1 = arith.constant 640 : i32
    %mul3A_2 = arith.muli %arg1, %mul3A_1 : i32
    "tpu.region"() ({
      %run_scoped3A = tpu.sem_alloc : memref<!tpu.dma_semaphore, #tpu.memory_space<semaphore_mem>>
      %dma_start3A = arith.constant 0 : i32
      %dma_start3A_10 = tpu.memref_slice %arg10[%mul3A_2, %dma_start3A] : memref<10240x128xf32, #tpu.memory_space<vmem_shared>> -> memref<640x128xf32, #tpu.memory_space<vmem_shared>>
      tpu.enqueue_dma source(%arg5 : memref<640x128xf32, #tpu.memory_space<hbm>>) target(%dma_start3A_10 : memref<640x128xf32, #tpu.memory_space<vmem_shared>>) target_semaphore(%run_scoped3A : memref<!tpu.dma_semaphore, #tpu.memory_space<semaphore_mem>>)
      %dma_wait3A = arith.constant 0 : i32
      %dma_wait3A_11 = tpu.memref_slice %arg10[%mul3A_2, %dma_wait3A] : memref<10240x128xf32, #tpu.memory_space<vmem_shared>> -> memref<640x128xf32, #tpu.memory_space<vmem_shared>>
      tpu.wait_dma2 semaphore(%run_scoped3A : memref<!tpu.dma_semaphore, #tpu.memory_space<semaphore_mem>>) src(%arg5 : memref<640x128xf32, #tpu.memory_space<hbm>>) dst(%dma_wait3A_11 : memref<640x128xf32, #tpu.memory_space<vmem_shared>>)
      tpu.yield
    }) : () -> ()
    %barrier3A = arith.constant 0 : index
    tpu.barrier barrier_id(%barrier3A)
    %scan3A = arith.constant 0 : i32
    %scan3A_3 = arith.constant 79 : i32
    %scan3A_4 = arith.addi %scan3A, %scan3A_3 : i32
    %scan3A_5 = arith.constant 1 : i32
    scf.for %scan3A_10 = %scan3A to %scan3A_4 step %scan3A_5  : i32 {
      "tpu.region"() ({
        %run_scoped3A = tpu.sem_alloc : memref<!tpu.dma_semaphore, #tpu.memory_space<semaphore_mem>>
        %dma_start3A = arith.constant 0 : i32
        %dma_start3A_11 = tpu.memref_slice %arg7[%scan3A_10, %dma_start3A] : memref<79x128xi32, #tpu.memory_space<vmem>> -> memref<1x128xi32, #tpu.memory_space<vmem>>
        %dma_start3A_12 = tpu.memref_squeeze %dma_start3A_11 : memref<1x128xi32, #tpu.memory_space<vmem>> -> memref<128xi32, #tpu.memory_space<vmem>>
        %dma_start3A_13 = arith.constant 0 : i32
        %dma_start3A_14 = arith.constant 0 : i32
        %dma_start3A_15 = tpu.memref_slice %arg2[%dma_start3A_13, %dma_start3A_14] : memref<10000x128xf32, #tpu.memory_space<hbm>> -> memref<10000x128xf32, #tpu.memory_space<hbm>>
        tpu.enqueue_indirect_dma source(%dma_start3A_15 : memref<10000x128xf32, #tpu.memory_space<hbm>>) target(%arg9 : memref<128x128xf32, #tpu.memory_space<vmem>>) offsets(%dma_start3A_12 : memref<128xi32, #tpu.memory_space<vmem>>) semaphore(%run_scoped3A : memref<!tpu.dma_semaphore, #tpu.memory_space<semaphore_mem>>)
        %dma_wait3A = arith.constant 0 : i32
        %dma_wait3A_16 = tpu.memref_slice %arg7[%scan3A_10, %dma_wait3A] : memref<79x128xi32, #tpu.memory_space<vmem>> -> memref<1x128xi32, #tpu.memory_space<vmem>>
        %dma_wait3A_17 = tpu.memref_squeeze %dma_wait3A_16 : memref<1x128xi32, #tpu.memory_space<vmem>> -> memref<128xi32, #tpu.memory_space<vmem>>
        %dma_wait3A_18 = arith.constant 0 : i32
        %dma_wait3A_19 = arith.constant 0 : i32
        %dma_wait3A_20 = tpu.memref_slice %arg2[%dma_wait3A_18, %dma_wait3A_19] : memref<10000x128xf32, #tpu.memory_space<hbm>> -> memref<10000x128xf32, #tpu.memory_space<hbm>>
        tpu.wait_indirect_dma semaphore(%run_scoped3A : memref<!tpu.dma_semaphore, #tpu.memory_space<semaphore_mem>>) src(%dma_wait3A_20 : memref<10000x128xf32, #tpu.memory_space<hbm>>) dst(%arg9 : memref<128x128xf32, #tpu.memory_space<vmem>>)
        tpu.yield
      }) : () -> ()
      "tpu.region"() ({
        %run_scoped3A = tpu.sem_alloc : memref<!tpu.dma_semaphore, #tpu.memory_space<semaphore_mem>>
        %dma_start3A = arith.constant 0 : i32
        %dma_start3A_11 = tpu.memref_slice %arg8[%scan3A_10, %dma_start3A] : memref<79x128xi32, #tpu.memory_space<vmem>> -> memref<1x128xi32, #tpu.memory_space<vmem>>
        %dma_start3A_12 = tpu.memref_squeeze %dma_start3A_11 : memref<1x128xi32, #tpu.memory_space<vmem>> -> memref<128xi32, #tpu.memory_space<vmem>>
        %dma_start3A_13 = arith.constant 0 : i32
        %dma_start3A_14 = arith.constant 0 : i32
        %dma_start3A_15 = tpu.memref_slice %arg10[%dma_start3A_13, %dma_start3A_14] : memref<10240x128xf32, #tpu.memory_space<vmem_shared>> -> memref<10240x128xf32, #tpu.memory_space<vmem_shared>>
        tpu.enqueue_indirect_dma source(%arg9 : memref<128x128xf32, #tpu.memory_space<vmem>>) target(%dma_start3A_15 : memref<10240x128xf32, #tpu.memory_space<vmem_shared>>) offsets(%dma_start3A_12 : memref<128xi32, #tpu.memory_space<vmem>>) semaphore(%run_scoped3A : memref<!tpu.dma_semaphore, #tpu.memory_space<semaphore_mem>>) {add = true}
        %dma_wait3A = arith.constant 0 : i32
        %dma_wait3A_16 = tpu.memref_slice %arg8[%scan3A_10, %dma_wait3A] : memref<79x128xi32, #tpu.memory_space<vmem>> -> memref<1x128xi32, #tpu.memory_space<vmem>>
        %dma_wait3A_17 = tpu.memref_squeeze %dma_wait3A_16 : memref<1x128xi32, #tpu.memory_space<vmem>> -> memref<128xi32, #tpu.memory_space<vmem>>
        %dma_wait3A_18 = arith.constant 0 : i32
        %dma_wait3A_19 = arith.constant 0 : i32
        %dma_wait3A_20 = tpu.memref_slice %arg10[%dma_wait3A_18, %dma_wait3A_19] : memref<10240x128xf32, #tpu.memory_space<vmem_shared>> -> memref<10240x128xf32, #tpu.memory_space<vmem_shared>>
        tpu.wait_indirect_dma semaphore(%run_scoped3A : memref<!tpu.dma_semaphore, #tpu.memory_space<semaphore_mem>>) src(%arg9 : memref<128x128xf32, #tpu.memory_space<vmem>>) dst(%dma_wait3A_20 : memref<10240x128xf32, #tpu.memory_space<vmem_shared>>)
        tpu.yield
      }) : () -> ()
    }
    %scan3A_6 = arith.constant 79 : i32
    %barrier3A_7 = arith.constant 0 : index
    tpu.barrier barrier_id(%barrier3A_7)
    %mul3A_8 = arith.constant 640 : i32
    %mul3A_9 = arith.muli %arg1, %mul3A_8 : i32
    "tpu.region"() ({
      %run_scoped3A = tpu.sem_alloc : memref<!tpu.dma_semaphore, #tpu.memory_space<semaphore_mem>>
      %dma_start3A = arith.constant 0 : i32
      %dma_start3A_10 = arith.constant 0 : i32
      %dma_start3A_11 = tpu.memref_slice %arg6[%arg0, %arg1, %dma_start3A, %dma_start3A_10] : memref<2x16x640x128xf32, #tpu.memory_space<hbm>> -> memref<1x1x640x128xf32, #tpu.memory_space<hbm>>
      %dma_start3A_12 = tpu.memref_squeeze %dma_start3A_11 : memref<1x1x640x128xf32, #tpu.memory_space<hbm>> -> memref<640x128xf32, #tpu.memory_space<hbm>>
      %dma_start3A_13 = arith.constant 0 : i32
      %dma_start3A_14 = tpu.memref_slice %arg10[%mul3A_9, %dma_start3A_13] : memref<10240x128xf32, #tpu.memory_space<vmem_shared>> -> memref<640x128xf32, #tpu.memory_space<vmem_shared>>
      tpu.enqueue_dma source(%dma_start3A_14 : memref<640x128xf32, #tpu.memory_space<vmem_shared>>) target(%dma_start3A_12 : memref<640x128xf32, #tpu.memory_space<hbm>>) target_semaphore(%run_scoped3A : memref<!tpu.dma_semaphore, #tpu.memory_space<semaphore_mem>>)
      %dma_wait3A = arith.constant 0 : i32
      %dma_wait3A_15 = arith.constant 0 : i32
      %dma_wait3A_16 = tpu.memref_slice %arg6[%arg0, %arg1, %dma_wait3A, %dma_wait3A_15] : memref<2x16x640x128xf32, #tpu.memory_space<hbm>> -> memref<1x1x640x128xf32, #tpu.memory_space<hbm>>
      %dma_wait3A_17 = tpu.memref_squeeze %dma_wait3A_16 : memref<1x1x640x128xf32, #tpu.memory_space<hbm>> -> memref<640x128xf32, #tpu.memory_space<hbm>>
      %dma_wait3A_18 = arith.constant 0 : i32
      %dma_wait3A_19 = tpu.memref_slice %arg10[%mul3A_9, %dma_wait3A_18] : memref<10240x128xf32, #tpu.memory_space<vmem_shared>> -> memref<640x128xf32, #tpu.memory_space<vmem_shared>>
      tpu.wait_dma2 semaphore(%run_scoped3A : memref<!tpu.dma_semaphore, #tpu.memory_space<semaphore_mem>>) src(%dma_wait3A_19 : memref<640x128xf32, #tpu.memory_space<vmem_shared>>) dst(%dma_wait3A_17 : memref<640x128xf32, #tpu.memory_space<hbm>>)
      tpu.yield
    }) : () -> ()
    return
  }
}

module attributes {stable_mosaic.version = 14 : i64} {
  func.func @_mm_body(%arg0: memref<10000x128xf32, #tpu.memory_space<vmem>>, %arg1: memref<128x128xf32, #tpu.memory_space<vmem>>, %arg2: memref<1x128xf32, #tpu.memory_space<vmem>>, %arg3: memref<10000x128xf32, #tpu.memory_space<vmem>>) attributes {dimension_semantics = [], scalar_prefetch = 0 : i64, scratch_operands = 0 : i64, tpu.core_type = #tpu.core_type<tc>} {
    %get3A = arith.constant 0 : index
    %get3A_0 = arith.constant 0 : index
    %get3A_1 = vector.load %arg0[%get3A, %get3A_0] : memref<10000x128xf32, #tpu.memory_space<vmem>>, vector<10000x128xf32>
    %get3A_2 = arith.constant 0 : index
    %get3A_3 = arith.constant 0 : index
    %get3A_4 = vector.load %arg1[%get3A_2, %get3A_3] : memref<128x128xf32, #tpu.memory_space<vmem>>, vector<128x128xf32>
    %dot_general3A = arith.constant dense<0.000000e+00> : vector<10000x128xf32>
    %dot_general3A_5 = tpu.matmul %get3A_1, %get3A_4, %dot_general3A {dimension_numbers = #tpu.dot_dimension_numbers<[1], [0], [0], [1], [0, 0, 1, 1], [], []>, transpose_lhs_hint = false} : vector<10000x128xf32>, vector<128x128xf32>, vector<10000x128xf32> -> vector<10000x128xf32>
    %get3A_6 = arith.constant 0 : index
    %get3A_7 = arith.constant 0 : index
    %get3A_8 = vector.load %arg2[%get3A_6, %get3A_7] : memref<1x128xf32, #tpu.memory_space<vmem>>, vector<1x128xf32>
    %add3A = vector.broadcast %get3A_8 : vector<1x128xf32> to vector<10000x128xf32>
    %add3A_9 = arith.addf %dot_general3A_5, %add3A : vector<10000x128xf32>
    %max3A = arith.constant 0.000000e+00 : f32
    %max3A_10 = vector.broadcast %max3A : f32 to vector<10000x128xf32>
    %max3A_11 = arith.maximumf %add3A_9, %max3A_10 : vector<10000x128xf32>
    %swap3A = arith.constant 0 : index
    %swap3A_12 = arith.constant 0 : index
    %swap3A_13 = vector.load %arg3[%swap3A, %swap3A_12] : memref<10000x128xf32, #tpu.memory_space<vmem>>, vector<10000x128xf32>
    tpu.vector_store %arg3[%swap3A, %swap3A_12], %max3A_11 {strides = array<i32>} : memref<10000x128xf32, #tpu.memory_space<vmem>>, vector<10000x128xf32>,
    return
  }
}

module attributes {stable_mosaic.version = 14 : i64} {
  func.func @_prep_body(%arg0: i32, %arg1: memref<1000x128xf32, #tpu.memory_space<vmem>>, %arg2: memref<2x1000x1xf32, #tpu.memory_space<vmem>>, %arg3: memref<1000x128xf32, #tpu.memory_space<vmem>>, %arg4: memref<1000x128xf32, #tpu.memory_space<vmem>>, %arg5: memref<1000x128xf32, #tpu.memory_space<vmem>>, %arg6: memref<1000x1xf32, #tpu.memory_space<vmem>>, %arg7: memref<1000x1xf32, #tpu.memory_space<vmem>>) attributes {dimension_semantics = [#tpu.dimension_semantics<arbitrary>], iteration_bounds = array<i64: 10>, scalar_prefetch = 0 : i64, scratch_operands = 0 : i64, tpu.core_type = #tpu.core_type<tc>, window_params = [{transform_indices = @transform_0, window_bounds = array<i64: 1000, 128>}, {transform_indices = @transform_1, window_bounds = array<i64: 2, 1000, 1>}, {transform_indices = @transform_2, window_bounds = array<i64: 1000, 128>}, {transform_indices = @transform_3, window_bounds = array<i64: 1000, 128>}, {transform_indices = @transform_4, window_bounds = array<i64: 1000, 128>}, {transform_indices = @transform_5, window_bounds = array<i64: 1000, 1>}, {transform_indices = @transform_6, window_bounds = array<i64: 1000, 1>}]} {
    %get3A = arith.constant 0 : index
    %get3A_0 = arith.constant 0 : index
    %get3A_1 = arith.constant 0 : index
    %get3A_2 = vector.load %arg2[%get3A, %get3A_0, %get3A_1] : memref<2x1000x1xf32, #tpu.memory_space<vmem>>, vector<1x1000x1xf32>
    %get3A_3 = vector.shape_cast %get3A_2 : vector<1x1000x1xf32> to vector<1000x1xf32>
    %add3A = arith.constant 1.000000e+00 : f32
    %add3A_4 = vector.broadcast %add3A : f32 to vector<1000x1xf32>
    %add3A_5 = arith.addf %add3A_4, %get3A_3 : vector<1000x1xf32>
    %get3A_6 = arith.constant 1 : index
    %get3A_7 = arith.constant 0 : index
    %get3A_8 = arith.constant 0 : index
    %get3A_9 = vector.load %arg2[%get3A_6, %get3A_7, %get3A_8] : memref<2x1000x1xf32, #tpu.memory_space<vmem>>, vector<1x1000x1xf32>
    %get3A_10 = vector.shape_cast %get3A_9 : vector<1x1000x1xf32> to vector<1000x1xf32>
    %add3A_11 = arith.addf %add3A_5, %get3A_10 : vector<1000x1xf32>
    %rsqrt3A = math.rsqrt %add3A_11 : vector<1000x1xf32>
    %get3A_12 = arith.constant 0 : index
    %get3A_13 = arith.constant 0 : index
    %get3A_14 = vector.load %arg1[%get3A_12, %get3A_13] : memref<1000x128xf32, #tpu.memory_space<vmem>>, vector<1000x128xf32>
    %mul3A = vector.broadcast %rsqrt3A : vector<1000x1xf32> to vector<1000x128xf32>
    %mul3A_15 = arith.mulf %mul3A, %get3A_14 : vector<1000x128xf32>
    %swap3A = arith.constant 0 : index
    %swap3A_16 = arith.constant 0 : index
    %swap3A_17 = vector.load %arg3[%swap3A, %swap3A_16] : memref<1000x128xf32, #tpu.memory_space<vmem>>, vector<1000x128xf32>
    tpu.vector_store %arg3[%swap3A, %swap3A_16], %mul3A_15 {strides = array<i32>} : memref<1000x128xf32, #tpu.memory_space<vmem>>, vector<1000x128xf32>,
    %mul3A_18 = arith.constant 1.000000e-01 : f32
    %mul3A_19 = vector.broadcast %mul3A_18 : f32 to vector<1000x128xf32>
    %mul3A_20 = arith.mulf %mul3A_19, %mul3A_15 : vector<1000x128xf32>
    %swap3A_21 = arith.constant 0 : index
    %swap3A_22 = arith.constant 0 : index
    %swap3A_23 = vector.load %arg4[%swap3A_21, %swap3A_22] : memref<1000x128xf32, #tpu.memory_space<vmem>>, vector<1000x128xf32>
    tpu.vector_store %arg4[%swap3A_21, %swap3A_22], %mul3A_20 {strides = array<i32>} : memref<1000x128xf32, #tpu.memory_space<vmem>>, vector<1000x128xf32>,
    %mul3A_24 = arith.constant 1.000000e-01 : f32
    %mul3A_25 = vector.broadcast %mul3A_24 : f32 to vector<1000x128xf32>
    %mul3A_26 = arith.mulf %mul3A_25, %get3A_14 : vector<1000x128xf32>
    %swap3A_27 = arith.constant 0 : index
    %swap3A_28 = arith.constant 0 : index
    %swap3A_29 = vector.load %arg5[%swap3A_27, %swap3A_28] : memref<1000x128xf32, #tpu.memory_space<vmem>>, vector<1000x128xf32>
    tpu.vector_store %arg5[%swap3A_27, %swap3A_28], %mul3A_26 {strides = array<i32>} : memref<1000x128xf32, #tpu.memory_space<vmem>>, vector<1000x128xf32>,
    %div3A = arith.constant 0.899999976 : f32
    %div3A_30 = vector.broadcast %div3A : f32 to vector<1000x1xf32>
    %div3A_31 = arith.divf %div3A_30, %add3A_11 : vector<1000x1xf32>
    %swap3A_32 = arith.constant 0 : index
    %swap3A_33 = arith.constant 0 : index
    %swap3A_34 = vector.load %arg6[%swap3A_32, %swap3A_33] : memref<1000x1xf32, #tpu.memory_space<vmem>>, vector<1000x1xf32>
    tpu.vector_store %arg6[%swap3A_32, %swap3A_33], %div3A_31 {strides = array<i32>} : memref<1000x1xf32, #tpu.memory_space<vmem>>, vector<1000x1xf32>,
    %mul3A_35 = arith.constant 0.899999976 : f32
    %mul3A_36 = vector.broadcast %mul3A_35 : f32 to vector<1000x1xf32>
    %mul3A_37 = arith.mulf %mul3A_36, %rsqrt3A : vector<1000x1xf32>
    %swap3A_38 = arith.constant 0 : index
    %swap3A_39 = arith.constant 0 : index
    %swap3A_40 = vector.load %arg7[%swap3A_38, %swap3A_39] : memref<1000x1xf32, #tpu.memory_space<vmem>>, vector<1000x1xf32>
    tpu.vector_store %arg7[%swap3A_38, %swap3A_39], %mul3A_37 {strides = array<i32>} : memref<1000x1xf32, #tpu.memory_space<vmem>>, vector<1000x1xf32>,
    return
  }
  func.func @transform_0(%arg0: i32) -> (i32, i32) {
    %c0_i32 = arith.constant 0 : i32
    %c0_i32_0 = arith.constant 0 : i32
    return %arg0, %c0_i32 : i32, i32
  }
  func.func @transform_1(%arg0: i32) -> (i32, i32, i32) {
    %c0_i32 = arith.constant 0 : i32
    %c0_i32_0 = arith.constant 0 : i32
    %c0_i32_1 = arith.constant 0 : i32
    return %c0_i32, %arg0, %c0_i32_0 : i32, i32, i32
  }
  func.func @transform_2(%arg0: i32) -> (i32, i32) {
    %c0_i32 = arith.constant 0 : i32
    %c0_i32_0 = arith.constant 0 : i32
    return %arg0, %c0_i32 : i32, i32
  }
  func.func @transform_3(%arg0: i32) -> (i32, i32) {
    %c0_i32 = arith.constant 0 : i32
    %c0_i32_0 = arith.constant 0 : i32
    return %arg0, %c0_i32 : i32, i32
  }
  func.func @transform_4(%arg0: i32) -> (i32, i32) {
    %c0_i32 = arith.constant 0 : i32
    %c0_i32_0 = arith.constant 0 : i32
    return %arg0, %c0_i32 : i32, i32
  }
  func.func @transform_5(%arg0: i32) -> (i32, i32) {
    %c0_i32 = arith.constant 0 : i32
    %c0_i32_0 = arith.constant 0 : i32
    return %arg0, %c0_i32 : i32, i32
  }
  func.func @transform_6(%arg0: i32) -> (i32, i32) {
    %c0_i32 = arith.constant 0 : i32
    %c0_i32_0 = arith.constant 0 : i32
    return %arg0, %c0_i32 : i32, i32
  }
}

module attributes {stable_mosaic.version = 14 : i64} {
  func.func @_blend_body(%arg0: i32, %arg1: memref<2x1000x128xf32, #tpu.memory_space<vmem>>, %arg2: memref<1000x128xf32, #tpu.memory_space<vmem>>, %arg3: memref<1000x1xf32, #tpu.memory_space<vmem>>, %arg4: memref<1000x128xf32, #tpu.memory_space<vmem>>, %arg5: memref<1000x128xf32, #tpu.memory_space<vmem>>) attributes {dimension_semantics = [#tpu.dimension_semantics<arbitrary>], iteration_bounds = array<i64: 10>, scalar_prefetch = 0 : i64, scratch_operands = 0 : i64, tpu.core_type = #tpu.core_type<tc>, window_params = [{transform_indices = @transform_0, window_bounds = array<i64: 2, 1000, 128>}, {transform_indices = @transform_1, window_bounds = array<i64: 1000, 128>}, {transform_indices = @transform_2, window_bounds = array<i64: 1000, 1>}, {transform_indices = @transform_3, window_bounds = array<i64: 1000, 128>}, {transform_indices = @transform_4, window_bounds = array<i64: 1000, 128>}]} {
    %get3A = arith.constant 0 : index
    %get3A_0 = arith.constant 0 : index
    %get3A_1 = vector.load %arg3[%get3A, %get3A_0] : memref<1000x1xf32, #tpu.memory_space<vmem>>, vector<1000x1xf32>
    %get3A_2 = arith.constant 0 : index
    %get3A_3 = arith.constant 0 : index
    %get3A_4 = arith.constant 0 : index
    %get3A_5 = vector.load %arg1[%get3A_2, %get3A_3, %get3A_4] : memref<2x1000x128xf32, #tpu.memory_space<vmem>>, vector<1x1000x128xf32>
    %get3A_6 = vector.shape_cast %get3A_5 : vector<1x1000x128xf32> to vector<1000x128xf32>
    %get3A_7 = arith.constant 1 : index
    %get3A_8 = arith.constant 0 : index
    %get3A_9 = arith.constant 0 : index
    %get3A_10 = vector.load %arg1[%get3A_7, %get3A_8, %get3A_9] : memref<2x1000x128xf32, #tpu.memory_space<vmem>>, vector<1x1000x128xf32>
    %get3A_11 = vector.shape_cast %get3A_10 : vector<1x1000x128xf32> to vector<1000x128xf32>
    %add3A = arith.addf %get3A_6, %get3A_11 : vector<1000x128xf32>
    %get3A_12 = arith.constant 0 : index
    %get3A_13 = arith.constant 0 : index
    %get3A_14 = vector.load %arg2[%get3A_12, %get3A_13] : memref<1000x128xf32, #tpu.memory_space<vmem>>, vector<1000x128xf32>
    %add3A_15 = arith.addf %add3A, %get3A_14 : vector<1000x128xf32>
    %mul3A = vector.broadcast %get3A_1 : vector<1000x1xf32> to vector<1000x128xf32>
    %mul3A_16 = arith.mulf %mul3A, %add3A_15 : vector<1000x128xf32>
    %get3A_17 = arith.constant 0 : index
    %get3A_18 = arith.constant 0 : index
    %get3A_19 = vector.load %arg4[%get3A_17, %get3A_18] : memref<1000x128xf32, #tpu.memory_space<vmem>>, vector<1000x128xf32>
    %add3A_20 = arith.addf %mul3A_16, %get3A_19 : vector<1000x128xf32>
    %swap3A = arith.constant 0 : index
    %swap3A_21 = arith.constant 0 : index
    %swap3A_22 = vector.load %arg5[%swap3A, %swap3A_21] : memref<1000x128xf32, #tpu.memory_space<vmem>>, vector<1000x128xf32>
    tpu.vector_store %arg5[%swap3A, %swap3A_21], %add3A_20 {strides = array<i32>} : memref<1000x128xf32, #tpu.memory_space<vmem>>, vector<1000x128xf32>,
    return
  }
  func.func @transform_0(%arg0: i32) -> (i32, i32, i32) {
    %c0_i32 = arith.constant 0 : i32
    %c0_i32_0 = arith.constant 0 : i32
    %c0_i32_1 = arith.constant 0 : i32
    return %c0_i32, %arg0, %c0_i32_0 : i32, i32, i32
  }
  func.func @transform_1(%arg0: i32) -> (i32, i32) {
    %c0_i32 = arith.constant 0 : i32
    %c0_i32_0 = arith.constant 0 : i32
    return %arg0, %c0_i32 : i32, i32
  }
  func.func @transform_2(%arg0: i32) -> (i32, i32) {
    %c0_i32 = arith.constant 0 : i32
    %c0_i32_0 = arith.constant 0 : i32
    return %arg0, %c0_i32 : i32, i32
  }
  func.func @transform_3(%arg0: i32) -> (i32, i32) {
    %c0_i32 = arith.constant 0 : i32
    %c0_i32_0 = arith.constant 0 : i32
    return %arg0, %c0_i32 : i32, i32
  }
  func.func @transform_4(%arg0: i32) -> (i32, i32) {
    %c0_i32 = arith.constant 0 : i32
    %c0_i32_0 = arith.constant 0 : i32
    return %arg0, %c0_i32 : i32, i32
  }
}

module attributes {stable_mosaic.version = 14 : i64} {
  func.func @_blend_body(%arg0: i32, %arg1: memref<2x1000x128xf32, #tpu.memory_space<vmem>>, %arg2: memref<1000x128xf32, #tpu.memory_space<vmem>>, %arg3: memref<1000x1xf32, #tpu.memory_space<vmem>>, %arg4: memref<1000x128xf32, #tpu.memory_space<vmem>>, %arg5: memref<1000x128xf32, #tpu.memory_space<vmem>>) attributes {dimension_semantics = [#tpu.dimension_semantics<arbitrary>], iteration_bounds = array<i64: 10>, scalar_prefetch = 0 : i64, scratch_operands = 0 : i64, tpu.core_type = #tpu.core_type<tc>, window_params = [{transform_indices = @transform_0, window_bounds = array<i64: 2, 1000, 128>}, {transform_indices = @transform_1, window_bounds = array<i64: 1000, 128>}, {transform_indices = @transform_2, window_bounds = array<i64: 1000, 1>}, {transform_indices = @transform_3, window_bounds = array<i64: 1000, 128>}, {transform_indices = @transform_4, window_bounds = array<i64: 1000, 128>}]} {
    %get3A = arith.constant 0 : index
    %get3A_0 = arith.constant 0 : index
    %get3A_1 = vector.load %arg3[%get3A, %get3A_0] : memref<1000x1xf32, #tpu.memory_space<vmem>>, vector<1000x1xf32>
    %get3A_2 = arith.constant 0 : index
    %get3A_3 = arith.constant 0 : index
    %get3A_4 = arith.constant 0 : index
    %get3A_5 = vector.load %arg1[%get3A_2, %get3A_3, %get3A_4] : memref<2x1000x128xf32, #tpu.memory_space<vmem>>, vector<1x1000x128xf32>
    %get3A_6 = vector.shape_cast %get3A_5 : vector<1x1000x128xf32> to vector<1000x128xf32>
    %get3A_7 = arith.constant 1 : index
    %get3A_8 = arith.constant 0 : index
    %get3A_9 = arith.constant 0 : index
    %get3A_10 = vector.load %arg1[%get3A_7, %get3A_8, %get3A_9] : memref<2x1000x128xf32, #tpu.memory_space<vmem>>, vector<1x1000x128xf32>
    %get3A_11 = vector.shape_cast %get3A_10 : vector<1x1000x128xf32> to vector<1000x128xf32>
    %add3A = arith.addf %get3A_6, %get3A_11 : vector<1000x128xf32>
    %get3A_12 = arith.constant 0 : index
    %get3A_13 = arith.constant 0 : index
    %get3A_14 = vector.load %arg2[%get3A_12, %get3A_13] : memref<1000x128xf32, #tpu.memory_space<vmem>>, vector<1000x128xf32>
    %add3A_15 = arith.addf %add3A, %get3A_14 : vector<1000x128xf32>
    %mul3A = vector.broadcast %get3A_1 : vector<1000x1xf32> to vector<1000x128xf32>
    %mul3A_16 = arith.mulf %mul3A, %add3A_15 : vector<1000x128xf32>
    %get3A_17 = arith.constant 0 : index
    %get3A_18 = arith.constant 0 : index
    %get3A_19 = vector.load %arg4[%get3A_17, %get3A_18] : memref<1000x128xf32, #tpu.memory_space<vmem>>, vector<1000x128xf32>
    %add3A_20 = arith.addf %mul3A_16, %get3A_19 : vector<1000x128xf32>
    %swap3A = arith.constant 0 : index
    %swap3A_21 = arith.constant 0 : index
    %swap3A_22 = vector.load %arg5[%swap3A, %swap3A_21] : memref<1000x128xf32, #tpu.memory_space<vmem>>, vector<1000x128xf32>
    tpu.vector_store %arg5[%swap3A, %swap3A_21], %add3A_20 {strides = array<i32>} : memref<1000x128xf32, #tpu.memory_space<vmem>>, vector<1000x128xf32>,
    return
  }
  func.func @transform_0(%arg0: i32) -> (i32, i32, i32) {
    %c0_i32 = arith.constant 0 : i32
    %c0_i32_0 = arith.constant 0 : i32
    %c0_i32_1 = arith.constant 0 : i32
    return %c0_i32, %arg0, %c0_i32_0 : i32, i32, i32
  }
  func.func @transform_1(%arg0: i32) -> (i32, i32) {
    %c0_i32 = arith.constant 0 : i32
    %c0_i32_0 = arith.constant 0 : i32
    return %arg0, %c0_i32 : i32, i32
  }
  func.func @transform_2(%arg0: i32) -> (i32, i32) {
    %c0_i32 = arith.constant 0 : i32
    %c0_i32_0 = arith.constant 0 : i32
    return %arg0, %c0_i32 : i32, i32
  }
  func.func @transform_3(%arg0: i32) -> (i32, i32) {
    %c0_i32 = arith.constant 0 : i32
    %c0_i32_0 = arith.constant 0 : i32
    return %arg0, %c0_i32 : i32, i32
  }
  func.func @transform_4(%arg0: i32) -> (i32, i32) {
    %c0_i32 = arith.constant 0 : i32
    %c0_i32_0 = arith.constant 0 : i32
    return %arg0, %c0_i32 : i32, i32
  }
}

</mosaic_0001>

<sc_bundles>
// kernel: kernel.25.cloned.1.call-start
scs
__scs_entry_jumppad:
0x0: {  	(pc) =	sbr.rel $0x88, $3  }
0x1: {  	(tag) =	ssettag $0x0;
	lr =	simm.s32 $0x1  }
0x2: {  	[smem:$0x3F9D] =	sst lr;
	_ =	strace $0xD0000000  }
0x3: {  	_ = 	snop  }
0x4: {  	_ = 	snop  }
0x5: {  	_ = 	snop  }
0x6: {  	_ = 	snop  }
0x7: {  	_ = 	snop  }
__scs_overlays_trampoline_lowered:
0x8: {  	[smem:$0x3FAC] =	sst s0  }
0x9: {  	[smem:$0x3FAD] =	sst s1  }
0xa: {  	[smem:$0x3FAE] =	sst s2  }
0xb: {  	[smem:$0x3FAF] =	sst s3  }
0xc: {  	[smem:$0x3FB0] =	sst s4  }
0xd: {  	[smem:$0x3FB1] =	sst s5  }
0xe: {  	[smem:$0x3FB2] =	sst s6  }
0xf: {  	[smem:$0x3FB3] =	sst s7  }
0x10: {  	[smem:$0x3FB4] =	sst s8  }
0x11: {  	[smem:$0x3FB5] =	sst s9;
	s0 =	simm.s32 @!p0 $0x0  }
0x12: {  	s1 =	sld [smem:$0x3F9B];
	s0 =	simm.s32 @p0 $0x1  }
0x13: {  	[smem:$0x3FB6] =	sst s0;
	s0 =	simm.s32 @!p1 $0x0  }
0x14: {  	s2 =	sld [smem:$0x3F9A];
	s0 =	simm.s32 @p1 $0x1  }
0x15: {  	[smem:$0x3FB7] =	sst s0;
	s0 =	simm.s32 @!p2 $0x0  }
0x16: {  	s3 =	sld [smem:$0x3FDB];
	s0 =	simm.s32 @p2 $0x1  }
0x17: {  	s4 =	simm.s32 $0x1BF5;
	[smem:$0x3FB9] =	sst s0  }
0x18: {  	s0 =	sld [smem:$0x3F9C];
	_ =	swait.ge [sflag:s4], $0x0  }
0x19: {  	s7 =	sld [smem:$0x3F9D]  }
0x1a: {  	s8 =	sadd.s32 $0xFFFFE003, lr  }
0x1b: {  	s9 =	sadd.s32 $0xFFFFFEF7, lr;
	s5 =	simm.s32 $0xFFFFFFFF;
	p2 =	slt.u32 s8, $0xFFFFF086  }
0x1c: {  	p1 =	slt.u32 s9, $0xF7A;
	s5 =	simm.s32 @!p2 $0x0  }
0x1d: {  	s5 =	simm.s32 @p1 $0x1;
	p0 =	seq.s32 s7, s2  }
0x1e: {  	s7 =	smul.u32 @!p0 $0xF7A, s2;
	p2 =	seq.s32 @!p0 s5, $0x0  }
0x1f: {  	s9 =	smul.u32 $0xF7A, s1;
	s8 =	simm.s32 @!p0 $0x1BF5;
	p2 =	por !p2, p0  }
0x20: {  	[sflag:s8] =	ssyncset.s32 @!p0 $0xFFFFF086;
	s6 =	sadd.s32 @!p0 s3, s7;
	s7 =	simm.s32 @!p0 $0x108  }
0x21: {  	s3 =	sadd.s32 s3, s9;
	s6 =	sadd.s32 @!p0 $0x88, s6;
	s7 =	simm.s32 @p2 $0x1082  }
0x22: {  	[simem:s7], [sflag:s8] =	dma.local @!p0 [hbm:s6], $0xF7A  }
0x23: {  	s9 =	sor.u32 $0xD0000000, s2;
	s6 =	simm.s32 $0x108;
	_ =	swait.ge @!p0 [sflag:s8], $0x0  }
0x24: {  	s3 =	sadd.s32 $0x88, s3;
	s6 =	simm.s32 @!p1 $0x1082;
	[sflag:s4] =	ssyncset.s32 $0xFFFFF086  }
0x25: {  	[simem:s6], [sflag:s4] =	dma.local [hbm:s3], $0xF7A  }
0x26: {  	[smem:$0x3F9D] =	sst s1;
	(tag) =	ssettag s2;
	_ =	strace s9  }
0x27: {  	s1 =	sld [smem:$0x3FAD]  }
0x28: {  	s2 =	sld [smem:$0x3FAE]  }
0x29: {  	s4 =	sld [smem:$0x3FB0]  }
0x2a: {  	p0 =	seq.s32 s5, $0x0;
	s5 =	sld [smem:$0x3FB1]  }
0x2b: {  	s6 =	sld [smem:$0x3FB2]  }
0x2c: {  	s7 =	sld [smem:$0x3FB3]  }
0x2d: {  	s3 =	simm.s32 $0x108;
	s8 =	sld [smem:$0x3FB4]  }
0x2e: {  	s3 =	simm.s32 @!p0 $0x1082;
	s9 =	sld [smem:$0x3FB5]  }
0x2f: {  	lr =	sadd.s32 s0, s3;
	s0 =	sld [smem:$0x3FAC]  }
0x30: {  	s3 =	sld [smem:$0x3FAF]  }
0x31: {  	[smem:$0x3FB8] =	sst s10  }
0x32: {  	s10 =	sld [smem:$0x3FB6];
	_ =	sdelay $0x3  }
0x33: {  	p0 =	seq.s32 s10, $0x1;
	s10 =	sld [smem:$0x3FB8];
	_ =	sdelay $0x3  }
0x34: {  	[smem:$0x3FB8] =	sst s10  }
0x35: {  	s10 =	sld [smem:$0x3FB7];
	_ =	sdelay $0x3  }
0x36: {  	p1 =	seq.s32 s10, $0x1;
	s10 =	sld [smem:$0x3FB8];
	_ =	sdelay $0x3  }
0x37: {  	[smem:$0x3FB8] =	sst s10  }
0x38: {  	s10 =	sld [smem:$0x3FB9]  }
0x39: {  	_ = 	snop;
	(pc) =	sbr.ind lr, $3  }
0x3a: {  	_ = 	snop  }
0x3b: {  	_ = 	snop  }
0x3c: {  	p2 =	seq.s32 s10, $0x1;
	s10 =	sld [smem:$0x3FB8]  }
0x3d: {  	_ =	shalt  }
0x3e: {  	_ =	shalt  }
0x3f: {  	_ =	shalt  }
0x40: {  	_ =	shalt  }
0x41: {  	_ =	shalt  }
0x42: {  	_ =	shalt  }
0x43: {  	_ =	shalt  }
0x44: {  	_ =	shalt  }
0x45: {  	_ =	shalt  }
0x46: {  	_ =	shalt  }
0x47: {  	_ =	shalt  }
0x48: {  	_ =	shalt  }
0x49: {  	_ =	shalt  }
0x4a: {  	_ =	shalt  }
0x4b: {  	_ =	shalt  }
0x4c: {  	_ =	shalt  }
0x4d: {  	_ =	shalt  }
0x4e: {  	_ =	shalt  }
0x4f: {  	_ =	shalt  }
0x50: {  	_ =	shalt  }
0x51: {  	_ =	shalt  }
0x52: {  	_ =	shalt  }
0x53: {  	_ =	shalt  }
0x54: {  	_ =	shalt  }
0x55: {  	_ =	shalt  }
0x56: {  	_ =	shalt  }
0x57: {  	_ =	shalt  }
0x58: {  	_ =	shalt  }
0x59: {  	_ =	shalt  }
0x5a: {  	_ =	shalt  }
0x5b: {  	_ =	shalt  }
0x5c: {  	_ =	shalt  }
0x5d: {  	_ =	shalt  }
0x5e: {  	_ =	shalt  }
0x5f: {  	_ =	shalt  }
0x60: {  	_ =	shalt  }
0x61: {  	_ =	shalt  }
0x62: {  	_ =	shalt  }
0x63: {  	_ =	shalt  }
0x64: {  	_ =	shalt  }
0x65: {  	_ =	shalt  }
0x66: {  	_ =	shalt  }
0x67: {  	_ =	shalt  }
0x68: {  	_ =	shalt  }
0x69: {  	_ =	shalt  }
0x6a: {  	_ =	shalt  }
0x6b: {  	_ =	shalt  }
0x6c: {  	_ =	shalt  }
0x6d: {  	_ =	shalt  }
0x6e: {  	_ =	shalt  }
0x6f: {  	_ =	shalt  }
0x70: {  	_ =	shalt  }
0x71: {  	_ =	shalt  }
0x72: {  	_ =	shalt  }
0x73: {  	_ =	shalt  }
0x74: {  	_ =	shalt  }
0x75: {  	_ =	shalt  }
0x76: {  	_ =	shalt  }
0x77: {  	_ =	shalt  }
0x78: {  	_ =	shalt  }
0x79: {  	_ =	shalt  }
0x7a: {  	_ =	shalt  }
0x7b: {  	_ =	shalt  }
0x7c: {  	_ =	shalt  }
0x7d: {  	_ =	shalt  }
0x7e: {  	_ =	shalt  }
0x7f: {  	_ =	shalt  }
0x80: {  	_ =	shalt  }
0x81: {  	_ =	shalt  }
0x82: {  	_ =	shalt  }
0x83: {  	_ =	shalt  }
0x84: {  	_ =	shalt  }
0x85: {  	_ =	shalt  }
0x86: {  	_ =	shalt  }
0x87: {  	_ =	shalt  }
.Lfunc_end0:
.L_simem_size_0:
called_computation_lowered:
.L_overlay_start_0:
0x88: {  	s2 =	sld [smem:$0x3FD9]  }
0x89: {  	s3 =	sld [smem:$0x3FFE];
	_ =	sdelay $0x1  }
0x8a: {  	s1 =	srdreg.scid  }
0x8b: {  	s0 =	sand.u32 $0x1, s1  }
0x8c: {  	s16 =	sshll.u32 s0, $0xA;
	s2 =	sadd.s32 s3, s2  }
0x8d: {  	s2 =	sadd.s32 s2, s16  }
0x8e: {  	[smem:$0x3FC4] =	sst s2  }
0x8f: {  	_ = 	snop  }
0x90: {  	(tm) =	ssettm $0x1  }
0x91: {  	s17 =	sld [smem:$0x3FFB];
	_ =	sdelay $0x3  }
0x92: {  	_ =	strace s17  }
0x93: {  	s2 =	sld [smem:$0x3FFC];
	_ =	sdelay $0x3  }
0x94: {  	_ =	strace s2  }
0x95: {  	s2 =	sld [smem:$0x3FFD];
	_ =	sdelay $0x3  }
0x96: {  	_ =	strace s2  }
0x97: {  	_ =	strace $0x8FFFFFFF  }
0x98: {  	s18 =	sld [smem:$0x3FDB];
	_ =	sdelay $0x1  }
0x99: {  	s19 =	simm.s32 $_scs_section_size  }
0x9a: {  	s4 =	simm.s32 $_size__tile_overlayer_lowered;
	s5 =	simm.s32 $_tile_overlayer_lowered  }
0x9b: {  	s22 =	simm.s32 $0x1BFF;
	s21 =	sshll.u32 s5, $0x1;
	s2 =	sadd.s32 s19, s18  }
0x9c: {  	s6 =	simm.s32 $0x0;
	s20 =	sshll.u32 s4, $0x1;
	s4 =	sadd.s32 s21, s2  }
0x9d: {  	[timem:s6], [sflag:s22] =	dma.local [hbm:s4], s20  }
0x9e: {  	_ =	swait.ge [sflag:s22], s20  }
0x9f: {  	s3 =	ssub.s32 $0x0, s20;
	[sflag:s22] =	ssyncset.done $0x0  }
0xa0: {  	[sflag:s22] =	ssyncadd.s32 s3;
	_ =	sdelay $0x1  }
0xa1: {  	s23 =	simm.s32 $0x1B8B  }
0xa2: {  	_ =	swait.ge [sflag:s23], $0x1  }
0xa3: {  	[sflag:s23] =	ssyncset.done $0x0  }
0xa4: {  	s25 =	simm.s32 $0x1B8E;
	s24 =	sld [smem:$0x3FFE];
	[sflag:s23] =	ssyncadd.s32 $0xFFFFFFFF  }
0xa5: {  	s26 =	simm.s32 $execute0_lowered;
	[smem:$0x3FD2] =	sst s25  }
0xa6: {  	s4 =	sshll.u32 s26, $0x1;
	_ =	strace $0x80000046;
	[dreg:$0x1] =	wrdreg $0xFFFFFFFF  }
0xa7: {  	s28 =	simm.s32 $_size_execute0_lowered;
	s2 =	sadd.s32 s2, s4;
	[dreg:$0x0] =	wrdreg $0x0  }
0xa8: {  	s4 =	sshll.u32 s28, $0x1;
	[dreg:$0x2] =	wrdreg s2  }
0xa9: {  	[dreg:$0x3] =	wrdreg s4  }
0xaa: {  	[dreg:$0x4] =	wrdreg $0xC0  }
0xab: {  	_ =	task [dreg:s6], $0x5FFFF  }
0xac: {  	[dreg:$0x1] =	wrdreg $0xFFFFFFFF  }
0xad: {  	[dreg:$0x0] =	wrdreg $0x60  }
0xae: {  	[dreg:$0x2] =	wrdreg s24  }
0xaf: {  	[dreg:$0x3] =	wrdreg $0x68000  }
0xb0: {  	[dreg:$0x4] =	wrdreg $0x9  }
0xb1: {  	_ =	task.clear_ibuf [dreg:s6], $0x5FFFF;
	_ =	strace $0x90000046  }
0xb2: {  	s29 =	simm.s32 $0x9;
	_ =	strace $0x80000048  }
0xb3: {  	_ =	swait.ge [sflag:s29], $0x1  }
0xb4: {  	[sflag:s29] =	ssyncadd.s32 $0xFFFFFFFF  }
0xb5: {  	_ =	strace $0x90000048  }
0xb6: {  	_ =	sfence  }
0xb7: {  	s30 =	sld [smem:$0x0];
	_ =	sdelay $0x2  }
0xb8: {  	s31 =	sshll.u32 s1, $0xD;
	s1 =	sshrl.u32 s1, $0x2  }
0xb9: {  	s3 =	sand.u32 $0x4000, s31;
	s1 =	sadd.s32 s1, s30  }
0xba: {  	s0 =	sor.u32 s3, s0;
	s1 =	sshll.u32 s1, $0x11  }
0xbb: {  	s0 =	sor.u32 s1, s0  }
0xbc: {  	s0 =	sadd.s32 $0x8F2B, s0  }
0xbd: {  	[sflag:s0] =	ssyncadd.remote.s32 $0x1  }
0xbe: {  	_ =	sfence.sel $0xFFFF  }
0xbf: {  	[dreg:$0x0] =	wrdreg $0xFFFFFFFF;
	(pc) =	sbr.abs _section_cstart, $3  }
0xc0: {  	[dreg:$0x1] =	wrdreg $0xFFFFFFFF  }
0xc1: {  	_ =	task.clear_ibuf [dreg:s6], $0x2FFFF;
	_ =	strace $0x9FFFFFFF  }
0xc2: {  	(tm) =	ssettm $0x7FFFFFFF  }
0xc3: {  	_ =	shalt  }
tec
execute0_lowered:
.L_overlay_start_1:
0x0: {  	(tag) =	ssettag $0x1  }
0x1: {  	s7 =	rddreg [dreg:$0x0]  }
0x2: {  	s0 =	srdreg.scid;
	s2 =	rddreg [dreg:$0x1]  }
0x3: {  	s3 =	simm.s32 $0x0;
	s13 =	simm.s32 $0x80;
	s6 =	sand.u32 $0x1, s0  }
0x4: {  	s14 =	simm.s32 $0x0;
	s0 =	stileid.u32;
	s5 =	smul.u32 $0x140000, s6  }
0x5: {  	[smem:$0x7FF] =	sst s3;
	s1 =	sshll.u32 s6, $0x4;
	s8 =	smul.u32 $0x14000, s0  }
0x6: {  	s10 =	smul.u32 $0x50000, s0;
	s6 =	ssub.s32 $0x2, s6;
	s11 =	sshll.u32 s0, $0x6  }
0x7: {  	s1 =	sor.u32 s0, s1;
	s31 =	sshrl.u32 s6, $0x1;
	s11 =	sor.u32 $0x1C01, s11  }
0x8: {  	s4 =	smul.u32 $0x500, s1;
	s1 =	rddreg [dreg:$0x2];
	_ =	strace $0x80000047  }
0x9: {  	s8 =	sadd.s32 s8, s5;
	s5 =	sadd.s32 $0x11600, s7;
	s10 =	sshrl.u32 s10, $0x2  }
0xa: {  	s8 =	sshrl.u32 s8, $0x3;
	s12 =	sadd.s32 s10, s2;
	s10 =	simm.s32 $0x2800  }
0xb: {  	s9 =	sadd.s32 s4, s7;
	s4 =	sadd.s32 $0x10E00, s7;
	s7 =	sadd.s32 s8, s7  }
0xc: {  	s8 =	ssub.s32 s6, s31;
	s12 =	sshrl.u32 s12, $0x3;
	s6 =	sadd.s32 $0x6E00, s9  }
0xd: {  	s7 =	sadd.s32 $0x13E00, s7;
	s8 =	smax.u32 s8, $0x1;
	s9 =	simm.s32 $0x1  }
.LBB2_1:
0xe: {  	[tilespmem:s3], [sflag:$0x1] =	stream.linear.gather [hbm4b:s6+s3], $0x2780, $0x38;
	[tilespmem:$0x1A800] =	vst v63  }
0xf: {  	_ =	swait.ge [sflag:s9], $0x2780  }
0x10: {  	[sflag:s9] =	ssyncset.done $0x0  }
0x11: {  	[sflag:s9] =	ssyncadd.s32 $0xFFFFD880  }
0x12: {  	[tilespmem:s10], [sflag:$0x1] =	stream.linear.gather [hbm4b:s4+s3], $0x4000, $0x38;
	[tilespmem:$0x1A800] =	vst v63  }
0x13: {  	_ =	swait.ge [sflag:s9], $0x4000  }
0x14: {  	[sflag:s9] =	ssyncset.done $0x0  }
0x15: {  	[sflag:s9] =	ssyncadd.s32 $0xFFFFC000  }
0x16: {  	[spmem:s12], [sflag:s11] =	dma.local [hbm:s5], $0x2800  }
0x17: {  	_ =	swait.ge [sflag:s9], $0x2800  }
0x18: {  	[sflag:s9] =	ssyncset.done $0x0  }
0x19: {  	[sflag:s9] =	ssyncadd.s32 $0xFFFFD800  }
0x1a: {  	s15 =	simm.s32 $0x0;
	[bflag:$0x0] =	sbarrier.arrive $0xFFFF  }
0x1b: {  	[spmem:s2] =	stream.indirect.scatter.add.f32 [tilespmem:s10], [sflag:$0x1], $0x80, s15, s13, $0xb8;
	[tilespmem:$0x1A800] =	vst v63  }
0x1c: {  	_ =	swait.ge [sflag:s9], $0x4000  }
0x1d: {  	s15 =	simm.s32 $0x200;
	[sflag:s9] =	ssyncset.done $0x0  }
.LBB2_2:
0x1e: {  	s16 =	sshra.s32 s15, $0x2;
	[sflag:s9] =	ssyncadd.s32 $0xFFFFC000;
	p0 =	sne.s32 s15, $0x9C00  }
0x1f: {  	[spmem:s2] =	stream.indirect.scatter.add.f32 [tilespmem:s10], [sflag:$0x1], $0x80, s16, s13, $0xb8;
	[tilespmem:$0x1A800] =	vst v63  }
.Ltmp0:
0x20: {  	_ = 	snop;
	(pc) =	sbr.rel @p0 .LBB2_2-.Ltmp0, $4  }
0x21: {  	_ = 	snop  }
0x22: {  	s15 =	sadd.s32 $0x200, s15  }
0x23: {  	_ =	swait.ge [sflag:s9], $0x4000  }
0x24: {  	[sflag:s9] =	ssyncset.done $0x0  }
0x25: {  	s14 =	sadd.s32 $0x1, s14  }
0x26: {  	[sflag:s9] =	ssyncadd.s32 $0xFFFFC000;
	p0 =	sne.s32 s14, s8  }
.Ltmp1:
0x27: {  	[bflag:$0x0] =	sbarrier.arrive $0xFFFF;
	(pc) =	sbr.rel @p0 .LBB2_1-.Ltmp1, $4  }
0x28: {  	[hbm:s7], [sflag:s11] =	dma.local [spmem:s12], $0x2800  }
0x29: {  	_ =	swait.ge [sflag:s9], $0x2800  }
0x2a: {  	[sflag:s9] =	ssyncset.done $0x0  }
0x2b: {  	[sflag:s9] =	ssyncadd.s32 $0xFFFFD800  }
0x2c: {  	_ =	sfence.sel $0x180000  }
0x2d: {  	[bflag:$0x0] =	sbarrier.arrive $0xFFFF  }
0x2e: {  	p0 =	sne.s32 s0, $0x0;
	_ =	strace $0x90000047  }
0x2f: {  	s0 =	sadd.s32 @!p0 $0x100000, s1;
	[bflag:$0x2] =	sbarrier.arrive $0xFFFF  }
0x30: {  	[sflag:s0] =	ssyncadd.tile.s32 @!p0 $0x1;
	_ =	shalt  }
.Lfunc_end2:
_tile_overlayer_lowered:
.L_overlay_start_2:
0x31: {  	(tag) =	ssettag $0x2  }
0x32: {  	s0 =	rddreg [dreg:$0x0];
	s2 =	stileid.u32  }
0x33: {  	s1 =	rddreg [dreg:$0x1];
	p0 =	sne.s32 s2, $0x0  }
0x34: {  	s3 =	rddreg [dreg:$0x2];
	[bflag:$0x3] =	sbarrier.arrive $0xFFFF;
	s2 =	simm.s32 @!p0 $0x1C01  }
0x35: {  	[timem:s3], [sflag:s2] =	dma.local @!p0 [hbm:s0], s1  }
0x36: {  	s0 =	simm.s32 @!p0 $0x1  }
0x37: {  	_ =	swait.ge @!p0 [sflag:s0], s1  }
0x38: {  	s1 =	ssub.s32 @!p0 $0x0, s1;
	[sflag:s0] =	ssyncset.done @!p0 $0x0  }
0x39: {  	[sflag:s0] =	ssyncadd.s32 @!p0 s1  }
0x3a: {  	[bflag:$0x3] =	sbarrier.arrive $0xFFFF  }
0x3b: {  	_ =	shalt  }

// kernel: kernel.28.cloned.1.call-start
scs
__scs_entry_jumppad:
0x0: {  	(pc) =	sbr.rel $0x88, $3  }
0x1: {  	(tag) =	ssettag $0x0;
	lr =	simm.s32 $0x1  }
0x2: {  	[smem:$0x3F9D] =	sst lr;
	_ =	strace $0xD0000000  }
0x3: {  	_ = 	snop  }
0x4: {  	_ = 	snop  }
0x5: {  	_ = 	snop  }
0x6: {  	_ = 	snop  }
0x7: {  	_ = 	snop  }
__scs_overlays_trampoline_lowered:
0x8: {  	[smem:$0x3FAC] =	sst s0  }
0x9: {  	[smem:$0x3FAD] =	sst s1  }
0xa: {  	[smem:$0x3FAE] =	sst s2  }
0xb: {  	[smem:$0x3FAF] =	sst s3  }
0xc: {  	[smem:$0x3FB0] =	sst s4  }
0xd: {  	[smem:$0x3FB1] =	sst s5  }
0xe: {  	[smem:$0x3FB2] =	sst s6  }
0xf: {  	[smem:$0x3FB3] =	sst s7  }
0x10: {  	[smem:$0x3FB4] =	sst s8  }
0x11: {  	[smem:$0x3FB5] =	sst s9;
	s0 =	simm.s32 @!p0 $0x0  }
0x12: {  	s1 =	sld [smem:$0x3F9B];
	s0 =	simm.s32 @p0 $0x1  }
0x13: {  	[smem:$0x3FB6] =	sst s0;
	s0 =	simm.s32 @!p1 $0x0  }
0x14: {  	s2 =	sld [smem:$0x3F9A];
	s0 =	simm.s32 @p1 $0x1  }
0x15: {  	[smem:$0x3FB7] =	sst s0;
	s0 =	simm.s32 @!p2 $0x0  }
0x16: {  	s3 =	sld [smem:$0x3FDB];
	s0 =	simm.s32 @p2 $0x1  }
0x17: {  	s4 =	simm.s32 $0x1BF5;
	[smem:$0x3FB9] =	sst s0  }
0x18: {  	s0 =	sld [smem:$0x3F9C];
	_ =	swait.ge [sflag:s4], $0x0  }
0x19: {  	s7 =	sld [smem:$0x3F9D]  }
0x1a: {  	s8 =	sadd.s32 $0xFFFFE003, lr  }
0x1b: {  	s9 =	sadd.s32 $0xFFFFFEF7, lr;
	s5 =	simm.s32 $0xFFFFFFFF;
	p2 =	slt.u32 s8, $0xFFFFF086  }
0x1c: {  	p1 =	slt.u32 s9, $0xF7A;
	s5 =	simm.s32 @!p2 $0x0  }
0x1d: {  	s5 =	simm.s32 @p1 $0x1;
	p0 =	seq.s32 s7, s2  }
0x1e: {  	s7 =	smul.u32 @!p0 $0xF7A, s2;
	p2 =	seq.s32 @!p0 s5, $0x0  }
0x1f: {  	s9 =	smul.u32 $0xF7A, s1;
	s8 =	simm.s32 @!p0 $0x1BF5;
	p2 =	por !p2, p0  }
0x20: {  	[sflag:s8] =	ssyncset.s32 @!p0 $0xFFFFF086;
	s6 =	sadd.s32 @!p0 s3, s7;
	s7 =	simm.s32 @!p0 $0x108  }
0x21: {  	s3 =	sadd.s32 s3, s9;
	s6 =	sadd.s32 @!p0 $0x88, s6;
	s7 =	simm.s32 @p2 $0x1082  }
0x22: {  	[simem:s7], [sflag:s8] =	dma.local @!p0 [hbm:s6], $0xF7A  }
0x23: {  	s9 =	sor.u32 $0xD0000000, s2;
	s6 =	simm.s32 $0x108;
	_ =	swait.ge @!p0 [sflag:s8], $0x0  }
0x24: {  	s3 =	sadd.s32 $0x88, s3;
	s6 =	simm.s32 @!p1 $0x1082;
	[sflag:s4] =	ssyncset.s32 $0xFFFFF086  }
0x25: {  	[simem:s6], [sflag:s4] =	dma.local [hbm:s3], $0xF7A  }
0x26: {  	[smem:$0x3F9D] =	sst s1;
	(tag) =	ssettag s2;
	_ =	strace s9  }
0x27: {  	s1 =	sld [smem:$0x3FAD]  }
0x28: {  	s2 =	sld [smem:$0x3FAE]  }
0x29: {  	s4 =	sld [smem:$0x3FB0]  }
0x2a: {  	p0 =	seq.s32 s5, $0x0;
	s5 =	sld [smem:$0x3FB1]  }
0x2b: {  	s6 =	sld [smem:$0x3FB2]  }
0x2c: {  	s7 =	sld [smem:$0x3FB3]  }
0x2d: {  	s3 =	simm.s32 $0x108;
	s8 =	sld [smem:$0x3FB4]  }
0x2e: {  	s3 =	simm.s32 @!p0 $0x1082;
	s9 =	sld [smem:$0x3FB5]  }
0x2f: {  	lr =	sadd.s32 s0, s3;
	s0 =	sld [smem:$0x3FAC]  }
0x30: {  	s3 =	sld [smem:$0x3FAF]  }
0x31: {  	[smem:$0x3FB8] =	sst s10  }
0x32: {  	s10 =	sld [smem:$0x3FB6];
	_ =	sdelay $0x3  }
0x33: {  	p0 =	seq.s32 s10, $0x1;
	s10 =	sld [smem:$0x3FB8];
	_ =	sdelay $0x3  }
0x34: {  	[smem:$0x3FB8] =	sst s10  }
0x35: {  	s10 =	sld [smem:$0x3FB7];
	_ =	sdelay $0x3  }
0x36: {  	p1 =	seq.s32 s10, $0x1;
	s10 =	sld [smem:$0x3FB8];
	_ =	sdelay $0x3  }
0x37: {  	[smem:$0x3FB8] =	sst s10  }
0x38: {  	s10 =	sld [smem:$0x3FB9]  }
0x39: {  	_ = 	snop;
	(pc) =	sbr.ind lr, $3  }
0x3a: {  	_ = 	snop  }
0x3b: {  	_ = 	snop  }
0x3c: {  	p2 =	seq.s32 s10, $0x1;
	s10 =	sld [smem:$0x3FB8]  }
0x3d: {  	_ =	shalt  }
0x3e: {  	_ =	shalt  }
0x3f: {  	_ =	shalt  }
0x40: {  	_ =	shalt  }
0x41: {  	_ =	shalt  }
0x42: {  	_ =	shalt  }
0x43: {  	_ =	shalt  }
0x44: {  	_ =	shalt  }
0x45: {  	_ =	shalt  }
0x46: {  	_ =	shalt  }
0x47: {  	_ =	shalt  }
0x48: {  	_ =	shalt  }
0x49: {  	_ =	shalt  }
0x4a: {  	_ =	shalt  }
0x4b: {  	_ =	shalt  }
0x4c: {  	_ =	shalt  }
0x4d: {  	_ =	shalt  }
0x4e: {  	_ =	shalt  }
0x4f: {  	_ =	shalt  }
0x50: {  	_ =	shalt  }
0x51: {  	_ =	shalt  }
0x52: {  	_ =	shalt  }
0x53: {  	_ =	shalt  }
0x54: {  	_ =	shalt  }
0x55: {  	_ =	shalt  }
0x56: {  	_ =	shalt  }
0x57: {  	_ =	shalt  }
0x58: {  	_ =	shalt  }
0x59: {  	_ =	shalt  }
0x5a: {  	_ =	shalt  }
0x5b: {  	_ =	shalt  }
0x5c: {  	_ =	shalt  }
0x5d: {  	_ =	shalt  }
0x5e: {  	_ =	shalt  }
0x5f: {  	_ =	shalt  }
0x60: {  	_ =	shalt  }
0x61: {  	_ =	shalt  }
0x62: {  	_ =	shalt  }
0x63: {  	_ =	shalt  }
0x64: {  	_ =	shalt  }
0x65: {  	_ =	shalt  }
0x66: {  	_ =	shalt  }
0x67: {  	_ =	shalt  }
0x68: {  	_ =	shalt  }
0x69: {  	_ =	shalt  }
0x6a: {  	_ =	shalt  }
0x6b: {  	_ =	shalt  }
0x6c: {  	_ =	shalt  }
0x6d: {  	_ =	shalt  }
0x6e: {  	_ =	shalt  }
0x6f: {  	_ =	shalt  }
0x70: {  	_ =	shalt  }
0x71: {  	_ =	shalt  }
0x72: {  	_ =	shalt  }
0x73: {  	_ =	shalt  }
0x74: {  	_ =	shalt  }
0x75: {  	_ =	shalt  }
0x76: {  	_ =	shalt  }
0x77: {  	_ =	shalt  }
0x78: {  	_ =	shalt  }
0x79: {  	_ =	shalt  }
0x7a: {  	_ =	shalt  }
0x7b: {  	_ =	shalt  }
0x7c: {  	_ =	shalt  }
0x7d: {  	_ =	shalt  }
0x7e: {  	_ =	shalt  }
0x7f: {  	_ =	shalt  }
0x80: {  	_ =	shalt  }
0x81: {  	_ =	shalt  }
0x82: {  	_ =	shalt  }
0x83: {  	_ =	shalt  }
0x84: {  	_ =	shalt  }
0x85: {  	_ =	shalt  }
0x86: {  	_ =	shalt  }
0x87: {  	_ =	shalt  }
.Lfunc_end0:
.L_simem_size_0:
called_computation.1_lowered:
.L_overlay_start_0:
0x88: {  	s2 =	sld [smem:$0x3FD9]  }
0x89: {  	s3 =	sld [smem:$0x3FFE];
	_ =	sdelay $0x1  }
0x8a: {  	s1 =	srdreg.scid  }
0x8b: {  	s0 =	sand.u32 $0x1, s1  }
0x8c: {  	s17 =	sshll.u32 s0, $0xA;
	s2 =	sadd.s32 s3, s2  }
0x8d: {  	s2 =	sadd.s32 s2, s17  }
0x8e: {  	[smem:$0x3FC4] =	sst s2  }
0x8f: {  	_ = 	snop  }
0x90: {  	s2 =	sld [smem:$0x3FD0];
	(tm) =	ssettm $0x1  }
0x91: {  	s18 =	sld [smem:$0x3FFB];
	_ =	sdelay $0x3  }
0x92: {  	_ =	strace s18  }
0x93: {  	s3 =	sld [smem:$0x3FFC];
	_ =	sdelay $0x3  }
0x94: {  	_ =	strace s3  }
0x95: {  	s3 =	sld [smem:$0x3FFD];
	_ =	sdelay $0x3  }
0x96: {  	_ =	strace s3  }
0x97: {  	_ =	strace $0x8FFFFFFF  }
0x98: {  	s19 =	sld [smem:$0x3FDB];
	_ =	sdelay $0x1  }
0x99: {  	s4 =	simm.s32 $_scs_section_size  }
0x9a: {  	s5 =	simm.s32 $_size__tile_overlayer_lowered;
	s6 =	simm.s32 $_tile_overlayer_lowered  }
0x9b: {  	s22 =	simm.s32 $0x1BFF;
	s21 =	sshll.u32 s6, $0x1;
	s3 =	sadd.s32 s4, s19  }
0x9c: {  	s7 =	simm.s32 $0x0;
	s20 =	sshll.u32 s5, $0x1;
	s5 =	sadd.s32 s21, s3  }
0x9d: {  	[timem:s7], [sflag:s22] =	dma.local [hbm:s5], s20  }
0x9e: {  	_ =	swait.ge [sflag:s22], s20  }
0x9f: {  	s4 =	ssub.s32 $0x0, s20;
	[sflag:s22] =	ssyncset.done $0x0  }
0xa0: {  	[sflag:s22] =	ssyncadd.s32 s4;
	_ =	sdelay $0x1  }
0xa1: {  	s23 =	simm.s32 $0x1B8B  }
0xa2: {  	_ =	swait.ge [sflag:s23], $0x1  }
0xa3: {  	[sflag:s23] =	ssyncset.done $0x0  }
0xa4: {  	s25 =	simm.s32 $0x1B8E;
	s24 =	sld [smem:$0x3FFE];
	[sflag:s23] =	ssyncadd.s32 $0xFFFFFFFF  }
0xa5: {  	s26 =	simm.s32 $execute0_lowered;
	[smem:$0x3FD2] =	sst s25  }
0xa6: {  	s5 =	sshll.u32 s26, $0x1;
	_ =	strace $0x80000049;
	[dreg:$0x1] =	wrdreg $0xFFFFFFFF  }
0xa7: {  	s28 =	simm.s32 $_size_execute0_lowered;
	s3 =	sadd.s32 s3, s5;
	[dreg:$0x0] =	wrdreg $0x0  }
0xa8: {  	s5 =	sshll.u32 s28, $0x1;
	[dreg:$0x2] =	wrdreg s3  }
0xa9: {  	[dreg:$0x3] =	wrdreg s5  }
0xaa: {  	[dreg:$0x4] =	wrdreg $0xC0  }
0xab: {  	_ =	task [dreg:s7], $0x5FFFF  }
0xac: {  	[dreg:$0x1] =	wrdreg $0xFFFFFFFF  }
0xad: {  	[dreg:$0x0] =	wrdreg $0x60  }
0xae: {  	[dreg:$0x2] =	wrdreg s2  }
0xaf: {  	[dreg:$0x3] =	wrdreg s24  }
0xb0: {  	[dreg:$0x4] =	wrdreg $0x90000  }
0xb1: {  	[dreg:$0x5] =	wrdreg $0x9  }
0xb2: {  	_ =	task.clear_ibuf [dreg:s7], $0x6FFFF;
	_ =	strace $0x90000049  }
0xb3: {  	s29 =	simm.s32 $0x9;
	_ =	strace $0x8000004B  }
0xb4: {  	_ =	swait.ge [sflag:s29], $0x1  }
0xb5: {  	[sflag:s29] =	ssyncadd.s32 $0xFFFFFFFF  }
0xb6: {  	_ =	strace $0x9000004B  }
0xb7: {  	_ =	sfence  }
0xb8: {  	s30 =	sld [smem:$0x0];
	_ =	sdelay $0x2  }
0xb9: {  	s31 =	sshll.u32 s1, $0xD;
	s1 =	sshrl.u32 s1, $0x2  }
0xba: {  	s3 =	sand.u32 $0x4000, s31;
	s1 =	sadd.s32 s1, s30  }
0xbb: {  	s0 =	sor.u32 s3, s0;
	s1 =	sshll.u32 s1, $0x11  }
0xbc: {  	s0 =	sor.u32 s1, s0  }
0xbd: {  	s0 =	sadd.s32 $0x8F2B, s0  }
0xbe: {  	[sflag:s0] =	ssyncadd.remote.s32 $0x1  }
0xbf: {  	_ =	sfence.sel $0xFFFF  }
0xc0: {  	[dreg:$0x0] =	wrdreg $0xFFFFFFFF;
	(pc) =	sbr.abs _section_cstart, $3  }
0xc1: {  	[dreg:$0x1] =	wrdreg $0xFFFFFFFF  }
0xc2: {  	_ =	task.clear_ibuf [dreg:s7], $0x2FFFF;
	_ =	strace $0x9FFFFFFF  }
0xc3: {  	(tm) =	ssettm $0x7FFFFFFF  }
tec
execute0_lowered:
.L_overlay_start_1:
0x0: {  	(tag) =	ssettag $0x1  }
0x1: {  	s2 =	rddreg [dreg:$0x0]  }
0x2: {  	s6 =	rddreg [dreg:$0x1]  }
0x3: {  	s0 =	srdreg.scid;
	s3 =	rddreg [dreg:$0x2];
	s4 =	simm.s32 $0x0  }
0x4: {  	s11 =	simm.s32 $0x2800;
	s14 =	simm.s32 $0x80;
	s5 =	sand.u32 $0x1, s0  }
0x5: {  	s15 =	simm.s32 $0x5000;
	s0 =	stileid.u32;
	s8 =	smul.u32 $0x140000, s5  }
0x6: {  	s16 =	simm.s32 $0x0;
	[smem:$0x7FF] =	sst s4;
	s9 =	smul.u32 $0x14000, s0  }
0x7: {  	s1 =	sshll.u32 s5, $0x4;
	s30 =	ssub.s32 $0x2, s5;
	s10 =	smul.u32 $0x50000, s0  }
0x8: {  	s5 =	sadd.s32 $0x11600, s6;
	s12 =	sshll.u32 s0, $0x6;
	s1 =	sor.u32 s0, s1  }
0x9: {  	s31 =	sshrl.u32 s30, $0x1;
	s12 =	sor.u32 $0x1C01, s12;
	s7 =	smul.u32 $0x500, s1  }
0xa: {  	s1 =	rddreg [dreg:$0x3];
	_ =	strace $0x8000004A;
	s8 =	sadd.s32 s9, s8  }
0xb: {  	s9 =	ssub.s32 s30, s31;
	s10 =	sshrl.u32 s10, $0x2;
	s8 =	sshrl.u32 s8, $0x3  }
0xc: {  	s13 =	sadd.s32 s10, s3;
	s9 =	smax.u32 s9, $0x1;
	s10 =	simm.s32 $0x1  }
0xd: {  	s7 =	sadd.s32 s7, s6;
	s8 =	sadd.s32 s8, s6;
	s13 =	sshrl.u32 s13, $0x3  }
0xe: {  	s6 =	sadd.s32 $0x63E00, s7;
	s7 =	sadd.s32 $0x6E00, s7;
	s8 =	sadd.s32 $0x6DE00, s8  }
.LBB2_1:
0xf: {  	[tilespmem:s4], [sflag:$0x1] =	stream.linear.gather [hbm4b:s6+s4], $0x2780, $0x38;
	[tilespmem:$0x1D000] =	vst v63  }
0x10: {  	_ =	swait.ge [sflag:s10], $0x2780  }
0x11: {  	[sflag:s10] =	ssyncset.done $0x0  }
0x12: {  	[sflag:s10] =	ssyncadd.s32 $0xFFFFD880  }
0x13: {  	[tilespmem:s11], [sflag:$0x1] =	stream.linear.gather [hbm4b:s7+s4], $0x2780, $0x38;
	[tilespmem:$0x1D000] =	vst v63  }
0x14: {  	_ =	swait.ge [sflag:s10], $0x2780  }
0x15: {  	[sflag:s10] =	ssyncset.done $0x0  }
0x16: {  	[sflag:s10] =	ssyncadd.s32 $0xFFFFD880  }
0x17: {  	[spmem:s13], [sflag:s12] =	dma.local [hbm:s5], $0x2800  }
0x18: {  	_ =	swait.ge [sflag:s10], $0x2800  }
0x19: {  	[sflag:s10] =	ssyncset.done $0x0  }
0x1a: {  	[sflag:s10] =	ssyncadd.s32 $0xFFFFD800  }
0x1b: {  	s17 =	simm.s32 $0x0;
	[bflag:$0x0] =	sbarrier.arrive $0xFFFF  }
0x1c: {  	[tilespmem:s15], [sflag:$0x1] =	stream.indirect.gather [hbm4b:s2+s14], $0x80, s17, s14, $0xb8;
	[tilespmem:$0x1D000] =	vst v63  }
0x1d: {  	_ =	swait.ge [sflag:s10], $0x4000  }
0x1e: {  	[sflag:s10] =	ssyncset.done $0x0  }
0x1f: {  	s31 =	simm.s32 $0x2800;
	[sflag:s10] =	ssyncadd.s32 $0xFFFFC000  }
0x20: {  	[spmem:s3] =	stream.indirect.scatter.add.f32 [tilespmem:s15], [sflag:$0x1], $0x80, s31, s14, $0xb8;
	[tilespmem:$0x1D000] =	vst v63  }
0x21: {  	_ =	swait.ge [sflag:s10], $0x4000  }
0x22: {  	s18 =	simm.s32 $0x400;
	s17 =	simm.s32 $0x200;
	[sflag:s10] =	ssyncset.done $0x0  }
.LBB2_2:
0x23: {  	s19 =	sshra.s32 s17, $0x2  }
0x24: {  	[sflag:s10] =	ssyncadd.s32 $0xFFFFC000;
	s17 =	smov.u32 s18;
	s20 =	sadd.s32 $0x200, s18  }
0x25: {  	[tilespmem:s15], [sflag:$0x1] =	stream.indirect.gather [hbm4b:s2+s14], $0x80, s19, s14, $0xb8;
	[tilespmem:$0x1D000] =	vst v63  }
0x26: {  	p0 =	sne.s32 s18, $0x9C00;
	_ =	swait.ge [sflag:s10], $0x4000  }
.Ltmp0:
0x27: {  	[sflag:s10] =	ssyncset.done $0x0;
	(pc) =	sbr.rel @p0 .LBB2_2-.Ltmp0, $4  }
0x28: {  	s18 =	sadd.s32 $0x2800, s19;
	[sflag:s10] =	ssyncadd.s32 $0xFFFFC000  }
0x29: {  	[spmem:s3] =	stream.indirect.scatter.add.f32 [tilespmem:s15], [sflag:$0x1], $0x80, s18, s14, $0xb8;
	[tilespmem:$0x1D000] =	vst v63  }
0x2a: {  	_ =	swait.ge [sflag:s10], $0x4000  }
0x2b: {  	s18 =	smov.u32 s20;
	[sflag:s10] =	ssyncset.done $0x0  }
0x2c: {  	s17 =	sshra.s32 s17, $0x2;
	[sflag:s10] =	ssyncadd.s32 $0xFFFFC000  }
0x2d: {  	[tilespmem:s15], [sflag:$0x1] =	stream.indirect.gather [hbm4b:s2+s14], $0x80, s17, s14, $0xb8;
	[tilespmem:$0x1D000] =	vst v63  }
0x2e: {  	_ =	swait.ge [sflag:s10], $0x4000  }
0x2f: {  	[sflag:s10] =	ssyncset.done $0x0  }
0x30: {  	s17 =	sadd.s32 $0x2800, s17;
	[sflag:s10] =	ssyncadd.s32 $0xFFFFC000  }
0x31: {  	[spmem:s3] =	stream.indirect.scatter.add.f32 [tilespmem:s15], [sflag:$0x1], $0x80, s17, s14, $0xb8;
	[tilespmem:$0x1D000] =	vst v63  }
0x32: {  	_ =	swait.ge [sflag:s10], $0x4000  }
0x33: {  	s16 =	sadd.s32 $0x1, s16;
	[sflag:s10] =	ssyncset.done $0x0  }
0x34: {  	p0 =	sne.s32 s16, s9;
	[sflag:s10] =	ssyncadd.s32 $0xFFFFC000  }
.Ltmp1:
0x35: {  	[bflag:$0x0] =	sbarrier.arrive $0xFFFF;
	(pc) =	sbr.rel @p0 .LBB2_1-.Ltmp1, $4  }
0x36: {  	[hbm:s8], [sflag:s12] =	dma.local [spmem:s13], $0x2800  }
0x37: {  	_ =	swait.ge [sflag:s10], $0x2800  }
0x38: {  	[sflag:s10] =	ssyncset.done $0x0  }
0x39: {  	[sflag:s10] =	ssyncadd.s32 $0xFFFFD800  }
0x3a: {  	_ =	sfence.sel $0x180000  }
0x3b: {  	[bflag:$0x0] =	sbarrier.arrive $0xFFFF  }
0x3c: {  	p0 =	sne.s32 s0, $0x0;
	_ =	strace $0x9000004A  }
0x3d: {  	s0 =	sadd.s32 @!p0 $0x100000, s1;
	[bflag:$0x2] =	sbarrier.arrive $0xFFFF  }
0x3e: {  	[sflag:s0] =	ssyncadd.tile.s32 @!p0 $0x1;
	_ =	shalt  }
.Lfunc_end2:
_tile_overlayer_lowered:
.L_overlay_start_2:
0x3f: {  	(tag) =	ssettag $0x2  }
0x40: {  	s0 =	rddreg [dreg:$0x0];
	s2 =	stileid.u32  }
0x41: {  	s1 =	rddreg [dreg:$0x1];
	p0 =	sne.s32 s2, $0x0  }
0x42: {  	s3 =	rddreg [dreg:$0x2];
	[bflag:$0x3] =	sbarrier.arrive $0xFFFF;
	s2 =	simm.s32 @!p0 $0x1C01  }
0x43: {  	[timem:s3], [sflag:s2] =	dma.local @!p0 [hbm:s0], s1  }
0x44: {  	s0 =	simm.s32 @!p0 $0x1  }
0x45: {  	_ =	swait.ge @!p0 [sflag:s0], s1  }
0x46: {  	s1 =	ssub.s32 @!p0 $0x0, s1;
	[sflag:s0] =	ssyncset.done @!p0 $0x0  }
0x47: {  	[sflag:s0] =	ssyncadd.s32 @!p0 s1  }
0x48: {  	[bflag:$0x3] =	sbarrier.arrive $0xFFFF  }
0x49: {  	_ =	shalt  }

// kernel: kernel.31.cloned.1.call-start
scs
__scs_entry_jumppad:
0x0: {  	(pc) =	sbr.rel $0x88, $3  }
0x1: {  	(tag) =	ssettag $0x0;
	lr =	simm.s32 $0x1  }
0x2: {  	[smem:$0x3F9D] =	sst lr;
	_ =	strace $0xD0000000  }
0x3: {  	_ = 	snop  }
0x4: {  	_ = 	snop  }
0x5: {  	_ = 	snop  }
0x6: {  	_ = 	snop  }
0x7: {  	_ = 	snop  }
__scs_overlays_trampoline_lowered:
0x8: {  	[smem:$0x3FAC] =	sst s0  }
0x9: {  	[smem:$0x3FAD] =	sst s1  }
0xa: {  	[smem:$0x3FAE] =	sst s2  }
0xb: {  	[smem:$0x3FAF] =	sst s3  }
0xc: {  	[smem:$0x3FB0] =	sst s4  }
0xd: {  	[smem:$0x3FB1] =	sst s5  }
0xe: {  	[smem:$0x3FB2] =	sst s6  }
0xf: {  	[smem:$0x3FB3] =	sst s7  }
0x10: {  	[smem:$0x3FB4] =	sst s8  }
0x11: {  	[smem:$0x3FB5] =	sst s9;
	s0 =	simm.s32 @!p0 $0x0  }
0x12: {  	s1 =	sld [smem:$0x3F9B];
	s0 =	simm.s32 @p0 $0x1  }
0x13: {  	[smem:$0x3FB6] =	sst s0;
	s0 =	simm.s32 @!p1 $0x0  }
0x14: {  	s2 =	sld [smem:$0x3F9A];
	s0 =	simm.s32 @p1 $0x1  }
0x15: {  	[smem:$0x3FB7] =	sst s0;
	s0 =	simm.s32 @!p2 $0x0  }
0x16: {  	s3 =	sld [smem:$0x3FDB];
	s0 =	simm.s32 @p2 $0x1  }
0x17: {  	s4 =	simm.s32 $0x1BF5;
	[smem:$0x3FB9] =	sst s0  }
0x18: {  	s0 =	sld [smem:$0x3F9C];
	_ =	swait.ge [sflag:s4], $0x0  }
0x19: {  	s7 =	sld [smem:$0x3F9D]  }
0x1a: {  	s8 =	sadd.s32 $0xFFFFE003, lr  }
0x1b: {  	s9 =	sadd.s32 $0xFFFFFEF7, lr;
	s5 =	simm.s32 $0xFFFFFFFF;
	p2 =	slt.u32 s8, $0xFFFFF086  }
0x1c: {  	p1 =	slt.u32 s9, $0xF7A;
	s5 =	simm.s32 @!p2 $0x0  }
0x1d: {  	s5 =	simm.s32 @p1 $0x1;
	p0 =	seq.s32 s7, s2  }
0x1e: {  	s7 =	smul.u32 @!p0 $0xF7A, s2;
	p2 =	seq.s32 @!p0 s5, $0x0  }
0x1f: {  	s9 =	smul.u32 $0xF7A, s1;
	s8 =	simm.s32 @!p0 $0x1BF5;
	p2 =	por !p2, p0  }
0x20: {  	[sflag:s8] =	ssyncset.s32 @!p0 $0xFFFFF086;
	s6 =	sadd.s32 @!p0 s3, s7;
	s7 =	simm.s32 @!p0 $0x108  }
0x21: {  	s3 =	sadd.s32 s3, s9;
	s6 =	sadd.s32 @!p0 $0x88, s6;
	s7 =	simm.s32 @p2 $0x1082  }
0x22: {  	[simem:s7], [sflag:s8] =	dma.local @!p0 [hbm:s6], $0xF7A  }
0x23: {  	s9 =	sor.u32 $0xD0000000, s2;
	s6 =	simm.s32 $0x108;
	_ =	swait.ge @!p0 [sflag:s8], $0x0  }
0x24: {  	s3 =	sadd.s32 $0x88, s3;
	s6 =	simm.s32 @!p1 $0x1082;
	[sflag:s4] =	ssyncset.s32 $0xFFFFF086  }
0x25: {  	[simem:s6], [sflag:s4] =	dma.local [hbm:s3], $0xF7A  }
0x26: {  	[smem:$0x3F9D] =	sst s1;
	(tag) =	ssettag s2;
	_ =	strace s9  }
0x27: {  	s1 =	sld [smem:$0x3FAD]  }
0x28: {  	s2 =	sld [smem:$0x3FAE]  }
0x29: {  	s4 =	sld [smem:$0x3FB0]  }
0x2a: {  	p0 =	seq.s32 s5, $0x0;
	s5 =	sld [smem:$0x3FB1]  }
0x2b: {  	s6 =	sld [smem:$0x3FB2]  }
0x2c: {  	s7 =	sld [smem:$0x3FB3]  }
0x2d: {  	s3 =	simm.s32 $0x108;
	s8 =	sld [smem:$0x3FB4]  }
0x2e: {  	s3 =	simm.s32 @!p0 $0x1082;
	s9 =	sld [smem:$0x3FB5]  }
0x2f: {  	lr =	sadd.s32 s0, s3;
	s0 =	sld [smem:$0x3FAC]  }
0x30: {  	s3 =	sld [smem:$0x3FAF]  }
0x31: {  	[smem:$0x3FB8] =	sst s10  }
0x32: {  	s10 =	sld [smem:$0x3FB6];
	_ =	sdelay $0x3  }
0x33: {  	p0 =	seq.s32 s10, $0x1;
	s10 =	sld [smem:$0x3FB8];
	_ =	sdelay $0x3  }
0x34: {  	[smem:$0x3FB8] =	sst s10  }
0x35: {  	s10 =	sld [smem:$0x3FB7];
	_ =	sdelay $0x3  }
0x36: {  	p1 =	seq.s32 s10, $0x1;
	s10 =	sld [smem:$0x3FB8];
	_ =	sdelay $0x3  }
0x37: {  	[smem:$0x3FB8] =	sst s10  }
0x38: {  	s10 =	sld [smem:$0x3FB9]  }
0x39: {  	_ = 	snop;
	(pc) =	sbr.ind lr, $3  }
0x3a: {  	_ = 	snop  }
0x3b: {  	_ = 	snop  }
0x3c: {  	p2 =	seq.s32 s10, $0x1;
	s10 =	sld [smem:$0x3FB8]  }
0x3d: {  	_ =	shalt  }
0x3e: {  	_ =	shalt  }
0x3f: {  	_ =	shalt  }
0x40: {  	_ =	shalt  }
0x41: {  	_ =	shalt  }
0x42: {  	_ =	shalt  }
0x43: {  	_ =	shalt  }
0x44: {  	_ =	shalt  }
0x45: {  	_ =	shalt  }
0x46: {  	_ =	shalt  }
0x47: {  	_ =	shalt  }
0x48: {  	_ =	shalt  }
0x49: {  	_ =	shalt  }
0x4a: {  	_ =	shalt  }
0x4b: {  	_ =	shalt  }
0x4c: {  	_ =	shalt  }
0x4d: {  	_ =	shalt  }
0x4e: {  	_ =	shalt  }
0x4f: {  	_ =	shalt  }
0x50: {  	_ =	shalt  }
0x51: {  	_ =	shalt  }
0x52: {  	_ =	shalt  }
0x53: {  	_ =	shalt  }
0x54: {  	_ =	shalt  }
0x55: {  	_ =	shalt  }
0x56: {  	_ =	shalt  }
0x57: {  	_ =	shalt  }
0x58: {  	_ =	shalt  }
0x59: {  	_ =	shalt  }
0x5a: {  	_ =	shalt  }
0x5b: {  	_ =	shalt  }
0x5c: {  	_ =	shalt  }
0x5d: {  	_ =	shalt  }
0x5e: {  	_ =	shalt  }
0x5f: {  	_ =	shalt  }
0x60: {  	_ =	shalt  }
0x61: {  	_ =	shalt  }
0x62: {  	_ =	shalt  }
0x63: {  	_ =	shalt  }
0x64: {  	_ =	shalt  }
0x65: {  	_ =	shalt  }
0x66: {  	_ =	shalt  }
0x67: {  	_ =	shalt  }
0x68: {  	_ =	shalt  }
0x69: {  	_ =	shalt  }
0x6a: {  	_ =	shalt  }
0x6b: {  	_ =	shalt  }
0x6c: {  	_ =	shalt  }
0x6d: {  	_ =	shalt  }
0x6e: {  	_ =	shalt  }
0x6f: {  	_ =	shalt  }
0x70: {  	_ =	shalt  }
0x71: {  	_ =	shalt  }
0x72: {  	_ =	shalt  }
0x73: {  	_ =	shalt  }
0x74: {  	_ =	shalt  }
0x75: {  	_ =	shalt  }
0x76: {  	_ =	shalt  }
0x77: {  	_ =	shalt  }
0x78: {  	_ =	shalt  }
0x79: {  	_ =	shalt  }
0x7a: {  	_ =	shalt  }
0x7b: {  	_ =	shalt  }
0x7c: {  	_ =	shalt  }
0x7d: {  	_ =	shalt  }
0x7e: {  	_ =	shalt  }
0x7f: {  	_ =	shalt  }
0x80: {  	_ =	shalt  }
0x81: {  	_ =	shalt  }
0x82: {  	_ =	shalt  }
0x83: {  	_ =	shalt  }
0x84: {  	_ =	shalt  }
0x85: {  	_ =	shalt  }
0x86: {  	_ =	shalt  }
0x87: {  	_ =	shalt  }
.Lfunc_end0:
.L_simem_size_0:
called_computation.2_lowered:
.L_overlay_start_0:
0x88: {  	s2 =	sld [smem:$0x3FD9]  }
0x89: {  	s3 =	sld [smem:$0x3FFE];
	_ =	sdelay $0x1  }
0x8a: {  	s1 =	srdreg.scid  }
0x8b: {  	s0 =	sand.u32 $0x1, s1  }
0x8c: {  	s17 =	sshll.u32 s0, $0xA;
	s2 =	sadd.s32 s3, s2  }
0x8d: {  	s2 =	sadd.s32 s2, s17  }
0x8e: {  	[smem:$0x3FC4] =	sst s2  }
0x8f: {  	_ = 	snop  }
0x90: {  	s2 =	sld [smem:$0x3FD0];
	(tm) =	ssettm $0x1  }
0x91: {  	s18 =	sld [smem:$0x3FFB];
	_ =	sdelay $0x3  }
0x92: {  	_ =	strace s18  }
0x93: {  	s3 =	sld [smem:$0x3FFC];
	_ =	sdelay $0x3  }
0x94: {  	_ =	strace s3  }
0x95: {  	s3 =	sld [smem:$0x3FFD];
	_ =	sdelay $0x3  }
0x96: {  	_ =	strace s3  }
0x97: {  	_ =	strace $0x8FFFFFFF  }
0x98: {  	s19 =	sld [smem:$0x3FDB];
	_ =	sdelay $0x1  }
0x99: {  	s4 =	simm.s32 $_scs_section_size  }
0x9a: {  	s5 =	simm.s32 $_size__tile_overlayer_lowered;
	s6 =	simm.s32 $_tile_overlayer_lowered  }
0x9b: {  	s22 =	simm.s32 $0x1BFF;
	s21 =	sshll.u32 s6, $0x1;
	s3 =	sadd.s32 s4, s19  }
0x9c: {  	s7 =	simm.s32 $0x0;
	s20 =	sshll.u32 s5, $0x1;
	s5 =	sadd.s32 s21, s3  }
0x9d: {  	[timem:s7], [sflag:s22] =	dma.local [hbm:s5], s20  }
0x9e: {  	_ =	swait.ge [sflag:s22], s20  }
0x9f: {  	s4 =	ssub.s32 $0x0, s20;
	[sflag:s22] =	ssyncset.done $0x0  }
0xa0: {  	[sflag:s22] =	ssyncadd.s32 s4;
	_ =	sdelay $0x1  }
0xa1: {  	s23 =	simm.s32 $0x1B8B  }
0xa2: {  	_ =	swait.ge [sflag:s23], $0x1  }
0xa3: {  	[sflag:s23] =	ssyncset.done $0x0  }
0xa4: {  	s25 =	simm.s32 $0x1B8E;
	s24 =	sld [smem:$0x3FFE];
	[sflag:s23] =	ssyncadd.s32 $0xFFFFFFFF  }
0xa5: {  	s26 =	simm.s32 $execute0_lowered;
	[smem:$0x3FD2] =	sst s25  }
0xa6: {  	s5 =	sshll.u32 s26, $0x1;
	_ =	strace $0x8000004C;
	[dreg:$0x1] =	wrdreg $0xFFFFFFFF  }
0xa7: {  	s28 =	simm.s32 $_size_execute0_lowered;
	s3 =	sadd.s32 s3, s5;
	[dreg:$0x0] =	wrdreg $0x0  }
0xa8: {  	s5 =	sshll.u32 s28, $0x1;
	[dreg:$0x2] =	wrdreg s3  }
0xa9: {  	[dreg:$0x3] =	wrdreg s5  }
0xaa: {  	[dreg:$0x4] =	wrdreg $0xC0  }
0xab: {  	_ =	task [dreg:s7], $0x5FFFF  }
0xac: {  	[dreg:$0x1] =	wrdreg $0xFFFFFFFF  }
0xad: {  	[dreg:$0x0] =	wrdreg $0x60  }
0xae: {  	[dreg:$0x2] =	wrdreg s2  }
0xaf: {  	[dreg:$0x3] =	wrdreg s24  }
0xb0: {  	[dreg:$0x4] =	wrdreg $0x90000  }
0xb1: {  	[dreg:$0x5] =	wrdreg $0x9  }
0xb2: {  	_ =	task.clear_ibuf [dreg:s7], $0x6FFFF;
	_ =	strace $0x9000004C  }
0xb3: {  	s29 =	simm.s32 $0x9;
	_ =	strace $0x8000004E  }
0xb4: {  	_ =	swait.ge [sflag:s29], $0x1  }
0xb5: {  	[sflag:s29] =	ssyncadd.s32 $0xFFFFFFFF  }
0xb6: {  	_ =	strace $0x9000004E  }
0xb7: {  	_ =	sfence  }
0xb8: {  	s30 =	sld [smem:$0x0];
	_ =	sdelay $0x2  }
0xb9: {  	s31 =	sshll.u32 s1, $0xD;
	s1 =	sshrl.u32 s1, $0x2  }
0xba: {  	s3 =	sand.u32 $0x4000, s31;
	s1 =	sadd.s32 s1, s30  }
0xbb: {  	s0 =	sor.u32 s3, s0;
	s1 =	sshll.u32 s1, $0x11  }
0xbc: {  	s0 =	sor.u32 s1, s0  }
0xbd: {  	s0 =	sadd.s32 $0x8F2B, s0  }
0xbe: {  	[sflag:s0] =	ssyncadd.remote.s32 $0x1  }
0xbf: {  	_ =	sfence.sel $0xFFFF  }
0xc0: {  	[dreg:$0x0] =	wrdreg $0xFFFFFFFF;
	(pc) =	sbr.abs _section_cstart, $3  }
0xc1: {  	[dreg:$0x1] =	wrdreg $0xFFFFFFFF  }
0xc2: {  	_ =	task.clear_ibuf [dreg:s7], $0x2FFFF;
	_ =	strace $0x9FFFFFFF  }
0xc3: {  	(tm) =	ssettm $0x7FFFFFFF  }
tec
execute0_lowered:
.L_overlay_start_1:
0x0: {  	(tag) =	ssettag $0x1  }
0x1: {  	s2 =	rddreg [dreg:$0x0]  }
0x2: {  	s6 =	rddreg [dreg:$0x1]  }
0x3: {  	s0 =	srdreg.scid;
	s3 =	rddreg [dreg:$0x2];
	s4 =	simm.s32 $0x0  }
0x4: {  	s11 =	simm.s32 $0x2800;
	s14 =	simm.s32 $0x80;
	s5 =	sand.u32 $0x1, s0  }
0x5: {  	s15 =	simm.s32 $0x5000;
	s0 =	stileid.u32;
	s8 =	smul.u32 $0x140000, s5  }
0x6: {  	s16 =	simm.s32 $0x0;
	[smem:$0x7FF] =	sst s4;
	s9 =	smul.u32 $0x14000, s0  }
0x7: {  	s1 =	sshll.u32 s5, $0x4;
	s30 =	ssub.s32 $0x2, s5;
	s10 =	smul.u32 $0x50000, s0  }
0x8: {  	s5 =	sadd.s32 $0x11600, s6;
	s12 =	sshll.u32 s0, $0x6;
	s1 =	sor.u32 s0, s1  }
0x9: {  	s31 =	sshrl.u32 s30, $0x1;
	s12 =	sor.u32 $0x1C01, s12;
	s7 =	smul.u32 $0x500, s1  }
0xa: {  	s1 =	rddreg [dreg:$0x3];
	_ =	strace $0x8000004D;
	s8 =	sadd.s32 s9, s8  }
0xb: {  	s9 =	ssub.s32 s30, s31;
	s10 =	sshrl.u32 s10, $0x2;
	s8 =	sshrl.u32 s8, $0x3  }
0xc: {  	s13 =	sadd.s32 s10, s3;
	s9 =	smax.u32 s9, $0x1;
	s10 =	simm.s32 $0x1  }
0xd: {  	s7 =	sadd.s32 s7, s6;
	s8 =	sadd.s32 s8, s6;
	s13 =	sshrl.u32 s13, $0x3  }
0xe: {  	s6 =	sadd.s32 $0x63E00, s7;
	s7 =	sadd.s32 $0x6E00, s7;
	s8 =	sadd.s32 $0x6DE00, s8  }
.LBB2_1:
0xf: {  	[tilespmem:s4], [sflag:$0x1] =	stream.linear.gather [hbm4b:s6+s4], $0x2780, $0x38;
	[tilespmem:$0x1D000] =	vst v63  }
0x10: {  	_ =	swait.ge [sflag:s10], $0x2780  }
0x11: {  	[sflag:s10] =	ssyncset.done $0x0  }
0x12: {  	[sflag:s10] =	ssyncadd.s32 $0xFFFFD880  }
0x13: {  	[tilespmem:s11], [sflag:$0x1] =	stream.linear.gather [hbm4b:s7+s4], $0x2780, $0x38;
	[tilespmem:$0x1D000] =	vst v63  }
0x14: {  	_ =	swait.ge [sflag:s10], $0x2780  }
0x15: {  	[sflag:s10] =	ssyncset.done $0x0  }
0x16: {  	[sflag:s10] =	ssyncadd.s32 $0xFFFFD880  }
0x17: {  	[spmem:s13], [sflag:s12] =	dma.local [hbm:s5], $0x2800  }
0x18: {  	_ =	swait.ge [sflag:s10], $0x2800  }
0x19: {  	[sflag:s10] =	ssyncset.done $0x0  }
0x1a: {  	[sflag:s10] =	ssyncadd.s32 $0xFFFFD800  }
0x1b: {  	s17 =	simm.s32 $0x0;
	[bflag:$0x0] =	sbarrier.arrive $0xFFFF  }
0x1c: {  	[tilespmem:s15], [sflag:$0x1] =	stream.indirect.gather [hbm4b:s2+s14], $0x80, s17, s14, $0xb8;
	[tilespmem:$0x1D000] =	vst v63  }
0x1d: {  	_ =	swait.ge [sflag:s10], $0x4000  }
0x1e: {  	[sflag:s10] =	ssyncset.done $0x0  }
0x1f: {  	s31 =	simm.s32 $0x2800;
	[sflag:s10] =	ssyncadd.s32 $0xFFFFC000  }
0x20: {  	[spmem:s3] =	stream.indirect.scatter.add.f32 [tilespmem:s15], [sflag:$0x1], $0x80, s31, s14, $0xb8;
	[tilespmem:$0x1D000] =	vst v63  }
0x21: {  	_ =	swait.ge [sflag:s10], $0x4000  }
0x22: {  	s18 =	simm.s32 $0x400;
	s17 =	simm.s32 $0x200;
	[sflag:s10] =	ssyncset.done $0x0  }
.LBB2_2:
0x23: {  	s19 =	sshra.s32 s17, $0x2  }
0x24: {  	[sflag:s10] =	ssyncadd.s32 $0xFFFFC000;
	s17 =	smov.u32 s18;
	s20 =	sadd.s32 $0x200, s18  }
0x25: {  	[tilespmem:s15], [sflag:$0x1] =	stream.indirect.gather [hbm4b:s2+s14], $0x80, s19, s14, $0xb8;
	[tilespmem:$0x1D000] =	vst v63  }
0x26: {  	p0 =	sne.s32 s18, $0x9C00;
	_ =	swait.ge [sflag:s10], $0x4000  }
.Ltmp0:
0x27: {  	[sflag:s10] =	ssyncset.done $0x0;
	(pc) =	sbr.rel @p0 .LBB2_2-.Ltmp0, $4  }
0x28: {  	s18 =	sadd.s32 $0x2800, s19;
	[sflag:s10] =	ssyncadd.s32 $0xFFFFC000  }
0x29: {  	[spmem:s3] =	stream.indirect.scatter.add.f32 [tilespmem:s15], [sflag:$0x1], $0x80, s18, s14, $0xb8;
	[tilespmem:$0x1D000] =	vst v63  }
0x2a: {  	_ =	swait.ge [sflag:s10], $0x4000  }
0x2b: {  	s18 =	smov.u32 s20;
	[sflag:s10] =	ssyncset.done $0x0  }
0x2c: {  	s17 =	sshra.s32 s17, $0x2;
	[sflag:s10] =	ssyncadd.s32 $0xFFFFC000  }
0x2d: {  	[tilespmem:s15], [sflag:$0x1] =	stream.indirect.gather [hbm4b:s2+s14], $0x80, s17, s14, $0xb8;
	[tilespmem:$0x1D000] =	vst v63  }
0x2e: {  	_ =	swait.ge [sflag:s10], $0x4000  }
0x2f: {  	[sflag:s10] =	ssyncset.done $0x0  }
0x30: {  	s17 =	sadd.s32 $0x2800, s17;
	[sflag:s10] =	ssyncadd.s32 $0xFFFFC000  }
0x31: {  	[spmem:s3] =	stream.indirect.scatter.add.f32 [tilespmem:s15], [sflag:$0x1], $0x80, s17, s14, $0xb8;
	[tilespmem:$0x1D000] =	vst v63  }
0x32: {  	_ =	swait.ge [sflag:s10], $0x4000  }
0x33: {  	s16 =	sadd.s32 $0x1, s16;
	[sflag:s10] =	ssyncset.done $0x0  }
0x34: {  	p0 =	sne.s32 s16, s9;
	[sflag:s10] =	ssyncadd.s32 $0xFFFFC000  }
.Ltmp1:
0x35: {  	[bflag:$0x0] =	sbarrier.arrive $0xFFFF;
	(pc) =	sbr.rel @p0 .LBB2_1-.Ltmp1, $4  }
0x36: {  	[hbm:s8], [sflag:s12] =	dma.local [spmem:s13], $0x2800  }
0x37: {  	_ =	swait.ge [sflag:s10], $0x2800  }
0x38: {  	[sflag:s10] =	ssyncset.done $0x0  }
0x39: {  	[sflag:s10] =	ssyncadd.s32 $0xFFFFD800  }
0x3a: {  	_ =	sfence.sel $0x180000  }
0x3b: {  	[bflag:$0x0] =	sbarrier.arrive $0xFFFF  }
0x3c: {  	p0 =	sne.s32 s0, $0x0;
	_ =	strace $0x9000004D  }
0x3d: {  	s0 =	sadd.s32 @!p0 $0x100000, s1;
	[bflag:$0x2] =	sbarrier.arrive $0xFFFF  }
0x3e: {  	[sflag:s0] =	ssyncadd.tile.s32 @!p0 $0x1;
	_ =	shalt  }
.Lfunc_end2:
_tile_overlayer_lowered:
.L_overlay_start_2:
0x3f: {  	(tag) =	ssettag $0x2  }
0x40: {  	s0 =	rddreg [dreg:$0x0];
	s2 =	stileid.u32  }
0x41: {  	s1 =	rddreg [dreg:$0x1];
	p0 =	sne.s32 s2, $0x0  }
0x42: {  	s3 =	rddreg [dreg:$0x2];
	[bflag:$0x3] =	sbarrier.arrive $0xFFFF;
	s2 =	simm.s32 @!p0 $0x1C01  }
0x43: {  	[timem:s3], [sflag:s2] =	dma.local @!p0 [hbm:s0], s1  }
0x44: {  	s0 =	simm.s32 @!p0 $0x1  }
0x45: {  	_ =	swait.ge @!p0 [sflag:s0], s1  }
0x46: {  	s1 =	ssub.s32 @!p0 $0x0, s1;
	[sflag:s0] =	ssyncset.done @!p0 $0x0  }
0x47: {  	[sflag:s0] =	ssyncadd.s32 @!p0 s1  }
0x48: {  	[bflag:$0x3] =	sbarrier.arrive $0xFFFF  }
0x49: {  	_ =	shalt  }

// kernel: kernel.34.cloned.1.call-start
scs
__scs_entry_jumppad:
0x0: {  	(pc) =	sbr.rel $0x88, $3  }
0x1: {  	(tag) =	ssettag $0x0;
	lr =	simm.s32 $0x1  }
0x2: {  	[smem:$0x3F9D] =	sst lr;
	_ =	strace $0xD0000000  }
0x3: {  	_ = 	snop  }
0x4: {  	_ = 	snop  }
0x5: {  	_ = 	snop  }
0x6: {  	_ = 	snop  }
0x7: {  	_ = 	snop  }
__scs_overlays_trampoline_lowered:
0x8: {  	[smem:$0x3FAC] =	sst s0  }
0x9: {  	[smem:$0x3FAD] =	sst s1  }
0xa: {  	[smem:$0x3FAE] =	sst s2  }
0xb: {  	[smem:$0x3FAF] =	sst s3  }
0xc: {  	[smem:$0x3FB0] =	sst s4  }
0xd: {  	[smem:$0x3FB1] =	sst s5  }
0xe: {  	[smem:$0x3FB2] =	sst s6  }
0xf: {  	[smem:$0x3FB3] =	sst s7  }
0x10: {  	[smem:$0x3FB4] =	sst s8  }
0x11: {  	[smem:$0x3FB5] =	sst s9;
	s0 =	simm.s32 @!p0 $0x0  }
0x12: {  	s1 =	sld [smem:$0x3F9B];
	s0 =	simm.s32 @p0 $0x1  }
0x13: {  	[smem:$0x3FB6] =	sst s0;
	s0 =	simm.s32 @!p1 $0x0  }
0x14: {  	s2 =	sld [smem:$0x3F9A];
	s0 =	simm.s32 @p1 $0x1  }
0x15: {  	[smem:$0x3FB7] =	sst s0;
	s0 =	simm.s32 @!p2 $0x0  }
0x16: {  	s3 =	sld [smem:$0x3FDB];
	s0 =	simm.s32 @p2 $0x1  }
0x17: {  	s4 =	simm.s32 $0x1BF5;
	[smem:$0x3FB9] =	sst s0  }
0x18: {  	s0 =	sld [smem:$0x3F9C];
	_ =	swait.ge [sflag:s4], $0x0  }
0x19: {  	s7 =	sld [smem:$0x3F9D]  }
0x1a: {  	s8 =	sadd.s32 $0xFFFFE003, lr  }
0x1b: {  	s9 =	sadd.s32 $0xFFFFFEF7, lr;
	s5 =	simm.s32 $0xFFFFFFFF;
	p2 =	slt.u32 s8, $0xFFFFF086  }
0x1c: {  	p1 =	slt.u32 s9, $0xF7A;
	s5 =	simm.s32 @!p2 $0x0  }
0x1d: {  	s5 =	simm.s32 @p1 $0x1;
	p0 =	seq.s32 s7, s2  }
0x1e: {  	s7 =	smul.u32 @!p0 $0xF7A, s2;
	p2 =	seq.s32 @!p0 s5, $0x0  }
0x1f: {  	s9 =	smul.u32 $0xF7A, s1;
	s8 =	simm.s32 @!p0 $0x1BF5;
	p2 =	por !p2, p0  }
0x20: {  	[sflag:s8] =	ssyncset.s32 @!p0 $0xFFFFF086;
	s6 =	sadd.s32 @!p0 s3, s7;
	s7 =	simm.s32 @!p0 $0x108  }
0x21: {  	s3 =	sadd.s32 s3, s9;
	s6 =	sadd.s32 @!p0 $0x88, s6;
	s7 =	simm.s32 @p2 $0x1082  }
0x22: {  	[simem:s7], [sflag:s8] =	dma.local @!p0 [hbm:s6], $0xF7A  }
0x23: {  	s9 =	sor.u32 $0xD0000000, s2;
	s6 =	simm.s32 $0x108;
	_ =	swait.ge @!p0 [sflag:s8], $0x0  }
0x24: {  	s3 =	sadd.s32 $0x88, s3;
	s6 =	simm.s32 @!p1 $0x1082;
	[sflag:s4] =	ssyncset.s32 $0xFFFFF086  }
0x25: {  	[simem:s6], [sflag:s4] =	dma.local [hbm:s3], $0xF7A  }
0x26: {  	[smem:$0x3F9D] =	sst s1;
	(tag) =	ssettag s2;
	_ =	strace s9  }
0x27: {  	s1 =	sld [smem:$0x3FAD]  }
0x28: {  	s2 =	sld [smem:$0x3FAE]  }
0x29: {  	s4 =	sld [smem:$0x3FB0]  }
0x2a: {  	p0 =	seq.s32 s5, $0x0;
	s5 =	sld [smem:$0x3FB1]  }
0x2b: {  	s6 =	sld [smem:$0x3FB2]  }
0x2c: {  	s7 =	sld [smem:$0x3FB3]  }
0x2d: {  	s3 =	simm.s32 $0x108;
	s8 =	sld [smem:$0x3FB4]  }
0x2e: {  	s3 =	simm.s32 @!p0 $0x1082;
	s9 =	sld [smem:$0x3FB5]  }
0x2f: {  	lr =	sadd.s32 s0, s3;
	s0 =	sld [smem:$0x3FAC]  }
0x30: {  	s3 =	sld [smem:$0x3FAF]  }
0x31: {  	[smem:$0x3FB8] =	sst s10  }
0x32: {  	s10 =	sld [smem:$0x3FB6];
	_ =	sdelay $0x3  }
0x33: {  	p0 =	seq.s32 s10, $0x1;
	s10 =	sld [smem:$0x3FB8];
	_ =	sdelay $0x3  }
0x34: {  	[smem:$0x3FB8] =	sst s10  }
0x35: {  	s10 =	sld [smem:$0x3FB7];
	_ =	sdelay $0x3  }
0x36: {  	p1 =	seq.s32 s10, $0x1;
	s10 =	sld [smem:$0x3FB8];
	_ =	sdelay $0x3  }
0x37: {  	[smem:$0x3FB8] =	sst s10  }
0x38: {  	s10 =	sld [smem:$0x3FB9]  }
0x39: {  	_ = 	snop;
	(pc) =	sbr.ind lr, $3  }
0x3a: {  	_ = 	snop  }
0x3b: {  	_ = 	snop  }
0x3c: {  	p2 =	seq.s32 s10, $0x1;
	s10 =	sld [smem:$0x3FB8]  }
0x3d: {  	_ =	shalt  }
0x3e: {  	_ =	shalt  }
0x3f: {  	_ =	shalt  }
0x40: {  	_ =	shalt  }
0x41: {  	_ =	shalt  }
0x42: {  	_ =	shalt  }
0x43: {  	_ =	shalt  }
0x44: {  	_ =	shalt  }
0x45: {  	_ =	shalt  }
0x46: {  	_ =	shalt  }
0x47: {  	_ =	shalt  }
0x48: {  	_ =	shalt  }
0x49: {  	_ =	shalt  }
0x4a: {  	_ =	shalt  }
0x4b: {  	_ =	shalt  }
0x4c: {  	_ =	shalt  }
0x4d: {  	_ =	shalt  }
0x4e: {  	_ =	shalt  }
0x4f: {  	_ =	shalt  }
0x50: {  	_ =	shalt  }
0x51: {  	_ =	shalt  }
0x52: {  	_ =	shalt  }
0x53: {  	_ =	shalt  }
0x54: {  	_ =	shalt  }
0x55: {  	_ =	shalt  }
0x56: {  	_ =	shalt  }
0x57: {  	_ =	shalt  }
0x58: {  	_ =	shalt  }
0x59: {  	_ =	shalt  }
0x5a: {  	_ =	shalt  }
0x5b: {  	_ =	shalt  }
0x5c: {  	_ =	shalt  }
0x5d: {  	_ =	shalt  }
0x5e: {  	_ =	shalt  }
0x5f: {  	_ =	shalt  }
0x60: {  	_ =	shalt  }
0x61: {  	_ =	shalt  }
0x62: {  	_ =	shalt  }
0x63: {  	_ =	shalt  }
0x64: {  	_ =	shalt  }
0x65: {  	_ =	shalt  }
0x66: {  	_ =	shalt  }
0x67: {  	_ =	shalt  }
0x68: {  	_ =	shalt  }
0x69: {  	_ =	shalt  }
0x6a: {  	_ =	shalt  }
0x6b: {  	_ =	shalt  }
0x6c: {  	_ =	shalt  }
0x6d: {  	_ =	shalt  }
0x6e: {  	_ =	shalt  }
0x6f: {  	_ =	shalt  }
0x70: {  	_ =	shalt  }
0x71: {  	_ =	shalt  }
0x72: {  	_ =	shalt  }
0x73: {  	_ =	shalt  }
0x74: {  	_ =	shalt  }
0x75: {  	_ =	shalt  }
0x76: {  	_ =	shalt  }
0x77: {  	_ =	shalt  }
0x78: {  	_ =	shalt  }
0x79: {  	_ =	shalt  }
0x7a: {  	_ =	shalt  }
0x7b: {  	_ =	shalt  }
0x7c: {  	_ =	shalt  }
0x7d: {  	_ =	shalt  }
0x7e: {  	_ =	shalt  }
0x7f: {  	_ =	shalt  }
0x80: {  	_ =	shalt  }
0x81: {  	_ =	shalt  }
0x82: {  	_ =	shalt  }
0x83: {  	_ =	shalt  }
0x84: {  	_ =	shalt  }
0x85: {  	_ =	shalt  }
0x86: {  	_ =	shalt  }
0x87: {  	_ =	shalt  }
.Lfunc_end0:
.L_simem_size_0:
called_computation.3_lowered:
.L_overlay_start_0:
0x88: {  	s2 =	sld [smem:$0x3FD9]  }
0x89: {  	s3 =	sld [smem:$0x3FFE];
	_ =	sdelay $0x1  }
0x8a: {  	s1 =	srdreg.scid  }
0x8b: {  	s0 =	sand.u32 $0x1, s1  }
0x8c: {  	s17 =	sshll.u32 s0, $0xA;
	s2 =	sadd.s32 s3, s2  }
0x8d: {  	s2 =	sadd.s32 s2, s17  }
0x8e: {  	[smem:$0x3FC4] =	sst s2  }
0x8f: {  	_ = 	snop  }
0x90: {  	s2 =	sld [smem:$0x3FD0];
	(tm) =	ssettm $0x1  }
0x91: {  	s18 =	sld [smem:$0x3FFB];
	_ =	sdelay $0x3  }
0x92: {  	_ =	strace s18  }
0x93: {  	s3 =	sld [smem:$0x3FFC];
	_ =	sdelay $0x3  }
0x94: {  	_ =	strace s3  }
0x95: {  	s3 =	sld [smem:$0x3FFD];
	_ =	sdelay $0x3  }
0x96: {  	_ =	strace s3  }
0x97: {  	_ =	strace $0x8FFFFFFF  }
0x98: {  	s19 =	sld [smem:$0x3FDB];
	_ =	sdelay $0x1  }
0x99: {  	s4 =	simm.s32 $_scs_section_size  }
0x9a: {  	s5 =	simm.s32 $_size__tile_overlayer_lowered;
	s6 =	simm.s32 $_tile_overlayer_lowered  }
0x9b: {  	s22 =	simm.s32 $0x1BFF;
	s21 =	sshll.u32 s6, $0x1;
	s3 =	sadd.s32 s4, s19  }
0x9c: {  	s7 =	simm.s32 $0x0;
	s20 =	sshll.u32 s5, $0x1;
	s5 =	sadd.s32 s21, s3  }
0x9d: {  	[timem:s7], [sflag:s22] =	dma.local [hbm:s5], s20  }
0x9e: {  	_ =	swait.ge [sflag:s22], s20  }
0x9f: {  	s4 =	ssub.s32 $0x0, s20;
	[sflag:s22] =	ssyncset.done $0x0  }
0xa0: {  	[sflag:s22] =	ssyncadd.s32 s4;
	_ =	sdelay $0x1  }
0xa1: {  	s23 =	simm.s32 $0x1B8B  }
0xa2: {  	_ =	swait.ge [sflag:s23], $0x1  }
0xa3: {  	[sflag:s23] =	ssyncset.done $0x0  }
0xa4: {  	s25 =	simm.s32 $0x1B8E;
	s24 =	sld [smem:$0x3FFE];
	[sflag:s23] =	ssyncadd.s32 $0xFFFFFFFF  }
0xa5: {  	s26 =	simm.s32 $execute0_lowered;
	[smem:$0x3FD2] =	sst s25  }
0xa6: {  	s5 =	sshll.u32 s26, $0x1;
	_ =	strace $0x8000004F;
	[dreg:$0x1] =	wrdreg $0xFFFFFFFF  }
0xa7: {  	s28 =	simm.s32 $_size_execute0_lowered;
	s3 =	sadd.s32 s3, s5;
	[dreg:$0x0] =	wrdreg $0x0  }
0xa8: {  	s5 =	sshll.u32 s28, $0x1;
	[dreg:$0x2] =	wrdreg s3  }
0xa9: {  	[dreg:$0x3] =	wrdreg s5  }
0xaa: {  	[dreg:$0x4] =	wrdreg $0xC0  }
0xab: {  	_ =	task [dreg:s7], $0x5FFFF  }
0xac: {  	[dreg:$0x1] =	wrdreg $0xFFFFFFFF  }
0xad: {  	[dreg:$0x0] =	wrdreg $0x60  }
0xae: {  	[dreg:$0x2] =	wrdreg s2  }
0xaf: {  	[dreg:$0x3] =	wrdreg s24  }
0xb0: {  	[dreg:$0x4] =	wrdreg $0x90000  }
0xb1: {  	[dreg:$0x5] =	wrdreg $0x9  }
0xb2: {  	_ =	task.clear_ibuf [dreg:s7], $0x6FFFF;
	_ =	strace $0x9000004F  }
0xb3: {  	s29 =	simm.s32 $0x9;
	_ =	strace $0x80000051  }
0xb4: {  	_ =	swait.ge [sflag:s29], $0x1  }
0xb5: {  	[sflag:s29] =	ssyncadd.s32 $0xFFFFFFFF  }
0xb6: {  	_ =	strace $0x90000051  }
0xb7: {  	_ =	sfence  }
0xb8: {  	s30 =	sld [smem:$0x0];
	_ =	sdelay $0x2  }
0xb9: {  	s31 =	sshll.u32 s1, $0xD;
	s1 =	sshrl.u32 s1, $0x2  }
0xba: {  	s3 =	sand.u32 $0x4000, s31;
	s1 =	sadd.s32 s1, s30  }
0xbb: {  	s0 =	sor.u32 s3, s0;
	s1 =	sshll.u32 s1, $0x11  }
0xbc: {  	s0 =	sor.u32 s1, s0  }
0xbd: {  	s0 =	sadd.s32 $0x8F2B, s0  }
0xbe: {  	[sflag:s0] =	ssyncadd.remote.s32 $0x1  }
0xbf: {  	_ =	sfence.sel $0xFFFF  }
0xc0: {  	[dreg:$0x0] =	wrdreg $0xFFFFFFFF;
	(pc) =	sbr.abs _section_cstart, $3  }
0xc1: {  	[dreg:$0x1] =	wrdreg $0xFFFFFFFF  }
0xc2: {  	_ =	task.clear_ibuf [dreg:s7], $0x2FFFF;
	_ =	strace $0x9FFFFFFF  }
0xc3: {  	(tm) =	ssettm $0x7FFFFFFF  }
tec
execute0_lowered:
.L_overlay_start_1:
0x0: {  	(tag) =	ssettag $0x1  }
0x1: {  	s2 =	rddreg [dreg:$0x0]  }
0x2: {  	s6 =	rddreg [dreg:$0x1]  }
0x3: {  	s0 =	srdreg.scid;
	s3 =	rddreg [dreg:$0x2];
	s4 =	simm.s32 $0x0  }
0x4: {  	s11 =	simm.s32 $0x2800;
	s14 =	simm.s32 $0x80;
	s5 =	sand.u32 $0x1, s0  }
0x5: {  	s15 =	simm.s32 $0x5000;
	s0 =	stileid.u32;
	s8 =	smul.u32 $0x140000, s5  }
0x6: {  	s16 =	simm.s32 $0x0;
	[smem:$0x7FF] =	sst s4;
	s9 =	smul.u32 $0x14000, s0  }
0x7: {  	s1 =	sshll.u32 s5, $0x4;
	s30 =	ssub.s32 $0x2, s5;
	s10 =	smul.u32 $0x50000, s0  }
0x8: {  	s5 =	sadd.s32 $0x11600, s6;
	s12 =	sshll.u32 s0, $0x6;
	s1 =	sor.u32 s0, s1  }
0x9: {  	s31 =	sshrl.u32 s30, $0x1;
	s12 =	sor.u32 $0x1C01, s12;
	s7 =	smul.u32 $0x500, s1  }
0xa: {  	s1 =	rddreg [dreg:$0x3];
	_ =	strace $0x80000050;
	s8 =	sadd.s32 s9, s8  }
0xb: {  	s9 =	ssub.s32 s30, s31;
	s10 =	sshrl.u32 s10, $0x2;
	s8 =	sshrl.u32 s8, $0x3  }
0xc: {  	s13 =	sadd.s32 s10, s3;
	s9 =	smax.u32 s9, $0x1;
	s10 =	simm.s32 $0x1  }
0xd: {  	s7 =	sadd.s32 s7, s6;
	s8 =	sadd.s32 s8, s6;
	s13 =	sshrl.u32 s13, $0x3  }
0xe: {  	s6 =	sadd.s32 $0x63E00, s7;
	s7 =	sadd.s32 $0x6E00, s7;
	s8 =	sadd.s32 $0x6DE00, s8  }
.LBB2_1:
0xf: {  	[tilespmem:s4], [sflag:$0x1] =	stream.linear.gather [hbm4b:s6+s4], $0x2780, $0x38;
	[tilespmem:$0x1D000] =	vst v63  }
0x10: {  	_ =	swait.ge [sflag:s10], $0x2780  }
0x11: {  	[sflag:s10] =	ssyncset.done $0x0  }
0x12: {  	[sflag:s10] =	ssyncadd.s32 $0xFFFFD880  }
0x13: {  	[tilespmem:s11], [sflag:$0x1] =	stream.linear.gather [hbm4b:s7+s4], $0x2780, $0x38;
	[tilespmem:$0x1D000] =	vst v63  }
0x14: {  	_ =	swait.ge [sflag:s10], $0x2780  }
0x15: {  	[sflag:s10] =	ssyncset.done $0x0  }
0x16: {  	[sflag:s10] =	ssyncadd.s32 $0xFFFFD880  }
0x17: {  	[spmem:s13], [sflag:s12] =	dma.local [hbm:s5], $0x2800  }
0x18: {  	_ =	swait.ge [sflag:s10], $0x2800  }
0x19: {  	[sflag:s10] =	ssyncset.done $0x0  }
0x1a: {  	[sflag:s10] =	ssyncadd.s32 $0xFFFFD800  }
0x1b: {  	s17 =	simm.s32 $0x0;
	[bflag:$0x0] =	sbarrier.arrive $0xFFFF  }
0x1c: {  	[tilespmem:s15], [sflag:$0x1] =	stream.indirect.gather [hbm4b:s2+s14], $0x80, s17, s14, $0xb8;
	[tilespmem:$0x1D000] =	vst v63  }
0x1d: {  	_ =	swait.ge [sflag:s10], $0x4000  }
0x1e: {  	[sflag:s10] =	ssyncset.done $0x0  }
0x1f: {  	s31 =	simm.s32 $0x2800;
	[sflag:s10] =	ssyncadd.s32 $0xFFFFC000  }
0x20: {  	[spmem:s3] =	stream.indirect.scatter.add.f32 [tilespmem:s15], [sflag:$0x1], $0x80, s31, s14, $0xb8;
	[tilespmem:$0x1D000] =	vst v63  }
0x21: {  	_ =	swait.ge [sflag:s10], $0x4000  }
0x22: {  	s18 =	simm.s32 $0x400;
	s17 =	simm.s32 $0x200;
	[sflag:s10] =	ssyncset.done $0x0  }
.LBB2_2:
0x23: {  	s19 =	sshra.s32 s17, $0x2  }
0x24: {  	[sflag:s10] =	ssyncadd.s32 $0xFFFFC000;
	s17 =	smov.u32 s18;
	s20 =	sadd.s32 $0x200, s18  }
0x25: {  	[tilespmem:s15], [sflag:$0x1] =	stream.indirect.gather [hbm4b:s2+s14], $0x80, s19, s14, $0xb8;
	[tilespmem:$0x1D000] =	vst v63  }
0x26: {  	p0 =	sne.s32 s18, $0x9C00;
	_ =	swait.ge [sflag:s10], $0x4000  }
.Ltmp0:
0x27: {  	[sflag:s10] =	ssyncset.done $0x0;
	(pc) =	sbr.rel @p0 .LBB2_2-.Ltmp0, $4  }
0x28: {  	s18 =	sadd.s32 $0x2800, s19;
	[sflag:s10] =	ssyncadd.s32 $0xFFFFC000  }
0x29: {  	[spmem:s3] =	stream.indirect.scatter.add.f32 [tilespmem:s15], [sflag:$0x1], $0x80, s18, s14, $0xb8;
	[tilespmem:$0x1D000] =	vst v63  }
0x2a: {  	_ =	swait.ge [sflag:s10], $0x4000  }
0x2b: {  	s18 =	smov.u32 s20;
	[sflag:s10] =	ssyncset.done $0x0  }
0x2c: {  	s17 =	sshra.s32 s17, $0x2;
	[sflag:s10] =	ssyncadd.s32 $0xFFFFC000  }
0x2d: {  	[tilespmem:s15], [sflag:$0x1] =	stream.indirect.gather [hbm4b:s2+s14], $0x80, s17, s14, $0xb8;
	[tilespmem:$0x1D000] =	vst v63  }
0x2e: {  	_ =	swait.ge [sflag:s10], $0x4000  }
0x2f: {  	[sflag:s10] =	ssyncset.done $0x0  }
0x30: {  	s17 =	sadd.s32 $0x2800, s17;
	[sflag:s10] =	ssyncadd.s32 $0xFFFFC000  }
0x31: {  	[spmem:s3] =	stream.indirect.scatter.add.f32 [tilespmem:s15], [sflag:$0x1], $0x80, s17, s14, $0xb8;
	[tilespmem:$0x1D000] =	vst v63  }
0x32: {  	_ =	swait.ge [sflag:s10], $0x4000  }
0x33: {  	s16 =	sadd.s32 $0x1, s16;
	[sflag:s10] =	ssyncset.done $0x0  }
0x34: {  	p0 =	sne.s32 s16, s9;
	[sflag:s10] =	ssyncadd.s32 $0xFFFFC000  }
.Ltmp1:
0x35: {  	[bflag:$0x0] =	sbarrier.arrive $0xFFFF;
	(pc) =	sbr.rel @p0 .LBB2_1-.Ltmp1, $4  }
0x36: {  	[hbm:s8], [sflag:s12] =	dma.local [spmem:s13], $0x2800  }
0x37: {  	_ =	swait.ge [sflag:s10], $0x2800  }
0x38: {  	[sflag:s10] =	ssyncset.done $0x0  }
0x39: {  	[sflag:s10] =	ssyncadd.s32 $0xFFFFD800  }
0x3a: {  	_ =	sfence.sel $0x180000  }
0x3b: {  	[bflag:$0x0] =	sbarrier.arrive $0xFFFF  }
0x3c: {  	p0 =	sne.s32 s0, $0x0;
	_ =	strace $0x90000050  }
0x3d: {  	s0 =	sadd.s32 @!p0 $0x100000, s1;
	[bflag:$0x2] =	sbarrier.arrive $0xFFFF  }
0x3e: {  	[sflag:s0] =	ssyncadd.tile.s32 @!p0 $0x1;
	_ =	shalt  }
.Lfunc_end2:
_tile_overlayer_lowered:
.L_overlay_start_2:
0x3f: {  	(tag) =	ssettag $0x2  }
0x40: {  	s0 =	rddreg [dreg:$0x0];
	s2 =	stileid.u32  }
0x41: {  	s1 =	rddreg [dreg:$0x1];
	p0 =	sne.s32 s2, $0x0  }
0x42: {  	s3 =	rddreg [dreg:$0x2];
	[bflag:$0x3] =	sbarrier.arrive $0xFFFF;
	s2 =	simm.s32 @!p0 $0x1C01  }
0x43: {  	[timem:s3], [sflag:s2] =	dma.local @!p0 [hbm:s0], s1  }
0x44: {  	s0 =	simm.s32 @!p0 $0x1  }
0x45: {  	_ =	swait.ge @!p0 [sflag:s0], s1  }
0x46: {  	s1 =	ssub.s32 @!p0 $0x0, s1;
	[sflag:s0] =	ssyncset.done @!p0 $0x0  }
0x47: {  	[sflag:s0] =	ssyncadd.s32 @!p0 s1  }
0x48: {  	[bflag:$0x3] =	sbarrier.arrive $0xFFFF  }
0x49: {  	_ =	shalt  }

// kernel: kernel.37.cloned.1.call-start
scs
__scs_entry_jumppad:
0x0: {  	(pc) =	sbr.rel $0x88, $3  }
0x1: {  	(tag) =	ssettag $0x0;
	lr =	simm.s32 $0x1  }
0x2: {  	[smem:$0x3F9D] =	sst lr;
	_ =	strace $0xD0000000  }
0x3: {  	_ = 	snop  }
0x4: {  	_ = 	snop  }
0x5: {  	_ = 	snop  }
0x6: {  	_ = 	snop  }
0x7: {  	_ = 	snop  }
__scs_overlays_trampoline_lowered:
0x8: {  	[smem:$0x3FAC] =	sst s0  }
0x9: {  	[smem:$0x3FAD] =	sst s1  }
0xa: {  	[smem:$0x3FAE] =	sst s2  }
0xb: {  	[smem:$0x3FAF] =	sst s3  }
0xc: {  	[smem:$0x3FB0] =	sst s4  }
0xd: {  	[smem:$0x3FB1] =	sst s5  }
0xe: {  	[smem:$0x3FB2] =	sst s6  }
0xf: {  	[smem:$0x3FB3] =	sst s7  }
0x10: {  	[smem:$0x3FB4] =	sst s8  }
0x11: {  	[smem:$0x3FB5] =	sst s9;
	s0 =	simm.s32 @!p0 $0x0  }
0x12: {  	s1 =	sld [smem:$0x3F9B];
	s0 =	simm.s32 @p0 $0x1  }
0x13: {  	[smem:$0x3FB6] =	sst s0;
	s0 =	simm.s32 @!p1 $0x0  }
0x14: {  	s2 =	sld [smem:$0x3F9A];
	s0 =	simm.s32 @p1 $0x1  }
0x15: {  	[smem:$0x3FB7] =	sst s0;
	s0 =	simm.s32 @!p2 $0x0  }
0x16: {  	s3 =	sld [smem:$0x3FDB];
	s0 =	simm.s32 @p2 $0x1  }
0x17: {  	s4 =	simm.s32 $0x1BF5;
	[smem:$0x3FB9] =	sst s0  }
0x18: {  	s0 =	sld [smem:$0x3F9C];
	_ =	swait.ge [sflag:s4], $0x0  }
0x19: {  	s7 =	sld [smem:$0x3F9D]  }
0x1a: {  	s8 =	sadd.s32 $0xFFFFE003, lr  }
0x1b: {  	s9 =	sadd.s32 $0xFFFFFEF7, lr;
	s5 =	simm.s32 $0xFFFFFFFF;
	p2 =	slt.u32 s8, $0xFFFFF086  }
0x1c: {  	p1 =	slt.u32 s9, $0xF7A;
	s5 =	simm.s32 @!p2 $0x0  }
0x1d: {  	s5 =	simm.s32 @p1 $0x1;
	p0 =	seq.s32 s7, s2  }
0x1e: {  	s7 =	smul.u32 @!p0 $0xF7A, s2;
	p2 =	seq.s32 @!p0 s5, $0x0  }
0x1f: {  	s9 =	smul.u32 $0xF7A, s1;
	s8 =	simm.s32 @!p0 $0x1BF5;
	p2 =	por !p2, p0  }
0x20: {  	[sflag:s8] =	ssyncset.s32 @!p0 $0xFFFFF086;
	s6 =	sadd.s32 @!p0 s3, s7;
	s7 =	simm.s32 @!p0 $0x108  }
0x21: {  	s3 =	sadd.s32 s3, s9;
	s6 =	sadd.s32 @!p0 $0x88, s6;
	s7 =	simm.s32 @p2 $0x1082  }
0x22: {  	[simem:s7], [sflag:s8] =	dma.local @!p0 [hbm:s6], $0xF7A  }
0x23: {  	s9 =	sor.u32 $0xD0000000, s2;
	s6 =	simm.s32 $0x108;
	_ =	swait.ge @!p0 [sflag:s8], $0x0  }
0x24: {  	s3 =	sadd.s32 $0x88, s3;
	s6 =	simm.s32 @!p1 $0x1082;
	[sflag:s4] =	ssyncset.s32 $0xFFFFF086  }
0x25: {  	[simem:s6], [sflag:s4] =	dma.local [hbm:s3], $0xF7A  }
0x26: {  	[smem:$0x3F9D] =	sst s1;
	(tag) =	ssettag s2;
	_ =	strace s9  }
0x27: {  	s1 =	sld [smem:$0x3FAD]  }
0x28: {  	s2 =	sld [smem:$0x3FAE]  }
0x29: {  	s4 =	sld [smem:$0x3FB0]  }
0x2a: {  	p0 =	seq.s32 s5, $0x0;
	s5 =	sld [smem:$0x3FB1]  }
0x2b: {  	s6 =	sld [smem:$0x3FB2]  }
0x2c: {  	s7 =	sld [smem:$0x3FB3]  }
0x2d: {  	s3 =	simm.s32 $0x108;
	s8 =	sld [smem:$0x3FB4]  }
0x2e: {  	s3 =	simm.s32 @!p0 $0x1082;
	s9 =	sld [smem:$0x3FB5]  }
0x2f: {  	lr =	sadd.s32 s0, s3;
	s0 =	sld [smem:$0x3FAC]  }
0x30: {  	s3 =	sld [smem:$0x3FAF]  }
0x31: {  	[smem:$0x3FB8] =	sst s10  }
0x32: {  	s10 =	sld [smem:$0x3FB6];
	_ =	sdelay $0x3  }
0x33: {  	p0 =	seq.s32 s10, $0x1;
	s10 =	sld [smem:$0x3FB8];
	_ =	sdelay $0x3  }
0x34: {  	[smem:$0x3FB8] =	sst s10  }
0x35: {  	s10 =	sld [smem:$0x3FB7];
	_ =	sdelay $0x3  }
0x36: {  	p1 =	seq.s32 s10, $0x1;
	s10 =	sld [smem:$0x3FB8];
	_ =	sdelay $0x3  }
0x37: {  	[smem:$0x3FB8] =	sst s10  }
0x38: {  	s10 =	sld [smem:$0x3FB9]  }
0x39: {  	_ = 	snop;
	(pc) =	sbr.ind lr, $3  }
0x3a: {  	_ = 	snop  }
0x3b: {  	_ = 	snop  }
0x3c: {  	p2 =	seq.s32 s10, $0x1;
	s10 =	sld [smem:$0x3FB8]  }
0x3d: {  	_ =	shalt  }
0x3e: {  	_ =	shalt  }
0x3f: {  	_ =	shalt  }
0x40: {  	_ =	shalt  }
0x41: {  	_ =	shalt  }
0x42: {  	_ =	shalt  }
0x43: {  	_ =	shalt  }
0x44: {  	_ =	shalt  }
0x45: {  	_ =	shalt  }
0x46: {  	_ =	shalt  }
0x47: {  	_ =	shalt  }
0x48: {  	_ =	shalt  }
0x49: {  	_ =	shalt  }
0x4a: {  	_ =	shalt  }
0x4b: {  	_ =	shalt  }
0x4c: {  	_ =	shalt  }
0x4d: {  	_ =	shalt  }
0x4e: {  	_ =	shalt  }
0x4f: {  	_ =	shalt  }
0x50: {  	_ =	shalt  }
0x51: {  	_ =	shalt  }
0x52: {  	_ =	shalt  }
0x53: {  	_ =	shalt  }
0x54: {  	_ =	shalt  }
0x55: {  	_ =	shalt  }
0x56: {  	_ =	shalt  }
0x57: {  	_ =	shalt  }
0x58: {  	_ =	shalt  }
0x59: {  	_ =	shalt  }
0x5a: {  	_ =	shalt  }
0x5b: {  	_ =	shalt  }
0x5c: {  	_ =	shalt  }
0x5d: {  	_ =	shalt  }
0x5e: {  	_ =	shalt  }
0x5f: {  	_ =	shalt  }
0x60: {  	_ =	shalt  }
0x61: {  	_ =	shalt  }
0x62: {  	_ =	shalt  }
0x63: {  	_ =	shalt  }
0x64: {  	_ =	shalt  }
0x65: {  	_ =	shalt  }
0x66: {  	_ =	shalt  }
0x67: {  	_ =	shalt  }
0x68: {  	_ =	shalt  }
0x69: {  	_ =	shalt  }
0x6a: {  	_ =	shalt  }
0x6b: {  	_ =	shalt  }
0x6c: {  	_ =	shalt  }
0x6d: {  	_ =	shalt  }
0x6e: {  	_ =	shalt  }
0x6f: {  	_ =	shalt  }
0x70: {  	_ =	shalt  }
0x71: {  	_ =	shalt  }
0x72: {  	_ =	shalt  }
0x73: {  	_ =	shalt  }
0x74: {  	_ =	shalt  }
0x75: {  	_ =	shalt  }
0x76: {  	_ =	shalt  }
0x77: {  	_ =	shalt  }
0x78: {  	_ =	shalt  }
0x79: {  	_ =	shalt  }
0x7a: {  	_ =	shalt  }
0x7b: {  	_ =	shalt  }
0x7c: {  	_ =	shalt  }
0x7d: {  	_ =	shalt  }
0x7e: {  	_ =	shalt  }
0x7f: {  	_ =	shalt  }
0x80: {  	_ =	shalt  }
0x81: {  	_ =	shalt  }
0x82: {  	_ =	shalt  }
0x83: {  	_ =	shalt  }
0x84: {  	_ =	shalt  }
0x85: {  	_ =	shalt  }
0x86: {  	_ =	shalt  }
0x87: {  	_ =	shalt  }
.Lfunc_end0:
.L_simem_size_0:
called_computation.4_lowered:
.L_overlay_start_0:
0x88: {  	s2 =	sld [smem:$0x3FD9]  }
0x89: {  	s3 =	sld [smem:$0x3FFE];
	_ =	sdelay $0x1  }
0x8a: {  	s1 =	srdreg.scid  }
0x8b: {  	s0 =	sand.u32 $0x1, s1  }
0x8c: {  	s17 =	sshll.u32 s0, $0xA;
	s2 =	sadd.s32 s3, s2  }
0x8d: {  	s2 =	sadd.s32 s2, s17  }
0x8e: {  	[smem:$0x3FC4] =	sst s2  }
0x8f: {  	_ = 	snop  }
0x90: {  	s2 =	sld [smem:$0x3FD0];
	(tm) =	ssettm $0x1  }
0x91: {  	s18 =	sld [smem:$0x3FFB];
	_ =	sdelay $0x3  }
0x92: {  	_ =	strace s18  }
0x93: {  	s3 =	sld [smem:$0x3FFC];
	_ =	sdelay $0x3  }
0x94: {  	_ =	strace s3  }
0x95: {  	s3 =	sld [smem:$0x3FFD];
	_ =	sdelay $0x3  }
0x96: {  	_ =	strace s3  }
0x97: {  	_ =	strace $0x8FFFFFFF  }
0x98: {  	s19 =	sld [smem:$0x3FDB];
	_ =	sdelay $0x1  }
0x99: {  	s4 =	simm.s32 $_scs_section_size  }
0x9a: {  	s5 =	simm.s32 $_size__tile_overlayer_lowered;
	s6 =	simm.s32 $_tile_overlayer_lowered  }
0x9b: {  	s22 =	simm.s32 $0x1BFF;
	s21 =	sshll.u32 s6, $0x1;
	s3 =	sadd.s32 s4, s19  }
0x9c: {  	s7 =	simm.s32 $0x0;
	s20 =	sshll.u32 s5, $0x1;
	s5 =	sadd.s32 s21, s3  }
0x9d: {  	[timem:s7], [sflag:s22] =	dma.local [hbm:s5], s20  }
0x9e: {  	_ =	swait.ge [sflag:s22], s20  }
0x9f: {  	s4 =	ssub.s32 $0x0, s20;
	[sflag:s22] =	ssyncset.done $0x0  }
0xa0: {  	[sflag:s22] =	ssyncadd.s32 s4;
	_ =	sdelay $0x1  }
0xa1: {  	s23 =	simm.s32 $0x1B8B  }
0xa2: {  	_ =	swait.ge [sflag:s23], $0x1  }
0xa3: {  	[sflag:s23] =	ssyncset.done $0x0  }
0xa4: {  	s25 =	simm.s32 $0x1B8E;
	s24 =	sld [smem:$0x3FFE];
	[sflag:s23] =	ssyncadd.s32 $0xFFFFFFFF  }
0xa5: {  	s26 =	simm.s32 $execute0_lowered;
	[smem:$0x3FD2] =	sst s25  }
0xa6: {  	s5 =	sshll.u32 s26, $0x1;
	_ =	strace $0x80000052;
	[dreg:$0x1] =	wrdreg $0xFFFFFFFF  }
0xa7: {  	s28 =	simm.s32 $_size_execute0_lowered;
	s3 =	sadd.s32 s3, s5;
	[dreg:$0x0] =	wrdreg $0x0  }
0xa8: {  	s5 =	sshll.u32 s28, $0x1;
	[dreg:$0x2] =	wrdreg s3  }
0xa9: {  	[dreg:$0x3] =	wrdreg s5  }
0xaa: {  	[dreg:$0x4] =	wrdreg $0xC0  }
0xab: {  	_ =	task [dreg:s7], $0x5FFFF  }
0xac: {  	[dreg:$0x1] =	wrdreg $0xFFFFFFFF  }
0xad: {  	[dreg:$0x0] =	wrdreg $0x60  }
0xae: {  	[dreg:$0x2] =	wrdreg s2  }
0xaf: {  	[dreg:$0x3] =	wrdreg s24  }
0xb0: {  	[dreg:$0x4] =	wrdreg $0x90000  }
0xb1: {  	[dreg:$0x5] =	wrdreg $0x9  }
0xb2: {  	_ =	task.clear_ibuf [dreg:s7], $0x6FFFF;
	_ =	strace $0x90000052  }
0xb3: {  	s29 =	simm.s32 $0x9;
	_ =	strace $0x80000054  }
0xb4: {  	_ =	swait.ge [sflag:s29], $0x1  }
0xb5: {  	[sflag:s29] =	ssyncadd.s32 $0xFFFFFFFF  }
0xb6: {  	_ =	strace $0x90000054  }
0xb7: {  	_ =	sfence  }
0xb8: {  	s30 =	sld [smem:$0x0];
	_ =	sdelay $0x2  }
0xb9: {  	s31 =	sshll.u32 s1, $0xD;
	s1 =	sshrl.u32 s1, $0x2  }
0xba: {  	s3 =	sand.u32 $0x4000, s31;
	s1 =	sadd.s32 s1, s30  }
0xbb: {  	s0 =	sor.u32 s3, s0;
	s1 =	sshll.u32 s1, $0x11  }
0xbc: {  	s0 =	sor.u32 s1, s0  }
0xbd: {  	s0 =	sadd.s32 $0x8F2B, s0  }
0xbe: {  	[sflag:s0] =	ssyncadd.remote.s32 $0x1  }
0xbf: {  	_ =	sfence.sel $0xFFFF  }
0xc0: {  	[dreg:$0x0] =	wrdreg $0xFFFFFFFF;
	(pc) =	sbr.abs _section_cstart, $3  }
0xc1: {  	[dreg:$0x1] =	wrdreg $0xFFFFFFFF  }
0xc2: {  	_ =	task.clear_ibuf [dreg:s7], $0x2FFFF;
	_ =	strace $0x9FFFFFFF  }
0xc3: {  	(tm) =	ssettm $0x7FFFFFFF  }
tec
execute0_lowered:
.L_overlay_start_1:
0x0: {  	(tag) =	ssettag $0x1  }
0x1: {  	s2 =	rddreg [dreg:$0x0]  }
0x2: {  	s6 =	rddreg [dreg:$0x1]  }
0x3: {  	s0 =	srdreg.scid;
	s3 =	rddreg [dreg:$0x2];
	s4 =	simm.s32 $0x0  }
0x4: {  	s11 =	simm.s32 $0x2800;
	s14 =	simm.s32 $0x80;
	s5 =	sand.u32 $0x1, s0  }
0x5: {  	s15 =	simm.s32 $0x5000;
	s0 =	stileid.u32;
	s8 =	smul.u32 $0x140000, s5  }
0x6: {  	s16 =	simm.s32 $0x0;
	[smem:$0x7FF] =	sst s4;
	s9 =	smul.u32 $0x14000, s0  }
0x7: {  	s1 =	sshll.u32 s5, $0x4;
	s30 =	ssub.s32 $0x2, s5;
	s10 =	smul.u32 $0x50000, s0  }
0x8: {  	s5 =	sadd.s32 $0x11600, s6;
	s12 =	sshll.u32 s0, $0x6;
	s1 =	sor.u32 s0, s1  }
0x9: {  	s31 =	sshrl.u32 s30, $0x1;
	s12 =	sor.u32 $0x1C01, s12;
	s7 =	smul.u32 $0x500, s1  }
0xa: {  	s1 =	rddreg [dreg:$0x3];
	_ =	strace $0x80000053;
	s8 =	sadd.s32 s9, s8  }
0xb: {  	s9 =	ssub.s32 s30, s31;
	s10 =	sshrl.u32 s10, $0x2;
	s8 =	sshrl.u32 s8, $0x3  }
0xc: {  	s13 =	sadd.s32 s10, s3;
	s9 =	smax.u32 s9, $0x1;
	s10 =	simm.s32 $0x1  }
0xd: {  	s7 =	sadd.s32 s7, s6;
	s8 =	sadd.s32 s8, s6;
	s13 =	sshrl.u32 s13, $0x3  }
0xe: {  	s6 =	sadd.s32 $0x63E00, s7;
	s7 =	sadd.s32 $0x6E00, s7;
	s8 =	sadd.s32 $0x6DE00, s8  }
.LBB2_1:
0xf: {  	[tilespmem:s4], [sflag:$0x1] =	stream.linear.gather [hbm4b:s6+s4], $0x2780, $0x38;
	[tilespmem:$0x1D000] =	vst v63  }
0x10: {  	_ =	swait.ge [sflag:s10], $0x2780  }
0x11: {  	[sflag:s10] =	ssyncset.done $0x0  }
0x12: {  	[sflag:s10] =	ssyncadd.s32 $0xFFFFD880  }
0x13: {  	[tilespmem:s11], [sflag:$0x1] =	stream.linear.gather [hbm4b:s7+s4], $0x2780, $0x38;
	[tilespmem:$0x1D000] =	vst v63  }
0x14: {  	_ =	swait.ge [sflag:s10], $0x2780  }
0x15: {  	[sflag:s10] =	ssyncset.done $0x0  }
0x16: {  	[sflag:s10] =	ssyncadd.s32 $0xFFFFD880  }
0x17: {  	[spmem:s13], [sflag:s12] =	dma.local [hbm:s5], $0x2800  }
0x18: {  	_ =	swait.ge [sflag:s10], $0x2800  }
0x19: {  	[sflag:s10] =	ssyncset.done $0x0  }
0x1a: {  	[sflag:s10] =	ssyncadd.s32 $0xFFFFD800  }
0x1b: {  	s17 =	simm.s32 $0x0;
	[bflag:$0x0] =	sbarrier.arrive $0xFFFF  }
0x1c: {  	[tilespmem:s15], [sflag:$0x1] =	stream.indirect.gather [hbm4b:s2+s14], $0x80, s17, s14, $0xb8;
	[tilespmem:$0x1D000] =	vst v63  }
0x1d: {  	_ =	swait.ge [sflag:s10], $0x4000  }
0x1e: {  	[sflag:s10] =	ssyncset.done $0x0  }
0x1f: {  	s31 =	simm.s32 $0x2800;
	[sflag:s10] =	ssyncadd.s32 $0xFFFFC000  }
0x20: {  	[spmem:s3] =	stream.indirect.scatter.add.f32 [tilespmem:s15], [sflag:$0x1], $0x80, s31, s14, $0xb8;
	[tilespmem:$0x1D000] =	vst v63  }
0x21: {  	_ =	swait.ge [sflag:s10], $0x4000  }
0x22: {  	s18 =	simm.s32 $0x400;
	s17 =	simm.s32 $0x200;
	[sflag:s10] =	ssyncset.done $0x0  }
.LBB2_2:
0x23: {  	s19 =	sshra.s32 s17, $0x2  }
0x24: {  	[sflag:s10] =	ssyncadd.s32 $0xFFFFC000;
	s17 =	smov.u32 s18;
	s20 =	sadd.s32 $0x200, s18  }
0x25: {  	[tilespmem:s15], [sflag:$0x1] =	stream.indirect.gather [hbm4b:s2+s14], $0x80, s19, s14, $0xb8;
	[tilespmem:$0x1D000] =	vst v63  }
0x26: {  	p0 =	sne.s32 s18, $0x9C00;
	_ =	swait.ge [sflag:s10], $0x4000  }
.Ltmp0:
0x27: {  	[sflag:s10] =	ssyncset.done $0x0;
	(pc) =	sbr.rel @p0 .LBB2_2-.Ltmp0, $4  }
0x28: {  	s18 =	sadd.s32 $0x2800, s19;
	[sflag:s10] =	ssyncadd.s32 $0xFFFFC000  }
0x29: {  	[spmem:s3] =	stream.indirect.scatter.add.f32 [tilespmem:s15], [sflag:$0x1], $0x80, s18, s14, $0xb8;
	[tilespmem:$0x1D000] =	vst v63  }
0x2a: {  	_ =	swait.ge [sflag:s10], $0x4000  }
0x2b: {  	s18 =	smov.u32 s20;
	[sflag:s10] =	ssyncset.done $0x0  }
0x2c: {  	s17 =	sshra.s32 s17, $0x2;
	[sflag:s10] =	ssyncadd.s32 $0xFFFFC000  }
0x2d: {  	[tilespmem:s15], [sflag:$0x1] =	stream.indirect.gather [hbm4b:s2+s14], $0x80, s17, s14, $0xb8;
	[tilespmem:$0x1D000] =	vst v63  }
0x2e: {  	_ =	swait.ge [sflag:s10], $0x4000  }
0x2f: {  	[sflag:s10] =	ssyncset.done $0x0  }
0x30: {  	s17 =	sadd.s32 $0x2800, s17;
	[sflag:s10] =	ssyncadd.s32 $0xFFFFC000  }
0x31: {  	[spmem:s3] =	stream.indirect.scatter.add.f32 [tilespmem:s15], [sflag:$0x1], $0x80, s17, s14, $0xb8;
	[tilespmem:$0x1D000] =	vst v63  }
0x32: {  	_ =	swait.ge [sflag:s10], $0x4000  }
0x33: {  	s16 =	sadd.s32 $0x1, s16;
	[sflag:s10] =	ssyncset.done $0x0  }
0x34: {  	p0 =	sne.s32 s16, s9;
	[sflag:s10] =	ssyncadd.s32 $0xFFFFC000  }
.Ltmp1:
0x35: {  	[bflag:$0x0] =	sbarrier.arrive $0xFFFF;
	(pc) =	sbr.rel @p0 .LBB2_1-.Ltmp1, $4  }
0x36: {  	[hbm:s8], [sflag:s12] =	dma.local [spmem:s13], $0x2800  }
0x37: {  	_ =	swait.ge [sflag:s10], $0x2800  }
0x38: {  	[sflag:s10] =	ssyncset.done $0x0  }
0x39: {  	[sflag:s10] =	ssyncadd.s32 $0xFFFFD800  }
0x3a: {  	_ =	sfence.sel $0x180000  }
0x3b: {  	[bflag:$0x0] =	sbarrier.arrive $0xFFFF  }
0x3c: {  	p0 =	sne.s32 s0, $0x0;
	_ =	strace $0x90000053  }
0x3d: {  	s0 =	sadd.s32 @!p0 $0x100000, s1;
	[bflag:$0x2] =	sbarrier.arrive $0xFFFF  }
0x3e: {  	[sflag:s0] =	ssyncadd.tile.s32 @!p0 $0x1;
	_ =	shalt  }
.Lfunc_end2:
_tile_overlayer_lowered:
.L_overlay_start_2:
0x3f: {  	(tag) =	ssettag $0x2  }
0x40: {  	s0 =	rddreg [dreg:$0x0];
	s2 =	stileid.u32  }
0x41: {  	s1 =	rddreg [dreg:$0x1];
	p0 =	sne.s32 s2, $0x0  }
0x42: {  	s3 =	rddreg [dreg:$0x2];
	[bflag:$0x3] =	sbarrier.arrive $0xFFFF;
	s2 =	simm.s32 @!p0 $0x1C01  }
0x43: {  	[timem:s3], [sflag:s2] =	dma.local @!p0 [hbm:s0], s1  }
0x44: {  	s0 =	simm.s32 @!p0 $0x1  }
0x45: {  	_ =	swait.ge @!p0 [sflag:s0], s1  }
0x46: {  	s1 =	ssub.s32 @!p0 $0x0, s1;
	[sflag:s0] =	ssyncset.done @!p0 $0x0  }
0x47: {  	[sflag:s0] =	ssyncadd.s32 @!p0 s1  }
0x48: {  	[bflag:$0x3] =	sbarrier.arrive $0xFFFF  }
0x49: {  	_ =	shalt  }

// kernel: kernel.40.cloned.1.call-start
scs
__scs_entry_jumppad:
0x0: {  	(pc) =	sbr.rel $0x88, $3  }
0x1: {  	(tag) =	ssettag $0x0;
	lr =	simm.s32 $0x1  }
0x2: {  	[smem:$0x3F9D] =	sst lr;
	_ =	strace $0xD0000000  }
0x3: {  	_ = 	snop  }
0x4: {  	_ = 	snop  }
0x5: {  	_ = 	snop  }
0x6: {  	_ = 	snop  }
0x7: {  	_ = 	snop  }
__scs_overlays_trampoline_lowered:
0x8: {  	[smem:$0x3FAC] =	sst s0  }
0x9: {  	[smem:$0x3FAD] =	sst s1  }
0xa: {  	[smem:$0x3FAE] =	sst s2  }
0xb: {  	[smem:$0x3FAF] =	sst s3  }
0xc: {  	[smem:$0x3FB0] =	sst s4  }
0xd: {  	[smem:$0x3FB1] =	sst s5  }
0xe: {  	[smem:$0x3FB2] =	sst s6  }
0xf: {  	[smem:$0x3FB3] =	sst s7  }
0x10: {  	[smem:$0x3FB4] =	sst s8  }
0x11: {  	[smem:$0x3FB5] =	sst s9;
	s0 =	simm.s32 @!p0 $0x0  }
0x12: {  	s1 =	sld [smem:$0x3F9B];
	s0 =	simm.s32 @p0 $0x1  }
0x13: {  	[smem:$0x3FB6] =	sst s0;
	s0 =	simm.s32 @!p1 $0x0  }
0x14: {  	s2 =	sld [smem:$0x3F9A];
	s0 =	simm.s32 @p1 $0x1  }
0x15: {  	[smem:$0x3FB7] =	sst s0;
	s0 =	simm.s32 @!p2 $0x0  }
0x16: {  	s3 =	sld [smem:$0x3FDB];
	s0 =	simm.s32 @p2 $0x1  }
0x17: {  	s4 =	simm.s32 $0x1BF5;
	[smem:$0x3FB9] =	sst s0  }
0x18: {  	s0 =	sld [smem:$0x3F9C];
	_ =	swait.ge [sflag:s4], $0x0  }
0x19: {  	s7 =	sld [smem:$0x3F9D]  }
0x1a: {  	s8 =	sadd.s32 $0xFFFFE003, lr  }
0x1b: {  	s9 =	sadd.s32 $0xFFFFFEF7, lr;
	s5 =	simm.s32 $0xFFFFFFFF;
	p2 =	slt.u32 s8, $0xFFFFF086  }
0x1c: {  	p1 =	slt.u32 s9, $0xF7A;
	s5 =	simm.s32 @!p2 $0x0  }
0x1d: {  	s5 =	simm.s32 @p1 $0x1;
	p0 =	seq.s32 s7, s2  }
0x1e: {  	s7 =	smul.u32 @!p0 $0xF7A, s2;
	p2 =	seq.s32 @!p0 s5, $0x0  }
0x1f: {  	s9 =	smul.u32 $0xF7A, s1;
	s8 =	simm.s32 @!p0 $0x1BF5;
	p2 =	por !p2, p0  }
0x20: {  	[sflag:s8] =	ssyncset.s32 @!p0 $0xFFFFF086;
	s6 =	sadd.s32 @!p0 s3, s7;
	s7 =	simm.s32 @!p0 $0x108  }
0x21: {  	s3 =	sadd.s32 s3, s9;
	s6 =	sadd.s32 @!p0 $0x88, s6;
	s7 =	simm.s32 @p2 $0x1082  }
0x22: {  	[simem:s7], [sflag:s8] =	dma.local @!p0 [hbm:s6], $0xF7A  }
0x23: {  	s9 =	sor.u32 $0xD0000000, s2;
	s6 =	simm.s32 $0x108;
	_ =	swait.ge @!p0 [sflag:s8], $0x0  }
0x24: {  	s3 =	sadd.s32 $0x88, s3;
	s6 =	simm.s32 @!p1 $0x1082;
	[sflag:s4] =	ssyncset.s32 $0xFFFFF086  }
0x25: {  	[simem:s6], [sflag:s4] =	dma.local [hbm:s3], $0xF7A  }
0x26: {  	[smem:$0x3F9D] =	sst s1;
	(tag) =	ssettag s2;
	_ =	strace s9  }
0x27: {  	s1 =	sld [smem:$0x3FAD]  }
0x28: {  	s2 =	sld [smem:$0x3FAE]  }
0x29: {  	s4 =	sld [smem:$0x3FB0]  }
0x2a: {  	p0 =	seq.s32 s5, $0x0;
	s5 =	sld [smem:$0x3FB1]  }
0x2b: {  	s6 =	sld [smem:$0x3FB2]  }
0x2c: {  	s7 =	sld [smem:$0x3FB3]  }
0x2d: {  	s3 =	simm.s32 $0x108;
	s8 =	sld [smem:$0x3FB4]  }
0x2e: {  	s3 =	simm.s32 @!p0 $0x1082;
	s9 =	sld [smem:$0x3FB5]  }
0x2f: {  	lr =	sadd.s32 s0, s3;
	s0 =	sld [smem:$0x3FAC]  }
0x30: {  	s3 =	sld [smem:$0x3FAF]  }
0x31: {  	[smem:$0x3FB8] =	sst s10  }
0x32: {  	s10 =	sld [smem:$0x3FB6];
	_ =	sdelay $0x3  }
0x33: {  	p0 =	seq.s32 s10, $0x1;
	s10 =	sld [smem:$0x3FB8];
	_ =	sdelay $0x3  }
0x34: {  	[smem:$0x3FB8] =	sst s10  }
0x35: {  	s10 =	sld [smem:$0x3FB7];
	_ =	sdelay $0x3  }
0x36: {  	p1 =	seq.s32 s10, $0x1;
	s10 =	sld [smem:$0x3FB8];
	_ =	sdelay $0x3  }
0x37: {  	[smem:$0x3FB8] =	sst s10  }
0x38: {  	s10 =	sld [smem:$0x3FB9]  }
0x39: {  	_ = 	snop;
	(pc) =	sbr.ind lr, $3  }
0x3a: {  	_ = 	snop  }
0x3b: {  	_ = 	snop  }
0x3c: {  	p2 =	seq.s32 s10, $0x1;
	s10 =	sld [smem:$0x3FB8]  }
0x3d: {  	_ =	shalt  }
0x3e: {  	_ =	shalt  }
0x3f: {  	_ =	shalt  }
0x40: {  	_ =	shalt  }
0x41: {  	_ =	shalt  }
0x42: {  	_ =	shalt  }
0x43: {  	_ =	shalt  }
0x44: {  	_ =	shalt  }
0x45: {  	_ =	shalt  }
0x46: {  	_ =	shalt  }
0x47: {  	_ =	shalt  }
0x48: {  	_ =	shalt  }
0x49: {  	_ =	shalt  }
0x4a: {  	_ =	shalt  }
0x4b: {  	_ =	shalt  }
0x4c: {  	_ =	shalt  }
0x4d: {  	_ =	shalt  }
0x4e: {  	_ =	shalt  }
0x4f: {  	_ =	shalt  }
0x50: {  	_ =	shalt  }
0x51: {  	_ =	shalt  }
0x52: {  	_ =	shalt  }
0x53: {  	_ =	shalt  }
0x54: {  	_ =	shalt  }
0x55: {  	_ =	shalt  }
0x56: {  	_ =	shalt  }
0x57: {  	_ =	shalt  }
0x58: {  	_ =	shalt  }
0x59: {  	_ =	shalt  }
0x5a: {  	_ =	shalt  }
0x5b: {  	_ =	shalt  }
0x5c: {  	_ =	shalt  }
0x5d: {  	_ =	shalt  }
0x5e: {  	_ =	shalt  }
0x5f: {  	_ =	shalt  }
0x60: {  	_ =	shalt  }
0x61: {  	_ =	shalt  }
0x62: {  	_ =	shalt  }
0x63: {  	_ =	shalt  }
0x64: {  	_ =	shalt  }
0x65: {  	_ =	shalt  }
0x66: {  	_ =	shalt  }
0x67: {  	_ =	shalt  }
0x68: {  	_ =	shalt  }
0x69: {  	_ =	shalt  }
0x6a: {  	_ =	shalt  }
0x6b: {  	_ =	shalt  }
0x6c: {  	_ =	shalt  }
0x6d: {  	_ =	shalt  }
0x6e: {  	_ =	shalt  }
0x6f: {  	_ =	shalt  }
0x70: {  	_ =	shalt  }
0x71: {  	_ =	shalt  }
0x72: {  	_ =	shalt  }
0x73: {  	_ =	shalt  }
0x74: {  	_ =	shalt  }
0x75: {  	_ =	shalt  }
0x76: {  	_ =	shalt  }
0x77: {  	_ =	shalt  }
0x78: {  	_ =	shalt  }
0x79: {  	_ =	shalt  }
0x7a: {  	_ =	shalt  }
0x7b: {  	_ =	shalt  }
0x7c: {  	_ =	shalt  }
0x7d: {  	_ =	shalt  }
0x7e: {  	_ =	shalt  }
0x7f: {  	_ =	shalt  }
0x80: {  	_ =	shalt  }
0x81: {  	_ =	shalt  }
0x82: {  	_ =	shalt  }
0x83: {  	_ =	shalt  }
0x84: {  	_ =	shalt  }
0x85: {  	_ =	shalt  }
0x86: {  	_ =	shalt  }
0x87: {  	_ =	shalt  }
.Lfunc_end0:
.L_simem_size_0:
called_computation.5_lowered:
.L_overlay_start_0:
0x88: {  	s2 =	sld [smem:$0x3FD9]  }
0x89: {  	s3 =	sld [smem:$0x3FFE];
	_ =	sdelay $0x1  }
0x8a: {  	s1 =	srdreg.scid  }
0x8b: {  	s0 =	sand.u32 $0x1, s1  }
0x8c: {  	s17 =	sshll.u32 s0, $0xA;
	s2 =	sadd.s32 s3, s2  }
0x8d: {  	s2 =	sadd.s32 s2, s17  }
0x8e: {  	[smem:$0x3FC4] =	sst s2  }
0x8f: {  	_ = 	snop  }
0x90: {  	s2 =	sld [smem:$0x3FD0];
	(tm) =	ssettm $0x1  }
0x91: {  	s18 =	sld [smem:$0x3FFB];
	_ =	sdelay $0x3  }
0x92: {  	_ =	strace s18  }
0x93: {  	s3 =	sld [smem:$0x3FFC];
	_ =	sdelay $0x3  }
0x94: {  	_ =	strace s3  }
0x95: {  	s3 =	sld [smem:$0x3FFD];
	_ =	sdelay $0x3  }
0x96: {  	_ =	strace s3  }
0x97: {  	_ =	strace $0x8FFFFFFF  }
0x98: {  	s19 =	sld [smem:$0x3FDB];
	_ =	sdelay $0x1  }
0x99: {  	s4 =	simm.s32 $_scs_section_size  }
0x9a: {  	s5 =	simm.s32 $_size__tile_overlayer_lowered;
	s6 =	simm.s32 $_tile_overlayer_lowered  }
0x9b: {  	s22 =	simm.s32 $0x1BFF;
	s21 =	sshll.u32 s6, $0x1;
	s3 =	sadd.s32 s4, s19  }
0x9c: {  	s7 =	simm.s32 $0x0;
	s20 =	sshll.u32 s5, $0x1;
	s5 =	sadd.s32 s21, s3  }
0x9d: {  	[timem:s7], [sflag:s22] =	dma.local [hbm:s5], s20  }
0x9e: {  	_ =	swait.ge [sflag:s22], s20  }
0x9f: {  	s4 =	ssub.s32 $0x0, s20;
	[sflag:s22] =	ssyncset.done $0x0  }
0xa0: {  	[sflag:s22] =	ssyncadd.s32 s4;
	_ =	sdelay $0x1  }
0xa1: {  	s23 =	simm.s32 $0x1B8B  }
0xa2: {  	_ =	swait.ge [sflag:s23], $0x1  }
0xa3: {  	[sflag:s23] =	ssyncset.done $0x0  }
0xa4: {  	s25 =	simm.s32 $0x1B8E;
	s24 =	sld [smem:$0x3FFE];
	[sflag:s23] =	ssyncadd.s32 $0xFFFFFFFF  }
0xa5: {  	s26 =	simm.s32 $execute0_lowered;
	[smem:$0x3FD2] =	sst s25  }
0xa6: {  	s5 =	sshll.u32 s26, $0x1;
	_ =	strace $0x80000055;
	[dreg:$0x1] =	wrdreg $0xFFFFFFFF  }
0xa7: {  	s28 =	simm.s32 $_size_execute0_lowered;
	s3 =	sadd.s32 s3, s5;
	[dreg:$0x0] =	wrdreg $0x0  }
0xa8: {  	s5 =	sshll.u32 s28, $0x1;
	[dreg:$0x2] =	wrdreg s3  }
0xa9: {  	[dreg:$0x3] =	wrdreg s5  }
0xaa: {  	[dreg:$0x4] =	wrdreg $0xC0  }
0xab: {  	_ =	task [dreg:s7], $0x5FFFF  }
0xac: {  	[dreg:$0x1] =	wrdreg $0xFFFFFFFF  }
0xad: {  	[dreg:$0x0] =	wrdreg $0x60  }
0xae: {  	[dreg:$0x2] =	wrdreg s2  }
0xaf: {  	[dreg:$0x3] =	wrdreg s24  }
0xb0: {  	[dreg:$0x4] =	wrdreg $0x90000  }
0xb1: {  	[dreg:$0x5] =	wrdreg $0x9  }
0xb2: {  	_ =	task.clear_ibuf [dreg:s7], $0x6FFFF;
	_ =	strace $0x90000055  }
0xb3: {  	s29 =	simm.s32 $0x9;
	_ =	strace $0x80000057  }
0xb4: {  	_ =	swait.ge [sflag:s29], $0x1  }
0xb5: {  	[sflag:s29] =	ssyncadd.s32 $0xFFFFFFFF  }
0xb6: {  	_ =	strace $0x90000057  }
0xb7: {  	_ =	sfence  }
0xb8: {  	s30 =	sld [smem:$0x0];
	_ =	sdelay $0x2  }
0xb9: {  	s31 =	sshll.u32 s1, $0xD;
	s1 =	sshrl.u32 s1, $0x2  }
0xba: {  	s3 =	sand.u32 $0x4000, s31;
	s1 =	sadd.s32 s1, s30  }
0xbb: {  	s0 =	sor.u32 s3, s0;
	s1 =	sshll.u32 s1, $0x11  }
0xbc: {  	s0 =	sor.u32 s1, s0  }
0xbd: {  	s0 =	sadd.s32 $0x8F2B, s0  }
0xbe: {  	[sflag:s0] =	ssyncadd.remote.s32 $0x1  }
0xbf: {  	_ =	sfence.sel $0xFFFF  }
0xc0: {  	[dreg:$0x0] =	wrdreg $0xFFFFFFFF;
	(pc) =	sbr.abs _section_cstart, $3  }
0xc1: {  	[dreg:$0x1] =	wrdreg $0xFFFFFFFF  }
0xc2: {  	_ =	task.clear_ibuf [dreg:s7], $0x2FFFF;
	_ =	strace $0x9FFFFFFF  }
0xc3: {  	(tm) =	ssettm $0x7FFFFFFF  }
tec
execute0_lowered:
.L_overlay_start_1:
0x0: {  	(tag) =	ssettag $0x1  }
0x1: {  	s2 =	rddreg [dreg:$0x0]  }
0x2: {  	s6 =	rddreg [dreg:$0x1]  }
0x3: {  	s0 =	srdreg.scid;
	s3 =	rddreg [dreg:$0x2];
	s4 =	simm.s32 $0x0  }
0x4: {  	s11 =	simm.s32 $0x2800;
	s14 =	simm.s32 $0x80;
	s5 =	sand.u32 $0x1, s0  }
0x5: {  	s15 =	simm.s32 $0x5000;
	s0 =	stileid.u32;
	s8 =	smul.u32 $0x140000, s5  }
0x6: {  	s16 =	simm.s32 $0x0;
	[smem:$0x7FF] =	sst s4;
	s9 =	smul.u32 $0x14000, s0  }
0x7: {  	s1 =	sshll.u32 s5, $0x4;
	s30 =	ssub.s32 $0x2, s5;
	s10 =	smul.u32 $0x50000, s0  }
0x8: {  	s5 =	sadd.s32 $0x11600, s6;
	s12 =	sshll.u32 s0, $0x6;
	s1 =	sor.u32 s0, s1  }
0x9: {  	s31 =	sshrl.u32 s30, $0x1;
	s12 =	sor.u32 $0x1C01, s12;
	s7 =	smul.u32 $0x500, s1  }
0xa: {  	s1 =	rddreg [dreg:$0x3];
	_ =	strace $0x80000056;
	s8 =	sadd.s32 s9, s8  }
0xb: {  	s9 =	ssub.s32 s30, s31;
	s10 =	sshrl.u32 s10, $0x2;
	s8 =	sshrl.u32 s8, $0x3  }
0xc: {  	s13 =	sadd.s32 s10, s3;
	s9 =	smax.u32 s9, $0x1;
	s10 =	simm.s32 $0x1  }
0xd: {  	s7 =	sadd.s32 s7, s6;
	s8 =	sadd.s32 s8, s6;
	s13 =	sshrl.u32 s13, $0x3  }
0xe: {  	s6 =	sadd.s32 $0x63E00, s7;
	s7 =	sadd.s32 $0x6E00, s7;
	s8 =	sadd.s32 $0x6DE00, s8  }
.LBB2_1:
0xf: {  	[tilespmem:s4], [sflag:$0x1] =	stream.linear.gather [hbm4b:s6+s4], $0x2780, $0x38;
	[tilespmem:$0x1D000] =	vst v63  }
0x10: {  	_ =	swait.ge [sflag:s10], $0x2780  }
0x11: {  	[sflag:s10] =	ssyncset.done $0x0  }
0x12: {  	[sflag:s10] =	ssyncadd.s32 $0xFFFFD880  }
0x13: {  	[tilespmem:s11], [sflag:$0x1] =	stream.linear.gather [hbm4b:s7+s4], $0x2780, $0x38;
	[tilespmem:$0x1D000] =	vst v63  }
0x14: {  	_ =	swait.ge [sflag:s10], $0x2780  }
0x15: {  	[sflag:s10] =	ssyncset.done $0x0  }
0x16: {  	[sflag:s10] =	ssyncadd.s32 $0xFFFFD880  }
0x17: {  	[spmem:s13], [sflag:s12] =	dma.local [hbm:s5], $0x2800  }
0x18: {  	_ =	swait.ge [sflag:s10], $0x2800  }
0x19: {  	[sflag:s10] =	ssyncset.done $0x0  }
0x1a: {  	[sflag:s10] =	ssyncadd.s32 $0xFFFFD800  }
0x1b: {  	s17 =	simm.s32 $0x0;
	[bflag:$0x0] =	sbarrier.arrive $0xFFFF  }
0x1c: {  	[tilespmem:s15], [sflag:$0x1] =	stream.indirect.gather [hbm4b:s2+s14], $0x80, s17, s14, $0xb8;
	[tilespmem:$0x1D000] =	vst v63  }
0x1d: {  	_ =	swait.ge [sflag:s10], $0x4000  }
0x1e: {  	[sflag:s10] =	ssyncset.done $0x0  }
0x1f: {  	s31 =	simm.s32 $0x2800;
	[sflag:s10] =	ssyncadd.s32 $0xFFFFC000  }
0x20: {  	[spmem:s3] =	stream.indirect.scatter.add.f32 [tilespmem:s15], [sflag:$0x1], $0x80, s31, s14, $0xb8;
	[tilespmem:$0x1D000] =	vst v63  }
0x21: {  	_ =	swait.ge [sflag:s10], $0x4000  }
0x22: {  	s18 =	simm.s32 $0x400;
	s17 =	simm.s32 $0x200;
	[sflag:s10] =	ssyncset.done $0x0  }
.LBB2_2:
0x23: {  	s19 =	sshra.s32 s17, $0x2  }
0x24: {  	[sflag:s10] =	ssyncadd.s32 $0xFFFFC000;
	s17 =	smov.u32 s18;
	s20 =	sadd.s32 $0x200, s18  }
0x25: {  	[tilespmem:s15], [sflag:$0x1] =	stream.indirect.gather [hbm4b:s2+s14], $0x80, s19, s14, $0xb8;
	[tilespmem:$0x1D000] =	vst v63  }
0x26: {  	p0 =	sne.s32 s18, $0x9C00;
	_ =	swait.ge [sflag:s10], $0x4000  }
.Ltmp0:
0x27: {  	[sflag:s10] =	ssyncset.done $0x0;
	(pc) =	sbr.rel @p0 .LBB2_2-.Ltmp0, $4  }
0x28: {  	s18 =	sadd.s32 $0x2800, s19;
	[sflag:s10] =	ssyncadd.s32 $0xFFFFC000  }
0x29: {  	[spmem:s3] =	stream.indirect.scatter.add.f32 [tilespmem:s15], [sflag:$0x1], $0x80, s18, s14, $0xb8;
	[tilespmem:$0x1D000] =	vst v63  }
0x2a: {  	_ =	swait.ge [sflag:s10], $0x4000  }
0x2b: {  	s18 =	smov.u32 s20;
	[sflag:s10] =	ssyncset.done $0x0  }
0x2c: {  	s17 =	sshra.s32 s17, $0x2;
	[sflag:s10] =	ssyncadd.s32 $0xFFFFC000  }
0x2d: {  	[tilespmem:s15], [sflag:$0x1] =	stream.indirect.gather [hbm4b:s2+s14], $0x80, s17, s14, $0xb8;
	[tilespmem:$0x1D000] =	vst v63  }
0x2e: {  	_ =	swait.ge [sflag:s10], $0x4000  }
0x2f: {  	[sflag:s10] =	ssyncset.done $0x0  }
0x30: {  	s17 =	sadd.s32 $0x2800, s17;
	[sflag:s10] =	ssyncadd.s32 $0xFFFFC000  }
0x31: {  	[spmem:s3] =	stream.indirect.scatter.add.f32 [tilespmem:s15], [sflag:$0x1], $0x80, s17, s14, $0xb8;
	[tilespmem:$0x1D000] =	vst v63  }
0x32: {  	_ =	swait.ge [sflag:s10], $0x4000  }
0x33: {  	s16 =	sadd.s32 $0x1, s16;
	[sflag:s10] =	ssyncset.done $0x0  }
0x34: {  	p0 =	sne.s32 s16, s9;
	[sflag:s10] =	ssyncadd.s32 $0xFFFFC000  }
.Ltmp1:
0x35: {  	[bflag:$0x0] =	sbarrier.arrive $0xFFFF;
	(pc) =	sbr.rel @p0 .LBB2_1-.Ltmp1, $4  }
0x36: {  	[hbm:s8], [sflag:s12] =	dma.local [spmem:s13], $0x2800  }
0x37: {  	_ =	swait.ge [sflag:s10], $0x2800  }
0x38: {  	[sflag:s10] =	ssyncset.done $0x0  }
0x39: {  	[sflag:s10] =	ssyncadd.s32 $0xFFFFD800  }
0x3a: {  	_ =	sfence.sel $0x180000  }
0x3b: {  	[bflag:$0x0] =	sbarrier.arrive $0xFFFF  }
0x3c: {  	p0 =	sne.s32 s0, $0x0;
	_ =	strace $0x90000056  }
0x3d: {  	s0 =	sadd.s32 @!p0 $0x100000, s1;
	[bflag:$0x2] =	sbarrier.arrive $0xFFFF  }
0x3e: {  	[sflag:s0] =	ssyncadd.tile.s32 @!p0 $0x1;
	_ =	shalt  }
.Lfunc_end2:
_tile_overlayer_lowered:
.L_overlay_start_2:
0x3f: {  	(tag) =	ssettag $0x2  }
0x40: {  	s0 =	rddreg [dreg:$0x0];
	s2 =	stileid.u32  }
0x41: {  	s1 =	rddreg [dreg:$0x1];
	p0 =	sne.s32 s2, $0x0  }
0x42: {  	s3 =	rddreg [dreg:$0x2];
	[bflag:$0x3] =	sbarrier.arrive $0xFFFF;
	s2 =	simm.s32 @!p0 $0x1C01  }
0x43: {  	[timem:s3], [sflag:s2] =	dma.local @!p0 [hbm:s0], s1  }
0x44: {  	s0 =	simm.s32 @!p0 $0x1  }
0x45: {  	_ =	swait.ge @!p0 [sflag:s0], s1  }
0x46: {  	s1 =	ssub.s32 @!p0 $0x0, s1;
	[sflag:s0] =	ssyncset.done @!p0 $0x0  }
0x47: {  	[sflag:s0] =	ssyncadd.s32 @!p0 s1  }
0x48: {  	[bflag:$0x3] =	sbarrier.arrive $0xFFFF  }
0x49: {  	_ =	shalt  }

// kernel: kernel.43.cloned.1.call-start
scs
__scs_entry_jumppad:
0x0: {  	(pc) =	sbr.rel $0x88, $3  }
0x1: {  	(tag) =	ssettag $0x0;
	lr =	simm.s32 $0x1  }
0x2: {  	[smem:$0x3F9D] =	sst lr;
	_ =	strace $0xD0000000  }
0x3: {  	_ = 	snop  }
0x4: {  	_ = 	snop  }
0x5: {  	_ = 	snop  }
0x6: {  	_ = 	snop  }
0x7: {  	_ = 	snop  }
__scs_overlays_trampoline_lowered:
0x8: {  	[smem:$0x3FAC] =	sst s0  }
0x9: {  	[smem:$0x3FAD] =	sst s1  }
0xa: {  	[smem:$0x3FAE] =	sst s2  }
0xb: {  	[smem:$0x3FAF] =	sst s3  }
0xc: {  	[smem:$0x3FB0] =	sst s4  }
0xd: {  	[smem:$0x3FB1] =	sst s5  }
0xe: {  	[smem:$0x3FB2] =	sst s6  }
0xf: {  	[smem:$0x3FB3] =	sst s7  }
0x10: {  	[smem:$0x3FB4] =	sst s8  }
0x11: {  	[smem:$0x3FB5] =	sst s9;
	s0 =	simm.s32 @!p0 $0x0  }
0x12: {  	s1 =	sld [smem:$0x3F9B];
	s0 =	simm.s32 @p0 $0x1  }
0x13: {  	[smem:$0x3FB6] =	sst s0;
	s0 =	simm.s32 @!p1 $0x0  }
0x14: {  	s2 =	sld [smem:$0x3F9A];
	s0 =	simm.s32 @p1 $0x1  }
0x15: {  	[smem:$0x3FB7] =	sst s0;
	s0 =	simm.s32 @!p2 $0x0  }
0x16: {  	s3 =	sld [smem:$0x3FDB];
	s0 =	simm.s32 @p2 $0x1  }
0x17: {  	s4 =	simm.s32 $0x1BF5;
	[smem:$0x3FB9] =	sst s0  }
0x18: {  	s0 =	sld [smem:$0x3F9C];
	_ =	swait.ge [sflag:s4], $0x0  }
0x19: {  	s7 =	sld [smem:$0x3F9D]  }
0x1a: {  	s8 =	sadd.s32 $0xFFFFE003, lr  }
0x1b: {  	s9 =	sadd.s32 $0xFFFFFEF7, lr;
	s5 =	simm.s32 $0xFFFFFFFF;
	p2 =	slt.u32 s8, $0xFFFFF086  }
0x1c: {  	p1 =	slt.u32 s9, $0xF7A;
	s5 =	simm.s32 @!p2 $0x0  }
0x1d: {  	s5 =	simm.s32 @p1 $0x1;
	p0 =	seq.s32 s7, s2  }
0x1e: {  	s7 =	smul.u32 @!p0 $0xF7A, s2;
	p2 =	seq.s32 @!p0 s5, $0x0  }
0x1f: {  	s9 =	smul.u32 $0xF7A, s1;
	s8 =	simm.s32 @!p0 $0x1BF5;
	p2 =	por !p2, p0  }
0x20: {  	[sflag:s8] =	ssyncset.s32 @!p0 $0xFFFFF086;
	s6 =	sadd.s32 @!p0 s3, s7;
	s7 =	simm.s32 @!p0 $0x108  }
0x21: {  	s3 =	sadd.s32 s3, s9;
	s6 =	sadd.s32 @!p0 $0x88, s6;
	s7 =	simm.s32 @p2 $0x1082  }
0x22: {  	[simem:s7], [sflag:s8] =	dma.local @!p0 [hbm:s6], $0xF7A  }
0x23: {  	s9 =	sor.u32 $0xD0000000, s2;
	s6 =	simm.s32 $0x108;
	_ =	swait.ge @!p0 [sflag:s8], $0x0  }
0x24: {  	s3 =	sadd.s32 $0x88, s3;
	s6 =	simm.s32 @!p1 $0x1082;
	[sflag:s4] =	ssyncset.s32 $0xFFFFF086  }
0x25: {  	[simem:s6], [sflag:s4] =	dma.local [hbm:s3], $0xF7A  }
0x26: {  	[smem:$0x3F9D] =	sst s1;
	(tag) =	ssettag s2;
	_ =	strace s9  }
0x27: {  	s1 =	sld [smem:$0x3FAD]  }
0x28: {  	s2 =	sld [smem:$0x3FAE]  }
0x29: {  	s4 =	sld [smem:$0x3FB0]  }
0x2a: {  	p0 =	seq.s32 s5, $0x0;
	s5 =	sld [smem:$0x3FB1]  }
0x2b: {  	s6 =	sld [smem:$0x3FB2]  }
0x2c: {  	s7 =	sld [smem:$0x3FB3]  }
0x2d: {  	s3 =	simm.s32 $0x108;
	s8 =	sld [smem:$0x3FB4]  }
0x2e: {  	s3 =	simm.s32 @!p0 $0x1082;
	s9 =	sld [smem:$0x3FB5]  }
0x2f: {  	lr =	sadd.s32 s0, s3;
	s0 =	sld [smem:$0x3FAC]  }
0x30: {  	s3 =	sld [smem:$0x3FAF]  }
0x31: {  	[smem:$0x3FB8] =	sst s10  }
0x32: {  	s10 =	sld [smem:$0x3FB6];
	_ =	sdelay $0x3  }
0x33: {  	p0 =	seq.s32 s10, $0x1;
	s10 =	sld [smem:$0x3FB8];
	_ =	sdelay $0x3  }
0x34: {  	[smem:$0x3FB8] =	sst s10  }
0x35: {  	s10 =	sld [smem:$0x3FB7];
	_ =	sdelay $0x3  }
0x36: {  	p1 =	seq.s32 s10, $0x1;
	s10 =	sld [smem:$0x3FB8];
	_ =	sdelay $0x3  }
0x37: {  	[smem:$0x3FB8] =	sst s10  }
0x38: {  	s10 =	sld [smem:$0x3FB9]  }
0x39: {  	_ = 	snop;
	(pc) =	sbr.ind lr, $3  }
0x3a: {  	_ = 	snop  }
0x3b: {  	_ = 	snop  }
0x3c: {  	p2 =	seq.s32 s10, $0x1;
	s10 =	sld [smem:$0x3FB8]  }
0x3d: {  	_ =	shalt  }
0x3e: {  	_ =	shalt  }
0x3f: {  	_ =	shalt  }
0x40: {  	_ =	shalt  }
0x41: {  	_ =	shalt  }
0x42: {  	_ =	shalt  }
0x43: {  	_ =	shalt  }
0x44: {  	_ =	shalt  }
0x45: {  	_ =	shalt  }
0x46: {  	_ =	shalt  }
0x47: {  	_ =	shalt  }
0x48: {  	_ =	shalt  }
0x49: {  	_ =	shalt  }
0x4a: {  	_ =	shalt  }
0x4b: {  	_ =	shalt  }
0x4c: {  	_ =	shalt  }
0x4d: {  	_ =	shalt  }
0x4e: {  	_ =	shalt  }
0x4f: {  	_ =	shalt  }
0x50: {  	_ =	shalt  }
0x51: {  	_ =	shalt  }
0x52: {  	_ =	shalt  }
0x53: {  	_ =	shalt  }
0x54: {  	_ =	shalt  }
0x55: {  	_ =	shalt  }
0x56: {  	_ =	shalt  }
0x57: {  	_ =	shalt  }
0x58: {  	_ =	shalt  }
0x59: {  	_ =	shalt  }
0x5a: {  	_ =	shalt  }
0x5b: {  	_ =	shalt  }
0x5c: {  	_ =	shalt  }
0x5d: {  	_ =	shalt  }
0x5e: {  	_ =	shalt  }
0x5f: {  	_ =	shalt  }
0x60: {  	_ =	shalt  }
0x61: {  	_ =	shalt  }
0x62: {  	_ =	shalt  }
0x63: {  	_ =	shalt  }
0x64: {  	_ =	shalt  }
0x65: {  	_ =	shalt  }
0x66: {  	_ =	shalt  }
0x67: {  	_ =	shalt  }
0x68: {  	_ =	shalt  }
0x69: {  	_ =	shalt  }
0x6a: {  	_ =	shalt  }
0x6b: {  	_ =	shalt  }
0x6c: {  	_ =	shalt  }
0x6d: {  	_ =	shalt  }
0x6e: {  	_ =	shalt  }
0x6f: {  	_ =	shalt  }
0x70: {  	_ =	shalt  }
0x71: {  	_ =	shalt  }
0x72: {  	_ =	shalt  }
0x73: {  	_ =	shalt  }
0x74: {  	_ =	shalt  }
0x75: {  	_ =	shalt  }
0x76: {  	_ =	shalt  }
0x77: {  	_ =	shalt  }
0x78: {  	_ =	shalt  }
0x79: {  	_ =	shalt  }
0x7a: {  	_ =	shalt  }
0x7b: {  	_ =	shalt  }
0x7c: {  	_ =	shalt  }
0x7d: {  	_ =	shalt  }
0x7e: {  	_ =	shalt  }
0x7f: {  	_ =	shalt  }
0x80: {  	_ =	shalt  }
0x81: {  	_ =	shalt  }
0x82: {  	_ =	shalt  }
0x83: {  	_ =	shalt  }
0x84: {  	_ =	shalt  }
0x85: {  	_ =	shalt  }
0x86: {  	_ =	shalt  }
0x87: {  	_ =	shalt  }
.Lfunc_end0:
.L_simem_size_0:
called_computation.6_lowered:
.L_overlay_start_0:
0x88: {  	s2 =	sld [smem:$0x3FD9]  }
0x89: {  	s3 =	sld [smem:$0x3FFE];
	_ =	sdelay $0x1  }
0x8a: {  	s1 =	srdreg.scid  }
0x8b: {  	s0 =	sand.u32 $0x1, s1  }
0x8c: {  	s17 =	sshll.u32 s0, $0xA;
	s2 =	sadd.s32 s3, s2  }
0x8d: {  	s2 =	sadd.s32 s2, s17  }
0x8e: {  	[smem:$0x3FC4] =	sst s2  }
0x8f: {  	_ = 	snop  }
0x90: {  	s2 =	sld [smem:$0x3FD0];
	(tm) =	ssettm $0x1  }
0x91: {  	s18 =	sld [smem:$0x3FFB];
	_ =	sdelay $0x3  }
0x92: {  	_ =	strace s18  }
0x93: {  	s3 =	sld [smem:$0x3FFC];
	_ =	sdelay $0x3  }
0x94: {  	_ =	strace s3  }
0x95: {  	s3 =	sld [smem:$0x3FFD];
	_ =	sdelay $0x3  }
0x96: {  	_ =	strace s3  }
0x97: {  	_ =	strace $0x8FFFFFFF  }
0x98: {  	s19 =	sld [smem:$0x3FDB];
	_ =	sdelay $0x1  }
0x99: {  	s4 =	simm.s32 $_scs_section_size  }
0x9a: {  	s5 =	simm.s32 $_size__tile_overlayer_lowered;
	s6 =	simm.s32 $_tile_overlayer_lowered  }
0x9b: {  	s22 =	simm.s32 $0x1BFF;
	s21 =	sshll.u32 s6, $0x1;
	s3 =	sadd.s32 s4, s19  }
0x9c: {  	s7 =	simm.s32 $0x0;
	s20 =	sshll.u32 s5, $0x1;
	s5 =	sadd.s32 s21, s3  }
0x9d: {  	[timem:s7], [sflag:s22] =	dma.local [hbm:s5], s20  }
0x9e: {  	_ =	swait.ge [sflag:s22], s20  }
0x9f: {  	s4 =	ssub.s32 $0x0, s20;
	[sflag:s22] =	ssyncset.done $0x0  }
0xa0: {  	[sflag:s22] =	ssyncadd.s32 s4;
	_ =	sdelay $0x1  }
0xa1: {  	s23 =	simm.s32 $0x1B8B  }
0xa2: {  	_ =	swait.ge [sflag:s23], $0x1  }
0xa3: {  	[sflag:s23] =	ssyncset.done $0x0  }
0xa4: {  	s25 =	simm.s32 $0x1B8E;
	s24 =	sld [smem:$0x3FFE];
	[sflag:s23] =	ssyncadd.s32 $0xFFFFFFFF  }
0xa5: {  	s26 =	simm.s32 $execute0_lowered;
	[smem:$0x3FD2] =	sst s25  }
0xa6: {  	s5 =	sshll.u32 s26, $0x1;
	_ =	strace $0x80000058;
	[dreg:$0x1] =	wrdreg $0xFFFFFFFF  }
0xa7: {  	s28 =	simm.s32 $_size_execute0_lowered;
	s3 =	sadd.s32 s3, s5;
	[dreg:$0x0] =	wrdreg $0x0  }
0xa8: {  	s5 =	sshll.u32 s28, $0x1;
	[dreg:$0x2] =	wrdreg s3  }
0xa9: {  	[dreg:$0x3] =	wrdreg s5  }
0xaa: {  	[dreg:$0x4] =	wrdreg $0xC0  }
0xab: {  	_ =	task [dreg:s7], $0x5FFFF  }
0xac: {  	[dreg:$0x1] =	wrdreg $0xFFFFFFFF  }
0xad: {  	[dreg:$0x0] =	wrdreg $0x60  }
0xae: {  	[dreg:$0x2] =	wrdreg s2  }
0xaf: {  	[dreg:$0x3] =	wrdreg s24  }
0xb0: {  	[dreg:$0x4] =	wrdreg $0x90000  }
0xb1: {  	[dreg:$0x5] =	wrdreg $0x9  }
0xb2: {  	_ =	task.clear_ibuf [dreg:s7], $0x6FFFF;
	_ =	strace $0x90000058  }
0xb3: {  	s29 =	simm.s32 $0x9;
	_ =	strace $0x8000005A  }
0xb4: {  	_ =	swait.ge [sflag:s29], $0x1  }
0xb5: {  	[sflag:s29] =	ssyncadd.s32 $0xFFFFFFFF  }
0xb6: {  	_ =	strace $0x9000005A  }
0xb7: {  	_ =	sfence  }
0xb8: {  	s30 =	sld [smem:$0x0];
	_ =	sdelay $0x2  }
0xb9: {  	s31 =	sshll.u32 s1, $0xD;
	s1 =	sshrl.u32 s1, $0x2  }
0xba: {  	s3 =	sand.u32 $0x4000, s31;
	s1 =	sadd.s32 s1, s30  }
0xbb: {  	s0 =	sor.u32 s3, s0;
	s1 =	sshll.u32 s1, $0x11  }
0xbc: {  	s0 =	sor.u32 s1, s0  }
0xbd: {  	s0 =	sadd.s32 $0x8F2B, s0  }
0xbe: {  	[sflag:s0] =	ssyncadd.remote.s32 $0x1  }
0xbf: {  	_ =	sfence.sel $0xFFFF  }
0xc0: {  	[dreg:$0x0] =	wrdreg $0xFFFFFFFF;
	(pc) =	sbr.abs _section_cstart, $3  }
0xc1: {  	[dreg:$0x1] =	wrdreg $0xFFFFFFFF  }
0xc2: {  	_ =	task.clear_ibuf [dreg:s7], $0x2FFFF;
	_ =	strace $0x9FFFFFFF  }
0xc3: {  	(tm) =	ssettm $0x7FFFFFFF  }
tec
execute0_lowered:
.L_overlay_start_1:
0x0: {  	(tag) =	ssettag $0x1  }
0x1: {  	s2 =	rddreg [dreg:$0x0]  }
0x2: {  	s6 =	rddreg [dreg:$0x1]  }
0x3: {  	s0 =	srdreg.scid;
	s3 =	rddreg [dreg:$0x2];
	s4 =	simm.s32 $0x0  }
0x4: {  	s11 =	simm.s32 $0x2800;
	s14 =	simm.s32 $0x80;
	s5 =	sand.u32 $0x1, s0  }
0x5: {  	s15 =	simm.s32 $0x5000;
	s0 =	stileid.u32;
	s8 =	smul.u32 $0x140000, s5  }
0x6: {  	s16 =	simm.s32 $0x0;
	[smem:$0x7FF] =	sst s4;
	s9 =	smul.u32 $0x14000, s0  }
0x7: {  	s1 =	sshll.u32 s5, $0x4;
	s30 =	ssub.s32 $0x2, s5;
	s10 =	smul.u32 $0x50000, s0  }
0x8: {  	s5 =	sadd.s32 $0x11600, s6;
	s12 =	sshll.u32 s0, $0x6;
	s1 =	sor.u32 s0, s1  }
0x9: {  	s31 =	sshrl.u32 s30, $0x1;
	s12 =	sor.u32 $0x1C01, s12;
	s7 =	smul.u32 $0x500, s1  }
0xa: {  	s1 =	rddreg [dreg:$0x3];
	_ =	strace $0x80000059;
	s8 =	sadd.s32 s9, s8  }
0xb: {  	s9 =	ssub.s32 s30, s31;
	s10 =	sshrl.u32 s10, $0x2;
	s8 =	sshrl.u32 s8, $0x3  }
0xc: {  	s13 =	sadd.s32 s10, s3;
	s9 =	smax.u32 s9, $0x1;
	s10 =	simm.s32 $0x1  }
0xd: {  	s7 =	sadd.s32 s7, s6;
	s8 =	sadd.s32 s8, s6;
	s13 =	sshrl.u32 s13, $0x3  }
0xe: {  	s6 =	sadd.s32 $0x63E00, s7;
	s7 =	sadd.s32 $0x6E00, s7;
	s8 =	sadd.s32 $0x6DE00, s8  }
.LBB2_1:
0xf: {  	[tilespmem:s4], [sflag:$0x1] =	stream.linear.gather [hbm4b:s6+s4], $0x2780, $0x38;
	[tilespmem:$0x1D000] =	vst v63  }
0x10: {  	_ =	swait.ge [sflag:s10], $0x2780  }
0x11: {  	[sflag:s10] =	ssyncset.done $0x0  }
0x12: {  	[sflag:s10] =	ssyncadd.s32 $0xFFFFD880  }
0x13: {  	[tilespmem:s11], [sflag:$0x1] =	stream.linear.gather [hbm4b:s7+s4], $0x2780, $0x38;
	[tilespmem:$0x1D000] =	vst v63  }
0x14: {  	_ =	swait.ge [sflag:s10], $0x2780  }
0x15: {  	[sflag:s10] =	ssyncset.done $0x0  }
0x16: {  	[sflag:s10] =	ssyncadd.s32 $0xFFFFD880  }
0x17: {  	[spmem:s13], [sflag:s12] =	dma.local [hbm:s5], $0x2800  }
0x18: {  	_ =	swait.ge [sflag:s10], $0x2800  }
0x19: {  	[sflag:s10] =	ssyncset.done $0x0  }
0x1a: {  	[sflag:s10] =	ssyncadd.s32 $0xFFFFD800  }
0x1b: {  	s17 =	simm.s32 $0x0;
	[bflag:$0x0] =	sbarrier.arrive $0xFFFF  }
0x1c: {  	[tilespmem:s15], [sflag:$0x1] =	stream.indirect.gather [hbm4b:s2+s14], $0x80, s17, s14, $0xb8;
	[tilespmem:$0x1D000] =	vst v63  }
0x1d: {  	_ =	swait.ge [sflag:s10], $0x4000  }
0x1e: {  	[sflag:s10] =	ssyncset.done $0x0  }
0x1f: {  	s31 =	simm.s32 $0x2800;
	[sflag:s10] =	ssyncadd.s32 $0xFFFFC000  }
0x20: {  	[spmem:s3] =	stream.indirect.scatter.add.f32 [tilespmem:s15], [sflag:$0x1], $0x80, s31, s14, $0xb8;
	[tilespmem:$0x1D000] =	vst v63  }
0x21: {  	_ =	swait.ge [sflag:s10], $0x4000  }
0x22: {  	s18 =	simm.s32 $0x400;
	s17 =	simm.s32 $0x200;
	[sflag:s10] =	ssyncset.done $0x0  }
.LBB2_2:
0x23: {  	s19 =	sshra.s32 s17, $0x2  }
0x24: {  	[sflag:s10] =	ssyncadd.s32 $0xFFFFC000;
	s17 =	smov.u32 s18;
	s20 =	sadd.s32 $0x200, s18  }
0x25: {  	[tilespmem:s15], [sflag:$0x1] =	stream.indirect.gather [hbm4b:s2+s14], $0x80, s19, s14, $0xb8;
	[tilespmem:$0x1D000] =	vst v63  }
0x26: {  	p0 =	sne.s32 s18, $0x9C00;
	_ =	swait.ge [sflag:s10], $0x4000  }
.Ltmp0:
0x27: {  	[sflag:s10] =	ssyncset.done $0x0;
	(pc) =	sbr.rel @p0 .LBB2_2-.Ltmp0, $4  }
0x28: {  	s18 =	sadd.s32 $0x2800, s19;
	[sflag:s10] =	ssyncadd.s32 $0xFFFFC000  }
0x29: {  	[spmem:s3] =	stream.indirect.scatter.add.f32 [tilespmem:s15], [sflag:$0x1], $0x80, s18, s14, $0xb8;
	[tilespmem:$0x1D000] =	vst v63  }
0x2a: {  	_ =	swait.ge [sflag:s10], $0x4000  }
0x2b: {  	s18 =	smov.u32 s20;
	[sflag:s10] =	ssyncset.done $0x0  }
0x2c: {  	s17 =	sshra.s32 s17, $0x2;
	[sflag:s10] =	ssyncadd.s32 $0xFFFFC000  }
0x2d: {  	[tilespmem:s15], [sflag:$0x1] =	stream.indirect.gather [hbm4b:s2+s14], $0x80, s17, s14, $0xb8;
	[tilespmem:$0x1D000] =	vst v63  }
0x2e: {  	_ =	swait.ge [sflag:s10], $0x4000  }
0x2f: {  	[sflag:s10] =	ssyncset.done $0x0  }
0x30: {  	s17 =	sadd.s32 $0x2800, s17;
	[sflag:s10] =	ssyncadd.s32 $0xFFFFC000  }
0x31: {  	[spmem:s3] =	stream.indirect.scatter.add.f32 [tilespmem:s15], [sflag:$0x1], $0x80, s17, s14, $0xb8;
	[tilespmem:$0x1D000] =	vst v63  }
0x32: {  	_ =	swait.ge [sflag:s10], $0x4000  }
0x33: {  	s16 =	sadd.s32 $0x1, s16;
	[sflag:s10] =	ssyncset.done $0x0  }
0x34: {  	p0 =	sne.s32 s16, s9;
	[sflag:s10] =	ssyncadd.s32 $0xFFFFC000  }
.Ltmp1:
0x35: {  	[bflag:$0x0] =	sbarrier.arrive $0xFFFF;
	(pc) =	sbr.rel @p0 .LBB2_1-.Ltmp1, $4  }
0x36: {  	[hbm:s8], [sflag:s12] =	dma.local [spmem:s13], $0x2800  }
0x37: {  	_ =	swait.ge [sflag:s10], $0x2800  }
0x38: {  	[sflag:s10] =	ssyncset.done $0x0  }
0x39: {  	[sflag:s10] =	ssyncadd.s32 $0xFFFFD800  }
0x3a: {  	_ =	sfence.sel $0x180000  }
0x3b: {  	[bflag:$0x0] =	sbarrier.arrive $0xFFFF  }
0x3c: {  	p0 =	sne.s32 s0, $0x0;
	_ =	strace $0x90000059  }
0x3d: {  	s0 =	sadd.s32 @!p0 $0x100000, s1;
	[bflag:$0x2] =	sbarrier.arrive $0xFFFF  }
0x3e: {  	[sflag:s0] =	ssyncadd.tile.s32 @!p0 $0x1;
	_ =	shalt  }
.Lfunc_end2:
_tile_overlayer_lowered:
.L_overlay_start_2:
0x3f: {  	(tag) =	ssettag $0x2  }
0x40: {  	s0 =	rddreg [dreg:$0x0];
	s2 =	stileid.u32  }
0x41: {  	s1 =	rddreg [dreg:$0x1];
	p0 =	sne.s32 s2, $0x0  }
0x42: {  	s3 =	rddreg [dreg:$0x2];
	[bflag:$0x3] =	sbarrier.arrive $0xFFFF;
	s2 =	simm.s32 @!p0 $0x1C01  }
0x43: {  	[timem:s3], [sflag:s2] =	dma.local @!p0 [hbm:s0], s1  }
0x44: {  	s0 =	simm.s32 @!p0 $0x1  }
0x45: {  	_ =	swait.ge @!p0 [sflag:s0], s1  }
0x46: {  	s1 =	ssub.s32 @!p0 $0x0, s1;
	[sflag:s0] =	ssyncset.done @!p0 $0x0  }
0x47: {  	[sflag:s0] =	ssyncadd.s32 @!p0 s1  }
0x48: {  	[bflag:$0x3] =	sbarrier.arrive $0xFFFF  }
0x49: {  	_ =	shalt  }

// kernel: kernel.46.cloned.1.call-start
scs
__scs_entry_jumppad:
0x0: {  	(pc) =	sbr.rel $0x88, $3  }
0x1: {  	(tag) =	ssettag $0x0;
	lr =	simm.s32 $0x1  }
0x2: {  	[smem:$0x3F9D] =	sst lr;
	_ =	strace $0xD0000000  }
0x3: {  	_ = 	snop  }
0x4: {  	_ = 	snop  }
0x5: {  	_ = 	snop  }
0x6: {  	_ = 	snop  }
0x7: {  	_ = 	snop  }
__scs_overlays_trampoline_lowered:
0x8: {  	[smem:$0x3FAC] =	sst s0  }
0x9: {  	[smem:$0x3FAD] =	sst s1  }
0xa: {  	[smem:$0x3FAE] =	sst s2  }
0xb: {  	[smem:$0x3FAF] =	sst s3  }
0xc: {  	[smem:$0x3FB0] =	sst s4  }
0xd: {  	[smem:$0x3FB1] =	sst s5  }
0xe: {  	[smem:$0x3FB2] =	sst s6  }
0xf: {  	[smem:$0x3FB3] =	sst s7  }
0x10: {  	[smem:$0x3FB4] =	sst s8  }
0x11: {  	[smem:$0x3FB5] =	sst s9;
	s0 =	simm.s32 @!p0 $0x0  }
0x12: {  	s1 =	sld [smem:$0x3F9B];
	s0 =	simm.s32 @p0 $0x1  }
0x13: {  	[smem:$0x3FB6] =	sst s0;
	s0 =	simm.s32 @!p1 $0x0  }
0x14: {  	s2 =	sld [smem:$0x3F9A];
	s0 =	simm.s32 @p1 $0x1  }
0x15: {  	[smem:$0x3FB7] =	sst s0;
	s0 =	simm.s32 @!p2 $0x0  }
0x16: {  	s3 =	sld [smem:$0x3FDB];
	s0 =	simm.s32 @p2 $0x1  }
0x17: {  	s4 =	simm.s32 $0x1BF5;
	[smem:$0x3FB9] =	sst s0  }
0x18: {  	s0 =	sld [smem:$0x3F9C];
	_ =	swait.ge [sflag:s4], $0x0  }
0x19: {  	s7 =	sld [smem:$0x3F9D]  }
0x1a: {  	s8 =	sadd.s32 $0xFFFFE003, lr  }
0x1b: {  	s9 =	sadd.s32 $0xFFFFFEF7, lr;
	s5 =	simm.s32 $0xFFFFFFFF;
	p2 =	slt.u32 s8, $0xFFFFF086  }
0x1c: {  	p1 =	slt.u32 s9, $0xF7A;
	s5 =	simm.s32 @!p2 $0x0  }
0x1d: {  	s5 =	simm.s32 @p1 $0x1;
	p0 =	seq.s32 s7, s2  }
0x1e: {  	s7 =	smul.u32 @!p0 $0xF7A, s2;
	p2 =	seq.s32 @!p0 s5, $0x0  }
0x1f: {  	s9 =	smul.u32 $0xF7A, s1;
	s8 =	simm.s32 @!p0 $0x1BF5;
	p2 =	por !p2, p0  }
0x20: {  	[sflag:s8] =	ssyncset.s32 @!p0 $0xFFFFF086;
	s6 =	sadd.s32 @!p0 s3, s7;
	s7 =	simm.s32 @!p0 $0x108  }
0x21: {  	s3 =	sadd.s32 s3, s9;
	s6 =	sadd.s32 @!p0 $0x88, s6;
	s7 =	simm.s32 @p2 $0x1082  }
0x22: {  	[simem:s7], [sflag:s8] =	dma.local @!p0 [hbm:s6], $0xF7A  }
0x23: {  	s9 =	sor.u32 $0xD0000000, s2;
	s6 =	simm.s32 $0x108;
	_ =	swait.ge @!p0 [sflag:s8], $0x0  }
0x24: {  	s3 =	sadd.s32 $0x88, s3;
	s6 =	simm.s32 @!p1 $0x1082;
	[sflag:s4] =	ssyncset.s32 $0xFFFFF086  }
0x25: {  	[simem:s6], [sflag:s4] =	dma.local [hbm:s3], $0xF7A  }
0x26: {  	[smem:$0x3F9D] =	sst s1;
	(tag) =	ssettag s2;
	_ =	strace s9  }
0x27: {  	s1 =	sld [smem:$0x3FAD]  }
0x28: {  	s2 =	sld [smem:$0x3FAE]  }
0x29: {  	s4 =	sld [smem:$0x3FB0]  }
0x2a: {  	p0 =	seq.s32 s5, $0x0;
	s5 =	sld [smem:$0x3FB1]  }
0x2b: {  	s6 =	sld [smem:$0x3FB2]  }
0x2c: {  	s7 =	sld [smem:$0x3FB3]  }
0x2d: {  	s3 =	simm.s32 $0x108;
	s8 =	sld [smem:$0x3FB4]  }
0x2e: {  	s3 =	simm.s32 @!p0 $0x1082;
	s9 =	sld [smem:$0x3FB5]  }
0x2f: {  	lr =	sadd.s32 s0, s3;
	s0 =	sld [smem:$0x3FAC]  }
0x30: {  	s3 =	sld [smem:$0x3FAF]  }
0x31: {  	[smem:$0x3FB8] =	sst s10  }
0x32: {  	s10 =	sld [smem:$0x3FB6];
	_ =	sdelay $0x3  }
0x33: {  	p0 =	seq.s32 s10, $0x1;
	s10 =	sld [smem:$0x3FB8];
	_ =	sdelay $0x3  }
0x34: {  	[smem:$0x3FB8] =	sst s10  }
0x35: {  	s10 =	sld [smem:$0x3FB7];
	_ =	sdelay $0x3  }
0x36: {  	p1 =	seq.s32 s10, $0x1;
	s10 =	sld [smem:$0x3FB8];
	_ =	sdelay $0x3  }
0x37: {  	[smem:$0x3FB8] =	sst s10  }
0x38: {  	s10 =	sld [smem:$0x3FB9]  }
0x39: {  	_ = 	snop;
	(pc) =	sbr.ind lr, $3  }
0x3a: {  	_ = 	snop  }
0x3b: {  	_ = 	snop  }
0x3c: {  	p2 =	seq.s32 s10, $0x1;
	s10 =	sld [smem:$0x3FB8]  }
0x3d: {  	_ =	shalt  }
0x3e: {  	_ =	shalt  }
0x3f: {  	_ =	shalt  }
0x40: {  	_ =	shalt  }
0x41: {  	_ =	shalt  }
0x42: {  	_ =	shalt  }
0x43: {  	_ =	shalt  }
0x44: {  	_ =	shalt  }
0x45: {  	_ =	shalt  }
0x46: {  	_ =	shalt  }
0x47: {  	_ =	shalt  }
0x48: {  	_ =	shalt  }
0x49: {  	_ =	shalt  }
0x4a: {  	_ =	shalt  }
0x4b: {  	_ =	shalt  }
0x4c: {  	_ =	shalt  }
0x4d: {  	_ =	shalt  }
0x4e: {  	_ =	shalt  }
0x4f: {  	_ =	shalt  }
0x50: {  	_ =	shalt  }
0x51: {  	_ =	shalt  }
0x52: {  	_ =	shalt  }
0x53: {  	_ =	shalt  }
0x54: {  	_ =	shalt  }
0x55: {  	_ =	shalt  }
0x56: {  	_ =	shalt  }
0x57: {  	_ =	shalt  }
0x58: {  	_ =	shalt  }
0x59: {  	_ =	shalt  }
0x5a: {  	_ =	shalt  }
0x5b: {  	_ =	shalt  }
0x5c: {  	_ =	shalt  }
0x5d: {  	_ =	shalt  }
0x5e: {  	_ =	shalt  }
0x5f: {  	_ =	shalt  }
0x60: {  	_ =	shalt  }
0x61: {  	_ =	shalt  }
0x62: {  	_ =	shalt  }
0x63: {  	_ =	shalt  }
0x64: {  	_ =	shalt  }
0x65: {  	_ =	shalt  }
0x66: {  	_ =	shalt  }
0x67: {  	_ =	shalt  }
0x68: {  	_ =	shalt  }
0x69: {  	_ =	shalt  }
0x6a: {  	_ =	shalt  }
0x6b: {  	_ =	shalt  }
0x6c: {  	_ =	shalt  }
0x6d: {  	_ =	shalt  }
0x6e: {  	_ =	shalt  }
0x6f: {  	_ =	shalt  }
0x70: {  	_ =	shalt  }
0x71: {  	_ =	shalt  }
0x72: {  	_ =	shalt  }
0x73: {  	_ =	shalt  }
0x74: {  	_ =	shalt  }
0x75: {  	_ =	shalt  }
0x76: {  	_ =	shalt  }
0x77: {  	_ =	shalt  }
0x78: {  	_ =	shalt  }
0x79: {  	_ =	shalt  }
0x7a: {  	_ =	shalt  }
0x7b: {  	_ =	shalt  }
0x7c: {  	_ =	shalt  }
0x7d: {  	_ =	shalt  }
0x7e: {  	_ =	shalt  }
0x7f: {  	_ =	shalt  }
0x80: {  	_ =	shalt  }
0x81: {  	_ =	shalt  }
0x82: {  	_ =	shalt  }
0x83: {  	_ =	shalt  }
0x84: {  	_ =	shalt  }
0x85: {  	_ =	shalt  }
0x86: {  	_ =	shalt  }
0x87: {  	_ =	shalt  }
.Lfunc_end0:
.L_simem_size_0:
called_computation.7_lowered:
.L_overlay_start_0:
0x88: {  	s2 =	sld [smem:$0x3FD9]  }
0x89: {  	s3 =	sld [smem:$0x3FFE];
	_ =	sdelay $0x1  }
0x8a: {  	s1 =	srdreg.scid  }
0x8b: {  	s0 =	sand.u32 $0x1, s1  }
0x8c: {  	s17 =	sshll.u32 s0, $0xA;
	s2 =	sadd.s32 s3, s2  }
0x8d: {  	s2 =	sadd.s32 s2, s17  }
0x8e: {  	[smem:$0x3FC4] =	sst s2  }
0x8f: {  	_ = 	snop  }
0x90: {  	s2 =	sld [smem:$0x3FD0];
	(tm) =	ssettm $0x1  }
0x91: {  	s18 =	sld [smem:$0x3FFB];
	_ =	sdelay $0x3  }
0x92: {  	_ =	strace s18  }
0x93: {  	s3 =	sld [smem:$0x3FFC];
	_ =	sdelay $0x3  }
0x94: {  	_ =	strace s3  }
0x95: {  	s3 =	sld [smem:$0x3FFD];
	_ =	sdelay $0x3  }
0x96: {  	_ =	strace s3  }
0x97: {  	_ =	strace $0x8FFFFFFF  }
0x98: {  	s19 =	sld [smem:$0x3FDB];
	_ =	sdelay $0x1  }
0x99: {  	s4 =	simm.s32 $_scs_section_size  }
0x9a: {  	s5 =	simm.s32 $_size__tile_overlayer_lowered;
	s6 =	simm.s32 $_tile_overlayer_lowered  }
0x9b: {  	s22 =	simm.s32 $0x1BFF;
	s21 =	sshll.u32 s6, $0x1;
	s3 =	sadd.s32 s4, s19  }
0x9c: {  	s7 =	simm.s32 $0x0;
	s20 =	sshll.u32 s5, $0x1;
	s5 =	sadd.s32 s21, s3  }
0x9d: {  	[timem:s7], [sflag:s22] =	dma.local [hbm:s5], s20  }
0x9e: {  	_ =	swait.ge [sflag:s22], s20  }
0x9f: {  	s4 =	ssub.s32 $0x0, s20;
	[sflag:s22] =	ssyncset.done $0x0  }
0xa0: {  	[sflag:s22] =	ssyncadd.s32 s4;
	_ =	sdelay $0x1  }
0xa1: {  	s23 =	simm.s32 $0x1B8B  }
0xa2: {  	_ =	swait.ge [sflag:s23], $0x1  }
0xa3: {  	[sflag:s23] =	ssyncset.done $0x0  }
0xa4: {  	s25 =	simm.s32 $0x1B8E;
	s24 =	sld [smem:$0x3FFE];
	[sflag:s23] =	ssyncadd.s32 $0xFFFFFFFF  }
0xa5: {  	s26 =	simm.s32 $execute0_lowered;
	[smem:$0x3FD2] =	sst s25  }
0xa6: {  	s5 =	sshll.u32 s26, $0x1;
	_ =	strace $0x8000005B;
	[dreg:$0x1] =	wrdreg $0xFFFFFFFF  }
0xa7: {  	s28 =	simm.s32 $_size_execute0_lowered;
	s3 =	sadd.s32 s3, s5;
	[dreg:$0x0] =	wrdreg $0x0  }
0xa8: {  	s5 =	sshll.u32 s28, $0x1;
	[dreg:$0x2] =	wrdreg s3  }
0xa9: {  	[dreg:$0x3] =	wrdreg s5  }
0xaa: {  	[dreg:$0x4] =	wrdreg $0xC0  }
0xab: {  	_ =	task [dreg:s7], $0x5FFFF  }
0xac: {  	[dreg:$0x1] =	wrdreg $0xFFFFFFFF  }
0xad: {  	[dreg:$0x0] =	wrdreg $0x60  }
0xae: {  	[dreg:$0x2] =	wrdreg s2  }
0xaf: {  	[dreg:$0x3] =	wrdreg s24  }
0xb0: {  	[dreg:$0x4] =	wrdreg $0x90000  }
0xb1: {  	[dreg:$0x5] =	wrdreg $0x9  }
0xb2: {  	_ =	task.clear_ibuf [dreg:s7], $0x6FFFF;
	_ =	strace $0x9000005B  }
0xb3: {  	s29 =	simm.s32 $0x9;
	_ =	strace $0x8000005D  }
0xb4: {  	_ =	swait.ge [sflag:s29], $0x1  }
0xb5: {  	[sflag:s29] =	ssyncadd.s32 $0xFFFFFFFF  }
0xb6: {  	_ =	strace $0x9000005D  }
0xb7: {  	_ =	sfence  }
0xb8: {  	s30 =	sld [smem:$0x0];
	_ =	sdelay $0x2  }
0xb9: {  	s31 =	sshll.u32 s1, $0xD;
	s1 =	sshrl.u32 s1, $0x2  }
0xba: {  	s3 =	sand.u32 $0x4000, s31;
	s1 =	sadd.s32 s1, s30  }
0xbb: {  	s0 =	sor.u32 s3, s0;
	s1 =	sshll.u32 s1, $0x11  }
0xbc: {  	s0 =	sor.u32 s1, s0  }
0xbd: {  	s0 =	sadd.s32 $0x8F2B, s0  }
0xbe: {  	[sflag:s0] =	ssyncadd.remote.s32 $0x1  }
0xbf: {  	_ =	sfence.sel $0xFFFF  }
0xc0: {  	[dreg:$0x0] =	wrdreg $0xFFFFFFFF;
	(pc) =	sbr.abs _section_cstart, $3  }
0xc1: {  	[dreg:$0x1] =	wrdreg $0xFFFFFFFF  }
0xc2: {  	_ =	task.clear_ibuf [dreg:s7], $0x2FFFF;
	_ =	strace $0x9FFFFFFF  }
0xc3: {  	(tm) =	ssettm $0x7FFFFFFF  }
tec
execute0_lowered:
.L_overlay_start_1:
0x0: {  	(tag) =	ssettag $0x1  }
0x1: {  	s2 =	rddreg [dreg:$0x0]  }
0x2: {  	s6 =	rddreg [dreg:$0x1]  }
0x3: {  	s0 =	srdreg.scid;
	s3 =	rddreg [dreg:$0x2];
	s4 =	simm.s32 $0x0  }
0x4: {  	s11 =	simm.s32 $0x2800;
	s14 =	simm.s32 $0x80;
	s5 =	sand.u32 $0x1, s0  }
0x5: {  	s15 =	simm.s32 $0x5000;
	s0 =	stileid.u32;
	s8 =	smul.u32 $0x140000, s5  }
0x6: {  	s16 =	simm.s32 $0x0;
	[smem:$0x7FF] =	sst s4;
	s9 =	smul.u32 $0x14000, s0  }
0x7: {  	s1 =	sshll.u32 s5, $0x4;
	s30 =	ssub.s32 $0x2, s5;
	s10 =	smul.u32 $0x50000, s0  }
0x8: {  	s5 =	sadd.s32 $0x11600, s6;
	s12 =	sshll.u32 s0, $0x6;
	s1 =	sor.u32 s0, s1  }
0x9: {  	s31 =	sshrl.u32 s30, $0x1;
	s12 =	sor.u32 $0x1C01, s12;
	s7 =	smul.u32 $0x500, s1  }
0xa: {  	s1 =	rddreg [dreg:$0x3];
	_ =	strace $0x8000005C;
	s8 =	sadd.s32 s9, s8  }
0xb: {  	s9 =	ssub.s32 s30, s31;
	s10 =	sshrl.u32 s10, $0x2;
	s8 =	sshrl.u32 s8, $0x3  }
0xc: {  	s13 =	sadd.s32 s10, s3;
	s9 =	smax.u32 s9, $0x1;
	s10 =	simm.s32 $0x1  }
0xd: {  	s7 =	sadd.s32 s7, s6;
	s8 =	sadd.s32 s8, s6;
	s13 =	sshrl.u32 s13, $0x3  }
0xe: {  	s6 =	sadd.s32 $0x63E00, s7;
	s7 =	sadd.s32 $0x6E00, s7;
	s8 =	sadd.s32 $0x6DE00, s8  }
.LBB2_1:
0xf: {  	[tilespmem:s4], [sflag:$0x1] =	stream.linear.gather [hbm4b:s6+s4], $0x2780, $0x38;
	[tilespmem:$0x1D000] =	vst v63  }
0x10: {  	_ =	swait.ge [sflag:s10], $0x2780  }
0x11: {  	[sflag:s10] =	ssyncset.done $0x0  }
0x12: {  	[sflag:s10] =	ssyncadd.s32 $0xFFFFD880  }
0x13: {  	[tilespmem:s11], [sflag:$0x1] =	stream.linear.gather [hbm4b:s7+s4], $0x2780, $0x38;
	[tilespmem:$0x1D000] =	vst v63  }
0x14: {  	_ =	swait.ge [sflag:s10], $0x2780  }
0x15: {  	[sflag:s10] =	ssyncset.done $0x0  }
0x16: {  	[sflag:s10] =	ssyncadd.s32 $0xFFFFD880  }
0x17: {  	[spmem:s13], [sflag:s12] =	dma.local [hbm:s5], $0x2800  }
0x18: {  	_ =	swait.ge [sflag:s10], $0x2800  }
0x19: {  	[sflag:s10] =	ssyncset.done $0x0  }
0x1a: {  	[sflag:s10] =	ssyncadd.s32 $0xFFFFD800  }
0x1b: {  	s17 =	simm.s32 $0x0;
	[bflag:$0x0] =	sbarrier.arrive $0xFFFF  }
0x1c: {  	[tilespmem:s15], [sflag:$0x1] =	stream.indirect.gather [hbm4b:s2+s14], $0x80, s17, s14, $0xb8;
	[tilespmem:$0x1D000] =	vst v63  }
0x1d: {  	_ =	swait.ge [sflag:s10], $0x4000  }
0x1e: {  	[sflag:s10] =	ssyncset.done $0x0  }
0x1f: {  	s31 =	simm.s32 $0x2800;
	[sflag:s10] =	ssyncadd.s32 $0xFFFFC000  }
0x20: {  	[spmem:s3] =	stream.indirect.scatter.add.f32 [tilespmem:s15], [sflag:$0x1], $0x80, s31, s14, $0xb8;
	[tilespmem:$0x1D000] =	vst v63  }
0x21: {  	_ =	swait.ge [sflag:s10], $0x4000  }
0x22: {  	s18 =	simm.s32 $0x400;
	s17 =	simm.s32 $0x200;
	[sflag:s10] =	ssyncset.done $0x0  }
.LBB2_2:
0x23: {  	s19 =	sshra.s32 s17, $0x2  }
0x24: {  	[sflag:s10] =	ssyncadd.s32 $0xFFFFC000;
	s17 =	smov.u32 s18;
	s20 =	sadd.s32 $0x200, s18  }
0x25: {  	[tilespmem:s15], [sflag:$0x1] =	stream.indirect.gather [hbm4b:s2+s14], $0x80, s19, s14, $0xb8;
	[tilespmem:$0x1D000] =	vst v63  }
0x26: {  	p0 =	sne.s32 s18, $0x9C00;
	_ =	swait.ge [sflag:s10], $0x4000  }
.Ltmp0:
0x27: {  	[sflag:s10] =	ssyncset.done $0x0;
	(pc) =	sbr.rel @p0 .LBB2_2-.Ltmp0, $4  }
0x28: {  	s18 =	sadd.s32 $0x2800, s19;
	[sflag:s10] =	ssyncadd.s32 $0xFFFFC000  }
0x29: {  	[spmem:s3] =	stream.indirect.scatter.add.f32 [tilespmem:s15], [sflag:$0x1], $0x80, s18, s14, $0xb8;
	[tilespmem:$0x1D000] =	vst v63  }
0x2a: {  	_ =	swait.ge [sflag:s10], $0x4000  }
0x2b: {  	s18 =	smov.u32 s20;
	[sflag:s10] =	ssyncset.done $0x0  }
0x2c: {  	s17 =	sshra.s32 s17, $0x2;
	[sflag:s10] =	ssyncadd.s32 $0xFFFFC000  }
0x2d: {  	[tilespmem:s15], [sflag:$0x1] =	stream.indirect.gather [hbm4b:s2+s14], $0x80, s17, s14, $0xb8;
	[tilespmem:$0x1D000] =	vst v63  }
0x2e: {  	_ =	swait.ge [sflag:s10], $0x4000  }
0x2f: {  	[sflag:s10] =	ssyncset.done $0x0  }
0x30: {  	s17 =	sadd.s32 $0x2800, s17;
	[sflag:s10] =	ssyncadd.s32 $0xFFFFC000  }
0x31: {  	[spmem:s3] =	stream.indirect.scatter.add.f32 [tilespmem:s15], [sflag:$0x1], $0x80, s17, s14, $0xb8;
	[tilespmem:$0x1D000] =	vst v63  }
0x32: {  	_ =	swait.ge [sflag:s10], $0x4000  }
0x33: {  	s16 =	sadd.s32 $0x1, s16;
	[sflag:s10] =	ssyncset.done $0x0  }
0x34: {  	p0 =	sne.s32 s16, s9;
	[sflag:s10] =	ssyncadd.s32 $0xFFFFC000  }
.Ltmp1:
0x35: {  	[bflag:$0x0] =	sbarrier.arrive $0xFFFF;
	(pc) =	sbr.rel @p0 .LBB2_1-.Ltmp1, $4  }
0x36: {  	[hbm:s8], [sflag:s12] =	dma.local [spmem:s13], $0x2800  }
0x37: {  	_ =	swait.ge [sflag:s10], $0x2800  }
0x38: {  	[sflag:s10] =	ssyncset.done $0x0  }
0x39: {  	[sflag:s10] =	ssyncadd.s32 $0xFFFFD800  }
0x3a: {  	_ =	sfence.sel $0x180000  }
0x3b: {  	[bflag:$0x0] =	sbarrier.arrive $0xFFFF  }
0x3c: {  	p0 =	sne.s32 s0, $0x0;
	_ =	strace $0x9000005C  }
0x3d: {  	s0 =	sadd.s32 @!p0 $0x100000, s1;
	[bflag:$0x2] =	sbarrier.arrive $0xFFFF  }
0x3e: {  	[sflag:s0] =	ssyncadd.tile.s32 @!p0 $0x1;
	_ =	shalt  }
.Lfunc_end2:
_tile_overlayer_lowered:
.L_overlay_start_2:
0x3f: {  	(tag) =	ssettag $0x2  }
0x40: {  	s0 =	rddreg [dreg:$0x0];
	s2 =	stileid.u32  }
0x41: {  	s1 =	rddreg [dreg:$0x1];
	p0 =	sne.s32 s2, $0x0  }
0x42: {  	s3 =	rddreg [dreg:$0x2];
	[bflag:$0x3] =	sbarrier.arrive $0xFFFF;
	s2 =	simm.s32 @!p0 $0x1C01  }
0x43: {  	[timem:s3], [sflag:s2] =	dma.local @!p0 [hbm:s0], s1  }
0x44: {  	s0 =	simm.s32 @!p0 $0x1  }
0x45: {  	_ =	swait.ge @!p0 [sflag:s0], s1  }
0x46: {  	s1 =	ssub.s32 @!p0 $0x0, s1;
	[sflag:s0] =	ssyncset.done @!p0 $0x0  }
0x47: {  	[sflag:s0] =	ssyncadd.s32 @!p0 s1  }
0x48: {  	[bflag:$0x3] =	sbarrier.arrive $0xFFFF  }
0x49: {  	_ =	shalt  }

// kernel: kernel.49.cloned.1.call-start
scs
__scs_entry_jumppad:
0x0: {  	(pc) =	sbr.rel $0x88, $3  }
0x1: {  	(tag) =	ssettag $0x0;
	lr =	simm.s32 $0x1  }
0x2: {  	[smem:$0x3F9D] =	sst lr;
	_ =	strace $0xD0000000  }
0x3: {  	_ = 	snop  }
0x4: {  	_ = 	snop  }
0x5: {  	_ = 	snop  }
0x6: {  	_ = 	snop  }
0x7: {  	_ = 	snop  }
__scs_overlays_trampoline_lowered:
0x8: {  	[smem:$0x3FAC] =	sst s0  }
0x9: {  	[smem:$0x3FAD] =	sst s1  }
0xa: {  	[smem:$0x3FAE] =	sst s2  }
0xb: {  	[smem:$0x3FAF] =	sst s3  }
0xc: {  	[smem:$0x3FB0] =	sst s4  }
0xd: {  	[smem:$0x3FB1] =	sst s5  }
0xe: {  	[smem:$0x3FB2] =	sst s6  }
0xf: {  	[smem:$0x3FB3] =	sst s7  }
0x10: {  	[smem:$0x3FB4] =	sst s8  }
0x11: {  	[smem:$0x3FB5] =	sst s9;
	s0 =	simm.s32 @!p0 $0x0  }
0x12: {  	s1 =	sld [smem:$0x3F9B];
	s0 =	simm.s32 @p0 $0x1  }
0x13: {  	[smem:$0x3FB6] =	sst s0;
	s0 =	simm.s32 @!p1 $0x0  }
0x14: {  	s2 =	sld [smem:$0x3F9A];
	s0 =	simm.s32 @p1 $0x1  }
0x15: {  	[smem:$0x3FB7] =	sst s0;
	s0 =	simm.s32 @!p2 $0x0  }
0x16: {  	s3 =	sld [smem:$0x3FDB];
	s0 =	simm.s32 @p2 $0x1  }
0x17: {  	s4 =	simm.s32 $0x1BF5;
	[smem:$0x3FB9] =	sst s0  }
0x18: {  	s0 =	sld [smem:$0x3F9C];
	_ =	swait.ge [sflag:s4], $0x0  }
0x19: {  	s7 =	sld [smem:$0x3F9D]  }
0x1a: {  	s8 =	sadd.s32 $0xFFFFE003, lr  }
0x1b: {  	s9 =	sadd.s32 $0xFFFFFEF7, lr;
	s5 =	simm.s32 $0xFFFFFFFF;
	p2 =	slt.u32 s8, $0xFFFFF086  }
0x1c: {  	p1 =	slt.u32 s9, $0xF7A;
	s5 =	simm.s32 @!p2 $0x0  }
0x1d: {  	s5 =	simm.s32 @p1 $0x1;
	p0 =	seq.s32 s7, s2  }
0x1e: {  	s7 =	smul.u32 @!p0 $0xF7A, s2;
	p2 =	seq.s32 @!p0 s5, $0x0  }
0x1f: {  	s9 =	smul.u32 $0xF7A, s1;
	s8 =	simm.s32 @!p0 $0x1BF5;
	p2 =	por !p2, p0  }
0x20: {  	[sflag:s8] =	ssyncset.s32 @!p0 $0xFFFFF086;
	s6 =	sadd.s32 @!p0 s3, s7;
	s7 =	simm.s32 @!p0 $0x108  }
0x21: {  	s3 =	sadd.s32 s3, s9;
	s6 =	sadd.s32 @!p0 $0x88, s6;
	s7 =	simm.s32 @p2 $0x1082  }
0x22: {  	[simem:s7], [sflag:s8] =	dma.local @!p0 [hbm:s6], $0xF7A  }
0x23: {  	s9 =	sor.u32 $0xD0000000, s2;
	s6 =	simm.s32 $0x108;
	_ =	swait.ge @!p0 [sflag:s8], $0x0  }
0x24: {  	s3 =	sadd.s32 $0x88, s3;
	s6 =	simm.s32 @!p1 $0x1082;
	[sflag:s4] =	ssyncset.s32 $0xFFFFF086  }
0x25: {  	[simem:s6], [sflag:s4] =	dma.local [hbm:s3], $0xF7A  }
0x26: {  	[smem:$0x3F9D] =	sst s1;
	(tag) =	ssettag s2;
	_ =	strace s9  }
0x27: {  	s1 =	sld [smem:$0x3FAD]  }
0x28: {  	s2 =	sld [smem:$0x3FAE]  }
0x29: {  	s4 =	sld [smem:$0x3FB0]  }
0x2a: {  	p0 =	seq.s32 s5, $0x0;
	s5 =	sld [smem:$0x3FB1]  }
0x2b: {  	s6 =	sld [smem:$0x3FB2]  }
0x2c: {  	s7 =	sld [smem:$0x3FB3]  }
0x2d: {  	s3 =	simm.s32 $0x108;
	s8 =	sld [smem:$0x3FB4]  }
0x2e: {  	s3 =	simm.s32 @!p0 $0x1082;
	s9 =	sld [smem:$0x3FB5]  }
0x2f: {  	lr =	sadd.s32 s0, s3;
	s0 =	sld [smem:$0x3FAC]  }
0x30: {  	s3 =	sld [smem:$0x3FAF]  }
0x31: {  	[smem:$0x3FB8] =	sst s10  }
0x32: {  	s10 =	sld [smem:$0x3FB6];
	_ =	sdelay $0x3  }
0x33: {  	p0 =	seq.s32 s10, $0x1;
	s10 =	sld [smem:$0x3FB8];
	_ =	sdelay $0x3  }
0x34: {  	[smem:$0x3FB8] =	sst s10  }
0x35: {  	s10 =	sld [smem:$0x3FB7];
	_ =	sdelay $0x3  }
0x36: {  	p1 =	seq.s32 s10, $0x1;
	s10 =	sld [smem:$0x3FB8];
	_ =	sdelay $0x3  }
0x37: {  	[smem:$0x3FB8] =	sst s10  }
0x38: {  	s10 =	sld [smem:$0x3FB9]  }
0x39: {  	_ = 	snop;
	(pc) =	sbr.ind lr, $3  }
0x3a: {  	_ = 	snop  }
0x3b: {  	_ = 	snop  }
0x3c: {  	p2 =	seq.s32 s10, $0x1;
	s10 =	sld [smem:$0x3FB8]  }
0x3d: {  	_ =	shalt  }
0x3e: {  	_ =	shalt  }
0x3f: {  	_ =	shalt  }
0x40: {  	_ =	shalt  }
0x41: {  	_ =	shalt  }
0x42: {  	_ =	shalt  }
0x43: {  	_ =	shalt  }
0x44: {  	_ =	shalt  }
0x45: {  	_ =	shalt  }
0x46: {  	_ =	shalt  }
0x47: {  	_ =	shalt  }
0x48: {  	_ =	shalt  }
0x49: {  	_ =	shalt  }
0x4a: {  	_ =	shalt  }
0x4b: {  	_ =	shalt  }
0x4c: {  	_ =	shalt  }
0x4d: {  	_ =	shalt  }
0x4e: {  	_ =	shalt  }
0x4f: {  	_ =	shalt  }
0x50: {  	_ =	shalt  }
0x51: {  	_ =	shalt  }
0x52: {  	_ =	shalt  }
0x53: {  	_ =	shalt  }
0x54: {  	_ =	shalt  }
0x55: {  	_ =	shalt  }
0x56: {  	_ =	shalt  }
0x57: {  	_ =	shalt  }
0x58: {  	_ =	shalt  }
0x59: {  	_ =	shalt  }
0x5a: {  	_ =	shalt  }
0x5b: {  	_ =	shalt  }
0x5c: {  	_ =	shalt  }
0x5d: {  	_ =	shalt  }
0x5e: {  	_ =	shalt  }
0x5f: {  	_ =	shalt  }
0x60: {  	_ =	shalt  }
0x61: {  	_ =	shalt  }
0x62: {  	_ =	shalt  }
0x63: {  	_ =	shalt  }
0x64: {  	_ =	shalt  }
0x65: {  	_ =	shalt  }
0x66: {  	_ =	shalt  }
0x67: {  	_ =	shalt  }
0x68: {  	_ =	shalt  }
0x69: {  	_ =	shalt  }
0x6a: {  	_ =	shalt  }
0x6b: {  	_ =	shalt  }
0x6c: {  	_ =	shalt  }
0x6d: {  	_ =	shalt  }
0x6e: {  	_ =	shalt  }
0x6f: {  	_ =	shalt  }
0x70: {  	_ =	shalt  }
0x71: {  	_ =	shalt  }
0x72: {  	_ =	shalt  }
0x73: {  	_ =	shalt  }
0x74: {  	_ =	shalt  }
0x75: {  	_ =	shalt  }
0x76: {  	_ =	shalt  }
0x77: {  	_ =	shalt  }
0x78: {  	_ =	shalt  }
0x79: {  	_ =	shalt  }
0x7a: {  	_ =	shalt  }
0x7b: {  	_ =	shalt  }
0x7c: {  	_ =	shalt  }
0x7d: {  	_ =	shalt  }
0x7e: {  	_ =	shalt  }
0x7f: {  	_ =	shalt  }
0x80: {  	_ =	shalt  }
0x81: {  	_ =	shalt  }
0x82: {  	_ =	shalt  }
0x83: {  	_ =	shalt  }
0x84: {  	_ =	shalt  }
0x85: {  	_ =	shalt  }
0x86: {  	_ =	shalt  }
0x87: {  	_ =	shalt  }
.Lfunc_end0:
.L_simem_size_0:
called_computation.8_lowered:
.L_overlay_start_0:
0x88: {  	s2 =	sld [smem:$0x3FD9]  }
0x89: {  	s3 =	sld [smem:$0x3FFE];
	_ =	sdelay $0x1  }
0x8a: {  	s1 =	srdreg.scid  }
0x8b: {  	s0 =	sand.u32 $0x1, s1  }
0x8c: {  	s17 =	sshll.u32 s0, $0xA;
	s2 =	sadd.s32 s3, s2  }
0x8d: {  	s2 =	sadd.s32 s2, s17  }
0x8e: {  	[smem:$0x3FC4] =	sst s2  }
0x8f: {  	_ = 	snop  }
0x90: {  	s2 =	sld [smem:$0x3FD0];
	(tm) =	ssettm $0x1  }
0x91: {  	s18 =	sld [smem:$0x3FFB];
	_ =	sdelay $0x3  }
0x92: {  	_ =	strace s18  }
0x93: {  	s3 =	sld [smem:$0x3FFC];
	_ =	sdelay $0x3  }
0x94: {  	_ =	strace s3  }
0x95: {  	s3 =	sld [smem:$0x3FFD];
	_ =	sdelay $0x3  }
0x96: {  	_ =	strace s3  }
0x97: {  	_ =	strace $0x8FFFFFFF  }
0x98: {  	s19 =	sld [smem:$0x3FDB];
	_ =	sdelay $0x1  }
0x99: {  	s4 =	simm.s32 $_scs_section_size  }
0x9a: {  	s5 =	simm.s32 $_size__tile_overlayer_lowered;
	s6 =	simm.s32 $_tile_overlayer_lowered  }
0x9b: {  	s22 =	simm.s32 $0x1BFF;
	s21 =	sshll.u32 s6, $0x1;
	s3 =	sadd.s32 s4, s19  }
0x9c: {  	s7 =	simm.s32 $0x0;
	s20 =	sshll.u32 s5, $0x1;
	s5 =	sadd.s32 s21, s3  }
0x9d: {  	[timem:s7], [sflag:s22] =	dma.local [hbm:s5], s20  }
0x9e: {  	_ =	swait.ge [sflag:s22], s20  }
0x9f: {  	s4 =	ssub.s32 $0x0, s20;
	[sflag:s22] =	ssyncset.done $0x0  }
0xa0: {  	[sflag:s22] =	ssyncadd.s32 s4;
	_ =	sdelay $0x1  }
0xa1: {  	s23 =	simm.s32 $0x1B8B  }
0xa2: {  	_ =	swait.ge [sflag:s23], $0x1  }
0xa3: {  	[sflag:s23] =	ssyncset.done $0x0  }
0xa4: {  	s25 =	simm.s32 $0x1B8E;
	s24 =	sld [smem:$0x3FFE];
	[sflag:s23] =	ssyncadd.s32 $0xFFFFFFFF  }
0xa5: {  	s26 =	simm.s32 $execute0_lowered;
	[smem:$0x3FD2] =	sst s25  }
0xa6: {  	s5 =	sshll.u32 s26, $0x1;
	_ =	strace $0x8000005E;
	[dreg:$0x1] =	wrdreg $0xFFFFFFFF  }
0xa7: {  	s28 =	simm.s32 $_size_execute0_lowered;
	s3 =	sadd.s32 s3, s5;
	[dreg:$0x0] =	wrdreg $0x0  }
0xa8: {  	s5 =	sshll.u32 s28, $0x1;
	[dreg:$0x2] =	wrdreg s3  }
0xa9: {  	[dreg:$0x3] =	wrdreg s5  }
0xaa: {  	[dreg:$0x4] =	wrdreg $0xC0  }
0xab: {  	_ =	task [dreg:s7], $0x5FFFF  }
0xac: {  	[dreg:$0x1] =	wrdreg $0xFFFFFFFF  }
0xad: {  	[dreg:$0x0] =	wrdreg $0x60  }
0xae: {  	[dreg:$0x2] =	wrdreg s2  }
0xaf: {  	[dreg:$0x3] =	wrdreg s24  }
0xb0: {  	[dreg:$0x4] =	wrdreg $0x90000  }
0xb1: {  	[dreg:$0x5] =	wrdreg $0x9  }
0xb2: {  	_ =	task.clear_ibuf [dreg:s7], $0x6FFFF;
	_ =	strace $0x9000005E  }
0xb3: {  	s29 =	simm.s32 $0x9;
	_ =	strace $0x80000060  }
0xb4: {  	_ =	swait.ge [sflag:s29], $0x1  }
0xb5: {  	[sflag:s29] =	ssyncadd.s32 $0xFFFFFFFF  }
0xb6: {  	_ =	strace $0x90000060  }
0xb7: {  	_ =	sfence  }
0xb8: {  	s30 =	sld [smem:$0x0];
	_ =	sdelay $0x2  }
0xb9: {  	s31 =	sshll.u32 s1, $0xD;
	s1 =	sshrl.u32 s1, $0x2  }
0xba: {  	s3 =	sand.u32 $0x4000, s31;
	s1 =	sadd.s32 s1, s30  }
0xbb: {  	s0 =	sor.u32 s3, s0;
	s1 =	sshll.u32 s1, $0x11  }
0xbc: {  	s0 =	sor.u32 s1, s0  }
0xbd: {  	s0 =	sadd.s32 $0x8F2B, s0  }
0xbe: {  	[sflag:s0] =	ssyncadd.remote.s32 $0x1  }
0xbf: {  	_ =	sfence.sel $0xFFFF  }
0xc0: {  	[dreg:$0x0] =	wrdreg $0xFFFFFFFF;
	(pc) =	sbr.abs _section_cstart, $3  }
0xc1: {  	[dreg:$0x1] =	wrdreg $0xFFFFFFFF  }
0xc2: {  	_ =	task.clear_ibuf [dreg:s7], $0x2FFFF;
	_ =	strace $0x9FFFFFFF  }
0xc3: {  	(tm) =	ssettm $0x7FFFFFFF  }
tec
execute0_lowered:
.L_overlay_start_1:
0x0: {  	(tag) =	ssettag $0x1  }
0x1: {  	s2 =	rddreg [dreg:$0x0]  }
0x2: {  	s6 =	rddreg [dreg:$0x1]  }
0x3: {  	s0 =	srdreg.scid;
	s3 =	rddreg [dreg:$0x2];
	s4 =	simm.s32 $0x0  }
0x4: {  	s11 =	simm.s32 $0x2800;
	s14 =	simm.s32 $0x80;
	s5 =	sand.u32 $0x1, s0  }
0x5: {  	s15 =	simm.s32 $0x5000;
	s0 =	stileid.u32;
	s8 =	smul.u32 $0x140000, s5  }
0x6: {  	s16 =	simm.s32 $0x0;
	[smem:$0x7FF] =	sst s4;
	s9 =	smul.u32 $0x14000, s0  }
0x7: {  	s1 =	sshll.u32 s5, $0x4;
	s30 =	ssub.s32 $0x2, s5;
	s10 =	smul.u32 $0x50000, s0  }
0x8: {  	s5 =	sadd.s32 $0x11600, s6;
	s12 =	sshll.u32 s0, $0x6;
	s1 =	sor.u32 s0, s1  }
0x9: {  	s31 =	sshrl.u32 s30, $0x1;
	s12 =	sor.u32 $0x1C01, s12;
	s7 =	smul.u32 $0x500, s1  }
0xa: {  	s1 =	rddreg [dreg:$0x3];
	_ =	strace $0x8000005F;
	s8 =	sadd.s32 s9, s8  }
0xb: {  	s9 =	ssub.s32 s30, s31;
	s10 =	sshrl.u32 s10, $0x2;
	s8 =	sshrl.u32 s8, $0x3  }
0xc: {  	s13 =	sadd.s32 s10, s3;
	s9 =	smax.u32 s9, $0x1;
	s10 =	simm.s32 $0x1  }
0xd: {  	s7 =	sadd.s32 s7, s6;
	s8 =	sadd.s32 s8, s6;
	s13 =	sshrl.u32 s13, $0x3  }
0xe: {  	s6 =	sadd.s32 $0x63E00, s7;
	s7 =	sadd.s32 $0x6E00, s7;
	s8 =	sadd.s32 $0x6DE00, s8  }
.LBB2_1:
0xf: {  	[tilespmem:s4], [sflag:$0x1] =	stream.linear.gather [hbm4b:s6+s4], $0x2780, $0x38;
	[tilespmem:$0x1D000] =	vst v63  }
0x10: {  	_ =	swait.ge [sflag:s10], $0x2780  }
0x11: {  	[sflag:s10] =	ssyncset.done $0x0  }
0x12: {  	[sflag:s10] =	ssyncadd.s32 $0xFFFFD880  }
0x13: {  	[tilespmem:s11], [sflag:$0x1] =	stream.linear.gather [hbm4b:s7+s4], $0x2780, $0x38;
	[tilespmem:$0x1D000] =	vst v63  }
0x14: {  	_ =	swait.ge [sflag:s10], $0x2780  }
0x15: {  	[sflag:s10] =	ssyncset.done $0x0  }
0x16: {  	[sflag:s10] =	ssyncadd.s32 $0xFFFFD880  }
0x17: {  	[spmem:s13], [sflag:s12] =	dma.local [hbm:s5], $0x2800  }
0x18: {  	_ =	swait.ge [sflag:s10], $0x2800  }
0x19: {  	[sflag:s10] =	ssyncset.done $0x0  }
0x1a: {  	[sflag:s10] =	ssyncadd.s32 $0xFFFFD800  }
0x1b: {  	s17 =	simm.s32 $0x0;
	[bflag:$0x0] =	sbarrier.arrive $0xFFFF  }
0x1c: {  	[tilespmem:s15], [sflag:$0x1] =	stream.indirect.gather [hbm4b:s2+s14], $0x80, s17, s14, $0xb8;
	[tilespmem:$0x1D000] =	vst v63  }
0x1d: {  	_ =	swait.ge [sflag:s10], $0x4000  }
0x1e: {  	[sflag:s10] =	ssyncset.done $0x0  }
0x1f: {  	s31 =	simm.s32 $0x2800;
	[sflag:s10] =	ssyncadd.s32 $0xFFFFC000  }
0x20: {  	[spmem:s3] =	stream.indirect.scatter.add.f32 [tilespmem:s15], [sflag:$0x1], $0x80, s31, s14, $0xb8;
	[tilespmem:$0x1D000] =	vst v63  }
0x21: {  	_ =	swait.ge [sflag:s10], $0x4000  }
0x22: {  	s18 =	simm.s32 $0x400;
	s17 =	simm.s32 $0x200;
	[sflag:s10] =	ssyncset.done $0x0  }
.LBB2_2:
0x23: {  	s19 =	sshra.s32 s17, $0x2  }
0x24: {  	[sflag:s10] =	ssyncadd.s32 $0xFFFFC000;
	s17 =	smov.u32 s18;
	s20 =	sadd.s32 $0x200, s18  }
0x25: {  	[tilespmem:s15], [sflag:$0x1] =	stream.indirect.gather [hbm4b:s2+s14], $0x80, s19, s14, $0xb8;
	[tilespmem:$0x1D000] =	vst v63  }
0x26: {  	p0 =	sne.s32 s18, $0x9C00;
	_ =	swait.ge [sflag:s10], $0x4000  }
.Ltmp0:
0x27: {  	[sflag:s10] =	ssyncset.done $0x0;
	(pc) =	sbr.rel @p0 .LBB2_2-.Ltmp0, $4  }
0x28: {  	s18 =	sadd.s32 $0x2800, s19;
	[sflag:s10] =	ssyncadd.s32 $0xFFFFC000  }
0x29: {  	[spmem:s3] =	stream.indirect.scatter.add.f32 [tilespmem:s15], [sflag:$0x1], $0x80, s18, s14, $0xb8;
	[tilespmem:$0x1D000] =	vst v63  }
0x2a: {  	_ =	swait.ge [sflag:s10], $0x4000  }
0x2b: {  	s18 =	smov.u32 s20;
	[sflag:s10] =	ssyncset.done $0x0  }
0x2c: {  	s17 =	sshra.s32 s17, $0x2;
	[sflag:s10] =	ssyncadd.s32 $0xFFFFC000  }
0x2d: {  	[tilespmem:s15], [sflag:$0x1] =	stream.indirect.gather [hbm4b:s2+s14], $0x80, s17, s14, $0xb8;
	[tilespmem:$0x1D000] =	vst v63  }
0x2e: {  	_ =	swait.ge [sflag:s10], $0x4000  }
0x2f: {  	[sflag:s10] =	ssyncset.done $0x0  }
0x30: {  	s17 =	sadd.s32 $0x2800, s17;
	[sflag:s10] =	ssyncadd.s32 $0xFFFFC000  }
0x31: {  	[spmem:s3] =	stream.indirect.scatter.add.f32 [tilespmem:s15], [sflag:$0x1], $0x80, s17, s14, $0xb8;
	[tilespmem:$0x1D000] =	vst v63  }
0x32: {  	_ =	swait.ge [sflag:s10], $0x4000  }
0x33: {  	s16 =	sadd.s32 $0x1, s16;
	[sflag:s10] =	ssyncset.done $0x0  }
0x34: {  	p0 =	sne.s32 s16, s9;
	[sflag:s10] =	ssyncadd.s32 $0xFFFFC000  }
.Ltmp1:
0x35: {  	[bflag:$0x0] =	sbarrier.arrive $0xFFFF;
	(pc) =	sbr.rel @p0 .LBB2_1-.Ltmp1, $4  }
0x36: {  	[hbm:s8], [sflag:s12] =	dma.local [spmem:s13], $0x2800  }
0x37: {  	_ =	swait.ge [sflag:s10], $0x2800  }
0x38: {  	[sflag:s10] =	ssyncset.done $0x0  }
0x39: {  	[sflag:s10] =	ssyncadd.s32 $0xFFFFD800  }
0x3a: {  	_ =	sfence.sel $0x180000  }
0x3b: {  	[bflag:$0x0] =	sbarrier.arrive $0xFFFF  }
0x3c: {  	p0 =	sne.s32 s0, $0x0;
	_ =	strace $0x9000005F  }
0x3d: {  	s0 =	sadd.s32 @!p0 $0x100000, s1;
	[bflag:$0x2] =	sbarrier.arrive $0xFFFF  }
0x3e: {  	[sflag:s0] =	ssyncadd.tile.s32 @!p0 $0x1;
	_ =	shalt  }
.Lfunc_end2:
_tile_overlayer_lowered:
.L_overlay_start_2:
0x3f: {  	(tag) =	ssettag $0x2  }
0x40: {  	s0 =	rddreg [dreg:$0x0];
	s2 =	stileid.u32  }
0x41: {  	s1 =	rddreg [dreg:$0x1];
	p0 =	sne.s32 s2, $0x0  }
0x42: {  	s3 =	rddreg [dreg:$0x2];
	[bflag:$0x3] =	sbarrier.arrive $0xFFFF;
	s2 =	simm.s32 @!p0 $0x1C01  }
0x43: {  	[timem:s3], [sflag:s2] =	dma.local @!p0 [hbm:s0], s1  }
0x44: {  	s0 =	simm.s32 @!p0 $0x1  }
0x45: {  	_ =	swait.ge @!p0 [sflag:s0], s1  }
0x46: {  	s1 =	ssub.s32 @!p0 $0x0, s1;
	[sflag:s0] =	ssyncset.done @!p0 $0x0  }
0x47: {  	[sflag:s0] =	ssyncadd.s32 @!p0 s1  }
0x48: {  	[bflag:$0x3] =	sbarrier.arrive $0xFFFF  }
0x49: {  	_ =	shalt  }

// kernel: kernel.52.cloned.1.call-start
scs
__scs_entry_jumppad:
0x0: {  	(pc) =	sbr.rel $0x88, $3  }
0x1: {  	(tag) =	ssettag $0x0;
	lr =	simm.s32 $0x1  }
0x2: {  	[smem:$0x3F9D] =	sst lr;
	_ =	strace $0xD0000000  }
0x3: {  	_ = 	snop  }
0x4: {  	_ = 	snop  }
0x5: {  	_ = 	snop  }
0x6: {  	_ = 	snop  }
0x7: {  	_ = 	snop  }
__scs_overlays_trampoline_lowered:
0x8: {  	[smem:$0x3FAC] =	sst s0  }
0x9: {  	[smem:$0x3FAD] =	sst s1  }
0xa: {  	[smem:$0x3FAE] =	sst s2  }
0xb: {  	[smem:$0x3FAF] =	sst s3  }
0xc: {  	[smem:$0x3FB0] =	sst s4  }
0xd: {  	[smem:$0x3FB1] =	sst s5  }
0xe: {  	[smem:$0x3FB2] =	sst s6  }
0xf: {  	[smem:$0x3FB3] =	sst s7  }
0x10: {  	[smem:$0x3FB4] =	sst s8  }
0x11: {  	[smem:$0x3FB5] =	sst s9;
	s0 =	simm.s32 @!p0 $0x0  }
0x12: {  	s1 =	sld [smem:$0x3F9B];
	s0 =	simm.s32 @p0 $0x1  }
0x13: {  	[smem:$0x3FB6] =	sst s0;
	s0 =	simm.s32 @!p1 $0x0  }
0x14: {  	s2 =	sld [smem:$0x3F9A];
	s0 =	simm.s32 @p1 $0x1  }
0x15: {  	[smem:$0x3FB7] =	sst s0;
	s0 =	simm.s32 @!p2 $0x0  }
0x16: {  	s3 =	sld [smem:$0x3FDB];
	s0 =	simm.s32 @p2 $0x1  }
0x17: {  	s4 =	simm.s32 $0x1BF5;
	[smem:$0x3FB9] =	sst s0  }
0x18: {  	s0 =	sld [smem:$0x3F9C];
	_ =	swait.ge [sflag:s4], $0x0  }
0x19: {  	s7 =	sld [smem:$0x3F9D]  }
0x1a: {  	s8 =	sadd.s32 $0xFFFFE003, lr  }
0x1b: {  	s9 =	sadd.s32 $0xFFFFFEF7, lr;
	s5 =	simm.s32 $0xFFFFFFFF;
	p2 =	slt.u32 s8, $0xFFFFF086  }
0x1c: {  	p1 =	slt.u32 s9, $0xF7A;
	s5 =	simm.s32 @!p2 $0x0  }
0x1d: {  	s5 =	simm.s32 @p1 $0x1;
	p0 =	seq.s32 s7, s2  }
0x1e: {  	s7 =	smul.u32 @!p0 $0xF7A, s2;
	p2 =	seq.s32 @!p0 s5, $0x0  }
0x1f: {  	s9 =	smul.u32 $0xF7A, s1;
	s8 =	simm.s32 @!p0 $0x1BF5;
	p2 =	por !p2, p0  }
0x20: {  	[sflag:s8] =	ssyncset.s32 @!p0 $0xFFFFF086;
	s6 =	sadd.s32 @!p0 s3, s7;
	s7 =	simm.s32 @!p0 $0x108  }
0x21: {  	s3 =	sadd.s32 s3, s9;
	s6 =	sadd.s32 @!p0 $0x88, s6;
	s7 =	simm.s32 @p2 $0x1082  }
0x22: {  	[simem:s7], [sflag:s8] =	dma.local @!p0 [hbm:s6], $0xF7A  }
0x23: {  	s9 =	sor.u32 $0xD0000000, s2;
	s6 =	simm.s32 $0x108;
	_ =	swait.ge @!p0 [sflag:s8], $0x0  }
0x24: {  	s3 =	sadd.s32 $0x88, s3;
	s6 =	simm.s32 @!p1 $0x1082;
	[sflag:s4] =	ssyncset.s32 $0xFFFFF086  }
0x25: {  	[simem:s6], [sflag:s4] =	dma.local [hbm:s3], $0xF7A  }
0x26: {  	[smem:$0x3F9D] =	sst s1;
	(tag) =	ssettag s2;
	_ =	strace s9  }
0x27: {  	s1 =	sld [smem:$0x3FAD]  }
0x28: {  	s2 =	sld [smem:$0x3FAE]  }
0x29: {  	s4 =	sld [smem:$0x3FB0]  }
0x2a: {  	p0 =	seq.s32 s5, $0x0;
	s5 =	sld [smem:$0x3FB1]  }
0x2b: {  	s6 =	sld [smem:$0x3FB2]  }
0x2c: {  	s7 =	sld [smem:$0x3FB3]  }
0x2d: {  	s3 =	simm.s32 $0x108;
	s8 =	sld [smem:$0x3FB4]  }
0x2e: {  	s3 =	simm.s32 @!p0 $0x1082;
	s9 =	sld [smem:$0x3FB5]  }
0x2f: {  	lr =	sadd.s32 s0, s3;
	s0 =	sld [smem:$0x3FAC]  }
0x30: {  	s3 =	sld [smem:$0x3FAF]  }
0x31: {  	[smem:$0x3FB8] =	sst s10  }
0x32: {  	s10 =	sld [smem:$0x3FB6];
	_ =	sdelay $0x3  }
0x33: {  	p0 =	seq.s32 s10, $0x1;
	s10 =	sld [smem:$0x3FB8];
	_ =	sdelay $0x3  }
0x34: {  	[smem:$0x3FB8] =	sst s10  }
0x35: {  	s10 =	sld [smem:$0x3FB7];
	_ =	sdelay $0x3  }
0x36: {  	p1 =	seq.s32 s10, $0x1;
	s10 =	sld [smem:$0x3FB8];
	_ =	sdelay $0x3  }
0x37: {  	[smem:$0x3FB8] =	sst s10  }
0x38: {  	s10 =	sld [smem:$0x3FB9]  }
0x39: {  	_ = 	snop;
	(pc) =	sbr.ind lr, $3  }
0x3a: {  	_ = 	snop  }
0x3b: {  	_ = 	snop  }
0x3c: {  	p2 =	seq.s32 s10, $0x1;
	s10 =	sld [smem:$0x3FB8]  }
0x3d: {  	_ =	shalt  }
0x3e: {  	_ =	shalt  }
0x3f: {  	_ =	shalt  }
0x40: {  	_ =	shalt  }
0x41: {  	_ =	shalt  }
0x42: {  	_ =	shalt  }
0x43: {  	_ =	shalt  }
0x44: {  	_ =	shalt  }
0x45: {  	_ =	shalt  }
0x46: {  	_ =	shalt  }
0x47: {  	_ =	shalt  }
0x48: {  	_ =	shalt  }
0x49: {  	_ =	shalt  }
0x4a: {  	_ =	shalt  }
0x4b: {  	_ =	shalt  }
0x4c: {  	_ =	shalt  }
0x4d: {  	_ =	shalt  }
0x4e: {  	_ =	shalt  }
0x4f: {  	_ =	shalt  }
0x50: {  	_ =	shalt  }
0x51: {  	_ =	shalt  }
0x52: {  	_ =	shalt  }
0x53: {  	_ =	shalt  }
0x54: {  	_ =	shalt  }
0x55: {  	_ =	shalt  }
0x56: {  	_ =	shalt  }
0x57: {  	_ =	shalt  }
0x58: {  	_ =	shalt  }
0x59: {  	_ =	shalt  }
0x5a: {  	_ =	shalt  }
0x5b: {  	_ =	shalt  }
0x5c: {  	_ =	shalt  }
0x5d: {  	_ =	shalt  }
0x5e: {  	_ =	shalt  }
0x5f: {  	_ =	shalt  }
0x60: {  	_ =	shalt  }
0x61: {  	_ =	shalt  }
0x62: {  	_ =	shalt  }
0x63: {  	_ =	shalt  }
0x64: {  	_ =	shalt  }
0x65: {  	_ =	shalt  }
0x66: {  	_ =	shalt  }
0x67: {  	_ =	shalt  }
0x68: {  	_ =	shalt  }
0x69: {  	_ =	shalt  }
0x6a: {  	_ =	shalt  }
0x6b: {  	_ =	shalt  }
0x6c: {  	_ =	shalt  }
0x6d: {  	_ =	shalt  }
0x6e: {  	_ =	shalt  }
0x6f: {  	_ =	shalt  }
0x70: {  	_ =	shalt  }
0x71: {  	_ =	shalt  }
0x72: {  	_ =	shalt  }
0x73: {  	_ =	shalt  }
0x74: {  	_ =	shalt  }
0x75: {  	_ =	shalt  }
0x76: {  	_ =	shalt  }
0x77: {  	_ =	shalt  }
0x78: {  	_ =	shalt  }
0x79: {  	_ =	shalt  }
0x7a: {  	_ =	shalt  }
0x7b: {  	_ =	shalt  }
0x7c: {  	_ =	shalt  }
0x7d: {  	_ =	shalt  }
0x7e: {  	_ =	shalt  }
0x7f: {  	_ =	shalt  }
0x80: {  	_ =	shalt  }
0x81: {  	_ =	shalt  }
0x82: {  	_ =	shalt  }
0x83: {  	_ =	shalt  }
0x84: {  	_ =	shalt  }
0x85: {  	_ =	shalt  }
0x86: {  	_ =	shalt  }
0x87: {  	_ =	shalt  }
.Lfunc_end0:
.L_simem_size_0:
called_computation.9_lowered:
.L_overlay_start_0:
0x88: {  	s2 =	sld [smem:$0x3FD9]  }
0x89: {  	s3 =	sld [smem:$0x3FFE];
	_ =	sdelay $0x1  }
0x8a: {  	s1 =	srdreg.scid  }
0x8b: {  	s0 =	sand.u32 $0x1, s1  }
0x8c: {  	s17 =	sshll.u32 s0, $0xA;
	s2 =	sadd.s32 s3, s2  }
0x8d: {  	s2 =	sadd.s32 s2, s17  }
0x8e: {  	[smem:$0x3FC4] =	sst s2  }
0x8f: {  	_ = 	snop  }
0x90: {  	s2 =	sld [smem:$0x3FD0];
	(tm) =	ssettm $0x1  }
0x91: {  	s18 =	sld [smem:$0x3FFB];
	_ =	sdelay $0x3  }
0x92: {  	_ =	strace s18  }
0x93: {  	s3 =	sld [smem:$0x3FFC];
	_ =	sdelay $0x3  }
0x94: {  	_ =	strace s3  }
0x95: {  	s3 =	sld [smem:$0x3FFD];
	_ =	sdelay $0x3  }
0x96: {  	_ =	strace s3  }
0x97: {  	_ =	strace $0x8FFFFFFF  }
0x98: {  	s19 =	sld [smem:$0x3FDB];
	_ =	sdelay $0x1  }
0x99: {  	s4 =	simm.s32 $_scs_section_size  }
0x9a: {  	s5 =	simm.s32 $_size__tile_overlayer_lowered;
	s6 =	simm.s32 $_tile_overlayer_lowered  }
0x9b: {  	s22 =	simm.s32 $0x1BFF;
	s21 =	sshll.u32 s6, $0x1;
	s3 =	sadd.s32 s4, s19  }
0x9c: {  	s7 =	simm.s32 $0x0;
	s20 =	sshll.u32 s5, $0x1;
	s5 =	sadd.s32 s21, s3  }
0x9d: {  	[timem:s7], [sflag:s22] =	dma.local [hbm:s5], s20  }
0x9e: {  	_ =	swait.ge [sflag:s22], s20  }
0x9f: {  	s4 =	ssub.s32 $0x0, s20;
	[sflag:s22] =	ssyncset.done $0x0  }
0xa0: {  	[sflag:s22] =	ssyncadd.s32 s4;
	_ =	sdelay $0x1  }
0xa1: {  	s23 =	simm.s32 $0x1B8B  }
0xa2: {  	_ =	swait.ge [sflag:s23], $0x1  }
0xa3: {  	[sflag:s23] =	ssyncset.done $0x0  }
0xa4: {  	s25 =	simm.s32 $0x1B8E;
	s24 =	sld [smem:$0x3FFE];
	[sflag:s23] =	ssyncadd.s32 $0xFFFFFFFF  }
0xa5: {  	s26 =	simm.s32 $execute0_lowered;
	[smem:$0x3FD2] =	sst s25  }
0xa6: {  	s5 =	sshll.u32 s26, $0x1;
	_ =	strace $0x80000061;
	[dreg:$0x1] =	wrdreg $0xFFFFFFFF  }
0xa7: {  	s28 =	simm.s32 $_size_execute0_lowered;
	s3 =	sadd.s32 s3, s5;
	[dreg:$0x0] =	wrdreg $0x0  }
0xa8: {  	s5 =	sshll.u32 s28, $0x1;
	[dreg:$0x2] =	wrdreg s3  }
0xa9: {  	[dreg:$0x3] =	wrdreg s5  }
0xaa: {  	[dreg:$0x4] =	wrdreg $0xC0  }
0xab: {  	_ =	task [dreg:s7], $0x5FFFF  }
0xac: {  	[dreg:$0x1] =	wrdreg $0xFFFFFFFF  }
0xad: {  	[dreg:$0x0] =	wrdreg $0x60  }
0xae: {  	[dreg:$0x2] =	wrdreg s2  }
0xaf: {  	[dreg:$0x3] =	wrdreg s24  }
0xb0: {  	[dreg:$0x4] =	wrdreg $0x90000  }
0xb1: {  	[dreg:$0x5] =	wrdreg $0x9  }
0xb2: {  	_ =	task.clear_ibuf [dreg:s7], $0x6FFFF;
	_ =	strace $0x90000061  }
0xb3: {  	s29 =	simm.s32 $0x9;
	_ =	strace $0x80000063  }
0xb4: {  	_ =	swait.ge [sflag:s29], $0x1  }
0xb5: {  	[sflag:s29] =	ssyncadd.s32 $0xFFFFFFFF  }
0xb6: {  	_ =	strace $0x90000063  }
0xb7: {  	_ =	sfence  }
0xb8: {  	s30 =	sld [smem:$0x0];
	_ =	sdelay $0x2  }
0xb9: {  	s31 =	sshll.u32 s1, $0xD;
	s1 =	sshrl.u32 s1, $0x2  }
0xba: {  	s3 =	sand.u32 $0x4000, s31;
	s1 =	sadd.s32 s1, s30  }
0xbb: {  	s0 =	sor.u32 s3, s0;
	s1 =	sshll.u32 s1, $0x11  }
0xbc: {  	s0 =	sor.u32 s1, s0  }
0xbd: {  	s0 =	sadd.s32 $0x8F2B, s0  }
0xbe: {  	[sflag:s0] =	ssyncadd.remote.s32 $0x1  }
0xbf: {  	_ =	sfence.sel $0xFFFF  }
0xc0: {  	[dreg:$0x0] =	wrdreg $0xFFFFFFFF;
	(pc) =	sbr.abs _section_cstart, $3  }
0xc1: {  	[dreg:$0x1] =	wrdreg $0xFFFFFFFF  }
0xc2: {  	_ =	task.clear_ibuf [dreg:s7], $0x2FFFF;
	_ =	strace $0x9FFFFFFF  }
0xc3: {  	(tm) =	ssettm $0x7FFFFFFF  }
tec
execute0_lowered:
.L_overlay_start_1:
0x0: {  	(tag) =	ssettag $0x1  }
0x1: {  	s2 =	rddreg [dreg:$0x0]  }
0x2: {  	s6 =	rddreg [dreg:$0x1]  }
0x3: {  	s0 =	srdreg.scid;
	s3 =	rddreg [dreg:$0x2];
	s4 =	simm.s32 $0x0  }
0x4: {  	s11 =	simm.s32 $0x2800;
	s14 =	simm.s32 $0x80;
	s5 =	sand.u32 $0x1, s0  }
0x5: {  	s15 =	simm.s32 $0x5000;
	s0 =	stileid.u32;
	s8 =	smul.u32 $0x140000, s5  }
0x6: {  	s16 =	simm.s32 $0x0;
	[smem:$0x7FF] =	sst s4;
	s9 =	smul.u32 $0x14000, s0  }
0x7: {  	s1 =	sshll.u32 s5, $0x4;
	s30 =	ssub.s32 $0x2, s5;
	s10 =	smul.u32 $0x50000, s0  }
0x8: {  	s5 =	sadd.s32 $0x11600, s6;
	s12 =	sshll.u32 s0, $0x6;
	s1 =	sor.u32 s0, s1  }
0x9: {  	s31 =	sshrl.u32 s30, $0x1;
	s12 =	sor.u32 $0x1C01, s12;
	s7 =	smul.u32 $0x500, s1  }
0xa: {  	s1 =	rddreg [dreg:$0x3];
	_ =	strace $0x80000062;
	s8 =	sadd.s32 s9, s8  }
0xb: {  	s9 =	ssub.s32 s30, s31;
	s10 =	sshrl.u32 s10, $0x2;
	s8 =	sshrl.u32 s8, $0x3  }
0xc: {  	s13 =	sadd.s32 s10, s3;
	s9 =	smax.u32 s9, $0x1;
	s10 =	simm.s32 $0x1  }
0xd: {  	s7 =	sadd.s32 s7, s6;
	s8 =	sadd.s32 s8, s6;
	s13 =	sshrl.u32 s13, $0x3  }
0xe: {  	s6 =	sadd.s32 $0x63E00, s7;
	s7 =	sadd.s32 $0x6E00, s7;
	s8 =	sadd.s32 $0x6DE00, s8  }
.LBB2_1:
0xf: {  	[tilespmem:s4], [sflag:$0x1] =	stream.linear.gather [hbm4b:s6+s4], $0x2780, $0x38;
	[tilespmem:$0x1D000] =	vst v63  }
0x10: {  	_ =	swait.ge [sflag:s10], $0x2780  }
0x11: {  	[sflag:s10] =	ssyncset.done $0x0  }
0x12: {  	[sflag:s10] =	ssyncadd.s32 $0xFFFFD880  }
0x13: {  	[tilespmem:s11], [sflag:$0x1] =	stream.linear.gather [hbm4b:s7+s4], $0x2780, $0x38;
	[tilespmem:$0x1D000] =	vst v63  }
0x14: {  	_ =	swait.ge [sflag:s10], $0x2780  }
0x15: {  	[sflag:s10] =	ssyncset.done $0x0  }
0x16: {  	[sflag:s10] =	ssyncadd.s32 $0xFFFFD880  }
0x17: {  	[spmem:s13], [sflag:s12] =	dma.local [hbm:s5], $0x2800  }
0x18: {  	_ =	swait.ge [sflag:s10], $0x2800  }
0x19: {  	[sflag:s10] =	ssyncset.done $0x0  }
0x1a: {  	[sflag:s10] =	ssyncadd.s32 $0xFFFFD800  }
0x1b: {  	s17 =	simm.s32 $0x0;
	[bflag:$0x0] =	sbarrier.arrive $0xFFFF  }
0x1c: {  	[tilespmem:s15], [sflag:$0x1] =	stream.indirect.gather [hbm4b:s2+s14], $0x80, s17, s14, $0xb8;
	[tilespmem:$0x1D000] =	vst v63  }
0x1d: {  	_ =	swait.ge [sflag:s10], $0x4000  }
0x1e: {  	[sflag:s10] =	ssyncset.done $0x0  }
0x1f: {  	s31 =	simm.s32 $0x2800;
	[sflag:s10] =	ssyncadd.s32 $0xFFFFC000  }
0x20: {  	[spmem:s3] =	stream.indirect.scatter.add.f32 [tilespmem:s15], [sflag:$0x1], $0x80, s31, s14, $0xb8;
	[tilespmem:$0x1D000] =	vst v63  }
0x21: {  	_ =	swait.ge [sflag:s10], $0x4000  }
0x22: {  	s18 =	simm.s32 $0x400;
	s17 =	simm.s32 $0x200;
	[sflag:s10] =	ssyncset.done $0x0  }
.LBB2_2:
0x23: {  	s19 =	sshra.s32 s17, $0x2  }
0x24: {  	[sflag:s10] =	ssyncadd.s32 $0xFFFFC000;
	s17 =	smov.u32 s18;
	s20 =	sadd.s32 $0x200, s18  }
0x25: {  	[tilespmem:s15], [sflag:$0x1] =	stream.indirect.gather [hbm4b:s2+s14], $0x80, s19, s14, $0xb8;
	[tilespmem:$0x1D000] =	vst v63  }
0x26: {  	p0 =	sne.s32 s18, $0x9C00;
	_ =	swait.ge [sflag:s10], $0x4000  }
.Ltmp0:
0x27: {  	[sflag:s10] =	ssyncset.done $0x0;
	(pc) =	sbr.rel @p0 .LBB2_2-.Ltmp0, $4  }
0x28: {  	s18 =	sadd.s32 $0x2800, s19;
	[sflag:s10] =	ssyncadd.s32 $0xFFFFC000  }
0x29: {  	[spmem:s3] =	stream.indirect.scatter.add.f32 [tilespmem:s15], [sflag:$0x1], $0x80, s18, s14, $0xb8;
	[tilespmem:$0x1D000] =	vst v63  }
0x2a: {  	_ =	swait.ge [sflag:s10], $0x4000  }
0x2b: {  	s18 =	smov.u32 s20;
	[sflag:s10] =	ssyncset.done $0x0  }
0x2c: {  	s17 =	sshra.s32 s17, $0x2;
	[sflag:s10] =	ssyncadd.s32 $0xFFFFC000  }
0x2d: {  	[tilespmem:s15], [sflag:$0x1] =	stream.indirect.gather [hbm4b:s2+s14], $0x80, s17, s14, $0xb8;
	[tilespmem:$0x1D000] =	vst v63  }
0x2e: {  	_ =	swait.ge [sflag:s10], $0x4000  }
0x2f: {  	[sflag:s10] =	ssyncset.done $0x0  }
0x30: {  	s17 =	sadd.s32 $0x2800, s17;
	[sflag:s10] =	ssyncadd.s32 $0xFFFFC000  }
0x31: {  	[spmem:s3] =	stream.indirect.scatter.add.f32 [tilespmem:s15], [sflag:$0x1], $0x80, s17, s14, $0xb8;
	[tilespmem:$0x1D000] =	vst v63  }
0x32: {  	_ =	swait.ge [sflag:s10], $0x4000  }
0x33: {  	s16 =	sadd.s32 $0x1, s16;
	[sflag:s10] =	ssyncset.done $0x0  }
0x34: {  	p0 =	sne.s32 s16, s9;
	[sflag:s10] =	ssyncadd.s32 $0xFFFFC000  }
.Ltmp1:
0x35: {  	[bflag:$0x0] =	sbarrier.arrive $0xFFFF;
	(pc) =	sbr.rel @p0 .LBB2_1-.Ltmp1, $4  }
0x36: {  	[hbm:s8], [sflag:s12] =	dma.local [spmem:s13], $0x2800  }
0x37: {  	_ =	swait.ge [sflag:s10], $0x2800  }
0x38: {  	[sflag:s10] =	ssyncset.done $0x0  }
0x39: {  	[sflag:s10] =	ssyncadd.s32 $0xFFFFD800  }
0x3a: {  	_ =	sfence.sel $0x180000  }
0x3b: {  	[bflag:$0x0] =	sbarrier.arrive $0xFFFF  }
0x3c: {  	p0 =	sne.s32 s0, $0x0;
	_ =	strace $0x90000062  }
0x3d: {  	s0 =	sadd.s32 @!p0 $0x100000, s1;
	[bflag:$0x2] =	sbarrier.arrive $0xFFFF  }
0x3e: {  	[sflag:s0] =	ssyncadd.tile.s32 @!p0 $0x1;
	_ =	shalt  }
.Lfunc_end2:
_tile_overlayer_lowered:
.L_overlay_start_2:
0x3f: {  	(tag) =	ssettag $0x2  }
0x40: {  	s0 =	rddreg [dreg:$0x0];
	s2 =	stileid.u32  }
0x41: {  	s1 =	rddreg [dreg:$0x1];
	p0 =	sne.s32 s2, $0x0  }
0x42: {  	s3 =	rddreg [dreg:$0x2];
	[bflag:$0x3] =	sbarrier.arrive $0xFFFF;
	s2 =	simm.s32 @!p0 $0x1C01  }
0x43: {  	[timem:s3], [sflag:s2] =	dma.local @!p0 [hbm:s0], s1  }
0x44: {  	s0 =	simm.s32 @!p0 $0x1  }
0x45: {  	_ =	swait.ge @!p0 [sflag:s0], s1  }
0x46: {  	s1 =	ssub.s32 @!p0 $0x0, s1;
	[sflag:s0] =	ssyncset.done @!p0 $0x0  }
0x47: {  	[sflag:s0] =	ssyncadd.s32 @!p0 s1  }
0x48: {  	[bflag:$0x3] =	sbarrier.arrive $0xFFFF  }
0x49: {  	_ =	shalt  }

// kernel: kernel.55.cloned.1.call-start
scs
__scs_entry_jumppad:
0x0: {  	(pc) =	sbr.rel $0x88, $3  }
0x1: {  	(tag) =	ssettag $0x0;
	lr =	simm.s32 $0x1  }
0x2: {  	[smem:$0x3F9D] =	sst lr;
	_ =	strace $0xD0000000  }
0x3: {  	_ = 	snop  }
0x4: {  	_ = 	snop  }
0x5: {  	_ = 	snop  }
0x6: {  	_ = 	snop  }
0x7: {  	_ = 	snop  }
__scs_overlays_trampoline_lowered:
0x8: {  	[smem:$0x3FAC] =	sst s0  }
0x9: {  	[smem:$0x3FAD] =	sst s1  }
0xa: {  	[smem:$0x3FAE] =	sst s2  }
0xb: {  	[smem:$0x3FAF] =	sst s3  }
0xc: {  	[smem:$0x3FB0] =	sst s4  }
0xd: {  	[smem:$0x3FB1] =	sst s5  }
0xe: {  	[smem:$0x3FB2] =	sst s6  }
0xf: {  	[smem:$0x3FB3] =	sst s7  }
0x10: {  	[smem:$0x3FB4] =	sst s8  }
0x11: {  	[smem:$0x3FB5] =	sst s9;
	s0 =	simm.s32 @!p0 $0x0  }
0x12: {  	s1 =	sld [smem:$0x3F9B];
	s0 =	simm.s32 @p0 $0x1  }
0x13: {  	[smem:$0x3FB6] =	sst s0;
	s0 =	simm.s32 @!p1 $0x0  }
0x14: {  	s2 =	sld [smem:$0x3F9A];
	s0 =	simm.s32 @p1 $0x1  }
0x15: {  	[smem:$0x3FB7] =	sst s0;
	s0 =	simm.s32 @!p2 $0x0  }
0x16: {  	s3 =	sld [smem:$0x3FDB];
	s0 =	simm.s32 @p2 $0x1  }
0x17: {  	s4 =	simm.s32 $0x1BF5;
	[smem:$0x3FB9] =	sst s0  }
0x18: {  	s0 =	sld [smem:$0x3F9C];
	_ =	swait.ge [sflag:s4], $0x0  }
0x19: {  	s7 =	sld [smem:$0x3F9D]  }
0x1a: {  	s8 =	sadd.s32 $0xFFFFE003, lr  }
0x1b: {  	s9 =	sadd.s32 $0xFFFFFEF7, lr;
	s5 =	simm.s32 $0xFFFFFFFF;
	p2 =	slt.u32 s8, $0xFFFFF086  }
0x1c: {  	p1 =	slt.u32 s9, $0xF7A;
	s5 =	simm.s32 @!p2 $0x0  }
0x1d: {  	s5 =	simm.s32 @p1 $0x1;
	p0 =	seq.s32 s7, s2  }
0x1e: {  	s7 =	smul.u32 @!p0 $0xF7A, s2;
	p2 =	seq.s32 @!p0 s5, $0x0  }
0x1f: {  	s9 =	smul.u32 $0xF7A, s1;
	s8 =	simm.s32 @!p0 $0x1BF5;
	p2 =	por !p2, p0  }
0x20: {  	[sflag:s8] =	ssyncset.s32 @!p0 $0xFFFFF086;
	s6 =	sadd.s32 @!p0 s3, s7;
	s7 =	simm.s32 @!p0 $0x108  }
0x21: {  	s3 =	sadd.s32 s3, s9;
	s6 =	sadd.s32 @!p0 $0x88, s6;
	s7 =	simm.s32 @p2 $0x1082  }
0x22: {  	[simem:s7], [sflag:s8] =	dma.local @!p0 [hbm:s6], $0xF7A  }
0x23: {  	s9 =	sor.u32 $0xD0000000, s2;
	s6 =	simm.s32 $0x108;
	_ =	swait.ge @!p0 [sflag:s8], $0x0  }
0x24: {  	s3 =	sadd.s32 $0x88, s3;
	s6 =	simm.s32 @!p1 $0x1082;
	[sflag:s4] =	ssyncset.s32 $0xFFFFF086  }
0x25: {  	[simem:s6], [sflag:s4] =	dma.local [hbm:s3], $0xF7A  }
0x26: {  	[smem:$0x3F9D] =	sst s1;
	(tag) =	ssettag s2;
	_ =	strace s9  }
0x27: {  	s1 =	sld [smem:$0x3FAD]  }
0x28: {  	s2 =	sld [smem:$0x3FAE]  }
0x29: {  	s4 =	sld [smem:$0x3FB0]  }
0x2a: {  	p0 =	seq.s32 s5, $0x0;
	s5 =	sld [smem:$0x3FB1]  }
0x2b: {  	s6 =	sld [smem:$0x3FB2]  }
0x2c: {  	s7 =	sld [smem:$0x3FB3]  }
0x2d: {  	s3 =	simm.s32 $0x108;
	s8 =	sld [smem:$0x3FB4]  }
0x2e: {  	s3 =	simm.s32 @!p0 $0x1082;
	s9 =	sld [smem:$0x3FB5]  }
0x2f: {  	lr =	sadd.s32 s0, s3;
	s0 =	sld [smem:$0x3FAC]  }
0x30: {  	s3 =	sld [smem:$0x3FAF]  }
0x31: {  	[smem:$0x3FB8] =	sst s10  }
0x32: {  	s10 =	sld [smem:$0x3FB6];
	_ =	sdelay $0x3  }
0x33: {  	p0 =	seq.s32 s10, $0x1;
	s10 =	sld [smem:$0x3FB8];
	_ =	sdelay $0x3  }
0x34: {  	[smem:$0x3FB8] =	sst s10  }
0x35: {  	s10 =	sld [smem:$0x3FB7];
	_ =	sdelay $0x3  }
0x36: {  	p1 =	seq.s32 s10, $0x1;
	s10 =	sld [smem:$0x3FB8];
	_ =	sdelay $0x3  }
0x37: {  	[smem:$0x3FB8] =	sst s10  }
0x38: {  	s10 =	sld [smem:$0x3FB9]  }
0x39: {  	_ = 	snop;
	(pc) =	sbr.ind lr, $3  }
0x3a: {  	_ = 	snop  }
0x3b: {  	_ = 	snop  }
0x3c: {  	p2 =	seq.s32 s10, $0x1;
	s10 =	sld [smem:$0x3FB8]  }
0x3d: {  	_ =	shalt  }
0x3e: {  	_ =	shalt  }
0x3f: {  	_ =	shalt  }
0x40: {  	_ =	shalt  }
0x41: {  	_ =	shalt  }
0x42: {  	_ =	shalt  }
0x43: {  	_ =	shalt  }
0x44: {  	_ =	shalt  }
0x45: {  	_ =	shalt  }
0x46: {  	_ =	shalt  }
0x47: {  	_ =	shalt  }
0x48: {  	_ =	shalt  }
0x49: {  	_ =	shalt  }
0x4a: {  	_ =	shalt  }
0x4b: {  	_ =	shalt  }
0x4c: {  	_ =	shalt  }
0x4d: {  	_ =	shalt  }
0x4e: {  	_ =	shalt  }
0x4f: {  	_ =	shalt  }
0x50: {  	_ =	shalt  }
0x51: {  	_ =	shalt  }
0x52: {  	_ =	shalt  }
0x53: {  	_ =	shalt  }
0x54: {  	_ =	shalt  }
0x55: {  	_ =	shalt  }
0x56: {  	_ =	shalt  }
0x57: {  	_ =	shalt  }
0x58: {  	_ =	shalt  }
0x59: {  	_ =	shalt  }
0x5a: {  	_ =	shalt  }
0x5b: {  	_ =	shalt  }
0x5c: {  	_ =	shalt  }
0x5d: {  	_ =	shalt  }
0x5e: {  	_ =	shalt  }
0x5f: {  	_ =	shalt  }
0x60: {  	_ =	shalt  }
0x61: {  	_ =	shalt  }
0x62: {  	_ =	shalt  }
0x63: {  	_ =	shalt  }
0x64: {  	_ =	shalt  }
0x65: {  	_ =	shalt  }
0x66: {  	_ =	shalt  }
0x67: {  	_ =	shalt  }
0x68: {  	_ =	shalt  }
0x69: {  	_ =	shalt  }
0x6a: {  	_ =	shalt  }
0x6b: {  	_ =	shalt  }
0x6c: {  	_ =	shalt  }
0x6d: {  	_ =	shalt  }
0x6e: {  	_ =	shalt  }
0x6f: {  	_ =	shalt  }
0x70: {  	_ =	shalt  }
0x71: {  	_ =	shalt  }
0x72: {  	_ =	shalt  }
0x73: {  	_ =	shalt  }
0x74: {  	_ =	shalt  }
0x75: {  	_ =	shalt  }
0x76: {  	_ =	shalt  }
0x77: {  	_ =	shalt  }
0x78: {  	_ =	shalt  }
0x79: {  	_ =	shalt  }
0x7a: {  	_ =	shalt  }
0x7b: {  	_ =	shalt  }
0x7c: {  	_ =	shalt  }
0x7d: {  	_ =	shalt  }
0x7e: {  	_ =	shalt  }
0x7f: {  	_ =	shalt  }
0x80: {  	_ =	shalt  }
0x81: {  	_ =	shalt  }
0x82: {  	_ =	shalt  }
0x83: {  	_ =	shalt  }
0x84: {  	_ =	shalt  }
0x85: {  	_ =	shalt  }
0x86: {  	_ =	shalt  }
0x87: {  	_ =	shalt  }
.Lfunc_end0:
.L_simem_size_0:
called_computation.10_lowered:
.L_overlay_start_0:
0x88: {  	s2 =	sld [smem:$0x3FD9]  }
0x89: {  	s3 =	sld [smem:$0x3FFE];
	_ =	sdelay $0x1  }
0x8a: {  	s1 =	srdreg.scid  }
0x8b: {  	s0 =	sand.u32 $0x1, s1  }
0x8c: {  	s17 =	sshll.u32 s0, $0xA;
	s2 =	sadd.s32 s3, s2  }
0x8d: {  	s2 =	sadd.s32 s2, s17  }
0x8e: {  	[smem:$0x3FC4] =	sst s2  }
0x8f: {  	_ = 	snop  }
0x90: {  	s2 =	sld [smem:$0x3FD0];
	(tm) =	ssettm $0x1  }
0x91: {  	s18 =	sld [smem:$0x3FFB];
	_ =	sdelay $0x3  }
0x92: {  	_ =	strace s18  }
0x93: {  	s3 =	sld [smem:$0x3FFC];
	_ =	sdelay $0x3  }
0x94: {  	_ =	strace s3  }
0x95: {  	s3 =	sld [smem:$0x3FFD];
	_ =	sdelay $0x3  }
0x96: {  	_ =	strace s3  }
0x97: {  	_ =	strace $0x8FFFFFFF  }
0x98: {  	s19 =	sld [smem:$0x3FDB];
	_ =	sdelay $0x1  }
0x99: {  	s4 =	simm.s32 $_scs_section_size  }
0x9a: {  	s5 =	simm.s32 $_size__tile_overlayer_lowered;
	s6 =	simm.s32 $_tile_overlayer_lowered  }
0x9b: {  	s22 =	simm.s32 $0x1BFF;
	s21 =	sshll.u32 s6, $0x1;
	s3 =	sadd.s32 s4, s19  }
0x9c: {  	s7 =	simm.s32 $0x0;
	s20 =	sshll.u32 s5, $0x1;
	s5 =	sadd.s32 s21, s3  }
0x9d: {  	[timem:s7], [sflag:s22] =	dma.local [hbm:s5], s20  }
0x9e: {  	_ =	swait.ge [sflag:s22], s20  }
0x9f: {  	s4 =	ssub.s32 $0x0, s20;
	[sflag:s22] =	ssyncset.done $0x0  }
0xa0: {  	[sflag:s22] =	ssyncadd.s32 s4;
	_ =	sdelay $0x1  }
0xa1: {  	s23 =	simm.s32 $0x1B8B  }
0xa2: {  	_ =	swait.ge [sflag:s23], $0x1  }
0xa3: {  	[sflag:s23] =	ssyncset.done $0x0  }
0xa4: {  	s25 =	simm.s32 $0x1B8E;
	s24 =	sld [smem:$0x3FFE];
	[sflag:s23] =	ssyncadd.s32 $0xFFFFFFFF  }
0xa5: {  	s26 =	simm.s32 $execute0_lowered;
	[smem:$0x3FD2] =	sst s25  }
0xa6: {  	s5 =	sshll.u32 s26, $0x1;
	_ =	strace $0x80000064;
	[dreg:$0x1] =	wrdreg $0xFFFFFFFF  }
0xa7: {  	s28 =	simm.s32 $_size_execute0_lowered;
	s3 =	sadd.s32 s3, s5;
	[dreg:$0x0] =	wrdreg $0x0  }
0xa8: {  	s5 =	sshll.u32 s28, $0x1;
	[dreg:$0x2] =	wrdreg s3  }
0xa9: {  	[dreg:$0x3] =	wrdreg s5  }
0xaa: {  	[dreg:$0x4] =	wrdreg $0xC0  }
0xab: {  	_ =	task [dreg:s7], $0x5FFFF  }
0xac: {  	[dreg:$0x1] =	wrdreg $0xFFFFFFFF  }
0xad: {  	[dreg:$0x0] =	wrdreg $0x60  }
0xae: {  	[dreg:$0x2] =	wrdreg s2  }
0xaf: {  	[dreg:$0x3] =	wrdreg s24  }
0xb0: {  	[dreg:$0x4] =	wrdreg $0x90000  }
0xb1: {  	[dreg:$0x5] =	wrdreg $0x9  }
0xb2: {  	_ =	task.clear_ibuf [dreg:s7], $0x6FFFF;
	_ =	strace $0x90000064  }
0xb3: {  	s29 =	simm.s32 $0x9;
	_ =	strace $0x80000066  }
0xb4: {  	_ =	swait.ge [sflag:s29], $0x1  }
0xb5: {  	[sflag:s29] =	ssyncadd.s32 $0xFFFFFFFF  }
0xb6: {  	_ =	strace $0x90000066  }
0xb7: {  	_ =	sfence  }
0xb8: {  	s30 =	sld [smem:$0x0];
	_ =	sdelay $0x2  }
0xb9: {  	s31 =	sshll.u32 s1, $0xD;
	s1 =	sshrl.u32 s1, $0x2  }
0xba: {  	s3 =	sand.u32 $0x4000, s31;
	s1 =	sadd.s32 s1, s30  }
0xbb: {  	s0 =	sor.u32 s3, s0;
	s1 =	sshll.u32 s1, $0x11  }
0xbc: {  	s0 =	sor.u32 s1, s0  }
0xbd: {  	s0 =	sadd.s32 $0x8F2B, s0  }
0xbe: {  	[sflag:s0] =	ssyncadd.remote.s32 $0x1  }
0xbf: {  	_ =	sfence.sel $0xFFFF  }
0xc0: {  	[dreg:$0x0] =	wrdreg $0xFFFFFFFF;
	(pc) =	sbr.abs _section_cstart, $3  }
0xc1: {  	[dreg:$0x1] =	wrdreg $0xFFFFFFFF  }
0xc2: {  	_ =	task.clear_ibuf [dreg:s7], $0x2FFFF;
	_ =	strace $0x9FFFFFFF  }
0xc3: {  	(tm) =	ssettm $0x7FFFFFFF  }
tec
execute0_lowered:
.L_overlay_start_1:
0x0: {  	(tag) =	ssettag $0x1  }
0x1: {  	s2 =	rddreg [dreg:$0x0]  }
0x2: {  	s6 =	rddreg [dreg:$0x1]  }
0x3: {  	s0 =	srdreg.scid;
	s3 =	rddreg [dreg:$0x2];
	s4 =	simm.s32 $0x0  }
0x4: {  	s11 =	simm.s32 $0x2800;
	s14 =	simm.s32 $0x80;
	s5 =	sand.u32 $0x1, s0  }
0x5: {  	s15 =	simm.s32 $0x5000;
	s0 =	stileid.u32;
	s8 =	smul.u32 $0x140000, s5  }
0x6: {  	s16 =	simm.s32 $0x0;
	[smem:$0x7FF] =	sst s4;
	s9 =	smul.u32 $0x14000, s0  }
0x7: {  	s1 =	sshll.u32 s5, $0x4;
	s30 =	ssub.s32 $0x2, s5;
	s10 =	smul.u32 $0x50000, s0  }
0x8: {  	s5 =	sadd.s32 $0x11600, s6;
	s12 =	sshll.u32 s0, $0x6;
	s1 =	sor.u32 s0, s1  }
0x9: {  	s31 =	sshrl.u32 s30, $0x1;
	s12 =	sor.u32 $0x1C01, s12;
	s7 =	smul.u32 $0x500, s1  }
0xa: {  	s1 =	rddreg [dreg:$0x3];
	_ =	strace $0x80000065;
	s8 =	sadd.s32 s9, s8  }
0xb: {  	s9 =	ssub.s32 s30, s31;
	s10 =	sshrl.u32 s10, $0x2;
	s8 =	sshrl.u32 s8, $0x3  }
0xc: {  	s13 =	sadd.s32 s10, s3;
	s9 =	smax.u32 s9, $0x1;
	s10 =	simm.s32 $0x1  }
0xd: {  	s7 =	sadd.s32 s7, s6;
	s8 =	sadd.s32 s8, s6;
	s13 =	sshrl.u32 s13, $0x3  }
0xe: {  	s6 =	sadd.s32 $0x63E00, s7;
	s7 =	sadd.s32 $0x6E00, s7;
	s8 =	sadd.s32 $0x6DE00, s8  }
.LBB2_1:
0xf: {  	[tilespmem:s4], [sflag:$0x1] =	stream.linear.gather [hbm4b:s6+s4], $0x2780, $0x38;
	[tilespmem:$0x1D000] =	vst v63  }
0x10: {  	_ =	swait.ge [sflag:s10], $0x2780  }
0x11: {  	[sflag:s10] =	ssyncset.done $0x0  }
0x12: {  	[sflag:s10] =	ssyncadd.s32 $0xFFFFD880  }
0x13: {  	[tilespmem:s11], [sflag:$0x1] =	stream.linear.gather [hbm4b:s7+s4], $0x2780, $0x38;
	[tilespmem:$0x1D000] =	vst v63  }
0x14: {  	_ =	swait.ge [sflag:s10], $0x2780  }
0x15: {  	[sflag:s10] =	ssyncset.done $0x0  }
0x16: {  	[sflag:s10] =	ssyncadd.s32 $0xFFFFD880  }
0x17: {  	[spmem:s13], [sflag:s12] =	dma.local [hbm:s5], $0x2800  }
0x18: {  	_ =	swait.ge [sflag:s10], $0x2800  }
0x19: {  	[sflag:s10] =	ssyncset.done $0x0  }
0x1a: {  	[sflag:s10] =	ssyncadd.s32 $0xFFFFD800  }
0x1b: {  	s17 =	simm.s32 $0x0;
	[bflag:$0x0] =	sbarrier.arrive $0xFFFF  }
0x1c: {  	[tilespmem:s15], [sflag:$0x1] =	stream.indirect.gather [hbm4b:s2+s14], $0x80, s17, s14, $0xb8;
	[tilespmem:$0x1D000] =	vst v63  }
0x1d: {  	_ =	swait.ge [sflag:s10], $0x4000  }
0x1e: {  	[sflag:s10] =	ssyncset.done $0x0  }
0x1f: {  	s31 =	simm.s32 $0x2800;
	[sflag:s10] =	ssyncadd.s32 $0xFFFFC000  }
0x20: {  	[spmem:s3] =	stream.indirect.scatter.add.f32 [tilespmem:s15], [sflag:$0x1], $0x80, s31, s14, $0xb8;
	[tilespmem:$0x1D000] =	vst v63  }
0x21: {  	_ =	swait.ge [sflag:s10], $0x4000  }
0x22: {  	s18 =	simm.s32 $0x400;
	s17 =	simm.s32 $0x200;
	[sflag:s10] =	ssyncset.done $0x0  }
.LBB2_2:
0x23: {  	s19 =	sshra.s32 s17, $0x2  }
0x24: {  	[sflag:s10] =	ssyncadd.s32 $0xFFFFC000;
	s17 =	smov.u32 s18;
	s20 =	sadd.s32 $0x200, s18  }
0x25: {  	[tilespmem:s15], [sflag:$0x1] =	stream.indirect.gather [hbm4b:s2+s14], $0x80, s19, s14, $0xb8;
	[tilespmem:$0x1D000] =	vst v63  }
0x26: {  	p0 =	sne.s32 s18, $0x9C00;
	_ =	swait.ge [sflag:s10], $0x4000  }
.Ltmp0:
0x27: {  	[sflag:s10] =	ssyncset.done $0x0;
	(pc) =	sbr.rel @p0 .LBB2_2-.Ltmp0, $4  }
0x28: {  	s18 =	sadd.s32 $0x2800, s19;
	[sflag:s10] =	ssyncadd.s32 $0xFFFFC000  }
0x29: {  	[spmem:s3] =	stream.indirect.scatter.add.f32 [tilespmem:s15], [sflag:$0x1], $0x80, s18, s14, $0xb8;
	[tilespmem:$0x1D000] =	vst v63  }
0x2a: {  	_ =	swait.ge [sflag:s10], $0x4000  }
0x2b: {  	s18 =	smov.u32 s20;
	[sflag:s10] =	ssyncset.done $0x0  }
0x2c: {  	s17 =	sshra.s32 s17, $0x2;
	[sflag:s10] =	ssyncadd.s32 $0xFFFFC000  }
0x2d: {  	[tilespmem:s15], [sflag:$0x1] =	stream.indirect.gather [hbm4b:s2+s14], $0x80, s17, s14, $0xb8;
	[tilespmem:$0x1D000] =	vst v63  }
0x2e: {  	_ =	swait.ge [sflag:s10], $0x4000  }
0x2f: {  	[sflag:s10] =	ssyncset.done $0x0  }
0x30: {  	s17 =	sadd.s32 $0x2800, s17;
	[sflag:s10] =	ssyncadd.s32 $0xFFFFC000  }
0x31: {  	[spmem:s3] =	stream.indirect.scatter.add.f32 [tilespmem:s15], [sflag:$0x1], $0x80, s17, s14, $0xb8;
	[tilespmem:$0x1D000] =	vst v63  }
0x32: {  	_ =	swait.ge [sflag:s10], $0x4000  }
0x33: {  	s16 =	sadd.s32 $0x1, s16;
	[sflag:s10] =	ssyncset.done $0x0  }
0x34: {  	p0 =	sne.s32 s16, s9;
	[sflag:s10] =	ssyncadd.s32 $0xFFFFC000  }
.Ltmp1:
0x35: {  	[bflag:$0x0] =	sbarrier.arrive $0xFFFF;
	(pc) =	sbr.rel @p0 .LBB2_1-.Ltmp1, $4  }
0x36: {  	[hbm:s8], [sflag:s12] =	dma.local [spmem:s13], $0x2800  }
0x37: {  	_ =	swait.ge [sflag:s10], $0x2800  }
0x38: {  	[sflag:s10] =	ssyncset.done $0x0  }
0x39: {  	[sflag:s10] =	ssyncadd.s32 $0xFFFFD800  }
0x3a: {  	_ =	sfence.sel $0x180000  }
0x3b: {  	[bflag:$0x0] =	sbarrier.arrive $0xFFFF  }
0x3c: {  	p0 =	sne.s32 s0, $0x0;
	_ =	strace $0x90000065  }
0x3d: {  	s0 =	sadd.s32 @!p0 $0x100000, s1;
	[bflag:$0x2] =	sbarrier.arrive $0xFFFF  }
0x3e: {  	[sflag:s0] =	ssyncadd.tile.s32 @!p0 $0x1;
	_ =	shalt  }
.Lfunc_end2:
_tile_overlayer_lowered:
.L_overlay_start_2:
0x3f: {  	(tag) =	ssettag $0x2  }
0x40: {  	s0 =	rddreg [dreg:$0x0];
	s2 =	stileid.u32  }
0x41: {  	s1 =	rddreg [dreg:$0x1];
	p0 =	sne.s32 s2, $0x0  }
0x42: {  	s3 =	rddreg [dreg:$0x2];
	[bflag:$0x3] =	sbarrier.arrive $0xFFFF;
	s2 =	simm.s32 @!p0 $0x1C01  }
0x43: {  	[timem:s3], [sflag:s2] =	dma.local @!p0 [hbm:s0], s1  }
0x44: {  	s0 =	simm.s32 @!p0 $0x1  }
0x45: {  	_ =	swait.ge @!p0 [sflag:s0], s1  }
0x46: {  	s1 =	ssub.s32 @!p0 $0x0, s1;
	[sflag:s0] =	ssyncset.done @!p0 $0x0  }
0x47: {  	[sflag:s0] =	ssyncadd.s32 @!p0 s1  }
0x48: {  	[bflag:$0x3] =	sbarrier.arrive $0xFFFF  }
0x49: {  	_ =	shalt  }

</sc_bundles>
